<compile_context>
chip_gen: v7x
topology: tpu7x:2x2x1
jax: 0.10.2.dev20260603
libtpu: 0.0.44.dev20260713+nightly
codegen_flags: <defaults>
</compile_context>

<pallas_src>
import jax
import jax.numpy as jnp
from jax import lax
from jax.experimental import pallas as pl
from jax.experimental.pallas import tpu as pltpu
from jax.experimental.pallas import tpu_sc as plsc

_H = 8
_P = 16
_R = 0.08
_G = 576
_DH = 32
_CH = 256
_TT2 = 512
_TSC = 2048


def _dot(a, b, dims):
    return jax.lax.dot_general(a, b, (dims, ((), ())),
                               preferred_element_type=jnp.float32)



def _prep_body(q_ref, fm_ref, rxy_ref, wv_ref, wcat_ref, bcat_ref,
               xf_ref, yf_ref, w_ref, tbl_ref):
    q = q_ref[0]
    proj = _dot(wcat_ref[0], q, ((1,), (1,))) + bcat_ref[0]
    offx = proj[0:16, :]
    offy = proj[16:32, :]
    wl = proj[32:48, :]
    wl = wl - jnp.max(wl, axis=0, keepdims=True)
    we = jnp.exp(wl)
    w_ref[0] = we / jnp.sum(we, axis=0, keepdims=True)
    rx = rxy_ref[0, 0:1, :]
    ry = rxy_ref[0, 1:2, :]
    xf_ref[0] = (rx + _R * offx) * 23.0
    yf_ref[0] = (ry + _R * offy) * 23.0
    tbl_ref[0] = _dot(fm_ref[0], wv_ref[0], ((0,), (1,)))


def _prep(q, fm, rxy, wv, wcat, bcat, B, T, D, C):
    return pl.pallas_call(
        _prep_body,
        grid=(B, _H),
        in_specs=[
            pl.BlockSpec((1, T, D), lambda b, h: (b, 0, 0)),
            pl.BlockSpec((1, C, _G), lambda b, h: (b, 0, 0)),
            pl.BlockSpec((1, 2, T), lambda b, h: (b, 0, 0)),
            pl.BlockSpec((1, _DH, C), lambda b, h: (h, 0, 0)),
            pl.BlockSpec((1, 48, D), lambda b, h: (h, 0, 0)),
            pl.BlockSpec((1, 48, 1), lambda b, h: (h, 0, 0)),
        ],
        out_specs=[
            pl.BlockSpec((1, _P, T), lambda b, h: (b * _H + h, 0, 0)),
            pl.BlockSpec((1, _P, T), lambda b, h: (b * _H + h, 0, 0)),
            pl.BlockSpec((1, _P, T), lambda b, h: (b * _H + h, 0, 0)),
            pl.BlockSpec((1, _G, _DH), lambda b, h: (b * _H + h, 0, 0)),
        ],
        out_shape=[
            jax.ShapeDtypeStruct((B * _H, _P, T), jnp.float32),
            jax.ShapeDtypeStruct((B * _H, _P, T), jnp.float32),
            jax.ShapeDtypeStruct((B * _H, _P, T), jnp.float32),
            jax.ShapeDtypeStruct((B * _H, _G, _DH), jnp.float32),
        ],
    )(q, fm, rxy, wv, wcat, bcat)



def _sc_body(xf_hbm, yf_hbm, w_hbm, tbl_hbm, out_hbm,
             tblb, xfb, yfb, wb, outb):
    wid = lax.axis_index("s") * 2 + lax.axis_index("c")
    pltpu.sync_copy(tbl_hbm.at[wid], tblb)

    def chunk_body(i, _):
        base = i * _CH
        pltpu.sync_copy(xf_hbm.at[wid, :, pl.ds(base, _CH)], xfb)
        pltpu.sync_copy(yf_hbm.at[wid, :, pl.ds(base, _CH)], yfb)
        pltpu.sync_copy(w_hbm.at[wid, :, pl.ds(base, _CH)], wb)

        def g_body(g, _):
            sl = pl.ds(g * 16, 16)
            for blk in range(_DH // 16):
                zeros16 = tuple(jnp.zeros((16,), jnp.float32) for _ in range(16))

                @plsc.parallel_loop(0, _P, carry=zeros16)
                def p_body(p, acc):
                    xfv = xfb[p, sl]
                    yfv = yfb[p, sl]
                    wv = wb[p, sl]
                    xt = xfv.astype(jnp.int32)
                    yt = yfv.astype(jnp.int32)
                    x0 = xt - jnp.where(xt.astype(jnp.float32) > xfv, 1, 0)
                    y0 = yt - jnp.where(yt.astype(jnp.float32) > yfv, 1, 0)
                    valid = ((xfv > -1.0) & (xfv < 24.0)
                             & (yfv > -1.0) & (yfv < 24.0))
                    wv = jnp.where(valid, wv, jnp.zeros((16,), jnp.float32))
                    x0 = jnp.clip(x0, -1, 24)
                    y0 = jnp.clip(y0, -1, 24)
                    fx = xfv - x0.astype(jnp.float32)
                    fy = yfv - y0.astype(jnp.float32)
                    wy1 = wv * fy
                    wy0 = wv - wy1
                    c01 = wy0 * fx
                    c00 = wy0 - c01
                    c11 = wy1 * fx
                    c10 = wy1 - c11
                    a0 = ((y0 + 1) * 26 + (x0 + 1)) * 33 + (blk * 16)
                    new = []
                    for c in range(16):
                        r0 = plsc.load_gather(tblb, [a0 + c])
                        r1 = plsc.load_gather(tblb, [a0 + (26 * 33 + c)])
                        lo0 = plsc.bitcast(r0 << 16, jnp.float32)
                        hi0 = plsc.bitcast(r0, jnp.float32)
                        lo1 = plsc.bitcast(r1 << 16, jnp.float32)
                        hi1 = plsc.bitcast(r1, jnp.float32)
                        v = (c00 * lo0 + c01 * hi0) + (c10 * lo1 + c11 * hi1)
                        new.append(acc[c] + v)
                    return tuple(new)

                for c in range(16):
                    outb[blk * 16 + c, sl] = p_body[c]
            return 0

        lax.fori_loop(0, _CH // 16, g_body, 0)
        pltpu.sync_copy(outb, out_hbm.at[wid, :, pl.ds(base, _CH)])
        return 0

    lax.fori_loop(0, _TSC // _CH, chunk_body, 0)


def _sc_sample(xf, yf, w, tbl, BH, T):
    mesh = plsc.VectorSubcoreMesh(core_axis_name="c", subcore_axis_name="s")
    return pl.kernel(
        _sc_body,
        out_type=jax.ShapeDtypeStruct((BH, _DH, T), jnp.float32),
        mesh=mesh,
        compiler_params=pltpu.CompilerParams(needs_layout_passes=False),
        scratch_types=[
            pltpu.VMEM((27 * 26 * 33,), jnp.int32),
            pltpu.VMEM((_P, _CH), jnp.float32),
            pltpu.VMEM((_P, _CH), jnp.float32),
            pltpu.VMEM((_P, _CH), jnp.float32),
            pltpu.VMEM((_DH, _CH), jnp.float32),
        ],
    )(xf, yf, w, tbl)



def _out_body(ctx_ref, wout_ref, bout_ref, out_ref):
    h = pl.program_id(2)
    contrib = _dot(ctx_ref[0], wout_ref[0], ((0,), (0,)))

    @pl.when(h == 0)
    def _():
        out_ref[0] = contrib + bout_ref[...]

    @pl.when(h != 0)
    def _():
        out_ref[0] += contrib


def _outproj(ctx, wout, bout, B, T, D):
    return pl.pallas_call(
        _out_body,
        grid=(B, T // _TT2, _H),
        in_specs=[
            pl.BlockSpec((1, _DH, _TT2), lambda b, t, h: (b * _H + h, 0, t)),
            pl.BlockSpec((1, _DH, D), lambda b, t, h: (h, 0, 0)),
            pl.BlockSpec((1, D), lambda b, t, h: (0, 0)),
        ],
        out_specs=pl.BlockSpec((1, _TT2, D), lambda b, t, h: (b, t, 0)),
        out_shape=jax.ShapeDtypeStruct((B, T, D), jnp.float32),
    )(ctx, wout, bout)




_TTC = 2048


def _tent_body(q_ref, fm_ref, rxy_ref, wv_ref, woff_ref, boff_ref, ww_ref,
               bw_ref, wout_ref, bout_ref, out_ref, vs_ref):
    t_idx = pl.program_id(1)
    h = pl.program_id(2)

    @pl.when(t_idx == 0)
    def _():
        vs_ref[h] = _dot(wv_ref[0], fm_ref[0], ((1,), (0,)))

    q = q_ref[0]
    off = _dot(woff_ref[0], q, ((1,), (1,))) + boff_ref[0]
    wl = _dot(ww_ref[0], q, ((1,), (1,))) + bw_ref[0]
    wl = wl - jnp.max(wl, axis=0, keepdims=True)
    we = jnp.exp(wl)
    w = we / jnp.sum(we, axis=0, keepdims=True)

    rx = rxy_ref[0, 0:1, :]
    ry = rxy_ref[0, 1:2, :]
    xs = jax.lax.broadcasted_iota(jnp.int32, (24, 1), 0).astype(jnp.float32)

    acc = jnp.zeros((24, 24, _TTC), jnp.float32)
    for p in range(_P):
        xf = (rx + _R * off[2 * p:2 * p + 1, :]) * 23.0
        yf = (ry + _R * off[2 * p + 1:2 * p + 2, :]) * 23.0
        tx = jnp.maximum(1.0 - jnp.abs(xs - xf), 0.0)
        ty = jnp.maximum(1.0 - jnp.abs(xs - yf), 0.0)
        wtx = w[p:p + 1, :] * tx
        acc = acc + wtx[None, :, :] * ty[:, None, :]
    acc = acc.reshape(_G, _TTC)

    ctx = _dot(vs_ref[h], acc, ((1,), (0,)))
    contrib = _dot(ctx, wout_ref[0], ((0,), (0,)))

    @pl.when(h == 0)
    def _():
        out_ref[0] = contrib + bout_ref[...]

    @pl.when(h != 0)
    def _():
        out_ref[0] += contrib


def _tent(q2, fm, rxy2, wv, woff, boff, ww, bw, wout, bout, B, T2, D, C):
    return pl.pallas_call(
        _tent_body,
        grid=(B, T2 // _TTC, _H),
        in_specs=[
            pl.BlockSpec((1, _TTC, D), lambda b, t, h: (b, t, 0)),
            pl.BlockSpec((1, C, _G), lambda b, t, h: (b, 0, 0)),
            pl.BlockSpec((1, 2, _TTC), lambda b, t, h: (b, 0, t)),
            pl.BlockSpec((1, _DH, C), lambda b, t, h: (h, 0, 0)),
            pl.BlockSpec((1, 2 * _P, D), lambda b, t, h: (h, 0, 0)),
            pl.BlockSpec((1, 2 * _P, 1), lambda b, t, h: (h, 0, 0)),
            pl.BlockSpec((1, _P, D), lambda b, t, h: (h, 0, 0)),
            pl.BlockSpec((1, _P, 1), lambda b, t, h: (h, 0, 0)),
            pl.BlockSpec((1, _DH, D), lambda b, t, h: (h, 0, 0)),
            pl.BlockSpec((1, D), lambda b, t, h: (0, 0)),
        ],
        out_specs=pl.BlockSpec((1, _TTC, D), lambda b, t, h: (b, t, 0)),
        out_shape=jax.ShapeDtypeStruct((B, T2, D), jnp.float32),
        scratch_shapes=[pltpu.VMEM((_H, _DH, _G), jnp.float32)],
    )(q2, fm, rxy2, wv, woff, boff, ww, bw, wout, bout)


def kernel(q, fmap, ref_xy, W_v, W_off, b_off, W_w, b_w, W_out, b_out):
    B, T, D = q.shape
    C = fmap.shape[1]
    fm = fmap.reshape(B, C, _G)
    rxy = ref_xy.transpose(0, 2, 1)
    wv = W_v.reshape(_H, _DH, C)
    woff4 = W_off.reshape(_H, _P, 2, D)
    wcat = jnp.concatenate(
        [woff4[:, :, 0, :], woff4[:, :, 1, :], W_w.reshape(_H, _P, D)], axis=1)
    boff4 = b_off.reshape(_H, _P, 2)
    bcat = jnp.concatenate(
        [boff4[:, :, 0], boff4[:, :, 1], b_w.reshape(_H, _P)],
        axis=1).reshape(_H, 48, 1)
    wout = W_out.T.reshape(_H, _DH, D)
    bout = b_out.reshape(1, D)

    q_sc = q[:, :_TSC, :]
    rxy_sc = rxy[:, :, :_TSC]
    xf, yf, w, tbl = _prep(q_sc, fm, rxy_sc, wv, wcat, bcat, B, _TSC, D, C)
    v4 = tbl.reshape(B * _H, 24, 24, _DH)
    vp = jnp.pad(v4, ((0, 0), (1, 2), (1, 2), (0, 0)))
    lo = lax.bitcast_convert_type(
        vp[:, :, 0:26, :].astype(jnp.bfloat16), jnp.uint16).astype(jnp.uint32)
    hi = lax.bitcast_convert_type(
        vp[:, :, 1:27, :].astype(jnp.bfloat16), jnp.uint16).astype(jnp.uint32)
    packed = lax.bitcast_convert_type(lo | (hi << 16), jnp.int32)
    tblp = jnp.pad(packed, ((0, 0), (0, 0), (0, 0), (0, 1))
                   ).reshape(B * _H, 27 * 26 * 33)
    ctx = _sc_sample(xf, yf, w, tblp, B * _H, _TSC)
    out_sc = _outproj(ctx, wout, bout, B, _TSC, D)
    woff = W_off.reshape(_H, 2 * _P, D)
    boff = b_off.reshape(_H, 2 * _P, 1)
    ww2 = W_w.reshape(_H, _P, D)
    bw2 = b_w.reshape(_H, _P, 1)
    out_tc = _tent(q[:, _TSC:, :], fm, rxy[:, :, _TSC:], wv, woff, boff,
                   ww2, bw2, wout, bout, B, T - _TSC, D, C)
    return jnp.concatenate([out_sc, out_tc], axis=1)

# --- scband reference (transcript-rebuilt; emitter-appended) ---
"""Pipeline reference for scband-deform-cross-attention2-d-16243566313696 (READ-ONLY COPY).

The authoritative reference and input builder live on the scoring server;
editing this copy changes nothing except your own understanding.
"""

import jax, jax.numpy as jnp
import numpy as np

N_HEADS = 8
N_POINTS = 16
RADIUS = 0.08


def setup_inputs(seed: int = 0):
    key = jax.random.key(seed)
    ks = jax.random.split(key, 10)
    B, T, D = 4, 4096, 256
    C, Hf, Wf = 384, 24, 24
    q = jax.random.normal(ks[0], (B, T, D), dtype=jnp.float32)
    fmap = jax.random.normal(ks[1], (B, C, Hf, Wf), dtype=jnp.float32)
    ref_xy = jax.random.uniform(ks[2], (B, T, 2), dtype=jnp.float32)
    s = 1.0 / np.sqrt(D)
    W_v = jax.random.normal(ks[3], (D, C), dtype=jnp.float32) / np.sqrt(C)
    W_off = jax.random.normal(ks[4], (N_HEADS * N_POINTS * 2, D), dtype=jnp.float32) * s
    b_off = jnp.zeros((N_HEADS * N_POINTS * 2,), dtype=jnp.float32)
    W_w = jax.random.normal(ks[5], (N_HEADS * N_POINTS, D), dtype=jnp.float32) * s
    b_w = jnp.zeros((N_HEADS * N_POINTS,), dtype=jnp.float32)
    W_out = jax.random.normal(ks[6], (D, D), dtype=jnp.float32) * s
    b_out = jnp.zeros((D,), dtype=jnp.float32)
    return {"q": q, "fmap": fmap, "ref_xy": ref_xy, "W_v": W_v, "W_off": W_off, "b_off": b_off, "W_w": W_w, "b_w": b_w, "W_out": W_out, "b_out": b_out}


def _grid_sample_bilinear(v, gx, gy):
    # v: (B, C, H, W); gx, gy: (B, N) in [-1, 1]; align_corners=True, padding_mode='zeros'
    H, W = v.shape[-2], v.shape[-1]
    x = (gx + 1.0) * 0.5 * (W - 1)
    y = (gy + 1.0) * 0.5 * (H - 1)
    x0 = jnp.floor(x); x1 = x0 + 1.0
    y0 = jnp.floor(y); y1 = y0 + 1.0
    wx1 = x - x0; wx0 = 1.0 - wx1
    wy1 = y - y0; wy0 = 1.0 - wy1
    def corner(ix, iy):
        valid = ((ix >= 0) & (ix <= W - 1) & (iy >= 0) & (iy <= H - 1)).astype(v.dtype)
        ixc = jnp.clip(ix, 0, W - 1).astype(jnp.int32)
        iyc = jnp.clip(iy, 0, H - 1).astype(jnp.int32)
        vals = jax.vmap(lambda vb, iyb, ixb: vb[:, iyb, ixb])(v, iyc, ixc)
        return vals * valid[:, None, :]
    out = (corner(x0, y0) * (wx0 * wy0)[:, None, :]
           + corner(x1, y0) * (wx1 * wy0)[:, None, :]
           + corner(x0, y1) * (wx0 * wy1)[:, None, :]
           + corner(x1, y1) * (wx1 * wy1)[:, None, :])
    return out


def reference(q, fmap, ref_xy, W_v, W_off, b_off, W_w, b_w, W_out, b_out):
    B, T, D = q.shape
    Hf, Wf = fmap.shape[2], fmap.shape[3]
    d_head = D // N_HEADS
    vmap_ = jnp.einsum('bchw,dc->bdhw', fmap, W_v).reshape(B, N_HEADS, d_head, Hf, Wf)
    off = (q @ W_off.T + b_off).reshape(B, T, N_HEADS, N_POINTS, 2)
    w = (q @ W_w.T + b_w).reshape(B, T, N_HEADS, N_POINTS)
    w = jax.nn.softmax(w, axis=-1)
    samp = ref_xy[:, :, None, None, :] + RADIUS * off
    samp = samp * 2.0 - 1.0
    ctx_heads = []
    for h in range(N_HEADS):
        v_h = vmap_[:, h]
        grid = samp[:, :, h].reshape(B, T * N_POINTS, 2)
        feat = _grid_sample_bilinear(v_h, grid[..., 0], grid[..., 1])
        feat = jnp.transpose(feat, (0, 2, 1)).reshape(B, T, N_POINTS, d_head)
        ctx_h = (feat * w[:, :, h, :, None]).sum(axis=2)
        ctx_heads.append(ctx_h)
    ctx = jnp.concatenate(ctx_heads, axis=-1)
    return ctx @ W_out.T + b_out

if __name__ == "__main__":
    import jax
    _d = setup_inputs()
    print(jax.jit(kernel)(*tuple(_d.values())))

</pallas_src>

<mosaic_0001>
#map = affine_map<(d0, d1) -> (0, 0, 0)>
#map1 = affine_map<(d0, d1) -> (0, 0)>
module attributes {stable_mosaic.version = 14 : i64} {
  func.func @_sc_body(%arg0: i32, %arg1: i32, %arg2: memref<32x16x2048xf32, #tpu.memory_space<hbm>>, %arg3: memref<32x16x2048xf32, #tpu.memory_space<hbm>>, %arg4: memref<32x16x2048xf32, #tpu.memory_space<hbm>>, %arg5: memref<32x23166xi32, #tpu.memory_space<hbm>>, %arg6: memref<32x32x2048xf32, #tpu.memory_space<hbm>>, %arg7: memref<23166xi32, #tpu.memory_space<vmem>>, %arg8: memref<16x256xf32, #tpu.memory_space<vmem>>, %arg9: memref<16x256xf32, #tpu.memory_space<vmem>>, %arg10: memref<16x256xf32, #tpu.memory_space<vmem>>, %arg11: memref<32x256xf32, #tpu.memory_space<vmem>>) attributes {dimension_semantics = [#tpu.dimension_semantics<core_parallel>, #tpu.dimension_semantics<subcore_parallel>], iteration_bounds = array<i64: 2, 16>, scalar_prefetch = 0 : i64, scratch_operands = 5 : i64, tpu.core_type = #tpu.core_type<sc_vector_subcore>, window_params = [{transform_indices = #map}, {transform_indices = #map}, {transform_indices = #map}, {transform_indices = #map1}, {transform_indices = #map}]} {
    %mul3A = arith.constant 2 : i32
    %mul3A_0 = arith.muli %arg1, %mul3A : i32
    %add3A = arith.addi %mul3A_0, %arg0 : i32
    "tpu.region"() ({
      %run_scoped3A = tpu.sem_alloc : memref<!tpu.dma_semaphore, #tpu.memory_space<semaphore_mem>>
      %dma_start3A = arith.constant 0 : i32
      %dma_start3A_7 = tpu.memref_slice %arg5[%add3A, %dma_start3A] : memref<32x23166xi32, #tpu.memory_space<hbm>> -> memref<1x23166xi32, #tpu.memory_space<hbm>>
      %dma_start3A_8 = tpu.memref_squeeze %dma_start3A_7 : memref<1x23166xi32, #tpu.memory_space<hbm>> -> memref<23166xi32, #tpu.memory_space<hbm>>
      %dma_start3A_9 = arith.constant 0 : i32
      %dma_start3A_10 = tpu.memref_slice %arg5[%add3A, %dma_start3A_9] : memref<32x23166xi32, #tpu.memory_space<hbm>> -> memref<1x23166xi32, #tpu.memory_space<hbm>>
      %dma_start3A_11 = tpu.memref_squeeze %dma_start3A_10 : memref<1x23166xi32, #tpu.memory_space<hbm>> -> memref<23166xi32, #tpu.memory_space<hbm>>
      tpu.enqueue_dma source(%dma_start3A_11 : memref<23166xi32, #tpu.memory_space<hbm>>) target(%arg7 : memref<23166xi32, #tpu.memory_space<vmem>>) target_semaphore(%run_scoped3A : memref<!tpu.dma_semaphore, #tpu.memory_space<semaphore_mem>>)
      %dma_wait3A = arith.constant 0 : i32
      %dma_wait3A_12 = tpu.memref_slice %arg5[%add3A, %dma_wait3A] : memref<32x23166xi32, #tpu.memory_space<hbm>> -> memref<1x23166xi32, #tpu.memory_space<hbm>>
      %dma_wait3A_13 = tpu.memref_squeeze %dma_wait3A_12 : memref<1x23166xi32, #tpu.memory_space<hbm>> -> memref<23166xi32, #tpu.memory_space<hbm>>
      %dma_wait3A_14 = arith.constant 0 : i32
      %dma_wait3A_15 = tpu.memref_slice %arg5[%add3A, %dma_wait3A_14] : memref<32x23166xi32, #tpu.memory_space<hbm>> -> memref<1x23166xi32, #tpu.memory_space<hbm>>
      %dma_wait3A_16 = tpu.memref_squeeze %dma_wait3A_15 : memref<1x23166xi32, #tpu.memory_space<hbm>> -> memref<23166xi32, #tpu.memory_space<hbm>>
      tpu.wait_dma2 semaphore(%run_scoped3A : memref<!tpu.dma_semaphore, #tpu.memory_space<semaphore_mem>>) src(%dma_wait3A_16 : memref<23166xi32, #tpu.memory_space<hbm>>) dst(%arg7 : memref<23166xi32, #tpu.memory_space<vmem>>)
      tpu.yield
    }) : () -> ()
    %scan3A = arith.constant 0 : i32
    %scan3A_1 = arith.constant 0 : i32
    %scan3A_2 = arith.constant 8 : i32
    %scan3A_3 = arith.addi %scan3A_1, %scan3A_2 : i32
    %scan3A_4 = arith.constant 1 : i32
    %scan3A_5 = scf.for %scan3A_7 = %scan3A_1 to %scan3A_3 step %scan3A_4 iter_args(%scan3A_8 = %scan3A) -> (i32)  : i32 {
      %mul3A_9 = arith.constant 256 : i32
      %mul3A_10 = arith.muli %scan3A_7, %mul3A_9 : i32
      "tpu.region"() ({
        %run_scoped3A = tpu.sem_alloc : memref<!tpu.dma_semaphore, #tpu.memory_space<semaphore_mem>>
        %dma_start3A = arith.constant 0 : i32
        %dma_start3A_19 = tpu.memref_slice %arg2[%add3A, %dma_start3A, %mul3A_10] : memref<32x16x2048xf32, #tpu.memory_space<hbm>> -> memref<1x16x256xf32, #tpu.memory_space<hbm>>
        %dma_start3A_20 = tpu.memref_squeeze %dma_start3A_19 : memref<1x16x256xf32, #tpu.memory_space<hbm>> -> memref<16x256xf32, #tpu.memory_space<hbm>>
        %dma_start3A_21 = arith.constant 0 : i32
        %dma_start3A_22 = tpu.memref_slice %arg2[%add3A, %dma_start3A_21, %mul3A_10] : memref<32x16x2048xf32, #tpu.memory_space<hbm>> -> memref<1x16x256xf32, #tpu.memory_space<hbm>>
        %dma_start3A_23 = tpu.memref_squeeze %dma_start3A_22 : memref<1x16x256xf32, #tpu.memory_space<hbm>> -> memref<16x256xf32, #tpu.memory_space<hbm>>
        tpu.enqueue_dma source(%dma_start3A_23 : memref<16x256xf32, #tpu.memory_space<hbm>>) target(%arg8 : memref<16x256xf32, #tpu.memory_space<vmem>>) target_semaphore(%run_scoped3A : memref<!tpu.dma_semaphore, #tpu.memory_space<semaphore_mem>>)
        %dma_wait3A = arith.constant 0 : i32
        %dma_wait3A_24 = tpu.memref_slice %arg2[%add3A, %dma_wait3A, %mul3A_10] : memref<32x16x2048xf32, #tpu.memory_space<hbm>> -> memref<1x16x256xf32, #tpu.memory_space<hbm>>
        %dma_wait3A_25 = tpu.memref_squeeze %dma_wait3A_24 : memref<1x16x256xf32, #tpu.memory_space<hbm>> -> memref<16x256xf32, #tpu.memory_space<hbm>>
        %dma_wait3A_26 = arith.constant 0 : i32
        %dma_wait3A_27 = tpu.memref_slice %arg2[%add3A, %dma_wait3A_26, %mul3A_10] : memref<32x16x2048xf32, #tpu.memory_space<hbm>> -> memref<1x16x256xf32, #tpu.memory_space<hbm>>
        %dma_wait3A_28 = tpu.memref_squeeze %dma_wait3A_27 : memref<1x16x256xf32, #tpu.memory_space<hbm>> -> memref<16x256xf32, #tpu.memory_space<hbm>>
        tpu.wait_dma2 semaphore(%run_scoped3A : memref<!tpu.dma_semaphore, #tpu.memory_space<semaphore_mem>>) src(%dma_wait3A_28 : memref<16x256xf32, #tpu.memory_space<hbm>>) dst(%arg8 : memref<16x256xf32, #tpu.memory_space<vmem>>)
        tpu.yield
      }) : () -> ()
      "tpu.region"() ({
        %run_scoped3A = tpu.sem_alloc : memref<!tpu.dma_semaphore, #tpu.memory_space<semaphore_mem>>
        %dma_start3A = arith.constant 0 : i32
        %dma_start3A_19 = tpu.memref_slice %arg3[%add3A, %dma_start3A, %mul3A_10] : memref<32x16x2048xf32, #tpu.memory_space<hbm>> -> memref<1x16x256xf32, #tpu.memory_space<hbm>>
        %dma_start3A_20 = tpu.memref_squeeze %dma_start3A_19 : memref<1x16x256xf32, #tpu.memory_space<hbm>> -> memref<16x256xf32, #tpu.memory_space<hbm>>
        %dma_start3A_21 = arith.constant 0 : i32
        %dma_start3A_22 = tpu.memref_slice %arg3[%add3A, %dma_start3A_21, %mul3A_10] : memref<32x16x2048xf32, #tpu.memory_space<hbm>> -> memref<1x16x256xf32, #tpu.memory_space<hbm>>
        %dma_start3A_23 = tpu.memref_squeeze %dma_start3A_22 : memref<1x16x256xf32, #tpu.memory_space<hbm>> -> memref<16x256xf32, #tpu.memory_space<hbm>>
        tpu.enqueue_dma source(%dma_start3A_23 : memref<16x256xf32, #tpu.memory_space<hbm>>) target(%arg9 : memref<16x256xf32, #tpu.memory_space<vmem>>) target_semaphore(%run_scoped3A : memref<!tpu.dma_semaphore, #tpu.memory_space<semaphore_mem>>)
        %dma_wait3A = arith.constant 0 : i32
        %dma_wait3A_24 = tpu.memref_slice %arg3[%add3A, %dma_wait3A, %mul3A_10] : memref<32x16x2048xf32, #tpu.memory_space<hbm>> -> memref<1x16x256xf32, #tpu.memory_space<hbm>>
        %dma_wait3A_25 = tpu.memref_squeeze %dma_wait3A_24 : memref<1x16x256xf32, #tpu.memory_space<hbm>> -> memref<16x256xf32, #tpu.memory_space<hbm>>
        %dma_wait3A_26 = arith.constant 0 : i32
        %dma_wait3A_27 = tpu.memref_slice %arg3[%add3A, %dma_wait3A_26, %mul3A_10] : memref<32x16x2048xf32, #tpu.memory_space<hbm>> -> memref<1x16x256xf32, #tpu.memory_space<hbm>>
        %dma_wait3A_28 = tpu.memref_squeeze %dma_wait3A_27 : memref<1x16x256xf32, #tpu.memory_space<hbm>> -> memref<16x256xf32, #tpu.memory_space<hbm>>
        tpu.wait_dma2 semaphore(%run_scoped3A : memref<!tpu.dma_semaphore, #tpu.memory_space<semaphore_mem>>) src(%dma_wait3A_28 : memref<16x256xf32, #tpu.memory_space<hbm>>) dst(%arg9 : memref<16x256xf32, #tpu.memory_space<vmem>>)
        tpu.yield
      }) : () -> ()
      "tpu.region"() ({
        %run_scoped3A = tpu.sem_alloc : memref<!tpu.dma_semaphore, #tpu.memory_space<semaphore_mem>>
        %dma_start3A = arith.constant 0 : i32
        %dma_start3A_19 = tpu.memref_slice %arg4[%add3A, %dma_start3A, %mul3A_10] : memref<32x16x2048xf32, #tpu.memory_space<hbm>> -> memref<1x16x256xf32, #tpu.memory_space<hbm>>
        %dma_start3A_20 = tpu.memref_squeeze %dma_start3A_19 : memref<1x16x256xf32, #tpu.memory_space<hbm>> -> memref<16x256xf32, #tpu.memory_space<hbm>>
        %dma_start3A_21 = arith.constant 0 : i32
        %dma_start3A_22 = tpu.memref_slice %arg4[%add3A, %dma_start3A_21, %mul3A_10] : memref<32x16x2048xf32, #tpu.memory_space<hbm>> -> memref<1x16x256xf32, #tpu.memory_space<hbm>>
        %dma_start3A_23 = tpu.memref_squeeze %dma_start3A_22 : memref<1x16x256xf32, #tpu.memory_space<hbm>> -> memref<16x256xf32, #tpu.memory_space<hbm>>
        tpu.enqueue_dma source(%dma_start3A_23 : memref<16x256xf32, #tpu.memory_space<hbm>>) target(%arg10 : memref<16x256xf32, #tpu.memory_space<vmem>>) target_semaphore(%run_scoped3A : memref<!tpu.dma_semaphore, #tpu.memory_space<semaphore_mem>>)
        %dma_wait3A = arith.constant 0 : i32
        %dma_wait3A_24 = tpu.memref_slice %arg4[%add3A, %dma_wait3A, %mul3A_10] : memref<32x16x2048xf32, #tpu.memory_space<hbm>> -> memref<1x16x256xf32, #tpu.memory_space<hbm>>
        %dma_wait3A_25 = tpu.memref_squeeze %dma_wait3A_24 : memref<1x16x256xf32, #tpu.memory_space<hbm>> -> memref<16x256xf32, #tpu.memory_space<hbm>>
        %dma_wait3A_26 = arith.constant 0 : i32
        %dma_wait3A_27 = tpu.memref_slice %arg4[%add3A, %dma_wait3A_26, %mul3A_10] : memref<32x16x2048xf32, #tpu.memory_space<hbm>> -> memref<1x16x256xf32, #tpu.memory_space<hbm>>
        %dma_wait3A_28 = tpu.memref_squeeze %dma_wait3A_27 : memref<1x16x256xf32, #tpu.memory_space<hbm>> -> memref<16x256xf32, #tpu.memory_space<hbm>>
        tpu.wait_dma2 semaphore(%run_scoped3A : memref<!tpu.dma_semaphore, #tpu.memory_space<semaphore_mem>>) src(%dma_wait3A_28 : memref<16x256xf32, #tpu.memory_space<hbm>>) dst(%arg10 : memref<16x256xf32, #tpu.memory_space<vmem>>)
        tpu.yield
      }) : () -> ()
      %scan3A_11 = arith.constant 0 : i32
      %scan3A_12 = arith.constant 0 : i32
      %scan3A_13 = arith.constant 16 : i32
      %scan3A_14 = arith.addi %scan3A_12, %scan3A_13 : i32
      %scan3A_15 = arith.constant 1 : i32
      %scan3A_16 = scf.for %scan3A_19 = %scan3A_12 to %scan3A_14 step %scan3A_15 iter_args(%scan3A_20 = %scan3A_11) -> (i32)  : i32 {
        %mul3A_21 = arith.constant 16 : i32
        %mul3A_22 = arith.muli %scan3A_19, %mul3A_21 : i32
        %broadcast_in_dim3A = arith.constant 0.000000e+00 : f32
        %broadcast_in_dim3A_23 = vector.broadcast %broadcast_in_dim3A : f32 to vector<16xf32>
        %broadcast_in_dim3A_24 = arith.constant 0.000000e+00 : f32
        %broadcast_in_dim3A_25 = vector.broadcast %broadcast_in_dim3A_24 : f32 to vector<16xf32>
        %broadcast_in_dim3A_26 = arith.constant 0.000000e+00 : f32
        %broadcast_in_dim3A_27 = vector.broadcast %broadcast_in_dim3A_26 : f32 to vector<16xf32>
        %broadcast_in_dim3A_28 = arith.constant 0.000000e+00 : f32
        %broadcast_in_dim3A_29 = vector.broadcast %broadcast_in_dim3A_28 : f32 to vector<16xf32>
        %broadcast_in_dim3A_30 = arith.constant 0.000000e+00 : f32
        %broadcast_in_dim3A_31 = vector.broadcast %broadcast_in_dim3A_30 : f32 to vector<16xf32>
        %broadcast_in_dim3A_32 = arith.constant 0.000000e+00 : f32
        %broadcast_in_dim3A_33 = vector.broadcast %broadcast_in_dim3A_32 : f32 to vector<16xf32>
        %broadcast_in_dim3A_34 = arith.constant 0.000000e+00 : f32
        %broadcast_in_dim3A_35 = vector.broadcast %broadcast_in_dim3A_34 : f32 to vector<16xf32>
        %broadcast_in_dim3A_36 = arith.constant 0.000000e+00 : f32
        %broadcast_in_dim3A_37 = vector.broadcast %broadcast_in_dim3A_36 : f32 to vector<16xf32>
        %broadcast_in_dim3A_38 = arith.constant 0.000000e+00 : f32
        %broadcast_in_dim3A_39 = vector.broadcast %broadcast_in_dim3A_38 : f32 to vector<16xf32>
        %broadcast_in_dim3A_40 = arith.constant 0.000000e+00 : f32
        %broadcast_in_dim3A_41 = vector.broadcast %broadcast_in_dim3A_40 : f32 to vector<16xf32>
        %broadcast_in_dim3A_42 = arith.constant 0.000000e+00 : f32
        %broadcast_in_dim3A_43 = vector.broadcast %broadcast_in_dim3A_42 : f32 to vector<16xf32>
        %broadcast_in_dim3A_44 = arith.constant 0.000000e+00 : f32
        %broadcast_in_dim3A_45 = vector.broadcast %broadcast_in_dim3A_44 : f32 to vector<16xf32>
        %broadcast_in_dim3A_46 = arith.constant 0.000000e+00 : f32
        %broadcast_in_dim3A_47 = vector.broadcast %broadcast_in_dim3A_46 : f32 to vector<16xf32>
        %broadcast_in_dim3A_48 = arith.constant 0.000000e+00 : f32
        %broadcast_in_dim3A_49 = vector.broadcast %broadcast_in_dim3A_48 : f32 to vector<16xf32>
        %broadcast_in_dim3A_50 = arith.constant 0.000000e+00 : f32
        %broadcast_in_dim3A_51 = vector.broadcast %broadcast_in_dim3A_50 : f32 to vector<16xf32>
        %broadcast_in_dim3A_52 = arith.constant 0.000000e+00 : f32
        %broadcast_in_dim3A_53 = vector.broadcast %broadcast_in_dim3A_52 : f32 to vector<16xf32>
        %parallel_loop3A = arith.constant 0 : i32
        %parallel_loop3A_54 = arith.constant 16 : i32
        %parallel_loop3A_55 = arith.constant 1 : i32
        %parallel_loop3A_56:16 = scf.for %parallel_loop3A_221 = %parallel_loop3A to %parallel_loop3A_54 step %parallel_loop3A_55 iter_args(%parallel_loop3A_222 = %broadcast_in_dim3A_23, %parallel_loop3A_223 = %broadcast_in_dim3A_25, %parallel_loop3A_224 = %broadcast_in_dim3A_27, %parallel_loop3A_225 = %broadcast_in_dim3A_29, %parallel_loop3A_226 = %broadcast_in_dim3A_31, %parallel_loop3A_227 = %broadcast_in_dim3A_33, %parallel_loop3A_228 = %broadcast_in_dim3A_35, %parallel_loop3A_229 = %broadcast_in_dim3A_37, %parallel_loop3A_230 = %broadcast_in_dim3A_39, %parallel_loop3A_231 = %broadcast_in_dim3A_41, %parallel_loop3A_232 = %broadcast_in_dim3A_43, %parallel_loop3A_233 = %broadcast_in_dim3A_45, %parallel_loop3A_234 = %broadcast_in_dim3A_47, %parallel_loop3A_235 = %broadcast_in_dim3A_49, %parallel_loop3A_236 = %broadcast_in_dim3A_51, %parallel_loop3A_237 = %broadcast_in_dim3A_53) -> (vector<16xf32>, vector<16xf32>, vector<16xf32>, vector<16xf32>, vector<16xf32>, vector<16xf32>, vector<16xf32>, vector<16xf32>, vector<16xf32>, vector<16xf32>, vector<16xf32>, vector<16xf32>, vector<16xf32>, vector<16xf32>, vector<16xf32>, vector<16xf32>)  : i32 {
          %parallel_loop3A_238 = arith.index_cast %parallel_loop3A_221 : i32 to index
          %parallel_loop3A_239 = arith.index_cast %mul3A_22 : i32 to index
          %parallel_loop3A_240 = tpu.vector_load %arg8[%parallel_loop3A_238, %parallel_loop3A_239] {strides = array<i32>} : memref<16x256xf32, #tpu.memory_space<vmem>>, vector<16xf32>,
          %parallel_loop3A_241 = arith.index_cast %parallel_loop3A_221 : i32 to index
          %parallel_loop3A_242 = arith.index_cast %mul3A_22 : i32 to index
          %parallel_loop3A_243 = tpu.vector_load %arg9[%parallel_loop3A_241, %parallel_loop3A_242] {strides = array<i32>} : memref<16x256xf32, #tpu.memory_space<vmem>>, vector<16xf32>,
          %parallel_loop3A_244 = arith.index_cast %parallel_loop3A_221 : i32 to index
          %parallel_loop3A_245 = arith.index_cast %mul3A_22 : i32 to index
          %parallel_loop3A_246 = tpu.vector_load %arg10[%parallel_loop3A_244, %parallel_loop3A_245] {strides = array<i32>} : memref<16x256xf32, #tpu.memory_space<vmem>>, vector<16xf32>,
          %parallel_loop3A_247 = arith.fptosi %parallel_loop3A_240 : vector<16xf32> to vector<16xi32>
          %parallel_loop3A_248 = arith.fptosi %parallel_loop3A_243 : vector<16xf32> to vector<16xi32>
          %parallel_loop3A_249 = arith.sitofp %parallel_loop3A_247 : vector<16xi32> to vector<16xf32>
          %parallel_loop3A_250 = arith.cmpf ogt, %parallel_loop3A_249, %parallel_loop3A_240 : vector<16xf32>
          %parallel_loop3A_251 = arith.constant 1 : i32
          %parallel_loop3A_252 = arith.constant 0 : i32
          %parallel_loop3A_253 = vector.broadcast %parallel_loop3A_251 : i32 to vector<16xi32>
          %parallel_loop3A_254 = vector.broadcast %parallel_loop3A_252 : i32 to vector<16xi32>
          %parallel_loop3A_255 = arith.select %parallel_loop3A_250, %parallel_loop3A_253, %parallel_loop3A_254 : vector<16xi1>, vector<16xi32>
          %parallel_loop3A_256 = arith.subi %parallel_loop3A_247, %parallel_loop3A_255 : vector<16xi32>
          %parallel_loop3A_257 = arith.sitofp %parallel_loop3A_248 : vector<16xi32> to vector<16xf32>
          %parallel_loop3A_258 = arith.cmpf ogt, %parallel_loop3A_257, %parallel_loop3A_243 : vector<16xf32>
          %parallel_loop3A_259 = arith.constant 1 : i32
          %parallel_loop3A_260 = arith.constant 0 : i32
          %parallel_loop3A_261 = vector.broadcast %parallel_loop3A_259 : i32 to vector<16xi32>
          %parallel_loop3A_262 = vector.broadcast %parallel_loop3A_260 : i32 to vector<16xi32>
          %parallel_loop3A_263 = arith.select %parallel_loop3A_258, %parallel_loop3A_261, %parallel_loop3A_262 : vector<16xi1>, vector<16xi32>
          %parallel_loop3A_264 = arith.subi %parallel_loop3A_248, %parallel_loop3A_263 : vector<16xi32>
          %parallel_loop3A_265 = arith.constant -1.000000e+00 : f32
          %parallel_loop3A_266 = vector.broadcast %parallel_loop3A_265 : f32 to vector<16xf32>
          %parallel_loop3A_267 = arith.cmpf ogt, %parallel_loop3A_240, %parallel_loop3A_266 : vector<16xf32>
          %parallel_loop3A_268 = arith.constant 2.400000e+01 : f32
          %parallel_loop3A_269 = vector.broadcast %parallel_loop3A_268 : f32 to vector<16xf32>
          %parallel_loop3A_270 = arith.cmpf olt, %parallel_loop3A_240, %parallel_loop3A_269 : vector<16xf32>
          %parallel_loop3A_271 = arith.andi %parallel_loop3A_267, %parallel_loop3A_270 : vector<16xi1>
          %parallel_loop3A_272 = arith.constant -1.000000e+00 : f32
          %parallel_loop3A_273 = vector.broadcast %parallel_loop3A_272 : f32 to vector<16xf32>
          %parallel_loop3A_274 = arith.cmpf ogt, %parallel_loop3A_243, %parallel_loop3A_273 : vector<16xf32>
          %parallel_loop3A_275 = arith.andi %parallel_loop3A_271, %parallel_loop3A_274 : vector<16xi1>
          %parallel_loop3A_276 = arith.constant 2.400000e+01 : f32
          %parallel_loop3A_277 = vector.broadcast %parallel_loop3A_276 : f32 to vector<16xf32>
          %parallel_loop3A_278 = arith.cmpf olt, %parallel_loop3A_243, %parallel_loop3A_277 : vector<16xf32>
          %parallel_loop3A_279 = arith.andi %parallel_loop3A_275, %parallel_loop3A_278 : vector<16xi1>
          %parallel_loop3A_280 = arith.constant 0.000000e+00 : f32
          %parallel_loop3A_281 = vector.broadcast %parallel_loop3A_280 : f32 to vector<16xf32>
          %parallel_loop3A_282 = arith.select %parallel_loop3A_279, %parallel_loop3A_246, %parallel_loop3A_281 : vector<16xi1>, vector<16xf32>
          %parallel_loop3A_283 = arith.constant -1 : i32
          %parallel_loop3A_284 = arith.constant 24 : i32
          %parallel_loop3A_285 = vector.broadcast %parallel_loop3A_283 : i32 to vector<16xi32>
          %parallel_loop3A_286 = arith.maxsi %parallel_loop3A_285, %parallel_loop3A_256 : vector<16xi32>
          %parallel_loop3A_287 = vector.broadcast %parallel_loop3A_284 : i32 to vector<16xi32>
          %parallel_loop3A_288 = arith.minsi %parallel_loop3A_287, %parallel_loop3A_286 : vector<16xi32>
          %parallel_loop3A_289 = arith.constant -1 : i32
          %parallel_loop3A_290 = arith.constant 24 : i32
          %parallel_loop3A_291 = vector.broadcast %parallel_loop3A_289 : i32 to vector<16xi32>
          %parallel_loop3A_292 = arith.maxsi %parallel_loop3A_291, %parallel_loop3A_264 : vector<16xi32>
          %parallel_loop3A_293 = vector.broadcast %parallel_loop3A_290 : i32 to vector<16xi32>
          %parallel_loop3A_294 = arith.minsi %parallel_loop3A_293, %parallel_loop3A_292 : vector<16xi32>
          %parallel_loop3A_295 = arith.sitofp %parallel_loop3A_288 : vector<16xi32> to vector<16xf32>
          %parallel_loop3A_296 = arith.subf %parallel_loop3A_240, %parallel_loop3A_295 : vector<16xf32>
          %parallel_loop3A_297 = arith.sitofp %parallel_loop3A_294 : vector<16xi32> to vector<16xf32>
          %parallel_loop3A_298 = arith.subf %parallel_loop3A_243, %parallel_loop3A_297 : vector<16xf32>
          %parallel_loop3A_299 = arith.mulf %parallel_loop3A_282, %parallel_loop3A_298 : vector<16xf32>
          %parallel_loop3A_300 = arith.subf %parallel_loop3A_282, %parallel_loop3A_299 : vector<16xf32>
          %parallel_loop3A_301 = arith.mulf %parallel_loop3A_300, %parallel_loop3A_296 : vector<16xf32>
          %parallel_loop3A_302 = arith.subf %parallel_loop3A_300, %parallel_loop3A_301 : vector<16xf32>
          %parallel_loop3A_303 = arith.mulf %parallel_loop3A_299, %parallel_loop3A_296 : vector<16xf32>
          %parallel_loop3A_304 = arith.subf %parallel_loop3A_299, %parallel_loop3A_303 : vector<16xf32>
          %parallel_loop3A_305 = arith.constant 1 : i32
          %parallel_loop3A_306 = vector.broadcast %parallel_loop3A_305 : i32 to vector<16xi32>
          %parallel_loop3A_307 = arith.addi %parallel_loop3A_294, %parallel_loop3A_306 : vector<16xi32>
          %parallel_loop3A_308 = arith.constant 26 : i32
          %parallel_loop3A_309 = vector.broadcast %parallel_loop3A_308 : i32 to vector<16xi32>
          %parallel_loop3A_310 = arith.muli %parallel_loop3A_307, %parallel_loop3A_309 : vector<16xi32>
          %parallel_loop3A_311 = arith.constant 1 : i32
          %parallel_loop3A_312 = vector.broadcast %parallel_loop3A_311 : i32 to vector<16xi32>
          %parallel_loop3A_313 = arith.addi %parallel_loop3A_288, %parallel_loop3A_312 : vector<16xi32>
          %parallel_loop3A_314 = arith.addi %parallel_loop3A_310, %parallel_loop3A_313 : vector<16xi32>
          %parallel_loop3A_315 = arith.constant 33 : i32
          %parallel_loop3A_316 = vector.broadcast %parallel_loop3A_315 : i32 to vector<16xi32>
          %parallel_loop3A_317 = arith.muli %parallel_loop3A_314, %parallel_loop3A_316 : vector<16xi32>
          %parallel_loop3A_318 = arith.constant 0 : i32
          %parallel_loop3A_319 = vector.broadcast %parallel_loop3A_318 : i32 to vector<16xi32>
          %parallel_loop3A_320 = arith.addi %parallel_loop3A_317, %parallel_loop3A_319 : vector<16xi32>
          %parallel_loop3A_321 = arith.constant 0 : i32
          %parallel_loop3A_322 = vector.broadcast %parallel_loop3A_321 : i32 to vector<16xi32>
          %parallel_loop3A_323 = arith.addi %parallel_loop3A_320, %parallel_loop3A_322 : vector<16xi32>
          %parallel_loop3A_324 = tpu.vector_load_idx %arg7[%parallel_loop3A_323] : memref<23166xi32, #tpu.memory_space<vmem>>[vector<16xi32>], vector<16xi32>,
          %parallel_loop3A_325 = arith.constant 858 : i32
          %parallel_loop3A_326 = vector.broadcast %parallel_loop3A_325 : i32 to vector<16xi32>
          %parallel_loop3A_327 = arith.addi %parallel_loop3A_320, %parallel_loop3A_326 : vector<16xi32>
          %parallel_loop3A_328 = tpu.vector_load_idx %arg7[%parallel_loop3A_327] : memref<23166xi32, #tpu.memory_space<vmem>>[vector<16xi32>], vector<16xi32>,
          %parallel_loop3A_329 = arith.constant 16 : i32
          %parallel_loop3A_330 = vector.broadcast %parallel_loop3A_329 : i32 to vector<16xi32>
          %parallel_loop3A_331 = arith.shli %parallel_loop3A_324, %parallel_loop3A_330 : vector<16xi32>
          %parallel_loop3A_332 = vector.bitcast %parallel_loop3A_331 : vector<16xi32> to vector<16xf32>
          %parallel_loop3A_333 = vector.bitcast %parallel_loop3A_324 : vector<16xi32> to vector<16xf32>
          %parallel_loop3A_334 = arith.constant 16 : i32
          %parallel_loop3A_335 = vector.broadcast %parallel_loop3A_334 : i32 to vector<16xi32>
          %parallel_loop3A_336 = arith.shli %parallel_loop3A_328, %parallel_loop3A_335 : vector<16xi32>
          %parallel_loop3A_337 = vector.bitcast %parallel_loop3A_336 : vector<16xi32> to vector<16xf32>
          %parallel_loop3A_338 = vector.bitcast %parallel_loop3A_328 : vector<16xi32> to vector<16xf32>
          %parallel_loop3A_339 = arith.mulf %parallel_loop3A_302, %parallel_loop3A_332 : vector<16xf32>
          %parallel_loop3A_340 = arith.mulf %parallel_loop3A_301, %parallel_loop3A_333 : vector<16xf32>
          %parallel_loop3A_341 = arith.addf %parallel_loop3A_339, %parallel_loop3A_340 : vector<16xf32>
          %parallel_loop3A_342 = arith.mulf %parallel_loop3A_304, %parallel_loop3A_337 : vector<16xf32>
          %parallel_loop3A_343 = arith.mulf %parallel_loop3A_303, %parallel_loop3A_338 : vector<16xf32>
          %parallel_loop3A_344 = arith.addf %parallel_loop3A_342, %parallel_loop3A_343 : vector<16xf32>
          %parallel_loop3A_345 = arith.addf %parallel_loop3A_341, %parallel_loop3A_344 : vector<16xf32>
          %parallel_loop3A_346 = arith.addf %parallel_loop3A_222, %parallel_loop3A_345 : vector<16xf32>
          %parallel_loop3A_347 = arith.constant 1 : i32
          %parallel_loop3A_348 = vector.broadcast %parallel_loop3A_347 : i32 to vector<16xi32>
          %parallel_loop3A_349 = arith.addi %parallel_loop3A_320, %parallel_loop3A_348 : vector<16xi32>
          %parallel_loop3A_350 = tpu.vector_load_idx %arg7[%parallel_loop3A_349] : memref<23166xi32, #tpu.memory_space<vmem>>[vector<16xi32>], vector<16xi32>,
          %parallel_loop3A_351 = arith.constant 859 : i32
          %parallel_loop3A_352 = vector.broadcast %parallel_loop3A_351 : i32 to vector<16xi32>
          %parallel_loop3A_353 = arith.addi %parallel_loop3A_320, %parallel_loop3A_352 : vector<16xi32>
          %parallel_loop3A_354 = tpu.vector_load_idx %arg7[%parallel_loop3A_353] : memref<23166xi32, #tpu.memory_space<vmem>>[vector<16xi32>], vector<16xi32>,
          %parallel_loop3A_355 = arith.constant 16 : i32
          %parallel_loop3A_356 = vector.broadcast %parallel_loop3A_355 : i32 to vector<16xi32>
          %parallel_loop3A_357 = arith.shli %parallel_loop3A_350, %parallel_loop3A_356 : vector<16xi32>
          %parallel_loop3A_358 = vector.bitcast %parallel_loop3A_357 : vector<16xi32> to vector<16xf32>
          %parallel_loop3A_359 = vector.bitcast %parallel_loop3A_350 : vector<16xi32> to vector<16xf32>
          %parallel_loop3A_360 = arith.constant 16 : i32
          %parallel_loop3A_361 = vector.broadcast %parallel_loop3A_360 : i32 to vector<16xi32>
          %parallel_loop3A_362 = arith.shli %parallel_loop3A_354, %parallel_loop3A_361 : vector<16xi32>
          %parallel_loop3A_363 = vector.bitcast %parallel_loop3A_362 : vector<16xi32> to vector<16xf32>
          %parallel_loop3A_364 = vector.bitcast %parallel_loop3A_354 : vector<16xi32> to vector<16xf32>
          %parallel_loop3A_365 = arith.mulf %parallel_loop3A_302, %parallel_loop3A_358 : vector<16xf32>
          %parallel_loop3A_366 = arith.mulf %parallel_loop3A_301, %parallel_loop3A_359 : vector<16xf32>
          %parallel_loop3A_367 = arith.addf %parallel_loop3A_365, %parallel_loop3A_366 : vector<16xf32>
          %parallel_loop3A_368 = arith.mulf %parallel_loop3A_304, %parallel_loop3A_363 : vector<16xf32>
          %parallel_loop3A_369 = arith.mulf %parallel_loop3A_303, %parallel_loop3A_364 : vector<16xf32>
          %parallel_loop3A_370 = arith.addf %parallel_loop3A_368, %parallel_loop3A_369 : vector<16xf32>
          %parallel_loop3A_371 = arith.addf %parallel_loop3A_367, %parallel_loop3A_370 : vector<16xf32>
          %parallel_loop3A_372 = arith.addf %parallel_loop3A_223, %parallel_loop3A_371 : vector<16xf32>
          %parallel_loop3A_373 = arith.constant 2 : i32
          %parallel_loop3A_374 = vector.broadcast %parallel_loop3A_373 : i32 to vector<16xi32>
          %parallel_loop3A_375 = arith.addi %parallel_loop3A_320, %parallel_loop3A_374 : vector<16xi32>
          %parallel_loop3A_376 = tpu.vector_load_idx %arg7[%parallel_loop3A_375] : memref<23166xi32, #tpu.memory_space<vmem>>[vector<16xi32>], vector<16xi32>,
          %parallel_loop3A_377 = arith.constant 860 : i32
          %parallel_loop3A_378 = vector.broadcast %parallel_loop3A_377 : i32 to vector<16xi32>
          %parallel_loop3A_379 = arith.addi %parallel_loop3A_320, %parallel_loop3A_378 : vector<16xi32>
          %parallel_loop3A_380 = tpu.vector_load_idx %arg7[%parallel_loop3A_379] : memref<23166xi32, #tpu.memory_space<vmem>>[vector<16xi32>], vector<16xi32>,
          %parallel_loop3A_381 = arith.constant 16 : i32
          %parallel_loop3A_382 = vector.broadcast %parallel_loop3A_381 : i32 to vector<16xi32>
          %parallel_loop3A_383 = arith.shli %parallel_loop3A_376, %parallel_loop3A_382 : vector<16xi32>
          %parallel_loop3A_384 = vector.bitcast %parallel_loop3A_383 : vector<16xi32> to vector<16xf32>
          %parallel_loop3A_385 = vector.bitcast %parallel_loop3A_376 : vector<16xi32> to vector<16xf32>
          %parallel_loop3A_386 = arith.constant 16 : i32
          %parallel_loop3A_387 = vector.broadcast %parallel_loop3A_386 : i32 to vector<16xi32>
          %parallel_loop3A_388 = arith.shli %parallel_loop3A_380, %parallel_loop3A_387 : vector<16xi32>
          %parallel_loop3A_389 = vector.bitcast %parallel_loop3A_388 : vector<16xi32> to vector<16xf32>
          %parallel_loop3A_390 = vector.bitcast %parallel_loop3A_380 : vector<16xi32> to vector<16xf32>
          %parallel_loop3A_391 = arith.mulf %parallel_loop3A_302, %parallel_loop3A_384 : vector<16xf32>
          %parallel_loop3A_392 = arith.mulf %parallel_loop3A_301, %parallel_loop3A_385 : vector<16xf32>
          %parallel_loop3A_393 = arith.addf %parallel_loop3A_391, %parallel_loop3A_392 : vector<16xf32>
          %parallel_loop3A_394 = arith.mulf %parallel_loop3A_304, %parallel_loop3A_389 : vector<16xf32>
          %parallel_loop3A_395 = arith.mulf %parallel_loop3A_303, %parallel_loop3A_390 : vector<16xf32>
          %parallel_loop3A_396 = arith.addf %parallel_loop3A_394, %parallel_loop3A_395 : vector<16xf32>
          %parallel_loop3A_397 = arith.addf %parallel_loop3A_393, %parallel_loop3A_396 : vector<16xf32>
          %parallel_loop3A_398 = arith.addf %parallel_loop3A_224, %parallel_loop3A_397 : vector<16xf32>
          %parallel_loop3A_399 = arith.constant 3 : i32
          %parallel_loop3A_400 = vector.broadcast %parallel_loop3A_399 : i32 to vector<16xi32>
          %parallel_loop3A_401 = arith.addi %parallel_loop3A_320, %parallel_loop3A_400 : vector<16xi32>
          %parallel_loop3A_402 = tpu.vector_load_idx %arg7[%parallel_loop3A_401] : memref<23166xi32, #tpu.memory_space<vmem>>[vector<16xi32>], vector<16xi32>,
          %parallel_loop3A_403 = arith.constant 861 : i32
          %parallel_loop3A_404 = vector.broadcast %parallel_loop3A_403 : i32 to vector<16xi32>
          %parallel_loop3A_405 = arith.addi %parallel_loop3A_320, %parallel_loop3A_404 : vector<16xi32>
          %parallel_loop3A_406 = tpu.vector_load_idx %arg7[%parallel_loop3A_405] : memref<23166xi32, #tpu.memory_space<vmem>>[vector<16xi32>], vector<16xi32>,
          %parallel_loop3A_407 = arith.constant 16 : i32
          %parallel_loop3A_408 = vector.broadcast %parallel_loop3A_407 : i32 to vector<16xi32>
          %parallel_loop3A_409 = arith.shli %parallel_loop3A_402, %parallel_loop3A_408 : vector<16xi32>
          %parallel_loop3A_410 = vector.bitcast %parallel_loop3A_409 : vector<16xi32> to vector<16xf32>
          %parallel_loop3A_411 = vector.bitcast %parallel_loop3A_402 : vector<16xi32> to vector<16xf32>
          %parallel_loop3A_412 = arith.constant 16 : i32
          %parallel_loop3A_413 = vector.broadcast %parallel_loop3A_412 : i32 to vector<16xi32>
          %parallel_loop3A_414 = arith.shli %parallel_loop3A_406, %parallel_loop3A_413 : vector<16xi32>
          %parallel_loop3A_415 = vector.bitcast %parallel_loop3A_414 : vector<16xi32> to vector<16xf32>
          %parallel_loop3A_416 = vector.bitcast %parallel_loop3A_406 : vector<16xi32> to vector<16xf32>
          %parallel_loop3A_417 = arith.mulf %parallel_loop3A_302, %parallel_loop3A_410 : vector<16xf32>
          %parallel_loop3A_418 = arith.mulf %parallel_loop3A_301, %parallel_loop3A_411 : vector<16xf32>
          %parallel_loop3A_419 = arith.addf %parallel_loop3A_417, %parallel_loop3A_418 : vector<16xf32>
          %parallel_loop3A_420 = arith.mulf %parallel_loop3A_304, %parallel_loop3A_415 : vector<16xf32>
          %parallel_loop3A_421 = arith.mulf %parallel_loop3A_303, %parallel_loop3A_416 : vector<16xf32>
          %parallel_loop3A_422 = arith.addf %parallel_loop3A_420, %parallel_loop3A_421 : vector<16xf32>
          %parallel_loop3A_423 = arith.addf %parallel_loop3A_419, %parallel_loop3A_422 : vector<16xf32>
          %parallel_loop3A_424 = arith.addf %parallel_loop3A_225, %parallel_loop3A_423 : vector<16xf32>
          %parallel_loop3A_425 = arith.constant 4 : i32
          %parallel_loop3A_426 = vector.broadcast %parallel_loop3A_425 : i32 to vector<16xi32>
          %parallel_loop3A_427 = arith.addi %parallel_loop3A_320, %parallel_loop3A_426 : vector<16xi32>
          %parallel_loop3A_428 = tpu.vector_load_idx %arg7[%parallel_loop3A_427] : memref<23166xi32, #tpu.memory_space<vmem>>[vector<16xi32>], vector<16xi32>,
          %parallel_loop3A_429 = arith.constant 862 : i32
          %parallel_loop3A_430 = vector.broadcast %parallel_loop3A_429 : i32 to vector<16xi32>
          %parallel_loop3A_431 = arith.addi %parallel_loop3A_320, %parallel_loop3A_430 : vector<16xi32>
          %parallel_loop3A_432 = tpu.vector_load_idx %arg7[%parallel_loop3A_431] : memref<23166xi32, #tpu.memory_space<vmem>>[vector<16xi32>], vector<16xi32>,
          %parallel_loop3A_433 = arith.constant 16 : i32
          %parallel_loop3A_434 = vector.broadcast %parallel_loop3A_433 : i32 to vector<16xi32>
          %parallel_loop3A_435 = arith.shli %parallel_loop3A_428, %parallel_loop3A_434 : vector<16xi32>
          %parallel_loop3A_436 = vector.bitcast %parallel_loop3A_435 : vector<16xi32> to vector<16xf32>
          %parallel_loop3A_437 = vector.bitcast %parallel_loop3A_428 : vector<16xi32> to vector<16xf32>
          %parallel_loop3A_438 = arith.constant 16 : i32
          %parallel_loop3A_439 = vector.broadcast %parallel_loop3A_438 : i32 to vector<16xi32>
          %parallel_loop3A_440 = arith.shli %parallel_loop3A_432, %parallel_loop3A_439 : vector<16xi32>
          %parallel_loop3A_441 = vector.bitcast %parallel_loop3A_440 : vector<16xi32> to vector<16xf32>
          %parallel_loop3A_442 = vector.bitcast %parallel_loop3A_432 : vector<16xi32> to vector<16xf32>
          %parallel_loop3A_443 = arith.mulf %parallel_loop3A_302, %parallel_loop3A_436 : vector<16xf32>
          %parallel_loop3A_444 = arith.mulf %parallel_loop3A_301, %parallel_loop3A_437 : vector<16xf32>
          %parallel_loop3A_445 = arith.addf %parallel_loop3A_443, %parallel_loop3A_444 : vector<16xf32>
          %parallel_loop3A_446 = arith.mulf %parallel_loop3A_304, %parallel_loop3A_441 : vector<16xf32>
          %parallel_loop3A_447 = arith.mulf %parallel_loop3A_303, %parallel_loop3A_442 : vector<16xf32>
          %parallel_loop3A_448 = arith.addf %parallel_loop3A_446, %parallel_loop3A_447 : vector<16xf32>
          %parallel_loop3A_449 = arith.addf %parallel_loop3A_445, %parallel_loop3A_448 : vector<16xf32>
          %parallel_loop3A_450 = arith.addf %parallel_loop3A_226, %parallel_loop3A_449 : vector<16xf32>
          %parallel_loop3A_451 = arith.constant 5 : i32
          %parallel_loop3A_452 = vector.broadcast %parallel_loop3A_451 : i32 to vector<16xi32>
          %parallel_loop3A_453 = arith.addi %parallel_loop3A_320, %parallel_loop3A_452 : vector<16xi32>
          %parallel_loop3A_454 = tpu.vector_load_idx %arg7[%parallel_loop3A_453] : memref<23166xi32, #tpu.memory_space<vmem>>[vector<16xi32>], vector<16xi32>,
          %parallel_loop3A_455 = arith.constant 863 : i32
          %parallel_loop3A_456 = vector.broadcast %parallel_loop3A_455 : i32 to vector<16xi32>
          %parallel_loop3A_457 = arith.addi %parallel_loop3A_320, %parallel_loop3A_456 : vector<16xi32>
          %parallel_loop3A_458 = tpu.vector_load_idx %arg7[%parallel_loop3A_457] : memref<23166xi32, #tpu.memory_space<vmem>>[vector<16xi32>], vector<16xi32>,
          %parallel_loop3A_459 = arith.constant 16 : i32
          %parallel_loop3A_460 = vector.broadcast %parallel_loop3A_459 : i32 to vector<16xi32>
          %parallel_loop3A_461 = arith.shli %parallel_loop3A_454, %parallel_loop3A_460 : vector<16xi32>
          %parallel_loop3A_462 = vector.bitcast %parallel_loop3A_461 : vector<16xi32> to vector<16xf32>
          %parallel_loop3A_463 = vector.bitcast %parallel_loop3A_454 : vector<16xi32> to vector<16xf32>
          %parallel_loop3A_464 = arith.constant 16 : i32
          %parallel_loop3A_465 = vector.broadcast %parallel_loop3A_464 : i32 to vector<16xi32>
          %parallel_loop3A_466 = arith.shli %parallel_loop3A_458, %parallel_loop3A_465 : vector<16xi32>
          %parallel_loop3A_467 = vector.bitcast %parallel_loop3A_466 : vector<16xi32> to vector<16xf32>
          %parallel_loop3A_468 = vector.bitcast %parallel_loop3A_458 : vector<16xi32> to vector<16xf32>
          %parallel_loop3A_469 = arith.mulf %parallel_loop3A_302, %parallel_loop3A_462 : vector<16xf32>
          %parallel_loop3A_470 = arith.mulf %parallel_loop3A_301, %parallel_loop3A_463 : vector<16xf32>
          %parallel_loop3A_471 = arith.addf %parallel_loop3A_469, %parallel_loop3A_470 : vector<16xf32>
          %parallel_loop3A_472 = arith.mulf %parallel_loop3A_304, %parallel_loop3A_467 : vector<16xf32>
          %parallel_loop3A_473 = arith.mulf %parallel_loop3A_303, %parallel_loop3A_468 : vector<16xf32>
          %parallel_loop3A_474 = arith.addf %parallel_loop3A_472, %parallel_loop3A_473 : vector<16xf32>
          %parallel_loop3A_475 = arith.addf %parallel_loop3A_471, %parallel_loop3A_474 : vector<16xf32>
          %parallel_loop3A_476 = arith.addf %parallel_loop3A_227, %parallel_loop3A_475 : vector<16xf32>
          %parallel_loop3A_477 = arith.constant 6 : i32
          %parallel_loop3A_478 = vector.broadcast %parallel_loop3A_477 : i32 to vector<16xi32>
          %parallel_loop3A_479 = arith.addi %parallel_loop3A_320, %parallel_loop3A_478 : vector<16xi32>
          %parallel_loop3A_480 = tpu.vector_load_idx %arg7[%parallel_loop3A_479] : memref<23166xi32, #tpu.memory_space<vmem>>[vector<16xi32>], vector<16xi32>,
          %parallel_loop3A_481 = arith.constant 864 : i32
          %parallel_loop3A_482 = vector.broadcast %parallel_loop3A_481 : i32 to vector<16xi32>
          %parallel_loop3A_483 = arith.addi %parallel_loop3A_320, %parallel_loop3A_482 : vector<16xi32>
          %parallel_loop3A_484 = tpu.vector_load_idx %arg7[%parallel_loop3A_483] : memref<23166xi32, #tpu.memory_space<vmem>>[vector<16xi32>], vector<16xi32>,
          %parallel_loop3A_485 = arith.constant 16 : i32
          %parallel_loop3A_486 = vector.broadcast %parallel_loop3A_485 : i32 to vector<16xi32>
          %parallel_loop3A_487 = arith.shli %parallel_loop3A_480, %parallel_loop3A_486 : vector<16xi32>
          %parallel_loop3A_488 = vector.bitcast %parallel_loop3A_487 : vector<16xi32> to vector<16xf32>
          %parallel_loop3A_489 = vector.bitcast %parallel_loop3A_480 : vector<16xi32> to vector<16xf32>
          %parallel_loop3A_490 = arith.constant 16 : i32
          %parallel_loop3A_491 = vector.broadcast %parallel_loop3A_490 : i32 to vector<16xi32>
          %parallel_loop3A_492 = arith.shli %parallel_loop3A_484, %parallel_loop3A_491 : vector<16xi32>
          %parallel_loop3A_493 = vector.bitcast %parallel_loop3A_492 : vector<16xi32> to vector<16xf32>
          %parallel_loop3A_494 = vector.bitcast %parallel_loop3A_484 : vector<16xi32> to vector<16xf32>
          %parallel_loop3A_495 = arith.mulf %parallel_loop3A_302, %parallel_loop3A_488 : vector<16xf32>
          %parallel_loop3A_496 = arith.mulf %parallel_loop3A_301, %parallel_loop3A_489 : vector<16xf32>
          %parallel_loop3A_497 = arith.addf %parallel_loop3A_495, %parallel_loop3A_496 : vector<16xf32>
          %parallel_loop3A_498 = arith.mulf %parallel_loop3A_304, %parallel_loop3A_493 : vector<16xf32>
          %parallel_loop3A_499 = arith.mulf %parallel_loop3A_303, %parallel_loop3A_494 : vector<16xf32>
          %parallel_loop3A_500 = arith.addf %parallel_loop3A_498, %parallel_loop3A_499 : vector<16xf32>
          %parallel_loop3A_501 = arith.addf %parallel_loop3A_497, %parallel_loop3A_500 : vector<16xf32>
          %parallel_loop3A_502 = arith.addf %parallel_loop3A_228, %parallel_loop3A_501 : vector<16xf32>
          %parallel_loop3A_503 = arith.constant 7 : i32
          %parallel_loop3A_504 = vector.broadcast %parallel_loop3A_503 : i32 to vector<16xi32>
          %parallel_loop3A_505 = arith.addi %parallel_loop3A_320, %parallel_loop3A_504 : vector<16xi32>
          %parallel_loop3A_506 = tpu.vector_load_idx %arg7[%parallel_loop3A_505] : memref<23166xi32, #tpu.memory_space<vmem>>[vector<16xi32>], vector<16xi32>,
          %parallel_loop3A_507 = arith.constant 865 : i32
          %parallel_loop3A_508 = vector.broadcast %parallel_loop3A_507 : i32 to vector<16xi32>
          %parallel_loop3A_509 = arith.addi %parallel_loop3A_320, %parallel_loop3A_508 : vector<16xi32>
          %parallel_loop3A_510 = tpu.vector_load_idx %arg7[%parallel_loop3A_509] : memref<23166xi32, #tpu.memory_space<vmem>>[vector<16xi32>], vector<16xi32>,
          %parallel_loop3A_511 = arith.constant 16 : i32
          %parallel_loop3A_512 = vector.broadcast %parallel_loop3A_511 : i32 to vector<16xi32>
          %parallel_loop3A_513 = arith.shli %parallel_loop3A_506, %parallel_loop3A_512 : vector<16xi32>
          %parallel_loop3A_514 = vector.bitcast %parallel_loop3A_513 : vector<16xi32> to vector<16xf32>
          %parallel_loop3A_515 = vector.bitcast %parallel_loop3A_506 : vector<16xi32> to vector<16xf32>
          %parallel_loop3A_516 = arith.constant 16 : i32
          %parallel_loop3A_517 = vector.broadcast %parallel_loop3A_516 : i32 to vector<16xi32>
          %parallel_loop3A_518 = arith.shli %parallel_loop3A_510, %parallel_loop3A_517 : vector<16xi32>
          %parallel_loop3A_519 = vector.bitcast %parallel_loop3A_518 : vector<16xi32> to vector<16xf32>
          %parallel_loop3A_520 = vector.bitcast %parallel_loop3A_510 : vector<16xi32> to vector<16xf32>
          %parallel_loop3A_521 = arith.mulf %parallel_loop3A_302, %parallel_loop3A_514 : vector<16xf32>
          %parallel_loop3A_522 = arith.mulf %parallel_loop3A_301, %parallel_loop3A_515 : vector<16xf32>
          %parallel_loop3A_523 = arith.addf %parallel_loop3A_521, %parallel_loop3A_522 : vector<16xf32>
          %parallel_loop3A_524 = arith.mulf %parallel_loop3A_304, %parallel_loop3A_519 : vector<16xf32>
          %parallel_loop3A_525 = arith.mulf %parallel_loop3A_303, %parallel_loop3A_520 : vector<16xf32>
          %parallel_loop3A_526 = arith.addf %parallel_loop3A_524, %parallel_loop3A_525 : vector<16xf32>
          %parallel_loop3A_527 = arith.addf %parallel_loop3A_523, %parallel_loop3A_526 : vector<16xf32>
          %parallel_loop3A_528 = arith.addf %parallel_loop3A_229, %parallel_loop3A_527 : vector<16xf32>
          %parallel_loop3A_529 = arith.constant 8 : i32
          %parallel_loop3A_530 = vector.broadcast %parallel_loop3A_529 : i32 to vector<16xi32>
          %parallel_loop3A_531 = arith.addi %parallel_loop3A_320, %parallel_loop3A_530 : vector<16xi32>
          %parallel_loop3A_532 = tpu.vector_load_idx %arg7[%parallel_loop3A_531] : memref<23166xi32, #tpu.memory_space<vmem>>[vector<16xi32>], vector<16xi32>,
          %parallel_loop3A_533 = arith.constant 866 : i32
          %parallel_loop3A_534 = vector.broadcast %parallel_loop3A_533 : i32 to vector<16xi32>
          %parallel_loop3A_535 = arith.addi %parallel_loop3A_320, %parallel_loop3A_534 : vector<16xi32>
          %parallel_loop3A_536 = tpu.vector_load_idx %arg7[%parallel_loop3A_535] : memref<23166xi32, #tpu.memory_space<vmem>>[vector<16xi32>], vector<16xi32>,
          %parallel_loop3A_537 = arith.constant 16 : i32
          %parallel_loop3A_538 = vector.broadcast %parallel_loop3A_537 : i32 to vector<16xi32>
          %parallel_loop3A_539 = arith.shli %parallel_loop3A_532, %parallel_loop3A_538 : vector<16xi32>
          %parallel_loop3A_540 = vector.bitcast %parallel_loop3A_539 : vector<16xi32> to vector<16xf32>
          %parallel_loop3A_541 = vector.bitcast %parallel_loop3A_532 : vector<16xi32> to vector<16xf32>
          %parallel_loop3A_542 = arith.constant 16 : i32
          %parallel_loop3A_543 = vector.broadcast %parallel_loop3A_542 : i32 to vector<16xi32>
          %parallel_loop3A_544 = arith.shli %parallel_loop3A_536, %parallel_loop3A_543 : vector<16xi32>
          %parallel_loop3A_545 = vector.bitcast %parallel_loop3A_544 : vector<16xi32> to vector<16xf32>
          %parallel_loop3A_546 = vector.bitcast %parallel_loop3A_536 : vector<16xi32> to vector<16xf32>
          %parallel_loop3A_547 = arith.mulf %parallel_loop3A_302, %parallel_loop3A_540 : vector<16xf32>
          %parallel_loop3A_548 = arith.mulf %parallel_loop3A_301, %parallel_loop3A_541 : vector<16xf32>
          %parallel_loop3A_549 = arith.addf %parallel_loop3A_547, %parallel_loop3A_548 : vector<16xf32>
          %parallel_loop3A_550 = arith.mulf %parallel_loop3A_304, %parallel_loop3A_545 : vector<16xf32>
          %parallel_loop3A_551 = arith.mulf %parallel_loop3A_303, %parallel_loop3A_546 : vector<16xf32>
          %parallel_loop3A_552 = arith.addf %parallel_loop3A_550, %parallel_loop3A_551 : vector<16xf32>
          %parallel_loop3A_553 = arith.addf %parallel_loop3A_549, %parallel_loop3A_552 : vector<16xf32>
          %parallel_loop3A_554 = arith.addf %parallel_loop3A_230, %parallel_loop3A_553 : vector<16xf32>
          %parallel_loop3A_555 = arith.constant 9 : i32
          %parallel_loop3A_556 = vector.broadcast %parallel_loop3A_555 : i32 to vector<16xi32>
          %parallel_loop3A_557 = arith.addi %parallel_loop3A_320, %parallel_loop3A_556 : vector<16xi32>
          %parallel_loop3A_558 = tpu.vector_load_idx %arg7[%parallel_loop3A_557] : memref<23166xi32, #tpu.memory_space<vmem>>[vector<16xi32>], vector<16xi32>,
          %parallel_loop3A_559 = arith.constant 867 : i32
          %parallel_loop3A_560 = vector.broadcast %parallel_loop3A_559 : i32 to vector<16xi32>
          %parallel_loop3A_561 = arith.addi %parallel_loop3A_320, %parallel_loop3A_560 : vector<16xi32>
          %parallel_loop3A_562 = tpu.vector_load_idx %arg7[%parallel_loop3A_561] : memref<23166xi32, #tpu.memory_space<vmem>>[vector<16xi32>], vector<16xi32>,
          %parallel_loop3A_563 = arith.constant 16 : i32
          %parallel_loop3A_564 = vector.broadcast %parallel_loop3A_563 : i32 to vector<16xi32>
          %parallel_loop3A_565 = arith.shli %parallel_loop3A_558, %parallel_loop3A_564 : vector<16xi32>
          %parallel_loop3A_566 = vector.bitcast %parallel_loop3A_565 : vector<16xi32> to vector<16xf32>
          %parallel_loop3A_567 = vector.bitcast %parallel_loop3A_558 : vector<16xi32> to vector<16xf32>
          %parallel_loop3A_568 = arith.constant 16 : i32
          %parallel_loop3A_569 = vector.broadcast %parallel_loop3A_568 : i32 to vector<16xi32>
          %parallel_loop3A_570 = arith.shli %parallel_loop3A_562, %parallel_loop3A_569 : vector<16xi32>
          %parallel_loop3A_571 = vector.bitcast %parallel_loop3A_570 : vector<16xi32> to vector<16xf32>
          %parallel_loop3A_572 = vector.bitcast %parallel_loop3A_562 : vector<16xi32> to vector<16xf32>
          %parallel_loop3A_573 = arith.mulf %parallel_loop3A_302, %parallel_loop3A_566 : vector<16xf32>
          %parallel_loop3A_574 = arith.mulf %parallel_loop3A_301, %parallel_loop3A_567 : vector<16xf32>
          %parallel_loop3A_575 = arith.addf %parallel_loop3A_573, %parallel_loop3A_574 : vector<16xf32>
          %parallel_loop3A_576 = arith.mulf %parallel_loop3A_304, %parallel_loop3A_571 : vector<16xf32>
          %parallel_loop3A_577 = arith.mulf %parallel_loop3A_303, %parallel_loop3A_572 : vector<16xf32>
          %parallel_loop3A_578 = arith.addf %parallel_loop3A_576, %parallel_loop3A_577 : vector<16xf32>
          %parallel_loop3A_579 = arith.addf %parallel_loop3A_575, %parallel_loop3A_578 : vector<16xf32>
          %parallel_loop3A_580 = arith.addf %parallel_loop3A_231, %parallel_loop3A_579 : vector<16xf32>
          %parallel_loop3A_581 = arith.constant 10 : i32
          %parallel_loop3A_582 = vector.broadcast %parallel_loop3A_581 : i32 to vector<16xi32>
          %parallel_loop3A_583 = arith.addi %parallel_loop3A_320, %parallel_loop3A_582 : vector<16xi32>
          %parallel_loop3A_584 = tpu.vector_load_idx %arg7[%parallel_loop3A_583] : memref<23166xi32, #tpu.memory_space<vmem>>[vector<16xi32>], vector<16xi32>,
          %parallel_loop3A_585 = arith.constant 868 : i32
          %parallel_loop3A_586 = vector.broadcast %parallel_loop3A_585 : i32 to vector<16xi32>
          %parallel_loop3A_587 = arith.addi %parallel_loop3A_320, %parallel_loop3A_586 : vector<16xi32>
          %parallel_loop3A_588 = tpu.vector_load_idx %arg7[%parallel_loop3A_587] : memref<23166xi32, #tpu.memory_space<vmem>>[vector<16xi32>], vector<16xi32>,
          %parallel_loop3A_589 = arith.constant 16 : i32
          %parallel_loop3A_590 = vector.broadcast %parallel_loop3A_589 : i32 to vector<16xi32>
          %parallel_loop3A_591 = arith.shli %parallel_loop3A_584, %parallel_loop3A_590 : vector<16xi32>
          %parallel_loop3A_592 = vector.bitcast %parallel_loop3A_591 : vector<16xi32> to vector<16xf32>
          %parallel_loop3A_593 = vector.bitcast %parallel_loop3A_584 : vector<16xi32> to vector<16xf32>
          %parallel_loop3A_594 = arith.constant 16 : i32
          %parallel_loop3A_595 = vector.broadcast %parallel_loop3A_594 : i32 to vector<16xi32>
          %parallel_loop3A_596 = arith.shli %parallel_loop3A_588, %parallel_loop3A_595 : vector<16xi32>
          %parallel_loop3A_597 = vector.bitcast %parallel_loop3A_596 : vector<16xi32> to vector<16xf32>
          %parallel_loop3A_598 = vector.bitcast %parallel_loop3A_588 : vector<16xi32> to vector<16xf32>
          %parallel_loop3A_599 = arith.mulf %parallel_loop3A_302, %parallel_loop3A_592 : vector<16xf32>
          %parallel_loop3A_600 = arith.mulf %parallel_loop3A_301, %parallel_loop3A_593 : vector<16xf32>
          %parallel_loop3A_601 = arith.addf %parallel_loop3A_599, %parallel_loop3A_600 : vector<16xf32>
          %parallel_loop3A_602 = arith.mulf %parallel_loop3A_304, %parallel_loop3A_597 : vector<16xf32>
          %parallel_loop3A_603 = arith.mulf %parallel_loop3A_303, %parallel_loop3A_598 : vector<16xf32>
          %parallel_loop3A_604 = arith.addf %parallel_loop3A_602, %parallel_loop3A_603 : vector<16xf32>
          %parallel_loop3A_605 = arith.addf %parallel_loop3A_601, %parallel_loop3A_604 : vector<16xf32>
          %parallel_loop3A_606 = arith.addf %parallel_loop3A_232, %parallel_loop3A_605 : vector<16xf32>
          %parallel_loop3A_607 = arith.constant 11 : i32
          %parallel_loop3A_608 = vector.broadcast %parallel_loop3A_607 : i32 to vector<16xi32>
          %parallel_loop3A_609 = arith.addi %parallel_loop3A_320, %parallel_loop3A_608 : vector<16xi32>
          %parallel_loop3A_610 = tpu.vector_load_idx %arg7[%parallel_loop3A_609] : memref<23166xi32, #tpu.memory_space<vmem>>[vector<16xi32>], vector<16xi32>,
          %parallel_loop3A_611 = arith.constant 869 : i32
          %parallel_loop3A_612 = vector.broadcast %parallel_loop3A_611 : i32 to vector<16xi32>
          %parallel_loop3A_613 = arith.addi %parallel_loop3A_320, %parallel_loop3A_612 : vector<16xi32>
          %parallel_loop3A_614 = tpu.vector_load_idx %arg7[%parallel_loop3A_613] : memref<23166xi32, #tpu.memory_space<vmem>>[vector<16xi32>], vector<16xi32>,
          %parallel_loop3A_615 = arith.constant 16 : i32
          %parallel_loop3A_616 = vector.broadcast %parallel_loop3A_615 : i32 to vector<16xi32>
          %parallel_loop3A_617 = arith.shli %parallel_loop3A_610, %parallel_loop3A_616 : vector<16xi32>
          %parallel_loop3A_618 = vector.bitcast %parallel_loop3A_617 : vector<16xi32> to vector<16xf32>
          %parallel_loop3A_619 = vector.bitcast %parallel_loop3A_610 : vector<16xi32> to vector<16xf32>
          %parallel_loop3A_620 = arith.constant 16 : i32
          %parallel_loop3A_621 = vector.broadcast %parallel_loop3A_620 : i32 to vector<16xi32>
          %parallel_loop3A_622 = arith.shli %parallel_loop3A_614, %parallel_loop3A_621 : vector<16xi32>
          %parallel_loop3A_623 = vector.bitcast %parallel_loop3A_622 : vector<16xi32> to vector<16xf32>
          %parallel_loop3A_624 = vector.bitcast %parallel_loop3A_614 : vector<16xi32> to vector<16xf32>
          %parallel_loop3A_625 = arith.mulf %parallel_loop3A_302, %parallel_loop3A_618 : vector<16xf32>
          %parallel_loop3A_626 = arith.mulf %parallel_loop3A_301, %parallel_loop3A_619 : vector<16xf32>
          %parallel_loop3A_627 = arith.addf %parallel_loop3A_625, %parallel_loop3A_626 : vector<16xf32>
          %parallel_loop3A_628 = arith.mulf %parallel_loop3A_304, %parallel_loop3A_623 : vector<16xf32>
          %parallel_loop3A_629 = arith.mulf %parallel_loop3A_303, %parallel_loop3A_624 : vector<16xf32>
          %parallel_loop3A_630 = arith.addf %parallel_loop3A_628, %parallel_loop3A_629 : vector<16xf32>
          %parallel_loop3A_631 = arith.addf %parallel_loop3A_627, %parallel_loop3A_630 : vector<16xf32>
          %parallel_loop3A_632 = arith.addf %parallel_loop3A_233, %parallel_loop3A_631 : vector<16xf32>
          %parallel_loop3A_633 = arith.constant 12 : i32
          %parallel_loop3A_634 = vector.broadcast %parallel_loop3A_633 : i32 to vector<16xi32>
          %parallel_loop3A_635 = arith.addi %parallel_loop3A_320, %parallel_loop3A_634 : vector<16xi32>
          %parallel_loop3A_636 = tpu.vector_load_idx %arg7[%parallel_loop3A_635] : memref<23166xi32, #tpu.memory_space<vmem>>[vector<16xi32>], vector<16xi32>,
          %parallel_loop3A_637 = arith.constant 870 : i32
          %parallel_loop3A_638 = vector.broadcast %parallel_loop3A_637 : i32 to vector<16xi32>
          %parallel_loop3A_639 = arith.addi %parallel_loop3A_320, %parallel_loop3A_638 : vector<16xi32>
          %parallel_loop3A_640 = tpu.vector_load_idx %arg7[%parallel_loop3A_639] : memref<23166xi32, #tpu.memory_space<vmem>>[vector<16xi32>], vector<16xi32>,
          %parallel_loop3A_641 = arith.constant 16 : i32
          %parallel_loop3A_642 = vector.broadcast %parallel_loop3A_641 : i32 to vector<16xi32>
          %parallel_loop3A_643 = arith.shli %parallel_loop3A_636, %parallel_loop3A_642 : vector<16xi32>
          %parallel_loop3A_644 = vector.bitcast %parallel_loop3A_643 : vector<16xi32> to vector<16xf32>
          %parallel_loop3A_645 = vector.bitcast %parallel_loop3A_636 : vector<16xi32> to vector<16xf32>
          %parallel_loop3A_646 = arith.constant 16 : i32
          %parallel_loop3A_647 = vector.broadcast %parallel_loop3A_646 : i32 to vector<16xi32>
          %parallel_loop3A_648 = arith.shli %parallel_loop3A_640, %parallel_loop3A_647 : vector<16xi32>
          %parallel_loop3A_649 = vector.bitcast %parallel_loop3A_648 : vector<16xi32> to vector<16xf32>
          %parallel_loop3A_650 = vector.bitcast %parallel_loop3A_640 : vector<16xi32> to vector<16xf32>
          %parallel_loop3A_651 = arith.mulf %parallel_loop3A_302, %parallel_loop3A_644 : vector<16xf32>
          %parallel_loop3A_652 = arith.mulf %parallel_loop3A_301, %parallel_loop3A_645 : vector<16xf32>
          %parallel_loop3A_653 = arith.addf %parallel_loop3A_651, %parallel_loop3A_652 : vector<16xf32>
          %parallel_loop3A_654 = arith.mulf %parallel_loop3A_304, %parallel_loop3A_649 : vector<16xf32>
          %parallel_loop3A_655 = arith.mulf %parallel_loop3A_303, %parallel_loop3A_650 : vector<16xf32>
          %parallel_loop3A_656 = arith.addf %parallel_loop3A_654, %parallel_loop3A_655 : vector<16xf32>
          %parallel_loop3A_657 = arith.addf %parallel_loop3A_653, %parallel_loop3A_656 : vector<16xf32>
          %parallel_loop3A_658 = arith.addf %parallel_loop3A_234, %parallel_loop3A_657 : vector<16xf32>
          %parallel_loop3A_659 = arith.constant 13 : i32
          %parallel_loop3A_660 = vector.broadcast %parallel_loop3A_659 : i32 to vector<16xi32>
          %parallel_loop3A_661 = arith.addi %parallel_loop3A_320, %parallel_loop3A_660 : vector<16xi32>
          %parallel_loop3A_662 = tpu.vector_load_idx %arg7[%parallel_loop3A_661] : memref<23166xi32, #tpu.memory_space<vmem>>[vector<16xi32>], vector<16xi32>,
          %parallel_loop3A_663 = arith.constant 871 : i32
          %parallel_loop3A_664 = vector.broadcast %parallel_loop3A_663 : i32 to vector<16xi32>
          %parallel_loop3A_665 = arith.addi %parallel_loop3A_320, %parallel_loop3A_664 : vector<16xi32>
          %parallel_loop3A_666 = tpu.vector_load_idx %arg7[%parallel_loop3A_665] : memref<23166xi32, #tpu.memory_space<vmem>>[vector<16xi32>], vector<16xi32>,
          %parallel_loop3A_667 = arith.constant 16 : i32
          %parallel_loop3A_668 = vector.broadcast %parallel_loop3A_667 : i32 to vector<16xi32>
          %parallel_loop3A_669 = arith.shli %parallel_loop3A_662, %parallel_loop3A_668 : vector<16xi32>
          %parallel_loop3A_670 = vector.bitcast %parallel_loop3A_669 : vector<16xi32> to vector<16xf32>
          %parallel_loop3A_671 = vector.bitcast %parallel_loop3A_662 : vector<16xi32> to vector<16xf32>
          %parallel_loop3A_672 = arith.constant 16 : i32
          %parallel_loop3A_673 = vector.broadcast %parallel_loop3A_672 : i32 to vector<16xi32>
          %parallel_loop3A_674 = arith.shli %parallel_loop3A_666, %parallel_loop3A_673 : vector<16xi32>
          %parallel_loop3A_675 = vector.bitcast %parallel_loop3A_674 : vector<16xi32> to vector<16xf32>
          %parallel_loop3A_676 = vector.bitcast %parallel_loop3A_666 : vector<16xi32> to vector<16xf32>
          %parallel_loop3A_677 = arith.mulf %parallel_loop3A_302, %parallel_loop3A_670 : vector<16xf32>
          %parallel_loop3A_678 = arith.mulf %parallel_loop3A_301, %parallel_loop3A_671 : vector<16xf32>
          %parallel_loop3A_679 = arith.addf %parallel_loop3A_677, %parallel_loop3A_678 : vector<16xf32>
          %parallel_loop3A_680 = arith.mulf %parallel_loop3A_304, %parallel_loop3A_675 : vector<16xf32>
          %parallel_loop3A_681 = arith.mulf %parallel_loop3A_303, %parallel_loop3A_676 : vector<16xf32>
          %parallel_loop3A_682 = arith.addf %parallel_loop3A_680, %parallel_loop3A_681 : vector<16xf32>
          %parallel_loop3A_683 = arith.addf %parallel_loop3A_679, %parallel_loop3A_682 : vector<16xf32>
          %parallel_loop3A_684 = arith.addf %parallel_loop3A_235, %parallel_loop3A_683 : vector<16xf32>
          %parallel_loop3A_685 = arith.constant 14 : i32
          %parallel_loop3A_686 = vector.broadcast %parallel_loop3A_685 : i32 to vector<16xi32>
          %parallel_loop3A_687 = arith.addi %parallel_loop3A_320, %parallel_loop3A_686 : vector<16xi32>
          %parallel_loop3A_688 = tpu.vector_load_idx %arg7[%parallel_loop3A_687] : memref<23166xi32, #tpu.memory_space<vmem>>[vector<16xi32>], vector<16xi32>,
          %parallel_loop3A_689 = arith.constant 872 : i32
          %parallel_loop3A_690 = vector.broadcast %parallel_loop3A_689 : i32 to vector<16xi32>
          %parallel_loop3A_691 = arith.addi %parallel_loop3A_320, %parallel_loop3A_690 : vector<16xi32>
          %parallel_loop3A_692 = tpu.vector_load_idx %arg7[%parallel_loop3A_691] : memref<23166xi32, #tpu.memory_space<vmem>>[vector<16xi32>], vector<16xi32>,
          %parallel_loop3A_693 = arith.constant 16 : i32
          %parallel_loop3A_694 = vector.broadcast %parallel_loop3A_693 : i32 to vector<16xi32>
          %parallel_loop3A_695 = arith.shli %parallel_loop3A_688, %parallel_loop3A_694 : vector<16xi32>
          %parallel_loop3A_696 = vector.bitcast %parallel_loop3A_695 : vector<16xi32> to vector<16xf32>
          %parallel_loop3A_697 = vector.bitcast %parallel_loop3A_688 : vector<16xi32> to vector<16xf32>
          %parallel_loop3A_698 = arith.constant 16 : i32
          %parallel_loop3A_699 = vector.broadcast %parallel_loop3A_698 : i32 to vector<16xi32>
          %parallel_loop3A_700 = arith.shli %parallel_loop3A_692, %parallel_loop3A_699 : vector<16xi32>
          %parallel_loop3A_701 = vector.bitcast %parallel_loop3A_700 : vector<16xi32> to vector<16xf32>
          %parallel_loop3A_702 = vector.bitcast %parallel_loop3A_692 : vector<16xi32> to vector<16xf32>
          %parallel_loop3A_703 = arith.mulf %parallel_loop3A_302, %parallel_loop3A_696 : vector<16xf32>
          %parallel_loop3A_704 = arith.mulf %parallel_loop3A_301, %parallel_loop3A_697 : vector<16xf32>
          %parallel_loop3A_705 = arith.addf %parallel_loop3A_703, %parallel_loop3A_704 : vector<16xf32>
          %parallel_loop3A_706 = arith.mulf %parallel_loop3A_304, %parallel_loop3A_701 : vector<16xf32>
          %parallel_loop3A_707 = arith.mulf %parallel_loop3A_303, %parallel_loop3A_702 : vector<16xf32>
          %parallel_loop3A_708 = arith.addf %parallel_loop3A_706, %parallel_loop3A_707 : vector<16xf32>
          %parallel_loop3A_709 = arith.addf %parallel_loop3A_705, %parallel_loop3A_708 : vector<16xf32>
          %parallel_loop3A_710 = arith.addf %parallel_loop3A_236, %parallel_loop3A_709 : vector<16xf32>
          %parallel_loop3A_711 = arith.constant 15 : i32
          %parallel_loop3A_712 = vector.broadcast %parallel_loop3A_711 : i32 to vector<16xi32>
          %parallel_loop3A_713 = arith.addi %parallel_loop3A_320, %parallel_loop3A_712 : vector<16xi32>
          %parallel_loop3A_714 = tpu.vector_load_idx %arg7[%parallel_loop3A_713] : memref<23166xi32, #tpu.memory_space<vmem>>[vector<16xi32>], vector<16xi32>,
          %parallel_loop3A_715 = arith.constant 873 : i32
          %parallel_loop3A_716 = vector.broadcast %parallel_loop3A_715 : i32 to vector<16xi32>
          %parallel_loop3A_717 = arith.addi %parallel_loop3A_320, %parallel_loop3A_716 : vector<16xi32>
          %parallel_loop3A_718 = tpu.vector_load_idx %arg7[%parallel_loop3A_717] : memref<23166xi32, #tpu.memory_space<vmem>>[vector<16xi32>], vector<16xi32>,
          %parallel_loop3A_719 = arith.constant 16 : i32
          %parallel_loop3A_720 = vector.broadcast %parallel_loop3A_719 : i32 to vector<16xi32>
          %parallel_loop3A_721 = arith.shli %parallel_loop3A_714, %parallel_loop3A_720 : vector<16xi32>
          %parallel_loop3A_722 = vector.bitcast %parallel_loop3A_721 : vector<16xi32> to vector<16xf32>
          %parallel_loop3A_723 = vector.bitcast %parallel_loop3A_714 : vector<16xi32> to vector<16xf32>
          %parallel_loop3A_724 = arith.constant 16 : i32
          %parallel_loop3A_725 = vector.broadcast %parallel_loop3A_724 : i32 to vector<16xi32>
          %parallel_loop3A_726 = arith.shli %parallel_loop3A_718, %parallel_loop3A_725 : vector<16xi32>
          %parallel_loop3A_727 = vector.bitcast %parallel_loop3A_726 : vector<16xi32> to vector<16xf32>
          %parallel_loop3A_728 = vector.bitcast %parallel_loop3A_718 : vector<16xi32> to vector<16xf32>
          %parallel_loop3A_729 = arith.mulf %parallel_loop3A_302, %parallel_loop3A_722 : vector<16xf32>
          %parallel_loop3A_730 = arith.mulf %parallel_loop3A_301, %parallel_loop3A_723 : vector<16xf32>
          %parallel_loop3A_731 = arith.addf %parallel_loop3A_729, %parallel_loop3A_730 : vector<16xf32>
          %parallel_loop3A_732 = arith.mulf %parallel_loop3A_304, %parallel_loop3A_727 : vector<16xf32>
          %parallel_loop3A_733 = arith.mulf %parallel_loop3A_303, %parallel_loop3A_728 : vector<16xf32>
          %parallel_loop3A_734 = arith.addf %parallel_loop3A_732, %parallel_loop3A_733 : vector<16xf32>
          %parallel_loop3A_735 = arith.addf %parallel_loop3A_731, %parallel_loop3A_734 : vector<16xf32>
          %parallel_loop3A_736 = arith.addf %parallel_loop3A_237, %parallel_loop3A_735 : vector<16xf32>
          scf.yield %parallel_loop3A_346, %parallel_loop3A_372, %parallel_loop3A_398, %parallel_loop3A_424, %parallel_loop3A_450, %parallel_loop3A_476, %parallel_loop3A_502, %parallel_loop3A_528, %parallel_loop3A_554, %parallel_loop3A_580, %parallel_loop3A_606, %parallel_loop3A_632, %parallel_loop3A_658, %parallel_loop3A_684, %parallel_loop3A_710, %parallel_loop3A_736 : vector<16xf32>, vector<16xf32>, vector<16xf32>, vector<16xf32>, vector<16xf32>, vector<16xf32>, vector<16xf32>, vector<16xf32>, vector<16xf32>, vector<16xf32>, vector<16xf32>, vector<16xf32>, vector<16xf32>, vector<16xf32>, vector<16xf32>, vector<16xf32>
        } {sc.loop_unroll_factor = 1 : i64, sc.parallel_access}
        %swap3A = arith.constant 0 : i32
        %swap3A_57 = arith.index_cast %swap3A : i32 to index
        %swap3A_58 = arith.index_cast %mul3A_22 : i32 to index
        %swap3A_59 = tpu.vector_load %arg11[%swap3A_57, %swap3A_58] {strides = array<i32>} : memref<32x256xf32, #tpu.memory_space<vmem>>, vector<16xf32>,
        tpu.vector_store %arg11[%swap3A_57, %swap3A_58], %parallel_loop3A_56#0 {strides = array<i32>} : memref<32x256xf32, #tpu.memory_space<vmem>>, vector<16xf32>,
        %swap3A_60 = arith.constant 1 : i32
        %swap3A_61 = arith.index_cast %swap3A_60 : i32 to index
        %swap3A_62 = arith.index_cast %mul3A_22 : i32 to index
        %swap3A_63 = tpu.vector_load %arg11[%swap3A_61, %swap3A_62] {strides = array<i32>} : memref<32x256xf32, #tpu.memory_space<vmem>>, vector<16xf32>,
        tpu.vector_store %arg11[%swap3A_61, %swap3A_62], %parallel_loop3A_56#1 {strides = array<i32>} : memref<32x256xf32, #tpu.memory_space<vmem>>, vector<16xf32>,
        %swap3A_64 = arith.constant 2 : i32
        %swap3A_65 = arith.index_cast %swap3A_64 : i32 to index
        %swap3A_66 = arith.index_cast %mul3A_22 : i32 to index
        %swap3A_67 = tpu.vector_load %arg11[%swap3A_65, %swap3A_66] {strides = array<i32>} : memref<32x256xf32, #tpu.memory_space<vmem>>, vector<16xf32>,
        tpu.vector_store %arg11[%swap3A_65, %swap3A_66], %parallel_loop3A_56#2 {strides = array<i32>} : memref<32x256xf32, #tpu.memory_space<vmem>>, vector<16xf32>,
        %swap3A_68 = arith.constant 3 : i32
        %swap3A_69 = arith.index_cast %swap3A_68 : i32 to index
        %swap3A_70 = arith.index_cast %mul3A_22 : i32 to index
        %swap3A_71 = tpu.vector_load %arg11[%swap3A_69, %swap3A_70] {strides = array<i32>} : memref<32x256xf32, #tpu.memory_space<vmem>>, vector<16xf32>,
        tpu.vector_store %arg11[%swap3A_69, %swap3A_70], %parallel_loop3A_56#3 {strides = array<i32>} : memref<32x256xf32, #tpu.memory_space<vmem>>, vector<16xf32>,
        %swap3A_72 = arith.constant 4 : i32
        %swap3A_73 = arith.index_cast %swap3A_72 : i32 to index
        %swap3A_74 = arith.index_cast %mul3A_22 : i32 to index
        %swap3A_75 = tpu.vector_load %arg11[%swap3A_73, %swap3A_74] {strides = array<i32>} : memref<32x256xf32, #tpu.memory_space<vmem>>, vector<16xf32>,
        tpu.vector_store %arg11[%swap3A_73, %swap3A_74], %parallel_loop3A_56#4 {strides = array<i32>} : memref<32x256xf32, #tpu.memory_space<vmem>>, vector<16xf32>,
        %swap3A_76 = arith.constant 5 : i32
        %swap3A_77 = arith.index_cast %swap3A_76 : i32 to index
        %swap3A_78 = arith.index_cast %mul3A_22 : i32 to index
        %swap3A_79 = tpu.vector_load %arg11[%swap3A_77, %swap3A_78] {strides = array<i32>} : memref<32x256xf32, #tpu.memory_space<vmem>>, vector<16xf32>,
        tpu.vector_store %arg11[%swap3A_77, %swap3A_78], %parallel_loop3A_56#5 {strides = array<i32>} : memref<32x256xf32, #tpu.memory_space<vmem>>, vector<16xf32>,
        %swap3A_80 = arith.constant 6 : i32
        %swap3A_81 = arith.index_cast %swap3A_80 : i32 to index
        %swap3A_82 = arith.index_cast %mul3A_22 : i32 to index
        %swap3A_83 = tpu.vector_load %arg11[%swap3A_81, %swap3A_82] {strides = array<i32>} : memref<32x256xf32, #tpu.memory_space<vmem>>, vector<16xf32>,
        tpu.vector_store %arg11[%swap3A_81, %swap3A_82], %parallel_loop3A_56#6 {strides = array<i32>} : memref<32x256xf32, #tpu.memory_space<vmem>>, vector<16xf32>,
        %swap3A_84 = arith.constant 7 : i32
        %swap3A_85 = arith.index_cast %swap3A_84 : i32 to index
        %swap3A_86 = arith.index_cast %mul3A_22 : i32 to index
        %swap3A_87 = tpu.vector_load %arg11[%swap3A_85, %swap3A_86] {strides = array<i32>} : memref<32x256xf32, #tpu.memory_space<vmem>>, vector<16xf32>,
        tpu.vector_store %arg11[%swap3A_85, %swap3A_86], %parallel_loop3A_56#7 {strides = array<i32>} : memref<32x256xf32, #tpu.memory_space<vmem>>, vector<16xf32>,
        %swap3A_88 = arith.constant 8 : i32
        %swap3A_89 = arith.index_cast %swap3A_88 : i32 to index
        %swap3A_90 = arith.index_cast %mul3A_22 : i32 to index
        %swap3A_91 = tpu.vector_load %arg11[%swap3A_89, %swap3A_90] {strides = array<i32>} : memref<32x256xf32, #tpu.memory_space<vmem>>, vector<16xf32>,
        tpu.vector_store %arg11[%swap3A_89, %swap3A_90], %parallel_loop3A_56#8 {strides = array<i32>} : memref<32x256xf32, #tpu.memory_space<vmem>>, vector<16xf32>,
        %swap3A_92 = arith.constant 9 : i32
        %swap3A_93 = arith.index_cast %swap3A_92 : i32 to index
        %swap3A_94 = arith.index_cast %mul3A_22 : i32 to index
        %swap3A_95 = tpu.vector_load %arg11[%swap3A_93, %swap3A_94] {strides = array<i32>} : memref<32x256xf32, #tpu.memory_space<vmem>>, vector<16xf32>,
        tpu.vector_store %arg11[%swap3A_93, %swap3A_94], %parallel_loop3A_56#9 {strides = array<i32>} : memref<32x256xf32, #tpu.memory_space<vmem>>, vector<16xf32>,
        %swap3A_96 = arith.constant 10 : i32
        %swap3A_97 = arith.index_cast %swap3A_96 : i32 to index
        %swap3A_98 = arith.index_cast %mul3A_22 : i32 to index
        %swap3A_99 = tpu.vector_load %arg11[%swap3A_97, %swap3A_98] {strides = array<i32>} : memref<32x256xf32, #tpu.memory_space<vmem>>, vector<16xf32>,
        tpu.vector_store %arg11[%swap3A_97, %swap3A_98], %parallel_loop3A_56#10 {strides = array<i32>} : memref<32x256xf32, #tpu.memory_space<vmem>>, vector<16xf32>,
        %swap3A_100 = arith.constant 11 : i32
        %swap3A_101 = arith.index_cast %swap3A_100 : i32 to index
        %swap3A_102 = arith.index_cast %mul3A_22 : i32 to index
        %swap3A_103 = tpu.vector_load %arg11[%swap3A_101, %swap3A_102] {strides = array<i32>} : memref<32x256xf32, #tpu.memory_space<vmem>>, vector<16xf32>,
        tpu.vector_store %arg11[%swap3A_101, %swap3A_102], %parallel_loop3A_56#11 {strides = array<i32>} : memref<32x256xf32, #tpu.memory_space<vmem>>, vector<16xf32>,
        %swap3A_104 = arith.constant 12 : i32
        %swap3A_105 = arith.index_cast %swap3A_104 : i32 to index
        %swap3A_106 = arith.index_cast %mul3A_22 : i32 to index
        %swap3A_107 = tpu.vector_load %arg11[%swap3A_105, %swap3A_106] {strides = array<i32>} : memref<32x256xf32, #tpu.memory_space<vmem>>, vector<16xf32>,
        tpu.vector_store %arg11[%swap3A_105, %swap3A_106], %parallel_loop3A_56#12 {strides = array<i32>} : memref<32x256xf32, #tpu.memory_space<vmem>>, vector<16xf32>,
        %swap3A_108 = arith.constant 13 : i32
        %swap3A_109 = arith.index_cast %swap3A_108 : i32 to index
        %swap3A_110 = arith.index_cast %mul3A_22 : i32 to index
        %swap3A_111 = tpu.vector_load %arg11[%swap3A_109, %swap3A_110] {strides = array<i32>} : memref<32x256xf32, #tpu.memory_space<vmem>>, vector<16xf32>,
        tpu.vector_store %arg11[%swap3A_109, %swap3A_110], %parallel_loop3A_56#13 {strides = array<i32>} : memref<32x256xf32, #tpu.memory_space<vmem>>, vector<16xf32>,
        %swap3A_112 = arith.constant 14 : i32
        %swap3A_113 = arith.index_cast %swap3A_112 : i32 to index
        %swap3A_114 = arith.index_cast %mul3A_22 : i32 to index
        %swap3A_115 = tpu.vector_load %arg11[%swap3A_113, %swap3A_114] {strides = array<i32>} : memref<32x256xf32, #tpu.memory_space<vmem>>, vector<16xf32>,
        tpu.vector_store %arg11[%swap3A_113, %swap3A_114], %parallel_loop3A_56#14 {strides = array<i32>} : memref<32x256xf32, #tpu.memory_space<vmem>>, vector<16xf32>,
        %swap3A_116 = arith.constant 15 : i32
        %swap3A_117 = arith.index_cast %swap3A_116 : i32 to index
        %swap3A_118 = arith.index_cast %mul3A_22 : i32 to index
        %swap3A_119 = tpu.vector_load %arg11[%swap3A_117, %swap3A_118] {strides = array<i32>} : memref<32x256xf32, #tpu.memory_space<vmem>>, vector<16xf32>,
        tpu.vector_store %arg11[%swap3A_117, %swap3A_118], %parallel_loop3A_56#15 {strides = array<i32>} : memref<32x256xf32, #tpu.memory_space<vmem>>, vector<16xf32>,
        %broadcast_in_dim3A_120 = arith.constant 0.000000e+00 : f32
        %broadcast_in_dim3A_121 = vector.broadcast %broadcast_in_dim3A_120 : f32 to vector<16xf32>
        %broadcast_in_dim3A_122 = arith.constant 0.000000e+00 : f32
        %broadcast_in_dim3A_123 = vector.broadcast %broadcast_in_dim3A_122 : f32 to vector<16xf32>
        %broadcast_in_dim3A_124 = arith.constant 0.000000e+00 : f32
        %broadcast_in_dim3A_125 = vector.broadcast %broadcast_in_dim3A_124 : f32 to vector<16xf32>
        %broadcast_in_dim3A_126 = arith.constant 0.000000e+00 : f32
        %broadcast_in_dim3A_127 = vector.broadcast %broadcast_in_dim3A_126 : f32 to vector<16xf32>
        %broadcast_in_dim3A_128 = arith.constant 0.000000e+00 : f32
        %broadcast_in_dim3A_129 = vector.broadcast %broadcast_in_dim3A_128 : f32 to vector<16xf32>
        %broadcast_in_dim3A_130 = arith.constant 0.000000e+00 : f32
        %broadcast_in_dim3A_131 = vector.broadcast %broadcast_in_dim3A_130 : f32 to vector<16xf32>
        %broadcast_in_dim3A_132 = arith.constant 0.000000e+00 : f32
        %broadcast_in_dim3A_133 = vector.broadcast %broadcast_in_dim3A_132 : f32 to vector<16xf32>
        %broadcast_in_dim3A_134 = arith.constant 0.000000e+00 : f32
        %broadcast_in_dim3A_135 = vector.broadcast %broadcast_in_dim3A_134 : f32 to vector<16xf32>
        %broadcast_in_dim3A_136 = arith.constant 0.000000e+00 : f32
        %broadcast_in_dim3A_137 = vector.broadcast %broadcast_in_dim3A_136 : f32 to vector<16xf32>
        %broadcast_in_dim3A_138 = arith.constant 0.000000e+00 : f32
        %broadcast_in_dim3A_139 = vector.broadcast %broadcast_in_dim3A_138 : f32 to vector<16xf32>
        %broadcast_in_dim3A_140 = arith.constant 0.000000e+00 : f32
        %broadcast_in_dim3A_141 = vector.broadcast %broadcast_in_dim3A_140 : f32 to vector<16xf32>
        %broadcast_in_dim3A_142 = arith.constant 0.000000e+00 : f32
        %broadcast_in_dim3A_143 = vector.broadcast %broadcast_in_dim3A_142 : f32 to vector<16xf32>
        %broadcast_in_dim3A_144 = arith.constant 0.000000e+00 : f32
        %broadcast_in_dim3A_145 = vector.broadcast %broadcast_in_dim3A_144 : f32 to vector<16xf32>
        %broadcast_in_dim3A_146 = arith.constant 0.000000e+00 : f32
        %broadcast_in_dim3A_147 = vector.broadcast %broadcast_in_dim3A_146 : f32 to vector<16xf32>
        %broadcast_in_dim3A_148 = arith.constant 0.000000e+00 : f32
        %broadcast_in_dim3A_149 = vector.broadcast %broadcast_in_dim3A_148 : f32 to vector<16xf32>
        %broadcast_in_dim3A_150 = arith.constant 0.000000e+00 : f32
        %broadcast_in_dim3A_151 = vector.broadcast %broadcast_in_dim3A_150 : f32 to vector<16xf32>
        %parallel_loop3A_152 = arith.constant 0 : i32
        %parallel_loop3A_153 = arith.constant 16 : i32
        %parallel_loop3A_154 = arith.constant 1 : i32
        %parallel_loop3A_155:16 = scf.for %parallel_loop3A_221 = %parallel_loop3A_152 to %parallel_loop3A_153 step %parallel_loop3A_154 iter_args(%parallel_loop3A_222 = %broadcast_in_dim3A_121, %parallel_loop3A_223 = %broadcast_in_dim3A_123, %parallel_loop3A_224 = %broadcast_in_dim3A_125, %parallel_loop3A_225 = %broadcast_in_dim3A_127, %parallel_loop3A_226 = %broadcast_in_dim3A_129, %parallel_loop3A_227 = %broadcast_in_dim3A_131, %parallel_loop3A_228 = %broadcast_in_dim3A_133, %parallel_loop3A_229 = %broadcast_in_dim3A_135, %parallel_loop3A_230 = %broadcast_in_dim3A_137, %parallel_loop3A_231 = %broadcast_in_dim3A_139, %parallel_loop3A_232 = %broadcast_in_dim3A_141, %parallel_loop3A_233 = %broadcast_in_dim3A_143, %parallel_loop3A_234 = %broadcast_in_dim3A_145, %parallel_loop3A_235 = %broadcast_in_dim3A_147, %parallel_loop3A_236 = %broadcast_in_dim3A_149, %parallel_loop3A_237 = %broadcast_in_dim3A_151) -> (vector<16xf32>, vector<16xf32>, vector<16xf32>, vector<16xf32>, vector<16xf32>, vector<16xf32>, vector<16xf32>, vector<16xf32>, vector<16xf32>, vector<16xf32>, vector<16xf32>, vector<16xf32>, vector<16xf32>, vector<16xf32>, vector<16xf32>, vector<16xf32>)  : i32 {
          %parallel_loop3A_238 = arith.index_cast %parallel_loop3A_221 : i32 to index
          %parallel_loop3A_239 = arith.index_cast %mul3A_22 : i32 to index
          %parallel_loop3A_240 = tpu.vector_load %arg8[%parallel_loop3A_238, %parallel_loop3A_239] {strides = array<i32>} : memref<16x256xf32, #tpu.memory_space<vmem>>, vector<16xf32>,
          %parallel_loop3A_241 = arith.index_cast %parallel_loop3A_221 : i32 to index
          %parallel_loop3A_242 = arith.index_cast %mul3A_22 : i32 to index
          %parallel_loop3A_243 = tpu.vector_load %arg9[%parallel_loop3A_241, %parallel_loop3A_242] {strides = array<i32>} : memref<16x256xf32, #tpu.memory_space<vmem>>, vector<16xf32>,
          %parallel_loop3A_244 = arith.index_cast %parallel_loop3A_221 : i32 to index
          %parallel_loop3A_245 = arith.index_cast %mul3A_22 : i32 to index
          %parallel_loop3A_246 = tpu.vector_load %arg10[%parallel_loop3A_244, %parallel_loop3A_245] {strides = array<i32>} : memref<16x256xf32, #tpu.memory_space<vmem>>, vector<16xf32>,
          %parallel_loop3A_247 = arith.fptosi %parallel_loop3A_240 : vector<16xf32> to vector<16xi32>
          %parallel_loop3A_248 = arith.fptosi %parallel_loop3A_243 : vector<16xf32> to vector<16xi32>
          %parallel_loop3A_249 = arith.sitofp %parallel_loop3A_247 : vector<16xi32> to vector<16xf32>
          %parallel_loop3A_250 = arith.cmpf ogt, %parallel_loop3A_249, %parallel_loop3A_240 : vector<16xf32>
          %parallel_loop3A_251 = arith.constant 1 : i32
          %parallel_loop3A_252 = arith.constant 0 : i32
          %parallel_loop3A_253 = vector.broadcast %parallel_loop3A_251 : i32 to vector<16xi32>
          %parallel_loop3A_254 = vector.broadcast %parallel_loop3A_252 : i32 to vector<16xi32>
          %parallel_loop3A_255 = arith.select %parallel_loop3A_250, %parallel_loop3A_253, %parallel_loop3A_254 : vector<16xi1>, vector<16xi32>
          %parallel_loop3A_256 = arith.subi %parallel_loop3A_247, %parallel_loop3A_255 : vector<16xi32>
          %parallel_loop3A_257 = arith.sitofp %parallel_loop3A_248 : vector<16xi32> to vector<16xf32>
          %parallel_loop3A_258 = arith.cmpf ogt, %parallel_loop3A_257, %parallel_loop3A_243 : vector<16xf32>
          %parallel_loop3A_259 = arith.constant 1 : i32
          %parallel_loop3A_260 = arith.constant 0 : i32
          %parallel_loop3A_261 = vector.broadcast %parallel_loop3A_259 : i32 to vector<16xi32>
          %parallel_loop3A_262 = vector.broadcast %parallel_loop3A_260 : i32 to vector<16xi32>
          %parallel_loop3A_263 = arith.select %parallel_loop3A_258, %parallel_loop3A_261, %parallel_loop3A_262 : vector<16xi1>, vector<16xi32>
          %parallel_loop3A_264 = arith.subi %parallel_loop3A_248, %parallel_loop3A_263 : vector<16xi32>
          %parallel_loop3A_265 = arith.constant -1.000000e+00 : f32
          %parallel_loop3A_266 = vector.broadcast %parallel_loop3A_265 : f32 to vector<16xf32>
          %parallel_loop3A_267 = arith.cmpf ogt, %parallel_loop3A_240, %parallel_loop3A_266 : vector<16xf32>
          %parallel_loop3A_268 = arith.constant 2.400000e+01 : f32
          %parallel_loop3A_269 = vector.broadcast %parallel_loop3A_268 : f32 to vector<16xf32>
          %parallel_loop3A_270 = arith.cmpf olt, %parallel_loop3A_240, %parallel_loop3A_269 : vector<16xf32>
          %parallel_loop3A_271 = arith.andi %parallel_loop3A_267, %parallel_loop3A_270 : vector<16xi1>
          %parallel_loop3A_272 = arith.constant -1.000000e+00 : f32
          %parallel_loop3A_273 = vector.broadcast %parallel_loop3A_272 : f32 to vector<16xf32>
          %parallel_loop3A_274 = arith.cmpf ogt, %parallel_loop3A_243, %parallel_loop3A_273 : vector<16xf32>
          %parallel_loop3A_275 = arith.andi %parallel_loop3A_271, %parallel_loop3A_274 : vector<16xi1>
          %parallel_loop3A_276 = arith.constant 2.400000e+01 : f32
          %parallel_loop3A_277 = vector.broadcast %parallel_loop3A_276 : f32 to vector<16xf32>
          %parallel_loop3A_278 = arith.cmpf olt, %parallel_loop3A_243, %parallel_loop3A_277 : vector<16xf32>
          %parallel_loop3A_279 = arith.andi %parallel_loop3A_275, %parallel_loop3A_278 : vector<16xi1>
          %parallel_loop3A_280 = arith.constant 0.000000e+00 : f32
          %parallel_loop3A_281 = vector.broadcast %parallel_loop3A_280 : f32 to vector<16xf32>
          %parallel_loop3A_282 = arith.select %parallel_loop3A_279, %parallel_loop3A_246, %parallel_loop3A_281 : vector<16xi1>, vector<16xf32>
          %parallel_loop3A_283 = arith.constant -1 : i32
          %parallel_loop3A_284 = arith.constant 24 : i32
          %parallel_loop3A_285 = vector.broadcast %parallel_loop3A_283 : i32 to vector<16xi32>
          %parallel_loop3A_286 = arith.maxsi %parallel_loop3A_285, %parallel_loop3A_256 : vector<16xi32>
          %parallel_loop3A_287 = vector.broadcast %parallel_loop3A_284 : i32 to vector<16xi32>
          %parallel_loop3A_288 = arith.minsi %parallel_loop3A_287, %parallel_loop3A_286 : vector<16xi32>
          %parallel_loop3A_289 = arith.constant -1 : i32
          %parallel_loop3A_290 = arith.constant 24 : i32
          %parallel_loop3A_291 = vector.broadcast %parallel_loop3A_289 : i32 to vector<16xi32>
          %parallel_loop3A_292 = arith.maxsi %parallel_loop3A_291, %parallel_loop3A_264 : vector<16xi32>
          %parallel_loop3A_293 = vector.broadcast %parallel_loop3A_290 : i32 to vector<16xi32>
          %parallel_loop3A_294 = arith.minsi %parallel_loop3A_293, %parallel_loop3A_292 : vector<16xi32>
          %parallel_loop3A_295 = arith.sitofp %parallel_loop3A_288 : vector<16xi32> to vector<16xf32>
          %parallel_loop3A_296 = arith.subf %parallel_loop3A_240, %parallel_loop3A_295 : vector<16xf32>
          %parallel_loop3A_297 = arith.sitofp %parallel_loop3A_294 : vector<16xi32> to vector<16xf32>
          %parallel_loop3A_298 = arith.subf %parallel_loop3A_243, %parallel_loop3A_297 : vector<16xf32>
          %parallel_loop3A_299 = arith.mulf %parallel_loop3A_282, %parallel_loop3A_298 : vector<16xf32>
          %parallel_loop3A_300 = arith.subf %parallel_loop3A_282, %parallel_loop3A_299 : vector<16xf32>
          %parallel_loop3A_301 = arith.mulf %parallel_loop3A_300, %parallel_loop3A_296 : vector<16xf32>
          %parallel_loop3A_302 = arith.subf %parallel_loop3A_300, %parallel_loop3A_301 : vector<16xf32>
          %parallel_loop3A_303 = arith.mulf %parallel_loop3A_299, %parallel_loop3A_296 : vector<16xf32>
          %parallel_loop3A_304 = arith.subf %parallel_loop3A_299, %parallel_loop3A_303 : vector<16xf32>
          %parallel_loop3A_305 = arith.constant 1 : i32
          %parallel_loop3A_306 = vector.broadcast %parallel_loop3A_305 : i32 to vector<16xi32>
          %parallel_loop3A_307 = arith.addi %parallel_loop3A_294, %parallel_loop3A_306 : vector<16xi32>
          %parallel_loop3A_308 = arith.constant 26 : i32
          %parallel_loop3A_309 = vector.broadcast %parallel_loop3A_308 : i32 to vector<16xi32>
          %parallel_loop3A_310 = arith.muli %parallel_loop3A_307, %parallel_loop3A_309 : vector<16xi32>
          %parallel_loop3A_311 = arith.constant 1 : i32
          %parallel_loop3A_312 = vector.broadcast %parallel_loop3A_311 : i32 to vector<16xi32>
          %parallel_loop3A_313 = arith.addi %parallel_loop3A_288, %parallel_loop3A_312 : vector<16xi32>
          %parallel_loop3A_314 = arith.addi %parallel_loop3A_310, %parallel_loop3A_313 : vector<16xi32>
          %parallel_loop3A_315 = arith.constant 33 : i32
          %parallel_loop3A_316 = vector.broadcast %parallel_loop3A_315 : i32 to vector<16xi32>
          %parallel_loop3A_317 = arith.muli %parallel_loop3A_314, %parallel_loop3A_316 : vector<16xi32>
          %parallel_loop3A_318 = arith.constant 16 : i32
          %parallel_loop3A_319 = vector.broadcast %parallel_loop3A_318 : i32 to vector<16xi32>
          %parallel_loop3A_320 = arith.addi %parallel_loop3A_317, %parallel_loop3A_319 : vector<16xi32>
          %parallel_loop3A_321 = arith.constant 0 : i32
          %parallel_loop3A_322 = vector.broadcast %parallel_loop3A_321 : i32 to vector<16xi32>
          %parallel_loop3A_323 = arith.addi %parallel_loop3A_320, %parallel_loop3A_322 : vector<16xi32>
          %parallel_loop3A_324 = tpu.vector_load_idx %arg7[%parallel_loop3A_323] : memref<23166xi32, #tpu.memory_space<vmem>>[vector<16xi32>], vector<16xi32>,
          %parallel_loop3A_325 = arith.constant 858 : i32
          %parallel_loop3A_326 = vector.broadcast %parallel_loop3A_325 : i32 to vector<16xi32>
          %parallel_loop3A_327 = arith.addi %parallel_loop3A_320, %parallel_loop3A_326 : vector<16xi32>
          %parallel_loop3A_328 = tpu.vector_load_idx %arg7[%parallel_loop3A_327] : memref<23166xi32, #tpu.memory_space<vmem>>[vector<16xi32>], vector<16xi32>,
          %parallel_loop3A_329 = arith.constant 16 : i32
          %parallel_loop3A_330 = vector.broadcast %parallel_loop3A_329 : i32 to vector<16xi32>
          %parallel_loop3A_331 = arith.shli %parallel_loop3A_324, %parallel_loop3A_330 : vector<16xi32>
          %parallel_loop3A_332 = vector.bitcast %parallel_loop3A_331 : vector<16xi32> to vector<16xf32>
          %parallel_loop3A_333 = vector.bitcast %parallel_loop3A_324 : vector<16xi32> to vector<16xf32>
          %parallel_loop3A_334 = arith.constant 16 : i32
          %parallel_loop3A_335 = vector.broadcast %parallel_loop3A_334 : i32 to vector<16xi32>
          %parallel_loop3A_336 = arith.shli %parallel_loop3A_328, %parallel_loop3A_335 : vector<16xi32>
          %parallel_loop3A_337 = vector.bitcast %parallel_loop3A_336 : vector<16xi32> to vector<16xf32>
          %parallel_loop3A_338 = vector.bitcast %parallel_loop3A_328 : vector<16xi32> to vector<16xf32>
          %parallel_loop3A_339 = arith.mulf %parallel_loop3A_302, %parallel_loop3A_332 : vector<16xf32>
          %parallel_loop3A_340 = arith.mulf %parallel_loop3A_301, %parallel_loop3A_333 : vector<16xf32>
          %parallel_loop3A_341 = arith.addf %parallel_loop3A_339, %parallel_loop3A_340 : vector<16xf32>
          %parallel_loop3A_342 = arith.mulf %parallel_loop3A_304, %parallel_loop3A_337 : vector<16xf32>
          %parallel_loop3A_343 = arith.mulf %parallel_loop3A_303, %parallel_loop3A_338 : vector<16xf32>
          %parallel_loop3A_344 = arith.addf %parallel_loop3A_342, %parallel_loop3A_343 : vector<16xf32>
          %parallel_loop3A_345 = arith.addf %parallel_loop3A_341, %parallel_loop3A_344 : vector<16xf32>
          %parallel_loop3A_346 = arith.addf %parallel_loop3A_222, %parallel_loop3A_345 : vector<16xf32>
          %parallel_loop3A_347 = arith.constant 1 : i32
          %parallel_loop3A_348 = vector.broadcast %parallel_loop3A_347 : i32 to vector<16xi32>
          %parallel_loop3A_349 = arith.addi %parallel_loop3A_320, %parallel_loop3A_348 : vector<16xi32>
          %parallel_loop3A_350 = tpu.vector_load_idx %arg7[%parallel_loop3A_349] : memref<23166xi32, #tpu.memory_space<vmem>>[vector<16xi32>], vector<16xi32>,
          %parallel_loop3A_351 = arith.constant 859 : i32
          %parallel_loop3A_352 = vector.broadcast %parallel_loop3A_351 : i32 to vector<16xi32>
          %parallel_loop3A_353 = arith.addi %parallel_loop3A_320, %parallel_loop3A_352 : vector<16xi32>
          %parallel_loop3A_354 = tpu.vector_load_idx %arg7[%parallel_loop3A_353] : memref<23166xi32, #tpu.memory_space<vmem>>[vector<16xi32>], vector<16xi32>,
          %parallel_loop3A_355 = arith.constant 16 : i32
          %parallel_loop3A_356 = vector.broadcast %parallel_loop3A_355 : i32 to vector<16xi32>
          %parallel_loop3A_357 = arith.shli %parallel_loop3A_350, %parallel_loop3A_356 : vector<16xi32>
          %parallel_loop3A_358 = vector.bitcast %parallel_loop3A_357 : vector<16xi32> to vector<16xf32>
          %parallel_loop3A_359 = vector.bitcast %parallel_loop3A_350 : vector<16xi32> to vector<16xf32>
          %parallel_loop3A_360 = arith.constant 16 : i32
          %parallel_loop3A_361 = vector.broadcast %parallel_loop3A_360 : i32 to vector<16xi32>
          %parallel_loop3A_362 = arith.shli %parallel_loop3A_354, %parallel_loop3A_361 : vector<16xi32>
          %parallel_loop3A_363 = vector.bitcast %parallel_loop3A_362 : vector<16xi32> to vector<16xf32>
          %parallel_loop3A_364 = vector.bitcast %parallel_loop3A_354 : vector<16xi32> to vector<16xf32>
          %parallel_loop3A_365 = arith.mulf %parallel_loop3A_302, %parallel_loop3A_358 : vector<16xf32>
          %parallel_loop3A_366 = arith.mulf %parallel_loop3A_301, %parallel_loop3A_359 : vector<16xf32>
          %parallel_loop3A_367 = arith.addf %parallel_loop3A_365, %parallel_loop3A_366 : vector<16xf32>
          %parallel_loop3A_368 = arith.mulf %parallel_loop3A_304, %parallel_loop3A_363 : vector<16xf32>
          %parallel_loop3A_369 = arith.mulf %parallel_loop3A_303, %parallel_loop3A_364 : vector<16xf32>
          %parallel_loop3A_370 = arith.addf %parallel_loop3A_368, %parallel_loop3A_369 : vector<16xf32>
          %parallel_loop3A_371 = arith.addf %parallel_loop3A_367, %parallel_loop3A_370 : vector<16xf32>
          %parallel_loop3A_372 = arith.addf %parallel_loop3A_223, %parallel_loop3A_371 : vector<16xf32>
          %parallel_loop3A_373 = arith.constant 2 : i32
          %parallel_loop3A_374 = vector.broadcast %parallel_loop3A_373 : i32 to vector<16xi32>
          %parallel_loop3A_375 = arith.addi %parallel_loop3A_320, %parallel_loop3A_374 : vector<16xi32>
          %parallel_loop3A_376 = tpu.vector_load_idx %arg7[%parallel_loop3A_375] : memref<23166xi32, #tpu.memory_space<vmem>>[vector<16xi32>], vector<16xi32>,
          %parallel_loop3A_377 = arith.constant 860 : i32
          %parallel_loop3A_378 = vector.broadcast %parallel_loop3A_377 : i32 to vector<16xi32>
          %parallel_loop3A_379 = arith.addi %parallel_loop3A_320, %parallel_loop3A_378 : vector<16xi32>
          %parallel_loop3A_380 = tpu.vector_load_idx %arg7[%parallel_loop3A_379] : memref<23166xi32, #tpu.memory_space<vmem>>[vector<16xi32>], vector<16xi32>,
          %parallel_loop3A_381 = arith.constant 16 : i32
          %parallel_loop3A_382 = vector.broadcast %parallel_loop3A_381 : i32 to vector<16xi32>
          %parallel_loop3A_383 = arith.shli %parallel_loop3A_376, %parallel_loop3A_382 : vector<16xi32>
          %parallel_loop3A_384 = vector.bitcast %parallel_loop3A_383 : vector<16xi32> to vector<16xf32>
          %parallel_loop3A_385 = vector.bitcast %parallel_loop3A_376 : vector<16xi32> to vector<16xf32>
          %parallel_loop3A_386 = arith.constant 16 : i32
          %parallel_loop3A_387 = vector.broadcast %parallel_loop3A_386 : i32 to vector<16xi32>
          %parallel_loop3A_388 = arith.shli %parallel_loop3A_380, %parallel_loop3A_387 : vector<16xi32>
          %parallel_loop3A_389 = vector.bitcast %parallel_loop3A_388 : vector<16xi32> to vector<16xf32>
          %parallel_loop3A_390 = vector.bitcast %parallel_loop3A_380 : vector<16xi32> to vector<16xf32>
          %parallel_loop3A_391 = arith.mulf %parallel_loop3A_302, %parallel_loop3A_384 : vector<16xf32>
          %parallel_loop3A_392 = arith.mulf %parallel_loop3A_301, %parallel_loop3A_385 : vector<16xf32>
          %parallel_loop3A_393 = arith.addf %parallel_loop3A_391, %parallel_loop3A_392 : vector<16xf32>
          %parallel_loop3A_394 = arith.mulf %parallel_loop3A_304, %parallel_loop3A_389 : vector<16xf32>
          %parallel_loop3A_395 = arith.mulf %parallel_loop3A_303, %parallel_loop3A_390 : vector<16xf32>
          %parallel_loop3A_396 = arith.addf %parallel_loop3A_394, %parallel_loop3A_395 : vector<16xf32>
          %parallel_loop3A_397 = arith.addf %parallel_loop3A_393, %parallel_loop3A_396 : vector<16xf32>
          %parallel_loop3A_398 = arith.addf %parallel_loop3A_224, %parallel_loop3A_397 : vector<16xf32>
          %parallel_loop3A_399 = arith.constant 3 : i32
          %parallel_loop3A_400 = vector.broadcast %parallel_loop3A_399 : i32 to vector<16xi32>
          %parallel_loop3A_401 = arith.addi %parallel_loop3A_320, %parallel_loop3A_400 : vector<16xi32>
          %parallel_loop3A_402 = tpu.vector_load_idx %arg7[%parallel_loop3A_401] : memref<23166xi32, #tpu.memory_space<vmem>>[vector<16xi32>], vector<16xi32>,
          %parallel_loop3A_403 = arith.constant 861 : i32
          %parallel_loop3A_404 = vector.broadcast %parallel_loop3A_403 : i32 to vector<16xi32>
          %parallel_loop3A_405 = arith.addi %parallel_loop3A_320, %parallel_loop3A_404 : vector<16xi32>
          %parallel_loop3A_406 = tpu.vector_load_idx %arg7[%parallel_loop3A_405] : memref<23166xi32, #tpu.memory_space<vmem>>[vector<16xi32>], vector<16xi32>,
          %parallel_loop3A_407 = arith.constant 16 : i32
          %parallel_loop3A_408 = vector.broadcast %parallel_loop3A_407 : i32 to vector<16xi32>
          %parallel_loop3A_409 = arith.shli %parallel_loop3A_402, %parallel_loop3A_408 : vector<16xi32>
          %parallel_loop3A_410 = vector.bitcast %parallel_loop3A_409 : vector<16xi32> to vector<16xf32>
          %parallel_loop3A_411 = vector.bitcast %parallel_loop3A_402 : vector<16xi32> to vector<16xf32>
          %parallel_loop3A_412 = arith.constant 16 : i32
          %parallel_loop3A_413 = vector.broadcast %parallel_loop3A_412 : i32 to vector<16xi32>
          %parallel_loop3A_414 = arith.shli %parallel_loop3A_406, %parallel_loop3A_413 : vector<16xi32>
          %parallel_loop3A_415 = vector.bitcast %parallel_loop3A_414 : vector<16xi32> to vector<16xf32>
          %parallel_loop3A_416 = vector.bitcast %parallel_loop3A_406 : vector<16xi32> to vector<16xf32>
          %parallel_loop3A_417 = arith.mulf %parallel_loop3A_302, %parallel_loop3A_410 : vector<16xf32>
          %parallel_loop3A_418 = arith.mulf %parallel_loop3A_301, %parallel_loop3A_411 : vector<16xf32>
          %parallel_loop3A_419 = arith.addf %parallel_loop3A_417, %parallel_loop3A_418 : vector<16xf32>
          %parallel_loop3A_420 = arith.mulf %parallel_loop3A_304, %parallel_loop3A_415 : vector<16xf32>
          %parallel_loop3A_421 = arith.mulf %parallel_loop3A_303, %parallel_loop3A_416 : vector<16xf32>
          %parallel_loop3A_422 = arith.addf %parallel_loop3A_420, %parallel_loop3A_421 : vector<16xf32>
          %parallel_loop3A_423 = arith.addf %parallel_loop3A_419, %parallel_loop3A_422 : vector<16xf32>
          %parallel_loop3A_424 = arith.addf %parallel_loop3A_225, %parallel_loop3A_423 : vector<16xf32>
          %parallel_loop3A_425 = arith.constant 4 : i32
          %parallel_loop3A_426 = vector.broadcast %parallel_loop3A_425 : i32 to vector<16xi32>
          %parallel_loop3A_427 = arith.addi %parallel_loop3A_320, %parallel_loop3A_426 : vector<16xi32>
          %parallel_loop3A_428 = tpu.vector_load_idx %arg7[%parallel_loop3A_427] : memref<23166xi32, #tpu.memory_space<vmem>>[vector<16xi32>], vector<16xi32>,
          %parallel_loop3A_429 = arith.constant 862 : i32
          %parallel_loop3A_430 = vector.broadcast %parallel_loop3A_429 : i32 to vector<16xi32>
          %parallel_loop3A_431 = arith.addi %parallel_loop3A_320, %parallel_loop3A_430 : vector<16xi32>
          %parallel_loop3A_432 = tpu.vector_load_idx %arg7[%parallel_loop3A_431] : memref<23166xi32, #tpu.memory_space<vmem>>[vector<16xi32>], vector<16xi32>,
          %parallel_loop3A_433 = arith.constant 16 : i32
          %parallel_loop3A_434 = vector.broadcast %parallel_loop3A_433 : i32 to vector<16xi32>
          %parallel_loop3A_435 = arith.shli %parallel_loop3A_428, %parallel_loop3A_434 : vector<16xi32>
          %parallel_loop3A_436 = vector.bitcast %parallel_loop3A_435 : vector<16xi32> to vector<16xf32>
          %parallel_loop3A_437 = vector.bitcast %parallel_loop3A_428 : vector<16xi32> to vector<16xf32>
          %parallel_loop3A_438 = arith.constant 16 : i32
          %parallel_loop3A_439 = vector.broadcast %parallel_loop3A_438 : i32 to vector<16xi32>
          %parallel_loop3A_440 = arith.shli %parallel_loop3A_432, %parallel_loop3A_439 : vector<16xi32>
          %parallel_loop3A_441 = vector.bitcast %parallel_loop3A_440 : vector<16xi32> to vector<16xf32>
          %parallel_loop3A_442 = vector.bitcast %parallel_loop3A_432 : vector<16xi32> to vector<16xf32>
          %parallel_loop3A_443 = arith.mulf %parallel_loop3A_302, %parallel_loop3A_436 : vector<16xf32>
          %parallel_loop3A_444 = arith.mulf %parallel_loop3A_301, %parallel_loop3A_437 : vector<16xf32>
          %parallel_loop3A_445 = arith.addf %parallel_loop3A_443, %parallel_loop3A_444 : vector<16xf32>
          %parallel_loop3A_446 = arith.mulf %parallel_loop3A_304, %parallel_loop3A_441 : vector<16xf32>
          %parallel_loop3A_447 = arith.mulf %parallel_loop3A_303, %parallel_loop3A_442 : vector<16xf32>
          %parallel_loop3A_448 = arith.addf %parallel_loop3A_446, %parallel_loop3A_447 : vector<16xf32>
          %parallel_loop3A_449 = arith.addf %parallel_loop3A_445, %parallel_loop3A_448 : vector<16xf32>
          %parallel_loop3A_450 = arith.addf %parallel_loop3A_226, %parallel_loop3A_449 : vector<16xf32>
          %parallel_loop3A_451 = arith.constant 5 : i32
          %parallel_loop3A_452 = vector.broadcast %parallel_loop3A_451 : i32 to vector<16xi32>
          %parallel_loop3A_453 = arith.addi %parallel_loop3A_320, %parallel_loop3A_452 : vector<16xi32>
          %parallel_loop3A_454 = tpu.vector_load_idx %arg7[%parallel_loop3A_453] : memref<23166xi32, #tpu.memory_space<vmem>>[vector<16xi32>], vector<16xi32>,
          %parallel_loop3A_455 = arith.constant 863 : i32
          %parallel_loop3A_456 = vector.broadcast %parallel_loop3A_455 : i32 to vector<16xi32>
          %parallel_loop3A_457 = arith.addi %parallel_loop3A_320, %parallel_loop3A_456 : vector<16xi32>
          %parallel_loop3A_458 = tpu.vector_load_idx %arg7[%parallel_loop3A_457] : memref<23166xi32, #tpu.memory_space<vmem>>[vector<16xi32>], vector<16xi32>,
          %parallel_loop3A_459 = arith.constant 16 : i32
          %parallel_loop3A_460 = vector.broadcast %parallel_loop3A_459 : i32 to vector<16xi32>
          %parallel_loop3A_461 = arith.shli %parallel_loop3A_454, %parallel_loop3A_460 : vector<16xi32>
          %parallel_loop3A_462 = vector.bitcast %parallel_loop3A_461 : vector<16xi32> to vector<16xf32>
          %parallel_loop3A_463 = vector.bitcast %parallel_loop3A_454 : vector<16xi32> to vector<16xf32>
          %parallel_loop3A_464 = arith.constant 16 : i32
          %parallel_loop3A_465 = vector.broadcast %parallel_loop3A_464 : i32 to vector<16xi32>
          %parallel_loop3A_466 = arith.shli %parallel_loop3A_458, %parallel_loop3A_465 : vector<16xi32>
          %parallel_loop3A_467 = vector.bitcast %parallel_loop3A_466 : vector<16xi32> to vector<16xf32>
          %parallel_loop3A_468 = vector.bitcast %parallel_loop3A_458 : vector<16xi32> to vector<16xf32>
          %parallel_loop3A_469 = arith.mulf %parallel_loop3A_302, %parallel_loop3A_462 : vector<16xf32>
          %parallel_loop3A_470 = arith.mulf %parallel_loop3A_301, %parallel_loop3A_463 : vector<16xf32>
          %parallel_loop3A_471 = arith.addf %parallel_loop3A_469, %parallel_loop3A_470 : vector<16xf32>
          %parallel_loop3A_472 = arith.mulf %parallel_loop3A_304, %parallel_loop3A_467 : vector<16xf32>
          %parallel_loop3A_473 = arith.mulf %parallel_loop3A_303, %parallel_loop3A_468 : vector<16xf32>
          %parallel_loop3A_474 = arith.addf %parallel_loop3A_472, %parallel_loop3A_473 : vector<16xf32>
          %parallel_loop3A_475 = arith.addf %parallel_loop3A_471, %parallel_loop3A_474 : vector<16xf32>
          %parallel_loop3A_476 = arith.addf %parallel_loop3A_227, %parallel_loop3A_475 : vector<16xf32>
          %parallel_loop3A_477 = arith.constant 6 : i32
          %parallel_loop3A_478 = vector.broadcast %parallel_loop3A_477 : i32 to vector<16xi32>
          %parallel_loop3A_479 = arith.addi %parallel_loop3A_320, %parallel_loop3A_478 : vector<16xi32>
          %parallel_loop3A_480 = tpu.vector_load_idx %arg7[%parallel_loop3A_479] : memref<23166xi32, #tpu.memory_space<vmem>>[vector<16xi32>], vector<16xi32>,
          %parallel_loop3A_481 = arith.constant 864 : i32
          %parallel_loop3A_482 = vector.broadcast %parallel_loop3A_481 : i32 to vector<16xi32>
          %parallel_loop3A_483 = arith.addi %parallel_loop3A_320, %parallel_loop3A_482 : vector<16xi32>
          %parallel_loop3A_484 = tpu.vector_load_idx %arg7[%parallel_loop3A_483] : memref<23166xi32, #tpu.memory_space<vmem>>[vector<16xi32>], vector<16xi32>,
          %parallel_loop3A_485 = arith.constant 16 : i32
          %parallel_loop3A_486 = vector.broadcast %parallel_loop3A_485 : i32 to vector<16xi32>
          %parallel_loop3A_487 = arith.shli %parallel_loop3A_480, %parallel_loop3A_486 : vector<16xi32>
          %parallel_loop3A_488 = vector.bitcast %parallel_loop3A_487 : vector<16xi32> to vector<16xf32>
          %parallel_loop3A_489 = vector.bitcast %parallel_loop3A_480 : vector<16xi32> to vector<16xf32>
          %parallel_loop3A_490 = arith.constant 16 : i32
          %parallel_loop3A_491 = vector.broadcast %parallel_loop3A_490 : i32 to vector<16xi32>
          %parallel_loop3A_492 = arith.shli %parallel_loop3A_484, %parallel_loop3A_491 : vector<16xi32>
          %parallel_loop3A_493 = vector.bitcast %parallel_loop3A_492 : vector<16xi32> to vector<16xf32>
          %parallel_loop3A_494 = vector.bitcast %parallel_loop3A_484 : vector<16xi32> to vector<16xf32>
          %parallel_loop3A_495 = arith.mulf %parallel_loop3A_302, %parallel_loop3A_488 : vector<16xf32>
          %parallel_loop3A_496 = arith.mulf %parallel_loop3A_301, %parallel_loop3A_489 : vector<16xf32>
          %parallel_loop3A_497 = arith.addf %parallel_loop3A_495, %parallel_loop3A_496 : vector<16xf32>
          %parallel_loop3A_498 = arith.mulf %parallel_loop3A_304, %parallel_loop3A_493 : vector<16xf32>
          %parallel_loop3A_499 = arith.mulf %parallel_loop3A_303, %parallel_loop3A_494 : vector<16xf32>
          %parallel_loop3A_500 = arith.addf %parallel_loop3A_498, %parallel_loop3A_499 : vector<16xf32>
          %parallel_loop3A_501 = arith.addf %parallel_loop3A_497, %parallel_loop3A_500 : vector<16xf32>
          %parallel_loop3A_502 = arith.addf %parallel_loop3A_228, %parallel_loop3A_501 : vector<16xf32>
          %parallel_loop3A_503 = arith.constant 7 : i32
          %parallel_loop3A_504 = vector.broadcast %parallel_loop3A_503 : i32 to vector<16xi32>
          %parallel_loop3A_505 = arith.addi %parallel_loop3A_320, %parallel_loop3A_504 : vector<16xi32>
          %parallel_loop3A_506 = tpu.vector_load_idx %arg7[%parallel_loop3A_505] : memref<23166xi32, #tpu.memory_space<vmem>>[vector<16xi32>], vector<16xi32>,
          %parallel_loop3A_507 = arith.constant 865 : i32
          %parallel_loop3A_508 = vector.broadcast %parallel_loop3A_507 : i32 to vector<16xi32>
          %parallel_loop3A_509 = arith.addi %parallel_loop3A_320, %parallel_loop3A_508 : vector<16xi32>
          %parallel_loop3A_510 = tpu.vector_load_idx %arg7[%parallel_loop3A_509] : memref<23166xi32, #tpu.memory_space<vmem>>[vector<16xi32>], vector<16xi32>,
          %parallel_loop3A_511 = arith.constant 16 : i32
          %parallel_loop3A_512 = vector.broadcast %parallel_loop3A_511 : i32 to vector<16xi32>
          %parallel_loop3A_513 = arith.shli %parallel_loop3A_506, %parallel_loop3A_512 : vector<16xi32>
          %parallel_loop3A_514 = vector.bitcast %parallel_loop3A_513 : vector<16xi32> to vector<16xf32>
          %parallel_loop3A_515 = vector.bitcast %parallel_loop3A_506 : vector<16xi32> to vector<16xf32>
          %parallel_loop3A_516 = arith.constant 16 : i32
          %parallel_loop3A_517 = vector.broadcast %parallel_loop3A_516 : i32 to vector<16xi32>
          %parallel_loop3A_518 = arith.shli %parallel_loop3A_510, %parallel_loop3A_517 : vector<16xi32>
          %parallel_loop3A_519 = vector.bitcast %parallel_loop3A_518 : vector<16xi32> to vector<16xf32>
          %parallel_loop3A_520 = vector.bitcast %parallel_loop3A_510 : vector<16xi32> to vector<16xf32>
          %parallel_loop3A_521 = arith.mulf %parallel_loop3A_302, %parallel_loop3A_514 : vector<16xf32>
          %parallel_loop3A_522 = arith.mulf %parallel_loop3A_301, %parallel_loop3A_515 : vector<16xf32>
          %parallel_loop3A_523 = arith.addf %parallel_loop3A_521, %parallel_loop3A_522 : vector<16xf32>
          %parallel_loop3A_524 = arith.mulf %parallel_loop3A_304, %parallel_loop3A_519 : vector<16xf32>
          %parallel_loop3A_525 = arith.mulf %parallel_loop3A_303, %parallel_loop3A_520 : vector<16xf32>
          %parallel_loop3A_526 = arith.addf %parallel_loop3A_524, %parallel_loop3A_525 : vector<16xf32>
          %parallel_loop3A_527 = arith.addf %parallel_loop3A_523, %parallel_loop3A_526 : vector<16xf32>
          %parallel_loop3A_528 = arith.addf %parallel_loop3A_229, %parallel_loop3A_527 : vector<16xf32>
          %parallel_loop3A_529 = arith.constant 8 : i32
          %parallel_loop3A_530 = vector.broadcast %parallel_loop3A_529 : i32 to vector<16xi32>
          %parallel_loop3A_531 = arith.addi %parallel_loop3A_320, %parallel_loop3A_530 : vector<16xi32>
          %parallel_loop3A_532 = tpu.vector_load_idx %arg7[%parallel_loop3A_531] : memref<23166xi32, #tpu.memory_space<vmem>>[vector<16xi32>], vector<16xi32>,
          %parallel_loop3A_533 = arith.constant 866 : i32
          %parallel_loop3A_534 = vector.broadcast %parallel_loop3A_533 : i32 to vector<16xi32>
          %parallel_loop3A_535 = arith.addi %parallel_loop3A_320, %parallel_loop3A_534 : vector<16xi32>
          %parallel_loop3A_536 = tpu.vector_load_idx %arg7[%parallel_loop3A_535] : memref<23166xi32, #tpu.memory_space<vmem>>[vector<16xi32>], vector<16xi32>,
          %parallel_loop3A_537 = arith.constant 16 : i32
          %parallel_loop3A_538 = vector.broadcast %parallel_loop3A_537 : i32 to vector<16xi32>
          %parallel_loop3A_539 = arith.shli %parallel_loop3A_532, %parallel_loop3A_538 : vector<16xi32>
          %parallel_loop3A_540 = vector.bitcast %parallel_loop3A_539 : vector<16xi32> to vector<16xf32>
          %parallel_loop3A_541 = vector.bitcast %parallel_loop3A_532 : vector<16xi32> to vector<16xf32>
          %parallel_loop3A_542 = arith.constant 16 : i32
          %parallel_loop3A_543 = vector.broadcast %parallel_loop3A_542 : i32 to vector<16xi32>
          %parallel_loop3A_544 = arith.shli %parallel_loop3A_536, %parallel_loop3A_543 : vector<16xi32>
          %parallel_loop3A_545 = vector.bitcast %parallel_loop3A_544 : vector<16xi32> to vector<16xf32>
          %parallel_loop3A_546 = vector.bitcast %parallel_loop3A_536 : vector<16xi32> to vector<16xf32>
          %parallel_loop3A_547 = arith.mulf %parallel_loop3A_302, %parallel_loop3A_540 : vector<16xf32>
          %parallel_loop3A_548 = arith.mulf %parallel_loop3A_301, %parallel_loop3A_541 : vector<16xf32>
          %parallel_loop3A_549 = arith.addf %parallel_loop3A_547, %parallel_loop3A_548 : vector<16xf32>
          %parallel_loop3A_550 = arith.mulf %parallel_loop3A_304, %parallel_loop3A_545 : vector<16xf32>
          %parallel_loop3A_551 = arith.mulf %parallel_loop3A_303, %parallel_loop3A_546 : vector<16xf32>
          %parallel_loop3A_552 = arith.addf %parallel_loop3A_550, %parallel_loop3A_551 : vector<16xf32>
          %parallel_loop3A_553 = arith.addf %parallel_loop3A_549, %parallel_loop3A_552 : vector<16xf32>
          %parallel_loop3A_554 = arith.addf %parallel_loop3A_230, %parallel_loop3A_553 : vector<16xf32>
          %parallel_loop3A_555 = arith.constant 9 : i32
          %parallel_loop3A_556 = vector.broadcast %parallel_loop3A_555 : i32 to vector<16xi32>
          %parallel_loop3A_557 = arith.addi %parallel_loop3A_320, %parallel_loop3A_556 : vector<16xi32>
          %parallel_loop3A_558 = tpu.vector_load_idx %arg7[%parallel_loop3A_557] : memref<23166xi32, #tpu.memory_space<vmem>>[vector<16xi32>], vector<16xi32>,
          %parallel_loop3A_559 = arith.constant 867 : i32
          %parallel_loop3A_560 = vector.broadcast %parallel_loop3A_559 : i32 to vector<16xi32>
          %parallel_loop3A_561 = arith.addi %parallel_loop3A_320, %parallel_loop3A_560 : vector<16xi32>
          %parallel_loop3A_562 = tpu.vector_load_idx %arg7[%parallel_loop3A_561] : memref<23166xi32, #tpu.memory_space<vmem>>[vector<16xi32>], vector<16xi32>,
          %parallel_loop3A_563 = arith.constant 16 : i32
          %parallel_loop3A_564 = vector.broadcast %parallel_loop3A_563 : i32 to vector<16xi32>
          %parallel_loop3A_565 = arith.shli %parallel_loop3A_558, %parallel_loop3A_564 : vector<16xi32>
          %parallel_loop3A_566 = vector.bitcast %parallel_loop3A_565 : vector<16xi32> to vector<16xf32>
          %parallel_loop3A_567 = vector.bitcast %parallel_loop3A_558 : vector<16xi32> to vector<16xf32>
          %parallel_loop3A_568 = arith.constant 16 : i32
          %parallel_loop3A_569 = vector.broadcast %parallel_loop3A_568 : i32 to vector<16xi32>
          %parallel_loop3A_570 = arith.shli %parallel_loop3A_562, %parallel_loop3A_569 : vector<16xi32>
          %parallel_loop3A_571 = vector.bitcast %parallel_loop3A_570 : vector<16xi32> to vector<16xf32>
          %parallel_loop3A_572 = vector.bitcast %parallel_loop3A_562 : vector<16xi32> to vector<16xf32>
          %parallel_loop3A_573 = arith.mulf %parallel_loop3A_302, %parallel_loop3A_566 : vector<16xf32>
          %parallel_loop3A_574 = arith.mulf %parallel_loop3A_301, %parallel_loop3A_567 : vector<16xf32>
          %parallel_loop3A_575 = arith.addf %parallel_loop3A_573, %parallel_loop3A_574 : vector<16xf32>
          %parallel_loop3A_576 = arith.mulf %parallel_loop3A_304, %parallel_loop3A_571 : vector<16xf32>
          %parallel_loop3A_577 = arith.mulf %parallel_loop3A_303, %parallel_loop3A_572 : vector<16xf32>
          %parallel_loop3A_578 = arith.addf %parallel_loop3A_576, %parallel_loop3A_577 : vector<16xf32>
          %parallel_loop3A_579 = arith.addf %parallel_loop3A_575, %parallel_loop3A_578 : vector<16xf32>
          %parallel_loop3A_580 = arith.addf %parallel_loop3A_231, %parallel_loop3A_579 : vector<16xf32>
          %parallel_loop3A_581 = arith.constant 10 : i32
          %parallel_loop3A_582 = vector.broadcast %parallel_loop3A_581 : i32 to vector<16xi32>
          %parallel_loop3A_583 = arith.addi %parallel_loop3A_320, %parallel_loop3A_582 : vector<16xi32>
          %parallel_loop3A_584 = tpu.vector_load_idx %arg7[%parallel_loop3A_583] : memref<23166xi32, #tpu.memory_space<vmem>>[vector<16xi32>], vector<16xi32>,
          %parallel_loop3A_585 = arith.constant 868 : i32
          %parallel_loop3A_586 = vector.broadcast %parallel_loop3A_585 : i32 to vector<16xi32>
          %parallel_loop3A_587 = arith.addi %parallel_loop3A_320, %parallel_loop3A_586 : vector<16xi32>
          %parallel_loop3A_588 = tpu.vector_load_idx %arg7[%parallel_loop3A_587] : memref<23166xi32, #tpu.memory_space<vmem>>[vector<16xi32>], vector<16xi32>,
          %parallel_loop3A_589 = arith.constant 16 : i32
          %parallel_loop3A_590 = vector.broadcast %parallel_loop3A_589 : i32 to vector<16xi32>
          %parallel_loop3A_591 = arith.shli %parallel_loop3A_584, %parallel_loop3A_590 : vector<16xi32>
          %parallel_loop3A_592 = vector.bitcast %parallel_loop3A_591 : vector<16xi32> to vector<16xf32>
          %parallel_loop3A_593 = vector.bitcast %parallel_loop3A_584 : vector<16xi32> to vector<16xf32>
          %parallel_loop3A_594 = arith.constant 16 : i32
          %parallel_loop3A_595 = vector.broadcast %parallel_loop3A_594 : i32 to vector<16xi32>
          %parallel_loop3A_596 = arith.shli %parallel_loop3A_588, %parallel_loop3A_595 : vector<16xi32>
          %parallel_loop3A_597 = vector.bitcast %parallel_loop3A_596 : vector<16xi32> to vector<16xf32>
          %parallel_loop3A_598 = vector.bitcast %parallel_loop3A_588 : vector<16xi32> to vector<16xf32>
          %parallel_loop3A_599 = arith.mulf %parallel_loop3A_302, %parallel_loop3A_592 : vector<16xf32>
          %parallel_loop3A_600 = arith.mulf %parallel_loop3A_301, %parallel_loop3A_593 : vector<16xf32>
          %parallel_loop3A_601 = arith.addf %parallel_loop3A_599, %parallel_loop3A_600 : vector<16xf32>
          %parallel_loop3A_602 = arith.mulf %parallel_loop3A_304, %parallel_loop3A_597 : vector<16xf32>
          %parallel_loop3A_603 = arith.mulf %parallel_loop3A_303, %parallel_loop3A_598 : vector<16xf32>
          %parallel_loop3A_604 = arith.addf %parallel_loop3A_602, %parallel_loop3A_603 : vector<16xf32>
          %parallel_loop3A_605 = arith.addf %parallel_loop3A_601, %parallel_loop3A_604 : vector<16xf32>
          %parallel_loop3A_606 = arith.addf %parallel_loop3A_232, %parallel_loop3A_605 : vector<16xf32>
          %parallel_loop3A_607 = arith.constant 11 : i32
          %parallel_loop3A_608 = vector.broadcast %parallel_loop3A_607 : i32 to vector<16xi32>
          %parallel_loop3A_609 = arith.addi %parallel_loop3A_320, %parallel_loop3A_608 : vector<16xi32>
          %parallel_loop3A_610 = tpu.vector_load_idx %arg7[%parallel_loop3A_609] : memref<23166xi32, #tpu.memory_space<vmem>>[vector<16xi32>], vector<16xi32>,
          %parallel_loop3A_611 = arith.constant 869 : i32
          %parallel_loop3A_612 = vector.broadcast %parallel_loop3A_611 : i32 to vector<16xi32>
          %parallel_loop3A_613 = arith.addi %parallel_loop3A_320, %parallel_loop3A_612 : vector<16xi32>
          %parallel_loop3A_614 = tpu.vector_load_idx %arg7[%parallel_loop3A_613] : memref<23166xi32, #tpu.memory_space<vmem>>[vector<16xi32>], vector<16xi32>,
          %parallel_loop3A_615 = arith.constant 16 : i32
          %parallel_loop3A_616 = vector.broadcast %parallel_loop3A_615 : i32 to vector<16xi32>
          %parallel_loop3A_617 = arith.shli %parallel_loop3A_610, %parallel_loop3A_616 : vector<16xi32>
          %parallel_loop3A_618 = vector.bitcast %parallel_loop3A_617 : vector<16xi32> to vector<16xf32>
          %parallel_loop3A_619 = vector.bitcast %parallel_loop3A_610 : vector<16xi32> to vector<16xf32>
          %parallel_loop3A_620 = arith.constant 16 : i32
          %parallel_loop3A_621 = vector.broadcast %parallel_loop3A_620 : i32 to vector<16xi32>
          %parallel_loop3A_622 = arith.shli %parallel_loop3A_614, %parallel_loop3A_621 : vector<16xi32>
          %parallel_loop3A_623 = vector.bitcast %parallel_loop3A_622 : vector<16xi32> to vector<16xf32>
          %parallel_loop3A_624 = vector.bitcast %parallel_loop3A_614 : vector<16xi32> to vector<16xf32>
          %parallel_loop3A_625 = arith.mulf %parallel_loop3A_302, %parallel_loop3A_618 : vector<16xf32>
          %parallel_loop3A_626 = arith.mulf %parallel_loop3A_301, %parallel_loop3A_619 : vector<16xf32>
          %parallel_loop3A_627 = arith.addf %parallel_loop3A_625, %parallel_loop3A_626 : vector<16xf32>
          %parallel_loop3A_628 = arith.mulf %parallel_loop3A_304, %parallel_loop3A_623 : vector<16xf32>
          %parallel_loop3A_629 = arith.mulf %parallel_loop3A_303, %parallel_loop3A_624 : vector<16xf32>
          %parallel_loop3A_630 = arith.addf %parallel_loop3A_628, %parallel_loop3A_629 : vector<16xf32>
          %parallel_loop3A_631 = arith.addf %parallel_loop3A_627, %parallel_loop3A_630 : vector<16xf32>
          %parallel_loop3A_632 = arith.addf %parallel_loop3A_233, %parallel_loop3A_631 : vector<16xf32>
          %parallel_loop3A_633 = arith.constant 12 : i32
          %parallel_loop3A_634 = vector.broadcast %parallel_loop3A_633 : i32 to vector<16xi32>
          %parallel_loop3A_635 = arith.addi %parallel_loop3A_320, %parallel_loop3A_634 : vector<16xi32>
          %parallel_loop3A_636 = tpu.vector_load_idx %arg7[%parallel_loop3A_635] : memref<23166xi32, #tpu.memory_space<vmem>>[vector<16xi32>], vector<16xi32>,
          %parallel_loop3A_637 = arith.constant 870 : i32
          %parallel_loop3A_638 = vector.broadcast %parallel_loop3A_637 : i32 to vector<16xi32>
          %parallel_loop3A_639 = arith.addi %parallel_loop3A_320, %parallel_loop3A_638 : vector<16xi32>
          %parallel_loop3A_640 = tpu.vector_load_idx %arg7[%parallel_loop3A_639] : memref<23166xi32, #tpu.memory_space<vmem>>[vector<16xi32>], vector<16xi32>,
          %parallel_loop3A_641 = arith.constant 16 : i32
          %parallel_loop3A_642 = vector.broadcast %parallel_loop3A_641 : i32 to vector<16xi32>
          %parallel_loop3A_643 = arith.shli %parallel_loop3A_636, %parallel_loop3A_642 : vector<16xi32>
          %parallel_loop3A_644 = vector.bitcast %parallel_loop3A_643 : vector<16xi32> to vector<16xf32>
          %parallel_loop3A_645 = vector.bitcast %parallel_loop3A_636 : vector<16xi32> to vector<16xf32>
          %parallel_loop3A_646 = arith.constant 16 : i32
          %parallel_loop3A_647 = vector.broadcast %parallel_loop3A_646 : i32 to vector<16xi32>
          %parallel_loop3A_648 = arith.shli %parallel_loop3A_640, %parallel_loop3A_647 : vector<16xi32>
          %parallel_loop3A_649 = vector.bitcast %parallel_loop3A_648 : vector<16xi32> to vector<16xf32>
          %parallel_loop3A_650 = vector.bitcast %parallel_loop3A_640 : vector<16xi32> to vector<16xf32>
          %parallel_loop3A_651 = arith.mulf %parallel_loop3A_302, %parallel_loop3A_644 : vector<16xf32>
          %parallel_loop3A_652 = arith.mulf %parallel_loop3A_301, %parallel_loop3A_645 : vector<16xf32>
          %parallel_loop3A_653 = arith.addf %parallel_loop3A_651, %parallel_loop3A_652 : vector<16xf32>
          %parallel_loop3A_654 = arith.mulf %parallel_loop3A_304, %parallel_loop3A_649 : vector<16xf32>
          %parallel_loop3A_655 = arith.mulf %parallel_loop3A_303, %parallel_loop3A_650 : vector<16xf32>
          %parallel_loop3A_656 = arith.addf %parallel_loop3A_654, %parallel_loop3A_655 : vector<16xf32>
          %parallel_loop3A_657 = arith.addf %parallel_loop3A_653, %parallel_loop3A_656 : vector<16xf32>
          %parallel_loop3A_658 = arith.addf %parallel_loop3A_234, %parallel_loop3A_657 : vector<16xf32>
          %parallel_loop3A_659 = arith.constant 13 : i32
          %parallel_loop3A_660 = vector.broadcast %parallel_loop3A_659 : i32 to vector<16xi32>
          %parallel_loop3A_661 = arith.addi %parallel_loop3A_320, %parallel_loop3A_660 : vector<16xi32>
          %parallel_loop3A_662 = tpu.vector_load_idx %arg7[%parallel_loop3A_661] : memref<23166xi32, #tpu.memory_space<vmem>>[vector<16xi32>], vector<16xi32>,
          %parallel_loop3A_663 = arith.constant 871 : i32
          %parallel_loop3A_664 = vector.broadcast %parallel_loop3A_663 : i32 to vector<16xi32>
          %parallel_loop3A_665 = arith.addi %parallel_loop3A_320, %parallel_loop3A_664 : vector<16xi32>
          %parallel_loop3A_666 = tpu.vector_load_idx %arg7[%parallel_loop3A_665] : memref<23166xi32, #tpu.memory_space<vmem>>[vector<16xi32>], vector<16xi32>,
          %parallel_loop3A_667 = arith.constant 16 : i32
          %parallel_loop3A_668 = vector.broadcast %parallel_loop3A_667 : i32 to vector<16xi32>
          %parallel_loop3A_669 = arith.shli %parallel_loop3A_662, %parallel_loop3A_668 : vector<16xi32>
          %parallel_loop3A_670 = vector.bitcast %parallel_loop3A_669 : vector<16xi32> to vector<16xf32>
          %parallel_loop3A_671 = vector.bitcast %parallel_loop3A_662 : vector<16xi32> to vector<16xf32>
          %parallel_loop3A_672 = arith.constant 16 : i32
          %parallel_loop3A_673 = vector.broadcast %parallel_loop3A_672 : i32 to vector<16xi32>
          %parallel_loop3A_674 = arith.shli %parallel_loop3A_666, %parallel_loop3A_673 : vector<16xi32>
          %parallel_loop3A_675 = vector.bitcast %parallel_loop3A_674 : vector<16xi32> to vector<16xf32>
          %parallel_loop3A_676 = vector.bitcast %parallel_loop3A_666 : vector<16xi32> to vector<16xf32>
          %parallel_loop3A_677 = arith.mulf %parallel_loop3A_302, %parallel_loop3A_670 : vector<16xf32>
          %parallel_loop3A_678 = arith.mulf %parallel_loop3A_301, %parallel_loop3A_671 : vector<16xf32>
          %parallel_loop3A_679 = arith.addf %parallel_loop3A_677, %parallel_loop3A_678 : vector<16xf32>
          %parallel_loop3A_680 = arith.mulf %parallel_loop3A_304, %parallel_loop3A_675 : vector<16xf32>
          %parallel_loop3A_681 = arith.mulf %parallel_loop3A_303, %parallel_loop3A_676 : vector<16xf32>
          %parallel_loop3A_682 = arith.addf %parallel_loop3A_680, %parallel_loop3A_681 : vector<16xf32>
          %parallel_loop3A_683 = arith.addf %parallel_loop3A_679, %parallel_loop3A_682 : vector<16xf32>
          %parallel_loop3A_684 = arith.addf %parallel_loop3A_235, %parallel_loop3A_683 : vector<16xf32>
          %parallel_loop3A_685 = arith.constant 14 : i32
          %parallel_loop3A_686 = vector.broadcast %parallel_loop3A_685 : i32 to vector<16xi32>
          %parallel_loop3A_687 = arith.addi %parallel_loop3A_320, %parallel_loop3A_686 : vector<16xi32>
          %parallel_loop3A_688 = tpu.vector_load_idx %arg7[%parallel_loop3A_687] : memref<23166xi32, #tpu.memory_space<vmem>>[vector<16xi32>], vector<16xi32>,
          %parallel_loop3A_689 = arith.constant 872 : i32
          %parallel_loop3A_690 = vector.broadcast %parallel_loop3A_689 : i32 to vector<16xi32>
          %parallel_loop3A_691 = arith.addi %parallel_loop3A_320, %parallel_loop3A_690 : vector<16xi32>
          %parallel_loop3A_692 = tpu.vector_load_idx %arg7[%parallel_loop3A_691] : memref<23166xi32, #tpu.memory_space<vmem>>[vector<16xi32>], vector<16xi32>,
          %parallel_loop3A_693 = arith.constant 16 : i32
          %parallel_loop3A_694 = vector.broadcast %parallel_loop3A_693 : i32 to vector<16xi32>
          %parallel_loop3A_695 = arith.shli %parallel_loop3A_688, %parallel_loop3A_694 : vector<16xi32>
          %parallel_loop3A_696 = vector.bitcast %parallel_loop3A_695 : vector<16xi32> to vector<16xf32>
          %parallel_loop3A_697 = vector.bitcast %parallel_loop3A_688 : vector<16xi32> to vector<16xf32>
          %parallel_loop3A_698 = arith.constant 16 : i32
          %parallel_loop3A_699 = vector.broadcast %parallel_loop3A_698 : i32 to vector<16xi32>
          %parallel_loop3A_700 = arith.shli %parallel_loop3A_692, %parallel_loop3A_699 : vector<16xi32>
          %parallel_loop3A_701 = vector.bitcast %parallel_loop3A_700 : vector<16xi32> to vector<16xf32>
          %parallel_loop3A_702 = vector.bitcast %parallel_loop3A_692 : vector<16xi32> to vector<16xf32>
          %parallel_loop3A_703 = arith.mulf %parallel_loop3A_302, %parallel_loop3A_696 : vector<16xf32>
          %parallel_loop3A_704 = arith.mulf %parallel_loop3A_301, %parallel_loop3A_697 : vector<16xf32>
          %parallel_loop3A_705 = arith.addf %parallel_loop3A_703, %parallel_loop3A_704 : vector<16xf32>
          %parallel_loop3A_706 = arith.mulf %parallel_loop3A_304, %parallel_loop3A_701 : vector<16xf32>
          %parallel_loop3A_707 = arith.mulf %parallel_loop3A_303, %parallel_loop3A_702 : vector<16xf32>
          %parallel_loop3A_708 = arith.addf %parallel_loop3A_706, %parallel_loop3A_707 : vector<16xf32>
          %parallel_loop3A_709 = arith.addf %parallel_loop3A_705, %parallel_loop3A_708 : vector<16xf32>
          %parallel_loop3A_710 = arith.addf %parallel_loop3A_236, %parallel_loop3A_709 : vector<16xf32>
          %parallel_loop3A_711 = arith.constant 15 : i32
          %parallel_loop3A_712 = vector.broadcast %parallel_loop3A_711 : i32 to vector<16xi32>
          %parallel_loop3A_713 = arith.addi %parallel_loop3A_320, %parallel_loop3A_712 : vector<16xi32>
          %parallel_loop3A_714 = tpu.vector_load_idx %arg7[%parallel_loop3A_713] : memref<23166xi32, #tpu.memory_space<vmem>>[vector<16xi32>], vector<16xi32>,
          %parallel_loop3A_715 = arith.constant 873 : i32
          %parallel_loop3A_716 = vector.broadcast %parallel_loop3A_715 : i32 to vector<16xi32>
          %parallel_loop3A_717 = arith.addi %parallel_loop3A_320, %parallel_loop3A_716 : vector<16xi32>
          %parallel_loop3A_718 = tpu.vector_load_idx %arg7[%parallel_loop3A_717] : memref<23166xi32, #tpu.memory_space<vmem>>[vector<16xi32>], vector<16xi32>,
          %parallel_loop3A_719 = arith.constant 16 : i32
          %parallel_loop3A_720 = vector.broadcast %parallel_loop3A_719 : i32 to vector<16xi32>
          %parallel_loop3A_721 = arith.shli %parallel_loop3A_714, %parallel_loop3A_720 : vector<16xi32>
          %parallel_loop3A_722 = vector.bitcast %parallel_loop3A_721 : vector<16xi32> to vector<16xf32>
          %parallel_loop3A_723 = vector.bitcast %parallel_loop3A_714 : vector<16xi32> to vector<16xf32>
          %parallel_loop3A_724 = arith.constant 16 : i32
          %parallel_loop3A_725 = vector.broadcast %parallel_loop3A_724 : i32 to vector<16xi32>
          %parallel_loop3A_726 = arith.shli %parallel_loop3A_718, %parallel_loop3A_725 : vector<16xi32>
          %parallel_loop3A_727 = vector.bitcast %parallel_loop3A_726 : vector<16xi32> to vector<16xf32>
          %parallel_loop3A_728 = vector.bitcast %parallel_loop3A_718 : vector<16xi32> to vector<16xf32>
          %parallel_loop3A_729 = arith.mulf %parallel_loop3A_302, %parallel_loop3A_722 : vector<16xf32>
          %parallel_loop3A_730 = arith.mulf %parallel_loop3A_301, %parallel_loop3A_723 : vector<16xf32>
          %parallel_loop3A_731 = arith.addf %parallel_loop3A_729, %parallel_loop3A_730 : vector<16xf32>
          %parallel_loop3A_732 = arith.mulf %parallel_loop3A_304, %parallel_loop3A_727 : vector<16xf32>
          %parallel_loop3A_733 = arith.mulf %parallel_loop3A_303, %parallel_loop3A_728 : vector<16xf32>
          %parallel_loop3A_734 = arith.addf %parallel_loop3A_732, %parallel_loop3A_733 : vector<16xf32>
          %parallel_loop3A_735 = arith.addf %parallel_loop3A_731, %parallel_loop3A_734 : vector<16xf32>
          %parallel_loop3A_736 = arith.addf %parallel_loop3A_237, %parallel_loop3A_735 : vector<16xf32>
          scf.yield %parallel_loop3A_346, %parallel_loop3A_372, %parallel_loop3A_398, %parallel_loop3A_424, %parallel_loop3A_450, %parallel_loop3A_476, %parallel_loop3A_502, %parallel_loop3A_528, %parallel_loop3A_554, %parallel_loop3A_580, %parallel_loop3A_606, %parallel_loop3A_632, %parallel_loop3A_658, %parallel_loop3A_684, %parallel_loop3A_710, %parallel_loop3A_736 : vector<16xf32>, vector<16xf32>, vector<16xf32>, vector<16xf32>, vector<16xf32>, vector<16xf32>, vector<16xf32>, vector<16xf32>, vector<16xf32>, vector<16xf32>, vector<16xf32>, vector<16xf32>, vector<16xf32>, vector<16xf32>, vector<16xf32>, vector<16xf32>
        } {sc.loop_unroll_factor = 1 : i64, sc.parallel_access}
        %swap3A_156 = arith.constant 16 : i32
        %swap3A_157 = arith.index_cast %swap3A_156 : i32 to index
        %swap3A_158 = arith.index_cast %mul3A_22 : i32 to index
        %swap3A_159 = tpu.vector_load %arg11[%swap3A_157, %swap3A_158] {strides = array<i32>} : memref<32x256xf32, #tpu.memory_space<vmem>>, vector<16xf32>,
        tpu.vector_store %arg11[%swap3A_157, %swap3A_158], %parallel_loop3A_155#0 {strides = array<i32>} : memref<32x256xf32, #tpu.memory_space<vmem>>, vector<16xf32>,
        %swap3A_160 = arith.constant 17 : i32
        %swap3A_161 = arith.index_cast %swap3A_160 : i32 to index
        %swap3A_162 = arith.index_cast %mul3A_22 : i32 to index
        %swap3A_163 = tpu.vector_load %arg11[%swap3A_161, %swap3A_162] {strides = array<i32>} : memref<32x256xf32, #tpu.memory_space<vmem>>, vector<16xf32>,
        tpu.vector_store %arg11[%swap3A_161, %swap3A_162], %parallel_loop3A_155#1 {strides = array<i32>} : memref<32x256xf32, #tpu.memory_space<vmem>>, vector<16xf32>,
        %swap3A_164 = arith.constant 18 : i32
        %swap3A_165 = arith.index_cast %swap3A_164 : i32 to index
        %swap3A_166 = arith.index_cast %mul3A_22 : i32 to index
        %swap3A_167 = tpu.vector_load %arg11[%swap3A_165, %swap3A_166] {strides = array<i32>} : memref<32x256xf32, #tpu.memory_space<vmem>>, vector<16xf32>,
        tpu.vector_store %arg11[%swap3A_165, %swap3A_166], %parallel_loop3A_155#2 {strides = array<i32>} : memref<32x256xf32, #tpu.memory_space<vmem>>, vector<16xf32>,
        %swap3A_168 = arith.constant 19 : i32
        %swap3A_169 = arith.index_cast %swap3A_168 : i32 to index
        %swap3A_170 = arith.index_cast %mul3A_22 : i32 to index
        %swap3A_171 = tpu.vector_load %arg11[%swap3A_169, %swap3A_170] {strides = array<i32>} : memref<32x256xf32, #tpu.memory_space<vmem>>, vector<16xf32>,
        tpu.vector_store %arg11[%swap3A_169, %swap3A_170], %parallel_loop3A_155#3 {strides = array<i32>} : memref<32x256xf32, #tpu.memory_space<vmem>>, vector<16xf32>,
        %swap3A_172 = arith.constant 20 : i32
        %swap3A_173 = arith.index_cast %swap3A_172 : i32 to index
        %swap3A_174 = arith.index_cast %mul3A_22 : i32 to index
        %swap3A_175 = tpu.vector_load %arg11[%swap3A_173, %swap3A_174] {strides = array<i32>} : memref<32x256xf32, #tpu.memory_space<vmem>>, vector<16xf32>,
        tpu.vector_store %arg11[%swap3A_173, %swap3A_174], %parallel_loop3A_155#4 {strides = array<i32>} : memref<32x256xf32, #tpu.memory_space<vmem>>, vector<16xf32>,
        %swap3A_176 = arith.constant 21 : i32
        %swap3A_177 = arith.index_cast %swap3A_176 : i32 to index
        %swap3A_178 = arith.index_cast %mul3A_22 : i32 to index
        %swap3A_179 = tpu.vector_load %arg11[%swap3A_177, %swap3A_178] {strides = array<i32>} : memref<32x256xf32, #tpu.memory_space<vmem>>, vector<16xf32>,
        tpu.vector_store %arg11[%swap3A_177, %swap3A_178], %parallel_loop3A_155#5 {strides = array<i32>} : memref<32x256xf32, #tpu.memory_space<vmem>>, vector<16xf32>,
        %swap3A_180 = arith.constant 22 : i32
        %swap3A_181 = arith.index_cast %swap3A_180 : i32 to index
        %swap3A_182 = arith.index_cast %mul3A_22 : i32 to index
        %swap3A_183 = tpu.vector_load %arg11[%swap3A_181, %swap3A_182] {strides = array<i32>} : memref<32x256xf32, #tpu.memory_space<vmem>>, vector<16xf32>,
        tpu.vector_store %arg11[%swap3A_181, %swap3A_182], %parallel_loop3A_155#6 {strides = array<i32>} : memref<32x256xf32, #tpu.memory_space<vmem>>, vector<16xf32>,
        %swap3A_184 = arith.constant 23 : i32
        %swap3A_185 = arith.index_cast %swap3A_184 : i32 to index
        %swap3A_186 = arith.index_cast %mul3A_22 : i32 to index
        %swap3A_187 = tpu.vector_load %arg11[%swap3A_185, %swap3A_186] {strides = array<i32>} : memref<32x256xf32, #tpu.memory_space<vmem>>, vector<16xf32>,
        tpu.vector_store %arg11[%swap3A_185, %swap3A_186], %parallel_loop3A_155#7 {strides = array<i32>} : memref<32x256xf32, #tpu.memory_space<vmem>>, vector<16xf32>,
        %swap3A_188 = arith.constant 24 : i32
        %swap3A_189 = arith.index_cast %swap3A_188 : i32 to index
        %swap3A_190 = arith.index_cast %mul3A_22 : i32 to index
        %swap3A_191 = tpu.vector_load %arg11[%swap3A_189, %swap3A_190] {strides = array<i32>} : memref<32x256xf32, #tpu.memory_space<vmem>>, vector<16xf32>,
        tpu.vector_store %arg11[%swap3A_189, %swap3A_190], %parallel_loop3A_155#8 {strides = array<i32>} : memref<32x256xf32, #tpu.memory_space<vmem>>, vector<16xf32>,
        %swap3A_192 = arith.constant 25 : i32
        %swap3A_193 = arith.index_cast %swap3A_192 : i32 to index
        %swap3A_194 = arith.index_cast %mul3A_22 : i32 to index
        %swap3A_195 = tpu.vector_load %arg11[%swap3A_193, %swap3A_194] {strides = array<i32>} : memref<32x256xf32, #tpu.memory_space<vmem>>, vector<16xf32>,
        tpu.vector_store %arg11[%swap3A_193, %swap3A_194], %parallel_loop3A_155#9 {strides = array<i32>} : memref<32x256xf32, #tpu.memory_space<vmem>>, vector<16xf32>,
        %swap3A_196 = arith.constant 26 : i32
        %swap3A_197 = arith.index_cast %swap3A_196 : i32 to index
        %swap3A_198 = arith.index_cast %mul3A_22 : i32 to index
        %swap3A_199 = tpu.vector_load %arg11[%swap3A_197, %swap3A_198] {strides = array<i32>} : memref<32x256xf32, #tpu.memory_space<vmem>>, vector<16xf32>,
        tpu.vector_store %arg11[%swap3A_197, %swap3A_198], %parallel_loop3A_155#10 {strides = array<i32>} : memref<32x256xf32, #tpu.memory_space<vmem>>, vector<16xf32>,
        %swap3A_200 = arith.constant 27 : i32
        %swap3A_201 = arith.index_cast %swap3A_200 : i32 to index
        %swap3A_202 = arith.index_cast %mul3A_22 : i32 to index
        %swap3A_203 = tpu.vector_load %arg11[%swap3A_201, %swap3A_202] {strides = array<i32>} : memref<32x256xf32, #tpu.memory_space<vmem>>, vector<16xf32>,
        tpu.vector_store %arg11[%swap3A_201, %swap3A_202], %parallel_loop3A_155#11 {strides = array<i32>} : memref<32x256xf32, #tpu.memory_space<vmem>>, vector<16xf32>,
        %swap3A_204 = arith.constant 28 : i32
        %swap3A_205 = arith.index_cast %swap3A_204 : i32 to index
        %swap3A_206 = arith.index_cast %mul3A_22 : i32 to index
        %swap3A_207 = tpu.vector_load %arg11[%swap3A_205, %swap3A_206] {strides = array<i32>} : memref<32x256xf32, #tpu.memory_space<vmem>>, vector<16xf32>,
        tpu.vector_store %arg11[%swap3A_205, %swap3A_206], %parallel_loop3A_155#12 {strides = array<i32>} : memref<32x256xf32, #tpu.memory_space<vmem>>, vector<16xf32>,
        %swap3A_208 = arith.constant 29 : i32
        %swap3A_209 = arith.index_cast %swap3A_208 : i32 to index
        %swap3A_210 = arith.index_cast %mul3A_22 : i32 to index
        %swap3A_211 = tpu.vector_load %arg11[%swap3A_209, %swap3A_210] {strides = array<i32>} : memref<32x256xf32, #tpu.memory_space<vmem>>, vector<16xf32>,
        tpu.vector_store %arg11[%swap3A_209, %swap3A_210], %parallel_loop3A_155#13 {strides = array<i32>} : memref<32x256xf32, #tpu.memory_space<vmem>>, vector<16xf32>,
        %swap3A_212 = arith.constant 30 : i32
        %swap3A_213 = arith.index_cast %swap3A_212 : i32 to index
        %swap3A_214 = arith.index_cast %mul3A_22 : i32 to index
        %swap3A_215 = tpu.vector_load %arg11[%swap3A_213, %swap3A_214] {strides = array<i32>} : memref<32x256xf32, #tpu.memory_space<vmem>>, vector<16xf32>,
        tpu.vector_store %arg11[%swap3A_213, %swap3A_214], %parallel_loop3A_155#14 {strides = array<i32>} : memref<32x256xf32, #tpu.memory_space<vmem>>, vector<16xf32>,
        %swap3A_216 = arith.constant 31 : i32
        %swap3A_217 = arith.index_cast %swap3A_216 : i32 to index
        %swap3A_218 = arith.index_cast %mul3A_22 : i32 to index
        %swap3A_219 = tpu.vector_load %arg11[%swap3A_217, %swap3A_218] {strides = array<i32>} : memref<32x256xf32, #tpu.memory_space<vmem>>, vector<16xf32>,
        tpu.vector_store %arg11[%swap3A_217, %swap3A_218], %parallel_loop3A_155#15 {strides = array<i32>} : memref<32x256xf32, #tpu.memory_space<vmem>>, vector<16xf32>,
        %scan3A_220 = arith.constant 0 : i32
        scf.yield %scan3A_220 : i32
      }
      %scan3A_17 = arith.constant 16 : i32
      "tpu.region"() ({
        %run_scoped3A = tpu.sem_alloc : memref<!tpu.dma_semaphore, #tpu.memory_space<semaphore_mem>>
        %dma_start3A = arith.constant 0 : i32
        %dma_start3A_19 = tpu.memref_slice %arg6[%add3A, %dma_start3A, %mul3A_10] : memref<32x32x2048xf32, #tpu.memory_space<hbm>> -> memref<1x32x256xf32, #tpu.memory_space<hbm>>
        %dma_start3A_20 = tpu.memref_squeeze %dma_start3A_19 : memref<1x32x256xf32, #tpu.memory_space<hbm>> -> memref<32x256xf32, #tpu.memory_space<hbm>>
        %dma_start3A_21 = arith.constant 0 : i32
        %dma_start3A_22 = tpu.memref_slice %arg6[%add3A, %dma_start3A_21, %mul3A_10] : memref<32x32x2048xf32, #tpu.memory_space<hbm>> -> memref<1x32x256xf32, #tpu.memory_space<hbm>>
        %dma_start3A_23 = tpu.memref_squeeze %dma_start3A_22 : memref<1x32x256xf32, #tpu.memory_space<hbm>> -> memref<32x256xf32, #tpu.memory_space<hbm>>
        tpu.enqueue_dma source(%arg11 : memref<32x256xf32, #tpu.memory_space<vmem>>) target(%dma_start3A_23 : memref<32x256xf32, #tpu.memory_space<hbm>>) target_semaphore(%run_scoped3A : memref<!tpu.dma_semaphore, #tpu.memory_space<semaphore_mem>>)
        %dma_wait3A = arith.constant 0 : i32
        %dma_wait3A_24 = tpu.memref_slice %arg6[%add3A, %dma_wait3A, %mul3A_10] : memref<32x32x2048xf32, #tpu.memory_space<hbm>> -> memref<1x32x256xf32, #tpu.memory_space<hbm>>
        %dma_wait3A_25 = tpu.memref_squeeze %dma_wait3A_24 : memref<1x32x256xf32, #tpu.memory_space<hbm>> -> memref<32x256xf32, #tpu.memory_space<hbm>>
        %dma_wait3A_26 = arith.constant 0 : i32
        %dma_wait3A_27 = tpu.memref_slice %arg6[%add3A, %dma_wait3A_26, %mul3A_10] : memref<32x32x2048xf32, #tpu.memory_space<hbm>> -> memref<1x32x256xf32, #tpu.memory_space<hbm>>
        %dma_wait3A_28 = tpu.memref_squeeze %dma_wait3A_27 : memref<1x32x256xf32, #tpu.memory_space<hbm>> -> memref<32x256xf32, #tpu.memory_space<hbm>>
        tpu.wait_dma2 semaphore(%run_scoped3A : memref<!tpu.dma_semaphore, #tpu.memory_space<semaphore_mem>>) src(%arg11 : memref<32x256xf32, #tpu.memory_space<vmem>>) dst(%dma_wait3A_28 : memref<32x256xf32, #tpu.memory_space<hbm>>)
        tpu.yield
      }) : () -> ()
      %scan3A_18 = arith.constant 0 : i32
      scf.yield %scan3A_18 : i32
    }
    %scan3A_6 = arith.constant 8 : i32
    return
  }
}

module attributes {stable_mosaic.version = 14 : i64} {
  func.func @_prep_body(%arg0: i32, %arg1: i32, %arg2: memref<1x2048x256xf32, #tpu.memory_space<vmem>>, %arg3: memref<1x384x576xf32, #tpu.memory_space<vmem>>, %arg4: memref<1x2x2048xf32, #tpu.memory_space<vmem>>, %arg5: memref<1x32x384xf32, #tpu.memory_space<vmem>>, %arg6: memref<1x48x256xf32, #tpu.memory_space<vmem>>, %arg7: memref<1x48x1xf32, #tpu.memory_space<vmem>>, %arg8: memref<1x16x2048xf32, #tpu.memory_space<vmem>>, %arg9: memref<1x16x2048xf32, #tpu.memory_space<vmem>>, %arg10: memref<1x16x2048xf32, #tpu.memory_space<vmem>>, %arg11: memref<1x576x32xf32, #tpu.memory_space<vmem>>) attributes {dimension_semantics = [#tpu.dimension_semantics<arbitrary>, #tpu.dimension_semantics<arbitrary>], iteration_bounds = array<i64: 4, 8>, scalar_prefetch = 0 : i64, scratch_operands = 0 : i64, tpu.core_type = #tpu.core_type<tc>, window_params = [{transform_indices = @transform_0, window_bounds = array<i64: 1, 2048, 256>}, {transform_indices = @transform_1, window_bounds = array<i64: 1, 384, 576>}, {transform_indices = @transform_2, window_bounds = array<i64: 1, 2, 2048>}, {transform_indices = @transform_3, window_bounds = array<i64: 1, 32, 384>}, {transform_indices = @transform_4, window_bounds = array<i64: 1, 48, 256>}, {transform_indices = @transform_5, window_bounds = array<i64: 1, 48, 1>}, {transform_indices = @transform_6, window_bounds = array<i64: 1, 16, 2048>}, {transform_indices = @transform_7, window_bounds = array<i64: 1, 16, 2048>}, {transform_indices = @transform_8, window_bounds = array<i64: 1, 16, 2048>}, {transform_indices = @transform_9, window_bounds = array<i64: 1, 576, 32>}]} {
    %get3A = arith.constant 0 : index
    %get3A_0 = arith.constant 0 : index
    %get3A_1 = arith.constant 0 : index
    %get3A_2 = vector.load %arg2[%get3A, %get3A_0, %get3A_1] : memref<1x2048x256xf32, #tpu.memory_space<vmem>>, vector<1x2048x256xf32>
    %get3A_3 = vector.shape_cast %get3A_2 : vector<1x2048x256xf32> to vector<2048x256xf32>
    %get3A_4 = arith.constant 0 : index
    %get3A_5 = arith.constant 0 : index
    %get3A_6 = arith.constant 0 : index
    %get3A_7 = vector.load %arg6[%get3A_4, %get3A_5, %get3A_6] : memref<1x48x256xf32, #tpu.memory_space<vmem>>, vector<1x48x256xf32>
    %get3A_8 = vector.shape_cast %get3A_7 : vector<1x48x256xf32> to vector<48x256xf32>
    %dot_general3A = arith.constant dense<0.000000e+00> : vector<48x2048xf32>
    %dot_general3A_9 = tpu.matmul %get3A_8, %get3A_3, %dot_general3A {dimension_numbers = #tpu.dot_dimension_numbers<[1], [1], [0], [0], [0, 0, 1, 0], [], []>, transpose_lhs_hint = false} : vector<48x256xf32>, vector<2048x256xf32>, vector<48x2048xf32> -> vector<48x2048xf32>
    %get3A_10 = arith.constant 0 : index
    %get3A_11 = arith.constant 0 : index
    %get3A_12 = arith.constant 0 : index
    %get3A_13 = vector.load %arg7[%get3A_10, %get3A_11, %get3A_12] : memref<1x48x1xf32, #tpu.memory_space<vmem>>, vector<1x48x1xf32>
    %get3A_14 = vector.shape_cast %get3A_13 : vector<1x48x1xf32> to vector<48x1xf32>
    %add3A = vector.broadcast %get3A_14 : vector<48x1xf32> to vector<48x2048xf32>
    %add3A_15 = arith.addf %dot_general3A_9, %add3A : vector<48x2048xf32>
    %slice3A = vector.extract_strided_slice %add3A_15 {offsets = [0, 0], sizes = [16, 2048], strides = [1, 1]} : vector<48x2048xf32> to vector<16x2048xf32>
    %slice3A_16 = vector.extract_strided_slice %add3A_15 {offsets = [16, 0], sizes = [16, 2048], strides = [1, 1]} : vector<48x2048xf32> to vector<16x2048xf32>
    %slice3A_17 = vector.extract_strided_slice %add3A_15 {offsets = [32, 0], sizes = [16, 2048], strides = [1, 1]} : vector<48x2048xf32> to vector<16x2048xf32>
    %reduce_max3A = arith.constant dense<0xFF800000> : vector<2048xf32>
    %reduce_max3A_18 = vector.multi_reduction <maximumf>, %slice3A_17, %reduce_max3A [0] : vector<16x2048xf32> to vector<2048xf32>
    %broadcast_in_dim3A = vector.shape_cast %reduce_max3A_18 : vector<2048xf32> to vector<1x2048xf32>
    %sub3A = vector.broadcast %broadcast_in_dim3A : vector<1x2048xf32> to vector<16x2048xf32>
    %sub3A_19 = arith.subf %slice3A_17, %sub3A : vector<16x2048xf32>
    %exp3A = math.exp %sub3A_19 : vector<16x2048xf32>
    %reduce_sum3A = arith.constant dense<0.000000e+00> : vector<2048xf32>
    %reduce_sum3A_20 = vector.multi_reduction <add>, %exp3A, %reduce_sum3A [0] : vector<16x2048xf32> to vector<2048xf32>
    %broadcast_in_dim3A_21 = vector.shape_cast %reduce_sum3A_20 : vector<2048xf32> to vector<1x2048xf32>
    %div3A = vector.broadcast %broadcast_in_dim3A_21 : vector<1x2048xf32> to vector<16x2048xf32>
    %div3A_22 = arith.divf %exp3A, %div3A : vector<16x2048xf32>
    %swap3A = arith.constant 0 : index
    %swap3A_23 = arith.constant 0 : index
    %swap3A_24 = arith.constant 0 : index
    %swap3A_25 = vector.load %arg10[%swap3A, %swap3A_23, %swap3A_24] : memref<1x16x2048xf32, #tpu.memory_space<vmem>>, vector<1x16x2048xf32>
    %swap3A_26 = vector.shape_cast %swap3A_25 : vector<1x16x2048xf32> to vector<16x2048xf32>
    %swap3A_27 = vector.shape_cast %div3A_22 : vector<16x2048xf32> to vector<1x16x2048xf32>
    tpu.vector_store %arg10[%swap3A, %swap3A_23, %swap3A_24], %swap3A_27 {strides = array<i32>} : memref<1x16x2048xf32, #tpu.memory_space<vmem>>, vector<1x16x2048xf32>,
    %get3A_28 = arith.constant 0 : index
    %get3A_29 = arith.constant 0 : index
    %get3A_30 = arith.constant 0 : index
    %get3A_31 = vector.load %arg4[%get3A_28, %get3A_29, %get3A_30] : memref<1x2x2048xf32, #tpu.memory_space<vmem>>, vector<1x1x2048xf32>
    %get3A_32 = vector.shape_cast %get3A_31 : vector<1x1x2048xf32> to vector<1x2048xf32>
    %get3A_33 = arith.constant 0 : index
    %get3A_34 = arith.constant 1 : index
    %get3A_35 = arith.constant 0 : index
    %get3A_36 = vector.load %arg4[%get3A_33, %get3A_34, %get3A_35] : memref<1x2x2048xf32, #tpu.memory_space<vmem>>, vector<1x1x2048xf32>
    %get3A_37 = vector.shape_cast %get3A_36 : vector<1x1x2048xf32> to vector<1x2048xf32>
    %mul3A = arith.constant 8.000000e-02 : f32
    %mul3A_38 = vector.broadcast %mul3A : f32 to vector<16x2048xf32>
    %mul3A_39 = arith.mulf %mul3A_38, %slice3A : vector<16x2048xf32>
    %add3A_40 = vector.broadcast %get3A_32 : vector<1x2048xf32> to vector<16x2048xf32>
    %add3A_41 = arith.addf %add3A_40, %mul3A_39 : vector<16x2048xf32>
    %mul3A_42 = arith.constant 2.300000e+01 : f32
    %mul3A_43 = vector.broadcast %mul3A_42 : f32 to vector<16x2048xf32>
    %mul3A_44 = arith.mulf %add3A_41, %mul3A_43 : vector<16x2048xf32>
    %swap3A_45 = arith.constant 0 : index
    %swap3A_46 = arith.constant 0 : index
    %swap3A_47 = arith.constant 0 : index
    %swap3A_48 = vector.load %arg8[%swap3A_45, %swap3A_46, %swap3A_47] : memref<1x16x2048xf32, #tpu.memory_space<vmem>>, vector<1x16x2048xf32>
    %swap3A_49 = vector.shape_cast %swap3A_48 : vector<1x16x2048xf32> to vector<16x2048xf32>
    %swap3A_50 = vector.shape_cast %mul3A_44 : vector<16x2048xf32> to vector<1x16x2048xf32>
    tpu.vector_store %arg8[%swap3A_45, %swap3A_46, %swap3A_47], %swap3A_50 {strides = array<i32>} : memref<1x16x2048xf32, #tpu.memory_space<vmem>>, vector<1x16x2048xf32>,
    %mul3A_51 = arith.constant 8.000000e-02 : f32
    %mul3A_52 = vector.broadcast %mul3A_51 : f32 to vector<16x2048xf32>
    %mul3A_53 = arith.mulf %mul3A_52, %slice3A_16 : vector<16x2048xf32>
    %add3A_54 = vector.broadcast %get3A_37 : vector<1x2048xf32> to vector<16x2048xf32>
    %add3A_55 = arith.addf %add3A_54, %mul3A_53 : vector<16x2048xf32>
    %mul3A_56 = arith.constant 2.300000e+01 : f32
    %mul3A_57 = vector.broadcast %mul3A_56 : f32 to vector<16x2048xf32>
    %mul3A_58 = arith.mulf %add3A_55, %mul3A_57 : vector<16x2048xf32>
    %swap3A_59 = arith.constant 0 : index
    %swap3A_60 = arith.constant 0 : index
    %swap3A_61 = arith.constant 0 : index
    %swap3A_62 = vector.load %arg9[%swap3A_59, %swap3A_60, %swap3A_61] : memref<1x16x2048xf32, #tpu.memory_space<vmem>>, vector<1x16x2048xf32>
    %swap3A_63 = vector.shape_cast %swap3A_62 : vector<1x16x2048xf32> to vector<16x2048xf32>
    %swap3A_64 = vector.shape_cast %mul3A_58 : vector<16x2048xf32> to vector<1x16x2048xf32>
    tpu.vector_store %arg9[%swap3A_59, %swap3A_60, %swap3A_61], %swap3A_64 {strides = array<i32>} : memref<1x16x2048xf32, #tpu.memory_space<vmem>>, vector<1x16x2048xf32>,
    %get3A_65 = arith.constant 0 : index
    %get3A_66 = arith.constant 0 : index
    %get3A_67 = arith.constant 0 : index
    %get3A_68 = vector.load %arg3[%get3A_65, %get3A_66, %get3A_67] : memref<1x384x576xf32, #tpu.memory_space<vmem>>, vector<1x384x576xf32>
    %get3A_69 = vector.shape_cast %get3A_68 : vector<1x384x576xf32> to vector<384x576xf32>
    %get3A_70 = arith.constant 0 : index
    %get3A_71 = arith.constant 0 : index
    %get3A_72 = arith.constant 0 : index
    %get3A_73 = vector.load %arg5[%get3A_70, %get3A_71, %get3A_72] : memref<1x32x384xf32, #tpu.memory_space<vmem>>, vector<1x32x384xf32>
    %get3A_74 = vector.shape_cast %get3A_73 : vector<1x32x384xf32> to vector<32x384xf32>
    %dot_general3A_75 = arith.constant dense<0.000000e+00> : vector<576x32xf32>
    %dot_general3A_76 = tpu.matmul %get3A_69, %get3A_74, %dot_general3A_75 {dimension_numbers = #tpu.dot_dimension_numbers<[0], [1], [1], [0], [0, 1, 1, 0], [], []>, transpose_lhs_hint = false} : vector<384x576xf32>, vector<32x384xf32>, vector<576x32xf32> -> vector<576x32xf32>
    %swap3A_77 = arith.constant 0 : index
    %swap3A_78 = arith.constant 0 : index
    %swap3A_79 = arith.constant 0 : index
    %swap3A_80 = vector.load %arg11[%swap3A_77, %swap3A_78, %swap3A_79] : memref<1x576x32xf32, #tpu.memory_space<vmem>>, vector<1x576x32xf32>
    %swap3A_81 = vector.shape_cast %swap3A_80 : vector<1x576x32xf32> to vector<576x32xf32>
    %swap3A_82 = vector.shape_cast %dot_general3A_76 : vector<576x32xf32> to vector<1x576x32xf32>
    tpu.vector_store %arg11[%swap3A_77, %swap3A_78, %swap3A_79], %swap3A_82 {strides = array<i32>} : memref<1x576x32xf32, #tpu.memory_space<vmem>>, vector<1x576x32xf32>,
    return
  }
  func.func @transform_0(%arg0: i32, %arg1: i32) -> (i32, i32, i32) {
    %c0_i32 = arith.constant 0 : i32
    %c0_i32_0 = arith.constant 0 : i32
    %c0_i32_1 = arith.constant 0 : i32
    return %arg0, %c0_i32, %c0_i32_0 : i32, i32, i32
  }
  func.func @transform_1(%arg0: i32, %arg1: i32) -> (i32, i32, i32) {
    %c0_i32 = arith.constant 0 : i32
    %c0_i32_0 = arith.constant 0 : i32
    %c0_i32_1 = arith.constant 0 : i32
    return %arg0, %c0_i32, %c0_i32_0 : i32, i32, i32
  }
  func.func @transform_2(%arg0: i32, %arg1: i32) -> (i32, i32, i32) {
    %c0_i32 = arith.constant 0 : i32
    %c0_i32_0 = arith.constant 0 : i32
    %c0_i32_1 = arith.constant 0 : i32
    return %arg0, %c0_i32, %c0_i32_0 : i32, i32, i32
  }
  func.func @transform_3(%arg0: i32, %arg1: i32) -> (i32, i32, i32) {
    %c0_i32 = arith.constant 0 : i32
    %c0_i32_0 = arith.constant 0 : i32
    %c0_i32_1 = arith.constant 0 : i32
    return %arg1, %c0_i32, %c0_i32_0 : i32, i32, i32
  }
  func.func @transform_4(%arg0: i32, %arg1: i32) -> (i32, i32, i32) {
    %c0_i32 = arith.constant 0 : i32
    %c0_i32_0 = arith.constant 0 : i32
    %c0_i32_1 = arith.constant 0 : i32
    return %arg1, %c0_i32, %c0_i32_0 : i32, i32, i32
  }
  func.func @transform_5(%arg0: i32, %arg1: i32) -> (i32, i32, i32) {
    %c0_i32 = arith.constant 0 : i32
    %c0_i32_0 = arith.constant 0 : i32
    %c0_i32_1 = arith.constant 0 : i32
    return %arg1, %c0_i32, %c0_i32_0 : i32, i32, i32
  }
  func.func @transform_6(%arg0: i32, %arg1: i32) -> (i32, i32, i32) {
    %mul3A = arith.constant 8 : i32
    %mul3A_0 = arith.muli %arg0, %mul3A : i32
    %add3A = arith.addi %mul3A_0, %arg1 : i32
    %c0_i32 = arith.constant 0 : i32
    %c0_i32_1 = arith.constant 0 : i32
    %c0_i32_2 = arith.constant 0 : i32
    return %add3A, %c0_i32, %c0_i32_1 : i32, i32, i32
  }
  func.func @transform_7(%arg0: i32, %arg1: i32) -> (i32, i32, i32) {
    %mul3A = arith.constant 8 : i32
    %mul3A_0 = arith.muli %arg0, %mul3A : i32
    %add3A = arith.addi %mul3A_0, %arg1 : i32
    %c0_i32 = arith.constant 0 : i32
    %c0_i32_1 = arith.constant 0 : i32
    %c0_i32_2 = arith.constant 0 : i32
    return %add3A, %c0_i32, %c0_i32_1 : i32, i32, i32
  }
  func.func @transform_8(%arg0: i32, %arg1: i32) -> (i32, i32, i32) {
    %mul3A = arith.constant 8 : i32
    %mul3A_0 = arith.muli %arg0, %mul3A : i32
    %add3A = arith.addi %mul3A_0, %arg1 : i32
    %c0_i32 = arith.constant 0 : i32
    %c0_i32_1 = arith.constant 0 : i32
    %c0_i32_2 = arith.constant 0 : i32
    return %add3A, %c0_i32, %c0_i32_1 : i32, i32, i32
  }
  func.func @transform_9(%arg0: i32, %arg1: i32) -> (i32, i32, i32) {
    %mul3A = arith.constant 8 : i32
    %mul3A_0 = arith.muli %arg0, %mul3A : i32
    %add3A = arith.addi %mul3A_0, %arg1 : i32
    %c0_i32 = arith.constant 0 : i32
    %c0_i32_1 = arith.constant 0 : i32
    %c0_i32_2 = arith.constant 0 : i32
    return %add3A, %c0_i32, %c0_i32_1 : i32, i32, i32
  }
}

module attributes {stable_mosaic.version = 14 : i64} {
  func.func @_tent_body(%arg0: i32, %arg1: i32, %arg2: i32, %arg3: memref<1x2048x256xf32, #tpu.memory_space<vmem>>, %arg4: memref<1x384x576xf32, #tpu.memory_space<vmem>>, %arg5: memref<1x2x2048xf32, #tpu.memory_space<vmem>>, %arg6: memref<1x32x384xf32, #tpu.memory_space<vmem>>, %arg7: memref<1x32x256xf32, #tpu.memory_space<vmem>>, %arg8: memref<1x32x1xf32, #tpu.memory_space<vmem>>, %arg9: memref<1x16x256xf32, #tpu.memory_space<vmem>>, %arg10: memref<1x16x1xf32, #tpu.memory_space<vmem>>, %arg11: memref<1x32x256xf32, #tpu.memory_space<vmem>>, %arg12: memref<1x256xf32, #tpu.memory_space<vmem>>, %arg13: memref<1x2048x256xf32, #tpu.memory_space<vmem>>, %arg14: memref<8x32x576xf32, #tpu.memory_space<vmem>>) attributes {dimension_semantics = [#tpu.dimension_semantics<arbitrary>, #tpu.dimension_semantics<arbitrary>, #tpu.dimension_semantics<arbitrary>], iteration_bounds = array<i64: 4, 1, 8>, scalar_prefetch = 0 : i64, scratch_operands = 1 : i64, tpu.core_type = #tpu.core_type<tc>, window_params = [{transform_indices = @transform_0, window_bounds = array<i64: 1, 2048, 256>}, {transform_indices = @transform_1, window_bounds = array<i64: 1, 384, 576>}, {transform_indices = @transform_2, window_bounds = array<i64: 1, 2, 2048>}, {transform_indices = @transform_3, window_bounds = array<i64: 1, 32, 384>}, {transform_indices = @transform_4, window_bounds = array<i64: 1, 32, 256>}, {transform_indices = @transform_5, window_bounds = array<i64: 1, 32, 1>}, {transform_indices = @transform_6, window_bounds = array<i64: 1, 16, 256>}, {transform_indices = @transform_7, window_bounds = array<i64: 1, 16, 1>}, {transform_indices = @transform_8, window_bounds = array<i64: 1, 32, 256>}, {pipeline_mode = #tpu.pipeline_mode<synchronous>, transform_indices = @transform_9, window_bounds = array<i64: 1, 256>}, {transform_indices = @transform_10, window_bounds = array<i64: 1, 2048, 256>}]} {
    %eq3A = arith.constant 0 : i32
    %eq3A_0 = arith.cmpi eq, %arg1, %eq3A : i32
    %convert_element_type3A = arith.extui %eq3A_0 : i1 to i32
    %cond3A = arith.constant 0 : i32
    %cond3A_1 = arith.cmpi ne, %convert_element_type3A, %cond3A : i32
    scf.if %cond3A_1 {
      %get3A_789 = arith.constant 0 : index
      %get3A_790 = arith.constant 0 : index
      %get3A_791 = arith.constant 0 : index
      %get3A_792 = vector.load %arg6[%get3A_789, %get3A_790, %get3A_791] : memref<1x32x384xf32, #tpu.memory_space<vmem>>, vector<1x32x384xf32>
      %get3A_793 = vector.shape_cast %get3A_792 : vector<1x32x384xf32> to vector<32x384xf32>
      %get3A_794 = arith.constant 0 : index
      %get3A_795 = arith.constant 0 : index
      %get3A_796 = arith.constant 0 : index
      %get3A_797 = vector.load %arg4[%get3A_794, %get3A_795, %get3A_796] : memref<1x384x576xf32, #tpu.memory_space<vmem>>, vector<1x384x576xf32>
      %get3A_798 = vector.shape_cast %get3A_797 : vector<1x384x576xf32> to vector<384x576xf32>
      %dot_general3A_799 = arith.constant dense<0.000000e+00> : vector<32x576xf32>
      %dot_general3A_800 = tpu.matmul %get3A_793, %get3A_798, %dot_general3A_799 {dimension_numbers = #tpu.dot_dimension_numbers<[1], [0], [0], [1], [0, 0, 1, 1], [], []>, transpose_lhs_hint = false} : vector<32x384xf32>, vector<384x576xf32>, vector<32x576xf32> -> vector<32x576xf32>
      %swap3A = arith.index_cast %arg2 : i32 to index
      %swap3A_801 = arith.constant 0 : index
      %swap3A_802 = arith.constant 0 : index
      %swap3A_803 = vector.load %arg14[%swap3A, %swap3A_801, %swap3A_802] : memref<8x32x576xf32, #tpu.memory_space<vmem>>, vector<1x32x576xf32>
      %swap3A_804 = vector.shape_cast %swap3A_803 : vector<1x32x576xf32> to vector<32x576xf32>
      %swap3A_805 = vector.shape_cast %dot_general3A_800 : vector<32x576xf32> to vector<1x32x576xf32>
      tpu.vector_store %arg14[%swap3A, %swap3A_801, %swap3A_802], %swap3A_805 {strides = array<i32>} : memref<8x32x576xf32, #tpu.memory_space<vmem>>, vector<1x32x576xf32>,
    } else {
    }
    %get3A = arith.constant 0 : index
    %get3A_2 = arith.constant 0 : index
    %get3A_3 = arith.constant 0 : index
    %get3A_4 = vector.load %arg3[%get3A, %get3A_2, %get3A_3] : memref<1x2048x256xf32, #tpu.memory_space<vmem>>, vector<1x2048x256xf32>
    %get3A_5 = vector.shape_cast %get3A_4 : vector<1x2048x256xf32> to vector<2048x256xf32>
    %get3A_6 = arith.constant 0 : index
    %get3A_7 = arith.constant 0 : index
    %get3A_8 = arith.constant 0 : index
    %get3A_9 = vector.load %arg7[%get3A_6, %get3A_7, %get3A_8] : memref<1x32x256xf32, #tpu.memory_space<vmem>>, vector<1x32x256xf32>
    %get3A_10 = vector.shape_cast %get3A_9 : vector<1x32x256xf32> to vector<32x256xf32>
    %dot_general3A = arith.constant dense<0.000000e+00> : vector<32x2048xf32>
    %dot_general3A_11 = tpu.matmul %get3A_10, %get3A_5, %dot_general3A {dimension_numbers = #tpu.dot_dimension_numbers<[1], [1], [0], [0], [0, 0, 1, 0], [], []>, transpose_lhs_hint = false} : vector<32x256xf32>, vector<2048x256xf32>, vector<32x2048xf32> -> vector<32x2048xf32>
    %get3A_12 = arith.constant 0 : index
    %get3A_13 = arith.constant 0 : index
    %get3A_14 = arith.constant 0 : index
    %get3A_15 = vector.load %arg8[%get3A_12, %get3A_13, %get3A_14] : memref<1x32x1xf32, #tpu.memory_space<vmem>>, vector<1x32x1xf32>
    %get3A_16 = vector.shape_cast %get3A_15 : vector<1x32x1xf32> to vector<32x1xf32>
    %add3A = vector.broadcast %get3A_16 : vector<32x1xf32> to vector<32x2048xf32>
    %add3A_17 = arith.addf %dot_general3A_11, %add3A : vector<32x2048xf32>
    %get3A_18 = arith.constant 0 : index
    %get3A_19 = arith.constant 0 : index
    %get3A_20 = arith.constant 0 : index
    %get3A_21 = vector.load %arg9[%get3A_18, %get3A_19, %get3A_20] : memref<1x16x256xf32, #tpu.memory_space<vmem>>, vector<1x16x256xf32>
    %get3A_22 = vector.shape_cast %get3A_21 : vector<1x16x256xf32> to vector<16x256xf32>
    %dot_general3A_23 = arith.constant dense<0.000000e+00> : vector<16x2048xf32>
    %dot_general3A_24 = tpu.matmul %get3A_22, %get3A_5, %dot_general3A_23 {dimension_numbers = #tpu.dot_dimension_numbers<[1], [1], [0], [0], [0, 0, 1, 0], [], []>, transpose_lhs_hint = false} : vector<16x256xf32>, vector<2048x256xf32>, vector<16x2048xf32> -> vector<16x2048xf32>
    %get3A_25 = arith.constant 0 : index
    %get3A_26 = arith.constant 0 : index
    %get3A_27 = arith.constant 0 : index
    %get3A_28 = vector.load %arg10[%get3A_25, %get3A_26, %get3A_27] : memref<1x16x1xf32, #tpu.memory_space<vmem>>, vector<1x16x1xf32>
    %get3A_29 = vector.shape_cast %get3A_28 : vector<1x16x1xf32> to vector<16x1xf32>
    %add3A_30 = vector.broadcast %get3A_29 : vector<16x1xf32> to vector<16x2048xf32>
    %add3A_31 = arith.addf %dot_general3A_24, %add3A_30 : vector<16x2048xf32>
    %reduce_max3A = arith.constant dense<0xFF800000> : vector<2048xf32>
    %reduce_max3A_32 = vector.multi_reduction <maximumf>, %add3A_31, %reduce_max3A [0] : vector<16x2048xf32> to vector<2048xf32>
    %broadcast_in_dim3A = vector.shape_cast %reduce_max3A_32 : vector<2048xf32> to vector<1x2048xf32>
    %sub3A = vector.broadcast %broadcast_in_dim3A : vector<1x2048xf32> to vector<16x2048xf32>
    %sub3A_33 = arith.subf %add3A_31, %sub3A : vector<16x2048xf32>
    %exp3A = math.exp %sub3A_33 : vector<16x2048xf32>
    %reduce_sum3A = arith.constant dense<0.000000e+00> : vector<2048xf32>
    %reduce_sum3A_34 = vector.multi_reduction <add>, %exp3A, %reduce_sum3A [0] : vector<16x2048xf32> to vector<2048xf32>
    %broadcast_in_dim3A_35 = vector.shape_cast %reduce_sum3A_34 : vector<2048xf32> to vector<1x2048xf32>
    %div3A = vector.broadcast %broadcast_in_dim3A_35 : vector<1x2048xf32> to vector<16x2048xf32>
    %div3A_36 = arith.divf %exp3A, %div3A : vector<16x2048xf32>
    %get3A_37 = arith.constant 0 : index
    %get3A_38 = arith.constant 0 : index
    %get3A_39 = arith.constant 0 : index
    %get3A_40 = vector.load %arg5[%get3A_37, %get3A_38, %get3A_39] : memref<1x2x2048xf32, #tpu.memory_space<vmem>>, vector<1x1x2048xf32>
    %get3A_41 = vector.shape_cast %get3A_40 : vector<1x1x2048xf32> to vector<1x2048xf32>
    %get3A_42 = arith.constant 0 : index
    %get3A_43 = arith.constant 1 : index
    %get3A_44 = arith.constant 0 : index
    %get3A_45 = vector.load %arg5[%get3A_42, %get3A_43, %get3A_44] : memref<1x2x2048xf32, #tpu.memory_space<vmem>>, vector<1x1x2048xf32>
    %get3A_46 = vector.shape_cast %get3A_45 : vector<1x1x2048xf32> to vector<1x2048xf32>
    %iota3A = tpu.iota {dimensions = array<i32: 0>} : vector<24x1xi32>
    %convert_element_type3A_47 = arith.sitofp %iota3A : vector<24x1xi32> to vector<24x1xf32>
    %broadcast_in_dim3A_48 = arith.constant 0.000000e+00 : f32
    %broadcast_in_dim3A_49 = vector.broadcast %broadcast_in_dim3A_48 : f32 to vector<24x24x2048xf32>
    %slice3A = vector.extract_strided_slice %add3A_17 {offsets = [0, 0], sizes = [1, 2048], strides = [1, 1]} : vector<32x2048xf32> to vector<1x2048xf32>
    %mul3A = arith.constant 8.000000e-02 : f32
    %mul3A_50 = vector.broadcast %mul3A : f32 to vector<1x2048xf32>
    %mul3A_51 = arith.mulf %mul3A_50, %slice3A : vector<1x2048xf32>
    %add3A_52 = arith.addf %get3A_41, %mul3A_51 : vector<1x2048xf32>
    %mul3A_53 = arith.constant 2.300000e+01 : f32
    %mul3A_54 = vector.broadcast %mul3A_53 : f32 to vector<1x2048xf32>
    %mul3A_55 = arith.mulf %add3A_52, %mul3A_54 : vector<1x2048xf32>
    %slice3A_56 = vector.extract_strided_slice %add3A_17 {offsets = [1, 0], sizes = [1, 2048], strides = [1, 1]} : vector<32x2048xf32> to vector<1x2048xf32>
    %mul3A_57 = arith.constant 8.000000e-02 : f32
    %mul3A_58 = vector.broadcast %mul3A_57 : f32 to vector<1x2048xf32>
    %mul3A_59 = arith.mulf %mul3A_58, %slice3A_56 : vector<1x2048xf32>
    %add3A_60 = arith.addf %get3A_46, %mul3A_59 : vector<1x2048xf32>
    %mul3A_61 = arith.constant 2.300000e+01 : f32
    %mul3A_62 = vector.broadcast %mul3A_61 : f32 to vector<1x2048xf32>
    %mul3A_63 = arith.mulf %add3A_60, %mul3A_62 : vector<1x2048xf32>
    %sub3A_64 = vector.broadcast %convert_element_type3A_47 : vector<24x1xf32> to vector<24x2048xf32>
    %sub3A_65 = vector.broadcast %mul3A_55 : vector<1x2048xf32> to vector<24x2048xf32>
    %sub3A_66 = arith.subf %sub3A_64, %sub3A_65 : vector<24x2048xf32>
    %abs3A = math.absf %sub3A_66 : vector<24x2048xf32>
    %sub3A_67 = arith.constant 1.000000e+00 : f32
    %sub3A_68 = vector.broadcast %sub3A_67 : f32 to vector<24x2048xf32>
    %sub3A_69 = arith.subf %sub3A_68, %abs3A : vector<24x2048xf32>
    %max3A = arith.constant 0.000000e+00 : f32
    %max3A_70 = vector.broadcast %max3A : f32 to vector<24x2048xf32>
    %max3A_71 = arith.maximumf %sub3A_69, %max3A_70 : vector<24x2048xf32>
    %sub3A_72 = vector.broadcast %convert_element_type3A_47 : vector<24x1xf32> to vector<24x2048xf32>
    %sub3A_73 = vector.broadcast %mul3A_63 : vector<1x2048xf32> to vector<24x2048xf32>
    %sub3A_74 = arith.subf %sub3A_72, %sub3A_73 : vector<24x2048xf32>
    %abs3A_75 = math.absf %sub3A_74 : vector<24x2048xf32>
    %sub3A_76 = arith.constant 1.000000e+00 : f32
    %sub3A_77 = vector.broadcast %sub3A_76 : f32 to vector<24x2048xf32>
    %sub3A_78 = arith.subf %sub3A_77, %abs3A_75 : vector<24x2048xf32>
    %max3A_79 = arith.constant 0.000000e+00 : f32
    %max3A_80 = vector.broadcast %max3A_79 : f32 to vector<24x2048xf32>
    %max3A_81 = arith.maximumf %sub3A_78, %max3A_80 : vector<24x2048xf32>
    %slice3A_82 = vector.extract_strided_slice %div3A_36 {offsets = [0, 0], sizes = [1, 2048], strides = [1, 1]} : vector<16x2048xf32> to vector<1x2048xf32>
    %mul3A_83 = vector.broadcast %slice3A_82 : vector<1x2048xf32> to vector<24x2048xf32>
    %mul3A_84 = arith.mulf %mul3A_83, %max3A_71 : vector<24x2048xf32>
    %broadcast_in_dim3A_85 = vector.shape_cast %mul3A_84 : vector<24x2048xf32> to vector<1x24x2048xf32>
    %broadcast_in_dim3A_86 = vector.shape_cast %max3A_81 : vector<24x2048xf32> to vector<24x1x2048xf32>
    %mul3A_87 = vector.broadcast %broadcast_in_dim3A_85 : vector<1x24x2048xf32> to vector<24x24x2048xf32>
    %mul3A_88 = vector.broadcast %broadcast_in_dim3A_86 : vector<24x1x2048xf32> to vector<24x24x2048xf32>
    %mul3A_89 = arith.mulf %mul3A_87, %mul3A_88 : vector<24x24x2048xf32>
    %add3A_90 = arith.addf %broadcast_in_dim3A_49, %mul3A_89 : vector<24x24x2048xf32>
    %slice3A_91 = vector.extract_strided_slice %add3A_17 {offsets = [2, 0], sizes = [1, 2048], strides = [1, 1]} : vector<32x2048xf32> to vector<1x2048xf32>
    %mul3A_92 = arith.constant 8.000000e-02 : f32
    %mul3A_93 = vector.broadcast %mul3A_92 : f32 to vector<1x2048xf32>
    %mul3A_94 = arith.mulf %mul3A_93, %slice3A_91 : vector<1x2048xf32>
    %add3A_95 = arith.addf %get3A_41, %mul3A_94 : vector<1x2048xf32>
    %mul3A_96 = arith.constant 2.300000e+01 : f32
    %mul3A_97 = vector.broadcast %mul3A_96 : f32 to vector<1x2048xf32>
    %mul3A_98 = arith.mulf %add3A_95, %mul3A_97 : vector<1x2048xf32>
    %slice3A_99 = vector.extract_strided_slice %add3A_17 {offsets = [3, 0], sizes = [1, 2048], strides = [1, 1]} : vector<32x2048xf32> to vector<1x2048xf32>
    %mul3A_100 = arith.constant 8.000000e-02 : f32
    %mul3A_101 = vector.broadcast %mul3A_100 : f32 to vector<1x2048xf32>
    %mul3A_102 = arith.mulf %mul3A_101, %slice3A_99 : vector<1x2048xf32>
    %add3A_103 = arith.addf %get3A_46, %mul3A_102 : vector<1x2048xf32>
    %mul3A_104 = arith.constant 2.300000e+01 : f32
    %mul3A_105 = vector.broadcast %mul3A_104 : f32 to vector<1x2048xf32>
    %mul3A_106 = arith.mulf %add3A_103, %mul3A_105 : vector<1x2048xf32>
    %sub3A_107 = vector.broadcast %convert_element_type3A_47 : vector<24x1xf32> to vector<24x2048xf32>
    %sub3A_108 = vector.broadcast %mul3A_98 : vector<1x2048xf32> to vector<24x2048xf32>
    %sub3A_109 = arith.subf %sub3A_107, %sub3A_108 : vector<24x2048xf32>
    %abs3A_110 = math.absf %sub3A_109 : vector<24x2048xf32>
    %sub3A_111 = arith.constant 1.000000e+00 : f32
    %sub3A_112 = vector.broadcast %sub3A_111 : f32 to vector<24x2048xf32>
    %sub3A_113 = arith.subf %sub3A_112, %abs3A_110 : vector<24x2048xf32>
    %max3A_114 = arith.constant 0.000000e+00 : f32
    %max3A_115 = vector.broadcast %max3A_114 : f32 to vector<24x2048xf32>
    %max3A_116 = arith.maximumf %sub3A_113, %max3A_115 : vector<24x2048xf32>
    %sub3A_117 = vector.broadcast %convert_element_type3A_47 : vector<24x1xf32> to vector<24x2048xf32>
    %sub3A_118 = vector.broadcast %mul3A_106 : vector<1x2048xf32> to vector<24x2048xf32>
    %sub3A_119 = arith.subf %sub3A_117, %sub3A_118 : vector<24x2048xf32>
    %abs3A_120 = math.absf %sub3A_119 : vector<24x2048xf32>
    %sub3A_121 = arith.constant 1.000000e+00 : f32
    %sub3A_122 = vector.broadcast %sub3A_121 : f32 to vector<24x2048xf32>
    %sub3A_123 = arith.subf %sub3A_122, %abs3A_120 : vector<24x2048xf32>
    %max3A_124 = arith.constant 0.000000e+00 : f32
    %max3A_125 = vector.broadcast %max3A_124 : f32 to vector<24x2048xf32>
    %max3A_126 = arith.maximumf %sub3A_123, %max3A_125 : vector<24x2048xf32>
    %slice3A_127 = vector.extract_strided_slice %div3A_36 {offsets = [1, 0], sizes = [1, 2048], strides = [1, 1]} : vector<16x2048xf32> to vector<1x2048xf32>
    %mul3A_128 = vector.broadcast %slice3A_127 : vector<1x2048xf32> to vector<24x2048xf32>
    %mul3A_129 = arith.mulf %mul3A_128, %max3A_116 : vector<24x2048xf32>
    %broadcast_in_dim3A_130 = vector.shape_cast %mul3A_129 : vector<24x2048xf32> to vector<1x24x2048xf32>
    %broadcast_in_dim3A_131 = vector.shape_cast %max3A_126 : vector<24x2048xf32> to vector<24x1x2048xf32>
    %mul3A_132 = vector.broadcast %broadcast_in_dim3A_130 : vector<1x24x2048xf32> to vector<24x24x2048xf32>
    %mul3A_133 = vector.broadcast %broadcast_in_dim3A_131 : vector<24x1x2048xf32> to vector<24x24x2048xf32>
    %mul3A_134 = arith.mulf %mul3A_132, %mul3A_133 : vector<24x24x2048xf32>
    %add3A_135 = arith.addf %add3A_90, %mul3A_134 : vector<24x24x2048xf32>
    %slice3A_136 = vector.extract_strided_slice %add3A_17 {offsets = [4, 0], sizes = [1, 2048], strides = [1, 1]} : vector<32x2048xf32> to vector<1x2048xf32>
    %mul3A_137 = arith.constant 8.000000e-02 : f32
    %mul3A_138 = vector.broadcast %mul3A_137 : f32 to vector<1x2048xf32>
    %mul3A_139 = arith.mulf %mul3A_138, %slice3A_136 : vector<1x2048xf32>
    %add3A_140 = arith.addf %get3A_41, %mul3A_139 : vector<1x2048xf32>
    %mul3A_141 = arith.constant 2.300000e+01 : f32
    %mul3A_142 = vector.broadcast %mul3A_141 : f32 to vector<1x2048xf32>
    %mul3A_143 = arith.mulf %add3A_140, %mul3A_142 : vector<1x2048xf32>
    %slice3A_144 = vector.extract_strided_slice %add3A_17 {offsets = [5, 0], sizes = [1, 2048], strides = [1, 1]} : vector<32x2048xf32> to vector<1x2048xf32>
    %mul3A_145 = arith.constant 8.000000e-02 : f32
    %mul3A_146 = vector.broadcast %mul3A_145 : f32 to vector<1x2048xf32>
    %mul3A_147 = arith.mulf %mul3A_146, %slice3A_144 : vector<1x2048xf32>
    %add3A_148 = arith.addf %get3A_46, %mul3A_147 : vector<1x2048xf32>
    %mul3A_149 = arith.constant 2.300000e+01 : f32
    %mul3A_150 = vector.broadcast %mul3A_149 : f32 to vector<1x2048xf32>
    %mul3A_151 = arith.mulf %add3A_148, %mul3A_150 : vector<1x2048xf32>
    %sub3A_152 = vector.broadcast %convert_element_type3A_47 : vector<24x1xf32> to vector<24x2048xf32>
    %sub3A_153 = vector.broadcast %mul3A_143 : vector<1x2048xf32> to vector<24x2048xf32>
    %sub3A_154 = arith.subf %sub3A_152, %sub3A_153 : vector<24x2048xf32>
    %abs3A_155 = math.absf %sub3A_154 : vector<24x2048xf32>
    %sub3A_156 = arith.constant 1.000000e+00 : f32
    %sub3A_157 = vector.broadcast %sub3A_156 : f32 to vector<24x2048xf32>
    %sub3A_158 = arith.subf %sub3A_157, %abs3A_155 : vector<24x2048xf32>
    %max3A_159 = arith.constant 0.000000e+00 : f32
    %max3A_160 = vector.broadcast %max3A_159 : f32 to vector<24x2048xf32>
    %max3A_161 = arith.maximumf %sub3A_158, %max3A_160 : vector<24x2048xf32>
    %sub3A_162 = vector.broadcast %convert_element_type3A_47 : vector<24x1xf32> to vector<24x2048xf32>
    %sub3A_163 = vector.broadcast %mul3A_151 : vector<1x2048xf32> to vector<24x2048xf32>
    %sub3A_164 = arith.subf %sub3A_162, %sub3A_163 : vector<24x2048xf32>
    %abs3A_165 = math.absf %sub3A_164 : vector<24x2048xf32>
    %sub3A_166 = arith.constant 1.000000e+00 : f32
    %sub3A_167 = vector.broadcast %sub3A_166 : f32 to vector<24x2048xf32>
    %sub3A_168 = arith.subf %sub3A_167, %abs3A_165 : vector<24x2048xf32>
    %max3A_169 = arith.constant 0.000000e+00 : f32
    %max3A_170 = vector.broadcast %max3A_169 : f32 to vector<24x2048xf32>
    %max3A_171 = arith.maximumf %sub3A_168, %max3A_170 : vector<24x2048xf32>
    %slice3A_172 = vector.extract_strided_slice %div3A_36 {offsets = [2, 0], sizes = [1, 2048], strides = [1, 1]} : vector<16x2048xf32> to vector<1x2048xf32>
    %mul3A_173 = vector.broadcast %slice3A_172 : vector<1x2048xf32> to vector<24x2048xf32>
    %mul3A_174 = arith.mulf %mul3A_173, %max3A_161 : vector<24x2048xf32>
    %broadcast_in_dim3A_175 = vector.shape_cast %mul3A_174 : vector<24x2048xf32> to vector<1x24x2048xf32>
    %broadcast_in_dim3A_176 = vector.shape_cast %max3A_171 : vector<24x2048xf32> to vector<24x1x2048xf32>
    %mul3A_177 = vector.broadcast %broadcast_in_dim3A_175 : vector<1x24x2048xf32> to vector<24x24x2048xf32>
    %mul3A_178 = vector.broadcast %broadcast_in_dim3A_176 : vector<24x1x2048xf32> to vector<24x24x2048xf32>
    %mul3A_179 = arith.mulf %mul3A_177, %mul3A_178 : vector<24x24x2048xf32>
    %add3A_180 = arith.addf %add3A_135, %mul3A_179 : vector<24x24x2048xf32>
    %slice3A_181 = vector.extract_strided_slice %add3A_17 {offsets = [6, 0], sizes = [1, 2048], strides = [1, 1]} : vector<32x2048xf32> to vector<1x2048xf32>
    %mul3A_182 = arith.constant 8.000000e-02 : f32
    %mul3A_183 = vector.broadcast %mul3A_182 : f32 to vector<1x2048xf32>
    %mul3A_184 = arith.mulf %mul3A_183, %slice3A_181 : vector<1x2048xf32>
    %add3A_185 = arith.addf %get3A_41, %mul3A_184 : vector<1x2048xf32>
    %mul3A_186 = arith.constant 2.300000e+01 : f32
    %mul3A_187 = vector.broadcast %mul3A_186 : f32 to vector<1x2048xf32>
    %mul3A_188 = arith.mulf %add3A_185, %mul3A_187 : vector<1x2048xf32>
    %slice3A_189 = vector.extract_strided_slice %add3A_17 {offsets = [7, 0], sizes = [1, 2048], strides = [1, 1]} : vector<32x2048xf32> to vector<1x2048xf32>
    %mul3A_190 = arith.constant 8.000000e-02 : f32
    %mul3A_191 = vector.broadcast %mul3A_190 : f32 to vector<1x2048xf32>
    %mul3A_192 = arith.mulf %mul3A_191, %slice3A_189 : vector<1x2048xf32>
    %add3A_193 = arith.addf %get3A_46, %mul3A_192 : vector<1x2048xf32>
    %mul3A_194 = arith.constant 2.300000e+01 : f32
    %mul3A_195 = vector.broadcast %mul3A_194 : f32 to vector<1x2048xf32>
    %mul3A_196 = arith.mulf %add3A_193, %mul3A_195 : vector<1x2048xf32>
    %sub3A_197 = vector.broadcast %convert_element_type3A_47 : vector<24x1xf32> to vector<24x2048xf32>
    %sub3A_198 = vector.broadcast %mul3A_188 : vector<1x2048xf32> to vector<24x2048xf32>
    %sub3A_199 = arith.subf %sub3A_197, %sub3A_198 : vector<24x2048xf32>
    %abs3A_200 = math.absf %sub3A_199 : vector<24x2048xf32>
    %sub3A_201 = arith.constant 1.000000e+00 : f32
    %sub3A_202 = vector.broadcast %sub3A_201 : f32 to vector<24x2048xf32>
    %sub3A_203 = arith.subf %sub3A_202, %abs3A_200 : vector<24x2048xf32>
    %max3A_204 = arith.constant 0.000000e+00 : f32
    %max3A_205 = vector.broadcast %max3A_204 : f32 to vector<24x2048xf32>
    %max3A_206 = arith.maximumf %sub3A_203, %max3A_205 : vector<24x2048xf32>
    %sub3A_207 = vector.broadcast %convert_element_type3A_47 : vector<24x1xf32> to vector<24x2048xf32>
    %sub3A_208 = vector.broadcast %mul3A_196 : vector<1x2048xf32> to vector<24x2048xf32>
    %sub3A_209 = arith.subf %sub3A_207, %sub3A_208 : vector<24x2048xf32>
    %abs3A_210 = math.absf %sub3A_209 : vector<24x2048xf32>
    %sub3A_211 = arith.constant 1.000000e+00 : f32
    %sub3A_212 = vector.broadcast %sub3A_211 : f32 to vector<24x2048xf32>
    %sub3A_213 = arith.subf %sub3A_212, %abs3A_210 : vector<24x2048xf32>
    %max3A_214 = arith.constant 0.000000e+00 : f32
    %max3A_215 = vector.broadcast %max3A_214 : f32 to vector<24x2048xf32>
    %max3A_216 = arith.maximumf %sub3A_213, %max3A_215 : vector<24x2048xf32>
    %slice3A_217 = vector.extract_strided_slice %div3A_36 {offsets = [3, 0], sizes = [1, 2048], strides = [1, 1]} : vector<16x2048xf32> to vector<1x2048xf32>
    %mul3A_218 = vector.broadcast %slice3A_217 : vector<1x2048xf32> to vector<24x2048xf32>
    %mul3A_219 = arith.mulf %mul3A_218, %max3A_206 : vector<24x2048xf32>
    %broadcast_in_dim3A_220 = vector.shape_cast %mul3A_219 : vector<24x2048xf32> to vector<1x24x2048xf32>
    %broadcast_in_dim3A_221 = vector.shape_cast %max3A_216 : vector<24x2048xf32> to vector<24x1x2048xf32>
    %mul3A_222 = vector.broadcast %broadcast_in_dim3A_220 : vector<1x24x2048xf32> to vector<24x24x2048xf32>
    %mul3A_223 = vector.broadcast %broadcast_in_dim3A_221 : vector<24x1x2048xf32> to vector<24x24x2048xf32>
    %mul3A_224 = arith.mulf %mul3A_222, %mul3A_223 : vector<24x24x2048xf32>
    %add3A_225 = arith.addf %add3A_180, %mul3A_224 : vector<24x24x2048xf32>
    %slice3A_226 = vector.extract_strided_slice %add3A_17 {offsets = [8, 0], sizes = [1, 2048], strides = [1, 1]} : vector<32x2048xf32> to vector<1x2048xf32>
    %mul3A_227 = arith.constant 8.000000e-02 : f32
    %mul3A_228 = vector.broadcast %mul3A_227 : f32 to vector<1x2048xf32>
    %mul3A_229 = arith.mulf %mul3A_228, %slice3A_226 : vector<1x2048xf32>
    %add3A_230 = arith.addf %get3A_41, %mul3A_229 : vector<1x2048xf32>
    %mul3A_231 = arith.constant 2.300000e+01 : f32
    %mul3A_232 = vector.broadcast %mul3A_231 : f32 to vector<1x2048xf32>
    %mul3A_233 = arith.mulf %add3A_230, %mul3A_232 : vector<1x2048xf32>
    %slice3A_234 = vector.extract_strided_slice %add3A_17 {offsets = [9, 0], sizes = [1, 2048], strides = [1, 1]} : vector<32x2048xf32> to vector<1x2048xf32>
    %mul3A_235 = arith.constant 8.000000e-02 : f32
    %mul3A_236 = vector.broadcast %mul3A_235 : f32 to vector<1x2048xf32>
    %mul3A_237 = arith.mulf %mul3A_236, %slice3A_234 : vector<1x2048xf32>
    %add3A_238 = arith.addf %get3A_46, %mul3A_237 : vector<1x2048xf32>
    %mul3A_239 = arith.constant 2.300000e+01 : f32
    %mul3A_240 = vector.broadcast %mul3A_239 : f32 to vector<1x2048xf32>
    %mul3A_241 = arith.mulf %add3A_238, %mul3A_240 : vector<1x2048xf32>
    %sub3A_242 = vector.broadcast %convert_element_type3A_47 : vector<24x1xf32> to vector<24x2048xf32>
    %sub3A_243 = vector.broadcast %mul3A_233 : vector<1x2048xf32> to vector<24x2048xf32>
    %sub3A_244 = arith.subf %sub3A_242, %sub3A_243 : vector<24x2048xf32>
    %abs3A_245 = math.absf %sub3A_244 : vector<24x2048xf32>
    %sub3A_246 = arith.constant 1.000000e+00 : f32
    %sub3A_247 = vector.broadcast %sub3A_246 : f32 to vector<24x2048xf32>
    %sub3A_248 = arith.subf %sub3A_247, %abs3A_245 : vector<24x2048xf32>
    %max3A_249 = arith.constant 0.000000e+00 : f32
    %max3A_250 = vector.broadcast %max3A_249 : f32 to vector<24x2048xf32>
    %max3A_251 = arith.maximumf %sub3A_248, %max3A_250 : vector<24x2048xf32>
    %sub3A_252 = vector.broadcast %convert_element_type3A_47 : vector<24x1xf32> to vector<24x2048xf32>
    %sub3A_253 = vector.broadcast %mul3A_241 : vector<1x2048xf32> to vector<24x2048xf32>
    %sub3A_254 = arith.subf %sub3A_252, %sub3A_253 : vector<24x2048xf32>
    %abs3A_255 = math.absf %sub3A_254 : vector<24x2048xf32>
    %sub3A_256 = arith.constant 1.000000e+00 : f32
    %sub3A_257 = vector.broadcast %sub3A_256 : f32 to vector<24x2048xf32>
    %sub3A_258 = arith.subf %sub3A_257, %abs3A_255 : vector<24x2048xf32>
    %max3A_259 = arith.constant 0.000000e+00 : f32
    %max3A_260 = vector.broadcast %max3A_259 : f32 to vector<24x2048xf32>
    %max3A_261 = arith.maximumf %sub3A_258, %max3A_260 : vector<24x2048xf32>
    %slice3A_262 = vector.extract_strided_slice %div3A_36 {offsets = [4, 0], sizes = [1, 2048], strides = [1, 1]} : vector<16x2048xf32> to vector<1x2048xf32>
    %mul3A_263 = vector.broadcast %slice3A_262 : vector<1x2048xf32> to vector<24x2048xf32>
    %mul3A_264 = arith.mulf %mul3A_263, %max3A_251 : vector<24x2048xf32>
    %broadcast_in_dim3A_265 = vector.shape_cast %mul3A_264 : vector<24x2048xf32> to vector<1x24x2048xf32>
    %broadcast_in_dim3A_266 = vector.shape_cast %max3A_261 : vector<24x2048xf32> to vector<24x1x2048xf32>
    %mul3A_267 = vector.broadcast %broadcast_in_dim3A_265 : vector<1x24x2048xf32> to vector<24x24x2048xf32>
    %mul3A_268 = vector.broadcast %broadcast_in_dim3A_266 : vector<24x1x2048xf32> to vector<24x24x2048xf32>
    %mul3A_269 = arith.mulf %mul3A_267, %mul3A_268 : vector<24x24x2048xf32>
    %add3A_270 = arith.addf %add3A_225, %mul3A_269 : vector<24x24x2048xf32>
    %slice3A_271 = vector.extract_strided_slice %add3A_17 {offsets = [10, 0], sizes = [1, 2048], strides = [1, 1]} : vector<32x2048xf32> to vector<1x2048xf32>
    %mul3A_272 = arith.constant 8.000000e-02 : f32
    %mul3A_273 = vector.broadcast %mul3A_272 : f32 to vector<1x2048xf32>
    %mul3A_274 = arith.mulf %mul3A_273, %slice3A_271 : vector<1x2048xf32>
    %add3A_275 = arith.addf %get3A_41, %mul3A_274 : vector<1x2048xf32>
    %mul3A_276 = arith.constant 2.300000e+01 : f32
    %mul3A_277 = vector.broadcast %mul3A_276 : f32 to vector<1x2048xf32>
    %mul3A_278 = arith.mulf %add3A_275, %mul3A_277 : vector<1x2048xf32>
    %slice3A_279 = vector.extract_strided_slice %add3A_17 {offsets = [11, 0], sizes = [1, 2048], strides = [1, 1]} : vector<32x2048xf32> to vector<1x2048xf32>
    %mul3A_280 = arith.constant 8.000000e-02 : f32
    %mul3A_281 = vector.broadcast %mul3A_280 : f32 to vector<1x2048xf32>
    %mul3A_282 = arith.mulf %mul3A_281, %slice3A_279 : vector<1x2048xf32>
    %add3A_283 = arith.addf %get3A_46, %mul3A_282 : vector<1x2048xf32>
    %mul3A_284 = arith.constant 2.300000e+01 : f32
    %mul3A_285 = vector.broadcast %mul3A_284 : f32 to vector<1x2048xf32>
    %mul3A_286 = arith.mulf %add3A_283, %mul3A_285 : vector<1x2048xf32>
    %sub3A_287 = vector.broadcast %convert_element_type3A_47 : vector<24x1xf32> to vector<24x2048xf32>
    %sub3A_288 = vector.broadcast %mul3A_278 : vector<1x2048xf32> to vector<24x2048xf32>
    %sub3A_289 = arith.subf %sub3A_287, %sub3A_288 : vector<24x2048xf32>
    %abs3A_290 = math.absf %sub3A_289 : vector<24x2048xf32>
    %sub3A_291 = arith.constant 1.000000e+00 : f32
    %sub3A_292 = vector.broadcast %sub3A_291 : f32 to vector<24x2048xf32>
    %sub3A_293 = arith.subf %sub3A_292, %abs3A_290 : vector<24x2048xf32>
    %max3A_294 = arith.constant 0.000000e+00 : f32
    %max3A_295 = vector.broadcast %max3A_294 : f32 to vector<24x2048xf32>
    %max3A_296 = arith.maximumf %sub3A_293, %max3A_295 : vector<24x2048xf32>
    %sub3A_297 = vector.broadcast %convert_element_type3A_47 : vector<24x1xf32> to vector<24x2048xf32>
    %sub3A_298 = vector.broadcast %mul3A_286 : vector<1x2048xf32> to vector<24x2048xf32>
    %sub3A_299 = arith.subf %sub3A_297, %sub3A_298 : vector<24x2048xf32>
    %abs3A_300 = math.absf %sub3A_299 : vector<24x2048xf32>
    %sub3A_301 = arith.constant 1.000000e+00 : f32
    %sub3A_302 = vector.broadcast %sub3A_301 : f32 to vector<24x2048xf32>
    %sub3A_303 = arith.subf %sub3A_302, %abs3A_300 : vector<24x2048xf32>
    %max3A_304 = arith.constant 0.000000e+00 : f32
    %max3A_305 = vector.broadcast %max3A_304 : f32 to vector<24x2048xf32>
    %max3A_306 = arith.maximumf %sub3A_303, %max3A_305 : vector<24x2048xf32>
    %slice3A_307 = vector.extract_strided_slice %div3A_36 {offsets = [5, 0], sizes = [1, 2048], strides = [1, 1]} : vector<16x2048xf32> to vector<1x2048xf32>
    %mul3A_308 = vector.broadcast %slice3A_307 : vector<1x2048xf32> to vector<24x2048xf32>
    %mul3A_309 = arith.mulf %mul3A_308, %max3A_296 : vector<24x2048xf32>
    %broadcast_in_dim3A_310 = vector.shape_cast %mul3A_309 : vector<24x2048xf32> to vector<1x24x2048xf32>
    %broadcast_in_dim3A_311 = vector.shape_cast %max3A_306 : vector<24x2048xf32> to vector<24x1x2048xf32>
    %mul3A_312 = vector.broadcast %broadcast_in_dim3A_310 : vector<1x24x2048xf32> to vector<24x24x2048xf32>
    %mul3A_313 = vector.broadcast %broadcast_in_dim3A_311 : vector<24x1x2048xf32> to vector<24x24x2048xf32>
    %mul3A_314 = arith.mulf %mul3A_312, %mul3A_313 : vector<24x24x2048xf32>
    %add3A_315 = arith.addf %add3A_270, %mul3A_314 : vector<24x24x2048xf32>
    %slice3A_316 = vector.extract_strided_slice %add3A_17 {offsets = [12, 0], sizes = [1, 2048], strides = [1, 1]} : vector<32x2048xf32> to vector<1x2048xf32>
    %mul3A_317 = arith.constant 8.000000e-02 : f32
    %mul3A_318 = vector.broadcast %mul3A_317 : f32 to vector<1x2048xf32>
    %mul3A_319 = arith.mulf %mul3A_318, %slice3A_316 : vector<1x2048xf32>
    %add3A_320 = arith.addf %get3A_41, %mul3A_319 : vector<1x2048xf32>
    %mul3A_321 = arith.constant 2.300000e+01 : f32
    %mul3A_322 = vector.broadcast %mul3A_321 : f32 to vector<1x2048xf32>
    %mul3A_323 = arith.mulf %add3A_320, %mul3A_322 : vector<1x2048xf32>
    %slice3A_324 = vector.extract_strided_slice %add3A_17 {offsets = [13, 0], sizes = [1, 2048], strides = [1, 1]} : vector<32x2048xf32> to vector<1x2048xf32>
    %mul3A_325 = arith.constant 8.000000e-02 : f32
    %mul3A_326 = vector.broadcast %mul3A_325 : f32 to vector<1x2048xf32>
    %mul3A_327 = arith.mulf %mul3A_326, %slice3A_324 : vector<1x2048xf32>
    %add3A_328 = arith.addf %get3A_46, %mul3A_327 : vector<1x2048xf32>
    %mul3A_329 = arith.constant 2.300000e+01 : f32
    %mul3A_330 = vector.broadcast %mul3A_329 : f32 to vector<1x2048xf32>
    %mul3A_331 = arith.mulf %add3A_328, %mul3A_330 : vector<1x2048xf32>
    %sub3A_332 = vector.broadcast %convert_element_type3A_47 : vector<24x1xf32> to vector<24x2048xf32>
    %sub3A_333 = vector.broadcast %mul3A_323 : vector<1x2048xf32> to vector<24x2048xf32>
    %sub3A_334 = arith.subf %sub3A_332, %sub3A_333 : vector<24x2048xf32>
    %abs3A_335 = math.absf %sub3A_334 : vector<24x2048xf32>
    %sub3A_336 = arith.constant 1.000000e+00 : f32
    %sub3A_337 = vector.broadcast %sub3A_336 : f32 to vector<24x2048xf32>
    %sub3A_338 = arith.subf %sub3A_337, %abs3A_335 : vector<24x2048xf32>
    %max3A_339 = arith.constant 0.000000e+00 : f32
    %max3A_340 = vector.broadcast %max3A_339 : f32 to vector<24x2048xf32>
    %max3A_341 = arith.maximumf %sub3A_338, %max3A_340 : vector<24x2048xf32>
    %sub3A_342 = vector.broadcast %convert_element_type3A_47 : vector<24x1xf32> to vector<24x2048xf32>
    %sub3A_343 = vector.broadcast %mul3A_331 : vector<1x2048xf32> to vector<24x2048xf32>
    %sub3A_344 = arith.subf %sub3A_342, %sub3A_343 : vector<24x2048xf32>
    %abs3A_345 = math.absf %sub3A_344 : vector<24x2048xf32>
    %sub3A_346 = arith.constant 1.000000e+00 : f32
    %sub3A_347 = vector.broadcast %sub3A_346 : f32 to vector<24x2048xf32>
    %sub3A_348 = arith.subf %sub3A_347, %abs3A_345 : vector<24x2048xf32>
    %max3A_349 = arith.constant 0.000000e+00 : f32
    %max3A_350 = vector.broadcast %max3A_349 : f32 to vector<24x2048xf32>
    %max3A_351 = arith.maximumf %sub3A_348, %max3A_350 : vector<24x2048xf32>
    %slice3A_352 = vector.extract_strided_slice %div3A_36 {offsets = [6, 0], sizes = [1, 2048], strides = [1, 1]} : vector<16x2048xf32> to vector<1x2048xf32>
    %mul3A_353 = vector.broadcast %slice3A_352 : vector<1x2048xf32> to vector<24x2048xf32>
    %mul3A_354 = arith.mulf %mul3A_353, %max3A_341 : vector<24x2048xf32>
    %broadcast_in_dim3A_355 = vector.shape_cast %mul3A_354 : vector<24x2048xf32> to vector<1x24x2048xf32>
    %broadcast_in_dim3A_356 = vector.shape_cast %max3A_351 : vector<24x2048xf32> to vector<24x1x2048xf32>
    %mul3A_357 = vector.broadcast %broadcast_in_dim3A_355 : vector<1x24x2048xf32> to vector<24x24x2048xf32>
    %mul3A_358 = vector.broadcast %broadcast_in_dim3A_356 : vector<24x1x2048xf32> to vector<24x24x2048xf32>
    %mul3A_359 = arith.mulf %mul3A_357, %mul3A_358 : vector<24x24x2048xf32>
    %add3A_360 = arith.addf %add3A_315, %mul3A_359 : vector<24x24x2048xf32>
    %slice3A_361 = vector.extract_strided_slice %add3A_17 {offsets = [14, 0], sizes = [1, 2048], strides = [1, 1]} : vector<32x2048xf32> to vector<1x2048xf32>
    %mul3A_362 = arith.constant 8.000000e-02 : f32
    %mul3A_363 = vector.broadcast %mul3A_362 : f32 to vector<1x2048xf32>
    %mul3A_364 = arith.mulf %mul3A_363, %slice3A_361 : vector<1x2048xf32>
    %add3A_365 = arith.addf %get3A_41, %mul3A_364 : vector<1x2048xf32>
    %mul3A_366 = arith.constant 2.300000e+01 : f32
    %mul3A_367 = vector.broadcast %mul3A_366 : f32 to vector<1x2048xf32>
    %mul3A_368 = arith.mulf %add3A_365, %mul3A_367 : vector<1x2048xf32>
    %slice3A_369 = vector.extract_strided_slice %add3A_17 {offsets = [15, 0], sizes = [1, 2048], strides = [1, 1]} : vector<32x2048xf32> to vector<1x2048xf32>
    %mul3A_370 = arith.constant 8.000000e-02 : f32
    %mul3A_371 = vector.broadcast %mul3A_370 : f32 to vector<1x2048xf32>
    %mul3A_372 = arith.mulf %mul3A_371, %slice3A_369 : vector<1x2048xf32>
    %add3A_373 = arith.addf %get3A_46, %mul3A_372 : vector<1x2048xf32>
    %mul3A_374 = arith.constant 2.300000e+01 : f32
    %mul3A_375 = vector.broadcast %mul3A_374 : f32 to vector<1x2048xf32>
    %mul3A_376 = arith.mulf %add3A_373, %mul3A_375 : vector<1x2048xf32>
    %sub3A_377 = vector.broadcast %convert_element_type3A_47 : vector<24x1xf32> to vector<24x2048xf32>
    %sub3A_378 = vector.broadcast %mul3A_368 : vector<1x2048xf32> to vector<24x2048xf32>
    %sub3A_379 = arith.subf %sub3A_377, %sub3A_378 : vector<24x2048xf32>
    %abs3A_380 = math.absf %sub3A_379 : vector<24x2048xf32>
    %sub3A_381 = arith.constant 1.000000e+00 : f32
    %sub3A_382 = vector.broadcast %sub3A_381 : f32 to vector<24x2048xf32>
    %sub3A_383 = arith.subf %sub3A_382, %abs3A_380 : vector<24x2048xf32>
    %max3A_384 = arith.constant 0.000000e+00 : f32
    %max3A_385 = vector.broadcast %max3A_384 : f32 to vector<24x2048xf32>
    %max3A_386 = arith.maximumf %sub3A_383, %max3A_385 : vector<24x2048xf32>
    %sub3A_387 = vector.broadcast %convert_element_type3A_47 : vector<24x1xf32> to vector<24x2048xf32>
    %sub3A_388 = vector.broadcast %mul3A_376 : vector<1x2048xf32> to vector<24x2048xf32>
    %sub3A_389 = arith.subf %sub3A_387, %sub3A_388 : vector<24x2048xf32>
    %abs3A_390 = math.absf %sub3A_389 : vector<24x2048xf32>
    %sub3A_391 = arith.constant 1.000000e+00 : f32
    %sub3A_392 = vector.broadcast %sub3A_391 : f32 to vector<24x2048xf32>
    %sub3A_393 = arith.subf %sub3A_392, %abs3A_390 : vector<24x2048xf32>
    %max3A_394 = arith.constant 0.000000e+00 : f32
    %max3A_395 = vector.broadcast %max3A_394 : f32 to vector<24x2048xf32>
    %max3A_396 = arith.maximumf %sub3A_393, %max3A_395 : vector<24x2048xf32>
    %slice3A_397 = vector.extract_strided_slice %div3A_36 {offsets = [7, 0], sizes = [1, 2048], strides = [1, 1]} : vector<16x2048xf32> to vector<1x2048xf32>
    %mul3A_398 = vector.broadcast %slice3A_397 : vector<1x2048xf32> to vector<24x2048xf32>
    %mul3A_399 = arith.mulf %mul3A_398, %max3A_386 : vector<24x2048xf32>
    %broadcast_in_dim3A_400 = vector.shape_cast %mul3A_399 : vector<24x2048xf32> to vector<1x24x2048xf32>
    %broadcast_in_dim3A_401 = vector.shape_cast %max3A_396 : vector<24x2048xf32> to vector<24x1x2048xf32>
    %mul3A_402 = vector.broadcast %broadcast_in_dim3A_400 : vector<1x24x2048xf32> to vector<24x24x2048xf32>
    %mul3A_403 = vector.broadcast %broadcast_in_dim3A_401 : vector<24x1x2048xf32> to vector<24x24x2048xf32>
    %mul3A_404 = arith.mulf %mul3A_402, %mul3A_403 : vector<24x24x2048xf32>
    %add3A_405 = arith.addf %add3A_360, %mul3A_404 : vector<24x24x2048xf32>
    %slice3A_406 = vector.extract_strided_slice %add3A_17 {offsets = [16, 0], sizes = [1, 2048], strides = [1, 1]} : vector<32x2048xf32> to vector<1x2048xf32>
    %mul3A_407 = arith.constant 8.000000e-02 : f32
    %mul3A_408 = vector.broadcast %mul3A_407 : f32 to vector<1x2048xf32>
    %mul3A_409 = arith.mulf %mul3A_408, %slice3A_406 : vector<1x2048xf32>
    %add3A_410 = arith.addf %get3A_41, %mul3A_409 : vector<1x2048xf32>
    %mul3A_411 = arith.constant 2.300000e+01 : f32
    %mul3A_412 = vector.broadcast %mul3A_411 : f32 to vector<1x2048xf32>
    %mul3A_413 = arith.mulf %add3A_410, %mul3A_412 : vector<1x2048xf32>
    %slice3A_414 = vector.extract_strided_slice %add3A_17 {offsets = [17, 0], sizes = [1, 2048], strides = [1, 1]} : vector<32x2048xf32> to vector<1x2048xf32>
    %mul3A_415 = arith.constant 8.000000e-02 : f32
    %mul3A_416 = vector.broadcast %mul3A_415 : f32 to vector<1x2048xf32>
    %mul3A_417 = arith.mulf %mul3A_416, %slice3A_414 : vector<1x2048xf32>
    %add3A_418 = arith.addf %get3A_46, %mul3A_417 : vector<1x2048xf32>
    %mul3A_419 = arith.constant 2.300000e+01 : f32
    %mul3A_420 = vector.broadcast %mul3A_419 : f32 to vector<1x2048xf32>
    %mul3A_421 = arith.mulf %add3A_418, %mul3A_420 : vector<1x2048xf32>
    %sub3A_422 = vector.broadcast %convert_element_type3A_47 : vector<24x1xf32> to vector<24x2048xf32>
    %sub3A_423 = vector.broadcast %mul3A_413 : vector<1x2048xf32> to vector<24x2048xf32>
    %sub3A_424 = arith.subf %sub3A_422, %sub3A_423 : vector<24x2048xf32>
    %abs3A_425 = math.absf %sub3A_424 : vector<24x2048xf32>
    %sub3A_426 = arith.constant 1.000000e+00 : f32
    %sub3A_427 = vector.broadcast %sub3A_426 : f32 to vector<24x2048xf32>
    %sub3A_428 = arith.subf %sub3A_427, %abs3A_425 : vector<24x2048xf32>
    %max3A_429 = arith.constant 0.000000e+00 : f32
    %max3A_430 = vector.broadcast %max3A_429 : f32 to vector<24x2048xf32>
    %max3A_431 = arith.maximumf %sub3A_428, %max3A_430 : vector<24x2048xf32>
    %sub3A_432 = vector.broadcast %convert_element_type3A_47 : vector<24x1xf32> to vector<24x2048xf32>
    %sub3A_433 = vector.broadcast %mul3A_421 : vector<1x2048xf32> to vector<24x2048xf32>
    %sub3A_434 = arith.subf %sub3A_432, %sub3A_433 : vector<24x2048xf32>
    %abs3A_435 = math.absf %sub3A_434 : vector<24x2048xf32>
    %sub3A_436 = arith.constant 1.000000e+00 : f32
    %sub3A_437 = vector.broadcast %sub3A_436 : f32 to vector<24x2048xf32>
    %sub3A_438 = arith.subf %sub3A_437, %abs3A_435 : vector<24x2048xf32>
    %max3A_439 = arith.constant 0.000000e+00 : f32
    %max3A_440 = vector.broadcast %max3A_439 : f32 to vector<24x2048xf32>
    %max3A_441 = arith.maximumf %sub3A_438, %max3A_440 : vector<24x2048xf32>
    %slice3A_442 = vector.extract_strided_slice %div3A_36 {offsets = [8, 0], sizes = [1, 2048], strides = [1, 1]} : vector<16x2048xf32> to vector<1x2048xf32>
    %mul3A_443 = vector.broadcast %slice3A_442 : vector<1x2048xf32> to vector<24x2048xf32>
    %mul3A_444 = arith.mulf %mul3A_443, %max3A_431 : vector<24x2048xf32>
    %broadcast_in_dim3A_445 = vector.shape_cast %mul3A_444 : vector<24x2048xf32> to vector<1x24x2048xf32>
    %broadcast_in_dim3A_446 = vector.shape_cast %max3A_441 : vector<24x2048xf32> to vector<24x1x2048xf32>
    %mul3A_447 = vector.broadcast %broadcast_in_dim3A_445 : vector<1x24x2048xf32> to vector<24x24x2048xf32>
    %mul3A_448 = vector.broadcast %broadcast_in_dim3A_446 : vector<24x1x2048xf32> to vector<24x24x2048xf32>
    %mul3A_449 = arith.mulf %mul3A_447, %mul3A_448 : vector<24x24x2048xf32>
    %add3A_450 = arith.addf %add3A_405, %mul3A_449 : vector<24x24x2048xf32>
    %slice3A_451 = vector.extract_strided_slice %add3A_17 {offsets = [18, 0], sizes = [1, 2048], strides = [1, 1]} : vector<32x2048xf32> to vector<1x2048xf32>
    %mul3A_452 = arith.constant 8.000000e-02 : f32
    %mul3A_453 = vector.broadcast %mul3A_452 : f32 to vector<1x2048xf32>
    %mul3A_454 = arith.mulf %mul3A_453, %slice3A_451 : vector<1x2048xf32>
    %add3A_455 = arith.addf %get3A_41, %mul3A_454 : vector<1x2048xf32>
    %mul3A_456 = arith.constant 2.300000e+01 : f32
    %mul3A_457 = vector.broadcast %mul3A_456 : f32 to vector<1x2048xf32>
    %mul3A_458 = arith.mulf %add3A_455, %mul3A_457 : vector<1x2048xf32>
    %slice3A_459 = vector.extract_strided_slice %add3A_17 {offsets = [19, 0], sizes = [1, 2048], strides = [1, 1]} : vector<32x2048xf32> to vector<1x2048xf32>
    %mul3A_460 = arith.constant 8.000000e-02 : f32
    %mul3A_461 = vector.broadcast %mul3A_460 : f32 to vector<1x2048xf32>
    %mul3A_462 = arith.mulf %mul3A_461, %slice3A_459 : vector<1x2048xf32>
    %add3A_463 = arith.addf %get3A_46, %mul3A_462 : vector<1x2048xf32>
    %mul3A_464 = arith.constant 2.300000e+01 : f32
    %mul3A_465 = vector.broadcast %mul3A_464 : f32 to vector<1x2048xf32>
    %mul3A_466 = arith.mulf %add3A_463, %mul3A_465 : vector<1x2048xf32>
    %sub3A_467 = vector.broadcast %convert_element_type3A_47 : vector<24x1xf32> to vector<24x2048xf32>
    %sub3A_468 = vector.broadcast %mul3A_458 : vector<1x2048xf32> to vector<24x2048xf32>
    %sub3A_469 = arith.subf %sub3A_467, %sub3A_468 : vector<24x2048xf32>
    %abs3A_470 = math.absf %sub3A_469 : vector<24x2048xf32>
    %sub3A_471 = arith.constant 1.000000e+00 : f32
    %sub3A_472 = vector.broadcast %sub3A_471 : f32 to vector<24x2048xf32>
    %sub3A_473 = arith.subf %sub3A_472, %abs3A_470 : vector<24x2048xf32>
    %max3A_474 = arith.constant 0.000000e+00 : f32
    %max3A_475 = vector.broadcast %max3A_474 : f32 to vector<24x2048xf32>
    %max3A_476 = arith.maximumf %sub3A_473, %max3A_475 : vector<24x2048xf32>
    %sub3A_477 = vector.broadcast %convert_element_type3A_47 : vector<24x1xf32> to vector<24x2048xf32>
    %sub3A_478 = vector.broadcast %mul3A_466 : vector<1x2048xf32> to vector<24x2048xf32>
    %sub3A_479 = arith.subf %sub3A_477, %sub3A_478 : vector<24x2048xf32>
    %abs3A_480 = math.absf %sub3A_479 : vector<24x2048xf32>
    %sub3A_481 = arith.constant 1.000000e+00 : f32
    %sub3A_482 = vector.broadcast %sub3A_481 : f32 to vector<24x2048xf32>
    %sub3A_483 = arith.subf %sub3A_482, %abs3A_480 : vector<24x2048xf32>
    %max3A_484 = arith.constant 0.000000e+00 : f32
    %max3A_485 = vector.broadcast %max3A_484 : f32 to vector<24x2048xf32>
    %max3A_486 = arith.maximumf %sub3A_483, %max3A_485 : vector<24x2048xf32>
    %slice3A_487 = vector.extract_strided_slice %div3A_36 {offsets = [9, 0], sizes = [1, 2048], strides = [1, 1]} : vector<16x2048xf32> to vector<1x2048xf32>
    %mul3A_488 = vector.broadcast %slice3A_487 : vector<1x2048xf32> to vector<24x2048xf32>
    %mul3A_489 = arith.mulf %mul3A_488, %max3A_476 : vector<24x2048xf32>
    %broadcast_in_dim3A_490 = vector.shape_cast %mul3A_489 : vector<24x2048xf32> to vector<1x24x2048xf32>
    %broadcast_in_dim3A_491 = vector.shape_cast %max3A_486 : vector<24x2048xf32> to vector<24x1x2048xf32>
    %mul3A_492 = vector.broadcast %broadcast_in_dim3A_490 : vector<1x24x2048xf32> to vector<24x24x2048xf32>
    %mul3A_493 = vector.broadcast %broadcast_in_dim3A_491 : vector<24x1x2048xf32> to vector<24x24x2048xf32>
    %mul3A_494 = arith.mulf %mul3A_492, %mul3A_493 : vector<24x24x2048xf32>
    %add3A_495 = arith.addf %add3A_450, %mul3A_494 : vector<24x24x2048xf32>
    %slice3A_496 = vector.extract_strided_slice %add3A_17 {offsets = [20, 0], sizes = [1, 2048], strides = [1, 1]} : vector<32x2048xf32> to vector<1x2048xf32>
    %mul3A_497 = arith.constant 8.000000e-02 : f32
    %mul3A_498 = vector.broadcast %mul3A_497 : f32 to vector<1x2048xf32>
    %mul3A_499 = arith.mulf %mul3A_498, %slice3A_496 : vector<1x2048xf32>
    %add3A_500 = arith.addf %get3A_41, %mul3A_499 : vector<1x2048xf32>
    %mul3A_501 = arith.constant 2.300000e+01 : f32
    %mul3A_502 = vector.broadcast %mul3A_501 : f32 to vector<1x2048xf32>
    %mul3A_503 = arith.mulf %add3A_500, %mul3A_502 : vector<1x2048xf32>
    %slice3A_504 = vector.extract_strided_slice %add3A_17 {offsets = [21, 0], sizes = [1, 2048], strides = [1, 1]} : vector<32x2048xf32> to vector<1x2048xf32>
    %mul3A_505 = arith.constant 8.000000e-02 : f32
    %mul3A_506 = vector.broadcast %mul3A_505 : f32 to vector<1x2048xf32>
    %mul3A_507 = arith.mulf %mul3A_506, %slice3A_504 : vector<1x2048xf32>
    %add3A_508 = arith.addf %get3A_46, %mul3A_507 : vector<1x2048xf32>
    %mul3A_509 = arith.constant 2.300000e+01 : f32
    %mul3A_510 = vector.broadcast %mul3A_509 : f32 to vector<1x2048xf32>
    %mul3A_511 = arith.mulf %add3A_508, %mul3A_510 : vector<1x2048xf32>
    %sub3A_512 = vector.broadcast %convert_element_type3A_47 : vector<24x1xf32> to vector<24x2048xf32>
    %sub3A_513 = vector.broadcast %mul3A_503 : vector<1x2048xf32> to vector<24x2048xf32>
    %sub3A_514 = arith.subf %sub3A_512, %sub3A_513 : vector<24x2048xf32>
    %abs3A_515 = math.absf %sub3A_514 : vector<24x2048xf32>
    %sub3A_516 = arith.constant 1.000000e+00 : f32
    %sub3A_517 = vector.broadcast %sub3A_516 : f32 to vector<24x2048xf32>
    %sub3A_518 = arith.subf %sub3A_517, %abs3A_515 : vector<24x2048xf32>
    %max3A_519 = arith.constant 0.000000e+00 : f32
    %max3A_520 = vector.broadcast %max3A_519 : f32 to vector<24x2048xf32>
    %max3A_521 = arith.maximumf %sub3A_518, %max3A_520 : vector<24x2048xf32>
    %sub3A_522 = vector.broadcast %convert_element_type3A_47 : vector<24x1xf32> to vector<24x2048xf32>
    %sub3A_523 = vector.broadcast %mul3A_511 : vector<1x2048xf32> to vector<24x2048xf32>
    %sub3A_524 = arith.subf %sub3A_522, %sub3A_523 : vector<24x2048xf32>
    %abs3A_525 = math.absf %sub3A_524 : vector<24x2048xf32>
    %sub3A_526 = arith.constant 1.000000e+00 : f32
    %sub3A_527 = vector.broadcast %sub3A_526 : f32 to vector<24x2048xf32>
    %sub3A_528 = arith.subf %sub3A_527, %abs3A_525 : vector<24x2048xf32>
    %max3A_529 = arith.constant 0.000000e+00 : f32
    %max3A_530 = vector.broadcast %max3A_529 : f32 to vector<24x2048xf32>
    %max3A_531 = arith.maximumf %sub3A_528, %max3A_530 : vector<24x2048xf32>
    %slice3A_532 = vector.extract_strided_slice %div3A_36 {offsets = [10, 0], sizes = [1, 2048], strides = [1, 1]} : vector<16x2048xf32> to vector<1x2048xf32>
    %mul3A_533 = vector.broadcast %slice3A_532 : vector<1x2048xf32> to vector<24x2048xf32>
    %mul3A_534 = arith.mulf %mul3A_533, %max3A_521 : vector<24x2048xf32>
    %broadcast_in_dim3A_535 = vector.shape_cast %mul3A_534 : vector<24x2048xf32> to vector<1x24x2048xf32>
    %broadcast_in_dim3A_536 = vector.shape_cast %max3A_531 : vector<24x2048xf32> to vector<24x1x2048xf32>
    %mul3A_537 = vector.broadcast %broadcast_in_dim3A_535 : vector<1x24x2048xf32> to vector<24x24x2048xf32>
    %mul3A_538 = vector.broadcast %broadcast_in_dim3A_536 : vector<24x1x2048xf32> to vector<24x24x2048xf32>
    %mul3A_539 = arith.mulf %mul3A_537, %mul3A_538 : vector<24x24x2048xf32>
    %add3A_540 = arith.addf %add3A_495, %mul3A_539 : vector<24x24x2048xf32>
    %slice3A_541 = vector.extract_strided_slice %add3A_17 {offsets = [22, 0], sizes = [1, 2048], strides = [1, 1]} : vector<32x2048xf32> to vector<1x2048xf32>
    %mul3A_542 = arith.constant 8.000000e-02 : f32
    %mul3A_543 = vector.broadcast %mul3A_542 : f32 to vector<1x2048xf32>
    %mul3A_544 = arith.mulf %mul3A_543, %slice3A_541 : vector<1x2048xf32>
    %add3A_545 = arith.addf %get3A_41, %mul3A_544 : vector<1x2048xf32>
    %mul3A_546 = arith.constant 2.300000e+01 : f32
    %mul3A_547 = vector.broadcast %mul3A_546 : f32 to vector<1x2048xf32>
    %mul3A_548 = arith.mulf %add3A_545, %mul3A_547 : vector<1x2048xf32>
    %slice3A_549 = vector.extract_strided_slice %add3A_17 {offsets = [23, 0], sizes = [1, 2048], strides = [1, 1]} : vector<32x2048xf32> to vector<1x2048xf32>
    %mul3A_550 = arith.constant 8.000000e-02 : f32
    %mul3A_551 = vector.broadcast %mul3A_550 : f32 to vector<1x2048xf32>
    %mul3A_552 = arith.mulf %mul3A_551, %slice3A_549 : vector<1x2048xf32>
    %add3A_553 = arith.addf %get3A_46, %mul3A_552 : vector<1x2048xf32>
    %mul3A_554 = arith.constant 2.300000e+01 : f32
    %mul3A_555 = vector.broadcast %mul3A_554 : f32 to vector<1x2048xf32>
    %mul3A_556 = arith.mulf %add3A_553, %mul3A_555 : vector<1x2048xf32>
    %sub3A_557 = vector.broadcast %convert_element_type3A_47 : vector<24x1xf32> to vector<24x2048xf32>
    %sub3A_558 = vector.broadcast %mul3A_548 : vector<1x2048xf32> to vector<24x2048xf32>
    %sub3A_559 = arith.subf %sub3A_557, %sub3A_558 : vector<24x2048xf32>
    %abs3A_560 = math.absf %sub3A_559 : vector<24x2048xf32>
    %sub3A_561 = arith.constant 1.000000e+00 : f32
    %sub3A_562 = vector.broadcast %sub3A_561 : f32 to vector<24x2048xf32>
    %sub3A_563 = arith.subf %sub3A_562, %abs3A_560 : vector<24x2048xf32>
    %max3A_564 = arith.constant 0.000000e+00 : f32
    %max3A_565 = vector.broadcast %max3A_564 : f32 to vector<24x2048xf32>
    %max3A_566 = arith.maximumf %sub3A_563, %max3A_565 : vector<24x2048xf32>
    %sub3A_567 = vector.broadcast %convert_element_type3A_47 : vector<24x1xf32> to vector<24x2048xf32>
    %sub3A_568 = vector.broadcast %mul3A_556 : vector<1x2048xf32> to vector<24x2048xf32>
    %sub3A_569 = arith.subf %sub3A_567, %sub3A_568 : vector<24x2048xf32>
    %abs3A_570 = math.absf %sub3A_569 : vector<24x2048xf32>
    %sub3A_571 = arith.constant 1.000000e+00 : f32
    %sub3A_572 = vector.broadcast %sub3A_571 : f32 to vector<24x2048xf32>
    %sub3A_573 = arith.subf %sub3A_572, %abs3A_570 : vector<24x2048xf32>
    %max3A_574 = arith.constant 0.000000e+00 : f32
    %max3A_575 = vector.broadcast %max3A_574 : f32 to vector<24x2048xf32>
    %max3A_576 = arith.maximumf %sub3A_573, %max3A_575 : vector<24x2048xf32>
    %slice3A_577 = vector.extract_strided_slice %div3A_36 {offsets = [11, 0], sizes = [1, 2048], strides = [1, 1]} : vector<16x2048xf32> to vector<1x2048xf32>
    %mul3A_578 = vector.broadcast %slice3A_577 : vector<1x2048xf32> to vector<24x2048xf32>
    %mul3A_579 = arith.mulf %mul3A_578, %max3A_566 : vector<24x2048xf32>
    %broadcast_in_dim3A_580 = vector.shape_cast %mul3A_579 : vector<24x2048xf32> to vector<1x24x2048xf32>
    %broadcast_in_dim3A_581 = vector.shape_cast %max3A_576 : vector<24x2048xf32> to vector<24x1x2048xf32>
    %mul3A_582 = vector.broadcast %broadcast_in_dim3A_580 : vector<1x24x2048xf32> to vector<24x24x2048xf32>
    %mul3A_583 = vector.broadcast %broadcast_in_dim3A_581 : vector<24x1x2048xf32> to vector<24x24x2048xf32>
    %mul3A_584 = arith.mulf %mul3A_582, %mul3A_583 : vector<24x24x2048xf32>
    %add3A_585 = arith.addf %add3A_540, %mul3A_584 : vector<24x24x2048xf32>
    %slice3A_586 = vector.extract_strided_slice %add3A_17 {offsets = [24, 0], sizes = [1, 2048], strides = [1, 1]} : vector<32x2048xf32> to vector<1x2048xf32>
    %mul3A_587 = arith.constant 8.000000e-02 : f32
    %mul3A_588 = vector.broadcast %mul3A_587 : f32 to vector<1x2048xf32>
    %mul3A_589 = arith.mulf %mul3A_588, %slice3A_586 : vector<1x2048xf32>
    %add3A_590 = arith.addf %get3A_41, %mul3A_589 : vector<1x2048xf32>
    %mul3A_591 = arith.constant 2.300000e+01 : f32
    %mul3A_592 = vector.broadcast %mul3A_591 : f32 to vector<1x2048xf32>
    %mul3A_593 = arith.mulf %add3A_590, %mul3A_592 : vector<1x2048xf32>
    %slice3A_594 = vector.extract_strided_slice %add3A_17 {offsets = [25, 0], sizes = [1, 2048], strides = [1, 1]} : vector<32x2048xf32> to vector<1x2048xf32>
    %mul3A_595 = arith.constant 8.000000e-02 : f32
    %mul3A_596 = vector.broadcast %mul3A_595 : f32 to vector<1x2048xf32>
    %mul3A_597 = arith.mulf %mul3A_596, %slice3A_594 : vector<1x2048xf32>
    %add3A_598 = arith.addf %get3A_46, %mul3A_597 : vector<1x2048xf32>
    %mul3A_599 = arith.constant 2.300000e+01 : f32
    %mul3A_600 = vector.broadcast %mul3A_599 : f32 to vector<1x2048xf32>
    %mul3A_601 = arith.mulf %add3A_598, %mul3A_600 : vector<1x2048xf32>
    %sub3A_602 = vector.broadcast %convert_element_type3A_47 : vector<24x1xf32> to vector<24x2048xf32>
    %sub3A_603 = vector.broadcast %mul3A_593 : vector<1x2048xf32> to vector<24x2048xf32>
    %sub3A_604 = arith.subf %sub3A_602, %sub3A_603 : vector<24x2048xf32>
    %abs3A_605 = math.absf %sub3A_604 : vector<24x2048xf32>
    %sub3A_606 = arith.constant 1.000000e+00 : f32
    %sub3A_607 = vector.broadcast %sub3A_606 : f32 to vector<24x2048xf32>
    %sub3A_608 = arith.subf %sub3A_607, %abs3A_605 : vector<24x2048xf32>
    %max3A_609 = arith.constant 0.000000e+00 : f32
    %max3A_610 = vector.broadcast %max3A_609 : f32 to vector<24x2048xf32>
    %max3A_611 = arith.maximumf %sub3A_608, %max3A_610 : vector<24x2048xf32>
    %sub3A_612 = vector.broadcast %convert_element_type3A_47 : vector<24x1xf32> to vector<24x2048xf32>
    %sub3A_613 = vector.broadcast %mul3A_601 : vector<1x2048xf32> to vector<24x2048xf32>
    %sub3A_614 = arith.subf %sub3A_612, %sub3A_613 : vector<24x2048xf32>
    %abs3A_615 = math.absf %sub3A_614 : vector<24x2048xf32>
    %sub3A_616 = arith.constant 1.000000e+00 : f32
    %sub3A_617 = vector.broadcast %sub3A_616 : f32 to vector<24x2048xf32>
    %sub3A_618 = arith.subf %sub3A_617, %abs3A_615 : vector<24x2048xf32>
    %max3A_619 = arith.constant 0.000000e+00 : f32
    %max3A_620 = vector.broadcast %max3A_619 : f32 to vector<24x2048xf32>
    %max3A_621 = arith.maximumf %sub3A_618, %max3A_620 : vector<24x2048xf32>
    %slice3A_622 = vector.extract_strided_slice %div3A_36 {offsets = [12, 0], sizes = [1, 2048], strides = [1, 1]} : vector<16x2048xf32> to vector<1x2048xf32>
    %mul3A_623 = vector.broadcast %slice3A_622 : vector<1x2048xf32> to vector<24x2048xf32>
    %mul3A_624 = arith.mulf %mul3A_623, %max3A_611 : vector<24x2048xf32>
    %broadcast_in_dim3A_625 = vector.shape_cast %mul3A_624 : vector<24x2048xf32> to vector<1x24x2048xf32>
    %broadcast_in_dim3A_626 = vector.shape_cast %max3A_621 : vector<24x2048xf32> to vector<24x1x2048xf32>
    %mul3A_627 = vector.broadcast %broadcast_in_dim3A_625 : vector<1x24x2048xf32> to vector<24x24x2048xf32>
    %mul3A_628 = vector.broadcast %broadcast_in_dim3A_626 : vector<24x1x2048xf32> to vector<24x24x2048xf32>
    %mul3A_629 = arith.mulf %mul3A_627, %mul3A_628 : vector<24x24x2048xf32>
    %add3A_630 = arith.addf %add3A_585, %mul3A_629 : vector<24x24x2048xf32>
    %slice3A_631 = vector.extract_strided_slice %add3A_17 {offsets = [26, 0], sizes = [1, 2048], strides = [1, 1]} : vector<32x2048xf32> to vector<1x2048xf32>
    %mul3A_632 = arith.constant 8.000000e-02 : f32
    %mul3A_633 = vector.broadcast %mul3A_632 : f32 to vector<1x2048xf32>
    %mul3A_634 = arith.mulf %mul3A_633, %slice3A_631 : vector<1x2048xf32>
    %add3A_635 = arith.addf %get3A_41, %mul3A_634 : vector<1x2048xf32>
    %mul3A_636 = arith.constant 2.300000e+01 : f32
    %mul3A_637 = vector.broadcast %mul3A_636 : f32 to vector<1x2048xf32>
    %mul3A_638 = arith.mulf %add3A_635, %mul3A_637 : vector<1x2048xf32>
    %slice3A_639 = vector.extract_strided_slice %add3A_17 {offsets = [27, 0], sizes = [1, 2048], strides = [1, 1]} : vector<32x2048xf32> to vector<1x2048xf32>
    %mul3A_640 = arith.constant 8.000000e-02 : f32
    %mul3A_641 = vector.broadcast %mul3A_640 : f32 to vector<1x2048xf32>
    %mul3A_642 = arith.mulf %mul3A_641, %slice3A_639 : vector<1x2048xf32>
    %add3A_643 = arith.addf %get3A_46, %mul3A_642 : vector<1x2048xf32>
    %mul3A_644 = arith.constant 2.300000e+01 : f32
    %mul3A_645 = vector.broadcast %mul3A_644 : f32 to vector<1x2048xf32>
    %mul3A_646 = arith.mulf %add3A_643, %mul3A_645 : vector<1x2048xf32>
    %sub3A_647 = vector.broadcast %convert_element_type3A_47 : vector<24x1xf32> to vector<24x2048xf32>
    %sub3A_648 = vector.broadcast %mul3A_638 : vector<1x2048xf32> to vector<24x2048xf32>
    %sub3A_649 = arith.subf %sub3A_647, %sub3A_648 : vector<24x2048xf32>
    %abs3A_650 = math.absf %sub3A_649 : vector<24x2048xf32>
    %sub3A_651 = arith.constant 1.000000e+00 : f32
    %sub3A_652 = vector.broadcast %sub3A_651 : f32 to vector<24x2048xf32>
    %sub3A_653 = arith.subf %sub3A_652, %abs3A_650 : vector<24x2048xf32>
    %max3A_654 = arith.constant 0.000000e+00 : f32
    %max3A_655 = vector.broadcast %max3A_654 : f32 to vector<24x2048xf32>
    %max3A_656 = arith.maximumf %sub3A_653, %max3A_655 : vector<24x2048xf32>
    %sub3A_657 = vector.broadcast %convert_element_type3A_47 : vector<24x1xf32> to vector<24x2048xf32>
    %sub3A_658 = vector.broadcast %mul3A_646 : vector<1x2048xf32> to vector<24x2048xf32>
    %sub3A_659 = arith.subf %sub3A_657, %sub3A_658 : vector<24x2048xf32>
    %abs3A_660 = math.absf %sub3A_659 : vector<24x2048xf32>
    %sub3A_661 = arith.constant 1.000000e+00 : f32
    %sub3A_662 = vector.broadcast %sub3A_661 : f32 to vector<24x2048xf32>
    %sub3A_663 = arith.subf %sub3A_662, %abs3A_660 : vector<24x2048xf32>
    %max3A_664 = arith.constant 0.000000e+00 : f32
    %max3A_665 = vector.broadcast %max3A_664 : f32 to vector<24x2048xf32>
    %max3A_666 = arith.maximumf %sub3A_663, %max3A_665 : vector<24x2048xf32>
    %slice3A_667 = vector.extract_strided_slice %div3A_36 {offsets = [13, 0], sizes = [1, 2048], strides = [1, 1]} : vector<16x2048xf32> to vector<1x2048xf32>
    %mul3A_668 = vector.broadcast %slice3A_667 : vector<1x2048xf32> to vector<24x2048xf32>
    %mul3A_669 = arith.mulf %mul3A_668, %max3A_656 : vector<24x2048xf32>
    %broadcast_in_dim3A_670 = vector.shape_cast %mul3A_669 : vector<24x2048xf32> to vector<1x24x2048xf32>
    %broadcast_in_dim3A_671 = vector.shape_cast %max3A_666 : vector<24x2048xf32> to vector<24x1x2048xf32>
    %mul3A_672 = vector.broadcast %broadcast_in_dim3A_670 : vector<1x24x2048xf32> to vector<24x24x2048xf32>
    %mul3A_673 = vector.broadcast %broadcast_in_dim3A_671 : vector<24x1x2048xf32> to vector<24x24x2048xf32>
    %mul3A_674 = arith.mulf %mul3A_672, %mul3A_673 : vector<24x24x2048xf32>
    %add3A_675 = arith.addf %add3A_630, %mul3A_674 : vector<24x24x2048xf32>
    %slice3A_676 = vector.extract_strided_slice %add3A_17 {offsets = [28, 0], sizes = [1, 2048], strides = [1, 1]} : vector<32x2048xf32> to vector<1x2048xf32>
    %mul3A_677 = arith.constant 8.000000e-02 : f32
    %mul3A_678 = vector.broadcast %mul3A_677 : f32 to vector<1x2048xf32>
    %mul3A_679 = arith.mulf %mul3A_678, %slice3A_676 : vector<1x2048xf32>
    %add3A_680 = arith.addf %get3A_41, %mul3A_679 : vector<1x2048xf32>
    %mul3A_681 = arith.constant 2.300000e+01 : f32
    %mul3A_682 = vector.broadcast %mul3A_681 : f32 to vector<1x2048xf32>
    %mul3A_683 = arith.mulf %add3A_680, %mul3A_682 : vector<1x2048xf32>
    %slice3A_684 = vector.extract_strided_slice %add3A_17 {offsets = [29, 0], sizes = [1, 2048], strides = [1, 1]} : vector<32x2048xf32> to vector<1x2048xf32>
    %mul3A_685 = arith.constant 8.000000e-02 : f32
    %mul3A_686 = vector.broadcast %mul3A_685 : f32 to vector<1x2048xf32>
    %mul3A_687 = arith.mulf %mul3A_686, %slice3A_684 : vector<1x2048xf32>
    %add3A_688 = arith.addf %get3A_46, %mul3A_687 : vector<1x2048xf32>
    %mul3A_689 = arith.constant 2.300000e+01 : f32
    %mul3A_690 = vector.broadcast %mul3A_689 : f32 to vector<1x2048xf32>
    %mul3A_691 = arith.mulf %add3A_688, %mul3A_690 : vector<1x2048xf32>
    %sub3A_692 = vector.broadcast %convert_element_type3A_47 : vector<24x1xf32> to vector<24x2048xf32>
    %sub3A_693 = vector.broadcast %mul3A_683 : vector<1x2048xf32> to vector<24x2048xf32>
    %sub3A_694 = arith.subf %sub3A_692, %sub3A_693 : vector<24x2048xf32>
    %abs3A_695 = math.absf %sub3A_694 : vector<24x2048xf32>
    %sub3A_696 = arith.constant 1.000000e+00 : f32
    %sub3A_697 = vector.broadcast %sub3A_696 : f32 to vector<24x2048xf32>
    %sub3A_698 = arith.subf %sub3A_697, %abs3A_695 : vector<24x2048xf32>
    %max3A_699 = arith.constant 0.000000e+00 : f32
    %max3A_700 = vector.broadcast %max3A_699 : f32 to vector<24x2048xf32>
    %max3A_701 = arith.maximumf %sub3A_698, %max3A_700 : vector<24x2048xf32>
    %sub3A_702 = vector.broadcast %convert_element_type3A_47 : vector<24x1xf32> to vector<24x2048xf32>
    %sub3A_703 = vector.broadcast %mul3A_691 : vector<1x2048xf32> to vector<24x2048xf32>
    %sub3A_704 = arith.subf %sub3A_702, %sub3A_703 : vector<24x2048xf32>
    %abs3A_705 = math.absf %sub3A_704 : vector<24x2048xf32>
    %sub3A_706 = arith.constant 1.000000e+00 : f32
    %sub3A_707 = vector.broadcast %sub3A_706 : f32 to vector<24x2048xf32>
    %sub3A_708 = arith.subf %sub3A_707, %abs3A_705 : vector<24x2048xf32>
    %max3A_709 = arith.constant 0.000000e+00 : f32
    %max3A_710 = vector.broadcast %max3A_709 : f32 to vector<24x2048xf32>
    %max3A_711 = arith.maximumf %sub3A_708, %max3A_710 : vector<24x2048xf32>
    %slice3A_712 = vector.extract_strided_slice %div3A_36 {offsets = [14, 0], sizes = [1, 2048], strides = [1, 1]} : vector<16x2048xf32> to vector<1x2048xf32>
    %mul3A_713 = vector.broadcast %slice3A_712 : vector<1x2048xf32> to vector<24x2048xf32>
    %mul3A_714 = arith.mulf %mul3A_713, %max3A_701 : vector<24x2048xf32>
    %broadcast_in_dim3A_715 = vector.shape_cast %mul3A_714 : vector<24x2048xf32> to vector<1x24x2048xf32>
    %broadcast_in_dim3A_716 = vector.shape_cast %max3A_711 : vector<24x2048xf32> to vector<24x1x2048xf32>
    %mul3A_717 = vector.broadcast %broadcast_in_dim3A_715 : vector<1x24x2048xf32> to vector<24x24x2048xf32>
    %mul3A_718 = vector.broadcast %broadcast_in_dim3A_716 : vector<24x1x2048xf32> to vector<24x24x2048xf32>
    %mul3A_719 = arith.mulf %mul3A_717, %mul3A_718 : vector<24x24x2048xf32>
    %add3A_720 = arith.addf %add3A_675, %mul3A_719 : vector<24x24x2048xf32>
    %slice3A_721 = vector.extract_strided_slice %add3A_17 {offsets = [30, 0], sizes = [1, 2048], strides = [1, 1]} : vector<32x2048xf32> to vector<1x2048xf32>
    %mul3A_722 = arith.constant 8.000000e-02 : f32
    %mul3A_723 = vector.broadcast %mul3A_722 : f32 to vector<1x2048xf32>
    %mul3A_724 = arith.mulf %mul3A_723, %slice3A_721 : vector<1x2048xf32>
    %add3A_725 = arith.addf %get3A_41, %mul3A_724 : vector<1x2048xf32>
    %mul3A_726 = arith.constant 2.300000e+01 : f32
    %mul3A_727 = vector.broadcast %mul3A_726 : f32 to vector<1x2048xf32>
    %mul3A_728 = arith.mulf %add3A_725, %mul3A_727 : vector<1x2048xf32>
    %slice3A_729 = vector.extract_strided_slice %add3A_17 {offsets = [31, 0], sizes = [1, 2048], strides = [1, 1]} : vector<32x2048xf32> to vector<1x2048xf32>
    %mul3A_730 = arith.constant 8.000000e-02 : f32
    %mul3A_731 = vector.broadcast %mul3A_730 : f32 to vector<1x2048xf32>
    %mul3A_732 = arith.mulf %mul3A_731, %slice3A_729 : vector<1x2048xf32>
    %add3A_733 = arith.addf %get3A_46, %mul3A_732 : vector<1x2048xf32>
    %mul3A_734 = arith.constant 2.300000e+01 : f32
    %mul3A_735 = vector.broadcast %mul3A_734 : f32 to vector<1x2048xf32>
    %mul3A_736 = arith.mulf %add3A_733, %mul3A_735 : vector<1x2048xf32>
    %sub3A_737 = vector.broadcast %convert_element_type3A_47 : vector<24x1xf32> to vector<24x2048xf32>
    %sub3A_738 = vector.broadcast %mul3A_728 : vector<1x2048xf32> to vector<24x2048xf32>
    %sub3A_739 = arith.subf %sub3A_737, %sub3A_738 : vector<24x2048xf32>
    %abs3A_740 = math.absf %sub3A_739 : vector<24x2048xf32>
    %sub3A_741 = arith.constant 1.000000e+00 : f32
    %sub3A_742 = vector.broadcast %sub3A_741 : f32 to vector<24x2048xf32>
    %sub3A_743 = arith.subf %sub3A_742, %abs3A_740 : vector<24x2048xf32>
    %max3A_744 = arith.constant 0.000000e+00 : f32
    %max3A_745 = vector.broadcast %max3A_744 : f32 to vector<24x2048xf32>
    %max3A_746 = arith.maximumf %sub3A_743, %max3A_745 : vector<24x2048xf32>
    %sub3A_747 = vector.broadcast %convert_element_type3A_47 : vector<24x1xf32> to vector<24x2048xf32>
    %sub3A_748 = vector.broadcast %mul3A_736 : vector<1x2048xf32> to vector<24x2048xf32>
    %sub3A_749 = arith.subf %sub3A_747, %sub3A_748 : vector<24x2048xf32>
    %abs3A_750 = math.absf %sub3A_749 : vector<24x2048xf32>
    %sub3A_751 = arith.constant 1.000000e+00 : f32
    %sub3A_752 = vector.broadcast %sub3A_751 : f32 to vector<24x2048xf32>
    %sub3A_753 = arith.subf %sub3A_752, %abs3A_750 : vector<24x2048xf32>
    %max3A_754 = arith.constant 0.000000e+00 : f32
    %max3A_755 = vector.broadcast %max3A_754 : f32 to vector<24x2048xf32>
    %max3A_756 = arith.maximumf %sub3A_753, %max3A_755 : vector<24x2048xf32>
    %slice3A_757 = vector.extract_strided_slice %div3A_36 {offsets = [15, 0], sizes = [1, 2048], strides = [1, 1]} : vector<16x2048xf32> to vector<1x2048xf32>
    %mul3A_758 = vector.broadcast %slice3A_757 : vector<1x2048xf32> to vector<24x2048xf32>
    %mul3A_759 = arith.mulf %mul3A_758, %max3A_746 : vector<24x2048xf32>
    %broadcast_in_dim3A_760 = vector.shape_cast %mul3A_759 : vector<24x2048xf32> to vector<1x24x2048xf32>
    %broadcast_in_dim3A_761 = vector.shape_cast %max3A_756 : vector<24x2048xf32> to vector<24x1x2048xf32>
    %mul3A_762 = vector.broadcast %broadcast_in_dim3A_760 : vector<1x24x2048xf32> to vector<24x24x2048xf32>
    %mul3A_763 = vector.broadcast %broadcast_in_dim3A_761 : vector<24x1x2048xf32> to vector<24x24x2048xf32>
    %mul3A_764 = arith.mulf %mul3A_762, %mul3A_763 : vector<24x24x2048xf32>
    %add3A_765 = arith.addf %add3A_720, %mul3A_764 : vector<24x24x2048xf32>
    %reshape3A = vector.shape_cast %add3A_765 : vector<24x24x2048xf32> to vector<576x2048xf32>
    %get3A_766 = arith.index_cast %arg2 : i32 to index
    %get3A_767 = arith.constant 0 : index
    %get3A_768 = arith.constant 0 : index
    %get3A_769 = vector.load %arg14[%get3A_766, %get3A_767, %get3A_768] : memref<8x32x576xf32, #tpu.memory_space<vmem>>, vector<1x32x576xf32>
    %get3A_770 = vector.shape_cast %get3A_769 : vector<1x32x576xf32> to vector<32x576xf32>
    %dot_general3A_771 = arith.constant dense<0.000000e+00> : vector<32x2048xf32>
    %dot_general3A_772 = tpu.matmul %get3A_770, %reshape3A, %dot_general3A_771 {dimension_numbers = #tpu.dot_dimension_numbers<[1], [0], [0], [1], [0, 0, 1, 1], [], []>, transpose_lhs_hint = false} : vector<32x576xf32>, vector<576x2048xf32>, vector<32x2048xf32> -> vector<32x2048xf32>
    %get3A_773 = arith.constant 0 : index
    %get3A_774 = arith.constant 0 : index
    %get3A_775 = arith.constant 0 : index
    %get3A_776 = vector.load %arg11[%get3A_773, %get3A_774, %get3A_775] : memref<1x32x256xf32, #tpu.memory_space<vmem>>, vector<1x32x256xf32>
    %get3A_777 = vector.shape_cast %get3A_776 : vector<1x32x256xf32> to vector<32x256xf32>
    %dot_general3A_778 = arith.constant dense<0.000000e+00> : vector<2048x256xf32>
    %dot_general3A_779 = tpu.matmul %dot_general3A_772, %get3A_777, %dot_general3A_778 {dimension_numbers = #tpu.dot_dimension_numbers<[0], [0], [1], [1], [0, 1, 1, 1], [], []>, transpose_lhs_hint = false} : vector<32x2048xf32>, vector<32x256xf32>, vector<2048x256xf32> -> vector<2048x256xf32>
    %eq3A_780 = arith.constant 0 : i32
    %eq3A_781 = arith.cmpi eq, %arg2, %eq3A_780 : i32
    %convert_element_type3A_782 = arith.extui %eq3A_781 : i1 to i32
    %cond3A_783 = arith.constant 0 : i32
    %cond3A_784 = arith.cmpi ne, %convert_element_type3A_782, %cond3A_783 : i32
    scf.if %cond3A_784 {
      %get3A_789 = arith.constant 0 : index
      %get3A_790 = arith.constant 0 : index
      %get3A_791 = vector.load %arg12[%get3A_789, %get3A_790] : memref<1x256xf32, #tpu.memory_space<vmem>>, vector<1x256xf32>
      %add3A_792 = vector.broadcast %get3A_791 : vector<1x256xf32> to vector<2048x256xf32>
      %add3A_793 = arith.addf %dot_general3A_779, %add3A_792 : vector<2048x256xf32>
      %swap3A = arith.constant 0 : index
      %swap3A_794 = arith.constant 0 : index
      %swap3A_795 = arith.constant 0 : index
      %swap3A_796 = vector.load %arg13[%swap3A, %swap3A_794, %swap3A_795] : memref<1x2048x256xf32, #tpu.memory_space<vmem>>, vector<1x2048x256xf32>
      %swap3A_797 = vector.shape_cast %swap3A_796 : vector<1x2048x256xf32> to vector<2048x256xf32>
      %swap3A_798 = vector.shape_cast %add3A_793 : vector<2048x256xf32> to vector<1x2048x256xf32>
      tpu.vector_store %arg13[%swap3A, %swap3A_794, %swap3A_795], %swap3A_798 {strides = array<i32>} : memref<1x2048x256xf32, #tpu.memory_space<vmem>>, vector<1x2048x256xf32>,
    } else {
    }
    %ne3A = arith.constant 0 : i32
    %ne3A_785 = arith.cmpi ne, %arg2, %ne3A : i32
    %convert_element_type3A_786 = arith.extui %ne3A_785 : i1 to i32
    %cond3A_787 = arith.constant 0 : i32
    %cond3A_788 = arith.cmpi ne, %convert_element_type3A_786, %cond3A_787 : i32
    scf.if %cond3A_788 {
      %get3A_789 = arith.constant 0 : index
      %get3A_790 = arith.constant 0 : index
      %get3A_791 = arith.constant 0 : index
      %get3A_792 = vector.load %arg13[%get3A_789, %get3A_790, %get3A_791] : memref<1x2048x256xf32, #tpu.memory_space<vmem>>, vector<1x2048x256xf32>
      %get3A_793 = vector.shape_cast %get3A_792 : vector<1x2048x256xf32> to vector<2048x256xf32>
      %add3A_794 = arith.addf %get3A_793, %dot_general3A_779 : vector<2048x256xf32>
      %swap3A = arith.constant 0 : index
      %swap3A_795 = arith.constant 0 : index
      %swap3A_796 = arith.constant 0 : index
      %swap3A_797 = vector.load %arg13[%swap3A, %swap3A_795, %swap3A_796] : memref<1x2048x256xf32, #tpu.memory_space<vmem>>, vector<1x2048x256xf32>
      %swap3A_798 = vector.shape_cast %swap3A_797 : vector<1x2048x256xf32> to vector<2048x256xf32>
      %swap3A_799 = vector.shape_cast %add3A_794 : vector<2048x256xf32> to vector<1x2048x256xf32>
      tpu.vector_store %arg13[%swap3A, %swap3A_795, %swap3A_796], %swap3A_799 {strides = array<i32>} : memref<1x2048x256xf32, #tpu.memory_space<vmem>>, vector<1x2048x256xf32>,
    } else {
    }
    return
  }
  func.func @transform_0(%arg0: i32, %arg1: i32, %arg2: i32) -> (i32, i32, i32) {
    %c0_i32 = arith.constant 0 : i32
    %c0_i32_0 = arith.constant 0 : i32
    return %arg0, %arg1, %c0_i32 : i32, i32, i32
  }
  func.func @transform_1(%arg0: i32, %arg1: i32, %arg2: i32) -> (i32, i32, i32) {
    %c0_i32 = arith.constant 0 : i32
    %c0_i32_0 = arith.constant 0 : i32
    %c0_i32_1 = arith.constant 0 : i32
    return %arg0, %c0_i32, %c0_i32_0 : i32, i32, i32
  }
  func.func @transform_2(%arg0: i32, %arg1: i32, %arg2: i32) -> (i32, i32, i32) {
    %c0_i32 = arith.constant 0 : i32
    %c0_i32_0 = arith.constant 0 : i32
    return %arg0, %c0_i32, %arg1 : i32, i32, i32
  }
  func.func @transform_3(%arg0: i32, %arg1: i32, %arg2: i32) -> (i32, i32, i32) {
    %c0_i32 = arith.constant 0 : i32
    %c0_i32_0 = arith.constant 0 : i32
    %c0_i32_1 = arith.constant 0 : i32
    return %arg2, %c0_i32, %c0_i32_0 : i32, i32, i32
  }
  func.func @transform_4(%arg0: i32, %arg1: i32, %arg2: i32) -> (i32, i32, i32) {
    %c0_i32 = arith.constant 0 : i32
    %c0_i32_0 = arith.constant 0 : i32
    %c0_i32_1 = arith.constant 0 : i32
    return %arg2, %c0_i32, %c0_i32_0 : i32, i32, i32
  }
  func.func @transform_5(%arg0: i32, %arg1: i32, %arg2: i32) -> (i32, i32, i32) {
    %c0_i32 = arith.constant 0 : i32
    %c0_i32_0 = arith.constant 0 : i32
    %c0_i32_1 = arith.constant 0 : i32
    return %arg2, %c0_i32, %c0_i32_0 : i32, i32, i32
  }
  func.func @transform_6(%arg0: i32, %arg1: i32, %arg2: i32) -> (i32, i32, i32) {
    %c0_i32 = arith.constant 0 : i32
    %c0_i32_0 = arith.constant 0 : i32
    %c0_i32_1 = arith.constant 0 : i32
    return %arg2, %c0_i32, %c0_i32_0 : i32, i32, i32
  }
  func.func @transform_7(%arg0: i32, %arg1: i32, %arg2: i32) -> (i32, i32, i32) {
    %c0_i32 = arith.constant 0 : i32
    %c0_i32_0 = arith.constant 0 : i32
    %c0_i32_1 = arith.constant 0 : i32
    return %arg2, %c0_i32, %c0_i32_0 : i32, i32, i32
  }
  func.func @transform_8(%arg0: i32, %arg1: i32, %arg2: i32) -> (i32, i32, i32) {
    %c0_i32 = arith.constant 0 : i32
    %c0_i32_0 = arith.constant 0 : i32
    %c0_i32_1 = arith.constant 0 : i32
    return %arg2, %c0_i32, %c0_i32_0 : i32, i32, i32
  }
  func.func @transform_9(%arg0: i32, %arg1: i32, %arg2: i32) -> (i32, i32) {
    %c0_i32 = arith.constant 0 : i32
    %c0_i32_0 = arith.constant 0 : i32
    %c0_i32_1 = arith.constant 0 : i32
    return %c0_i32, %c0_i32_0 : i32, i32
  }
  func.func @transform_10(%arg0: i32, %arg1: i32, %arg2: i32) -> (i32, i32, i32) {
    %c0_i32 = arith.constant 0 : i32
    %c0_i32_0 = arith.constant 0 : i32
    return %arg0, %arg1, %c0_i32 : i32, i32, i32
  }
}

module attributes {stable_mosaic.version = 14 : i64} {
  func.func @_out_body(%arg0: i32, %arg1: i32, %arg2: i32, %arg3: memref<1x32x512xf32, #tpu.memory_space<vmem>>, %arg4: memref<1x32x256xf32, #tpu.memory_space<vmem>>, %arg5: memref<1x256xf32, #tpu.memory_space<vmem>>, %arg6: memref<1x512x256xf32, #tpu.memory_space<vmem>>) attributes {dimension_semantics = [#tpu.dimension_semantics<arbitrary>, #tpu.dimension_semantics<arbitrary>, #tpu.dimension_semantics<arbitrary>], iteration_bounds = array<i64: 4, 4, 8>, scalar_prefetch = 0 : i64, scratch_operands = 0 : i64, tpu.core_type = #tpu.core_type<tc>, window_params = [{transform_indices = @transform_0, window_bounds = array<i64: 1, 32, 512>}, {transform_indices = @transform_1, window_bounds = array<i64: 1, 32, 256>}, {pipeline_mode = #tpu.pipeline_mode<synchronous>, transform_indices = @transform_2, window_bounds = array<i64: 1, 256>}, {transform_indices = @transform_3, window_bounds = array<i64: 1, 512, 256>}]} {
    %get3A = arith.constant 0 : index
    %get3A_0 = arith.constant 0 : index
    %get3A_1 = arith.constant 0 : index
    %get3A_2 = vector.load %arg3[%get3A, %get3A_0, %get3A_1] : memref<1x32x512xf32, #tpu.memory_space<vmem>>, vector<1x32x512xf32>
    %get3A_3 = vector.shape_cast %get3A_2 : vector<1x32x512xf32> to vector<32x512xf32>
    %get3A_4 = arith.constant 0 : index
    %get3A_5 = arith.constant 0 : index
    %get3A_6 = arith.constant 0 : index
    %get3A_7 = vector.load %arg4[%get3A_4, %get3A_5, %get3A_6] : memref<1x32x256xf32, #tpu.memory_space<vmem>>, vector<1x32x256xf32>
    %get3A_8 = vector.shape_cast %get3A_7 : vector<1x32x256xf32> to vector<32x256xf32>
    %dot_general3A = arith.constant dense<0.000000e+00> : vector<512x256xf32>
    %dot_general3A_9 = tpu.matmul %get3A_3, %get3A_8, %dot_general3A {dimension_numbers = #tpu.dot_dimension_numbers<[0], [0], [1], [1], [0, 1, 1, 1], [], []>, transpose_lhs_hint = false} : vector<32x512xf32>, vector<32x256xf32>, vector<512x256xf32> -> vector<512x256xf32>
    %eq3A = arith.constant 0 : i32
    %eq3A_10 = arith.cmpi eq, %arg2, %eq3A : i32
    %convert_element_type3A = arith.extui %eq3A_10 : i1 to i32
    %cond3A = arith.constant 0 : i32
    %cond3A_11 = arith.cmpi ne, %convert_element_type3A, %cond3A : i32
    scf.if %cond3A_11 {
      %get3A_16 = arith.constant 0 : index
      %get3A_17 = arith.constant 0 : index
      %get3A_18 = vector.load %arg5[%get3A_16, %get3A_17] : memref<1x256xf32, #tpu.memory_space<vmem>>, vector<1x256xf32>
      %add3A = vector.broadcast %get3A_18 : vector<1x256xf32> to vector<512x256xf32>
      %add3A_19 = arith.addf %dot_general3A_9, %add3A : vector<512x256xf32>
      %swap3A = arith.constant 0 : index
      %swap3A_20 = arith.constant 0 : index
      %swap3A_21 = arith.constant 0 : index
      %swap3A_22 = vector.load %arg6[%swap3A, %swap3A_20, %swap3A_21] : memref<1x512x256xf32, #tpu.memory_space<vmem>>, vector<1x512x256xf32>
      %swap3A_23 = vector.shape_cast %swap3A_22 : vector<1x512x256xf32> to vector<512x256xf32>
      %swap3A_24 = vector.shape_cast %add3A_19 : vector<512x256xf32> to vector<1x512x256xf32>
      tpu.vector_store %arg6[%swap3A, %swap3A_20, %swap3A_21], %swap3A_24 {strides = array<i32>} : memref<1x512x256xf32, #tpu.memory_space<vmem>>, vector<1x512x256xf32>,
    } else {
    }
    %ne3A = arith.constant 0 : i32
    %ne3A_12 = arith.cmpi ne, %arg2, %ne3A : i32
    %convert_element_type3A_13 = arith.extui %ne3A_12 : i1 to i32
    %cond3A_14 = arith.constant 0 : i32
    %cond3A_15 = arith.cmpi ne, %convert_element_type3A_13, %cond3A_14 : i32
    scf.if %cond3A_15 {
      %get3A_16 = arith.constant 0 : index
      %get3A_17 = arith.constant 0 : index
      %get3A_18 = arith.constant 0 : index
      %get3A_19 = vector.load %arg6[%get3A_16, %get3A_17, %get3A_18] : memref<1x512x256xf32, #tpu.memory_space<vmem>>, vector<1x512x256xf32>
      %get3A_20 = vector.shape_cast %get3A_19 : vector<1x512x256xf32> to vector<512x256xf32>
      %add3A = arith.addf %get3A_20, %dot_general3A_9 : vector<512x256xf32>
      %swap3A = arith.constant 0 : index
      %swap3A_21 = arith.constant 0 : index
      %swap3A_22 = arith.constant 0 : index
      %swap3A_23 = vector.load %arg6[%swap3A, %swap3A_21, %swap3A_22] : memref<1x512x256xf32, #tpu.memory_space<vmem>>, vector<1x512x256xf32>
      %swap3A_24 = vector.shape_cast %swap3A_23 : vector<1x512x256xf32> to vector<512x256xf32>
      %swap3A_25 = vector.shape_cast %add3A : vector<512x256xf32> to vector<1x512x256xf32>
      tpu.vector_store %arg6[%swap3A, %swap3A_21, %swap3A_22], %swap3A_25 {strides = array<i32>} : memref<1x512x256xf32, #tpu.memory_space<vmem>>, vector<1x512x256xf32>,
    } else {
    }
    return
  }
  func.func @transform_0(%arg0: i32, %arg1: i32, %arg2: i32) -> (i32, i32, i32) {
    %mul3A = arith.constant 8 : i32
    %mul3A_0 = arith.muli %arg0, %mul3A : i32
    %add3A = arith.addi %mul3A_0, %arg2 : i32
    %c0_i32 = arith.constant 0 : i32
    %c0_i32_1 = arith.constant 0 : i32
    return %add3A, %c0_i32, %arg1 : i32, i32, i32
  }
  func.func @transform_1(%arg0: i32, %arg1: i32, %arg2: i32) -> (i32, i32, i32) {
    %c0_i32 = arith.constant 0 : i32
    %c0_i32_0 = arith.constant 0 : i32
    %c0_i32_1 = arith.constant 0 : i32
    return %arg2, %c0_i32, %c0_i32_0 : i32, i32, i32
  }
  func.func @transform_2(%arg0: i32, %arg1: i32, %arg2: i32) -> (i32, i32) {
    %c0_i32 = arith.constant 0 : i32
    %c0_i32_0 = arith.constant 0 : i32
    %c0_i32_1 = arith.constant 0 : i32
    return %c0_i32, %c0_i32_0 : i32, i32
  }
  func.func @transform_3(%arg0: i32, %arg1: i32, %arg2: i32) -> (i32, i32, i32) {
    %c0_i32 = arith.constant 0 : i32
    %c0_i32_0 = arith.constant 0 : i32
    return %arg0, %arg1, %c0_i32 : i32, i32, i32
  }
}

</mosaic_0001>

<sc_bundles>
// kernel: kernel.6.cloned.1.call-start
scs
__scs_entry_jumppad:
0x0: {  	(pc) =	sbr.rel $0x88, $3  }
0x1: {  	(tag) =	ssettag $0x0;
	lr =	simm.s32 $0x1  }
0x2: {  	[smem:$0x3F97] =	sst lr;
	_ =	strace $0xD0000000  }
0x3: {  	_ = 	snop  }
0x4: {  	_ = 	snop  }
0x5: {  	_ = 	snop  }
0x6: {  	_ = 	snop  }
0x7: {  	_ = 	snop  }
__scs_overlays_trampoline_lowered:
0x8: {  	[smem:$0x3FA6] =	sst s0  }
0x9: {  	[smem:$0x3FA7] =	sst s1  }
0xa: {  	[smem:$0x3FA8] =	sst s2  }
0xb: {  	[smem:$0x3FA9] =	sst s3  }
0xc: {  	[smem:$0x3FAA] =	sst s4  }
0xd: {  	[smem:$0x3FAB] =	sst s5  }
0xe: {  	[smem:$0x3FAC] =	sst s6  }
0xf: {  	[smem:$0x3FAD] =	sst s7  }
0x10: {  	[smem:$0x3FAE] =	sst s8  }
0x11: {  	[smem:$0x3FAF] =	sst s9;
	s0 =	simm.s32 @!p0 $0x0  }
0x12: {  	s1 =	sld [smem:$0x3F95];
	s0 =	simm.s32 @p0 $0x1  }
0x13: {  	[smem:$0x3FB0] =	sst s0;
	s0 =	simm.s32 @!p1 $0x0  }
0x14: {  	s2 =	sld [smem:$0x3F94];
	s0 =	simm.s32 @p1 $0x1  }
0x15: {  	[smem:$0x3FB1] =	sst s0;
	s0 =	simm.s32 @!p2 $0x0  }
0x16: {  	s3 =	sld [smem:$0x3FDB];
	s0 =	simm.s32 @p2 $0x1  }
0x17: {  	s4 =	simm.s32 $0x1BF5;
	[smem:$0x3FB3] =	sst s0  }
0x18: {  	s0 =	sld [smem:$0x3F96];
	_ =	swait.ge [sflag:s4], $0x0  }
0x19: {  	s7 =	sld [smem:$0x3F97]  }
0x1a: {  	s8 =	sadd.s32 $0xFFFFE003, lr  }
0x1b: {  	s9 =	sadd.s32 $0xFFFFFEF7, lr;
	s5 =	simm.s32 $0xFFFFFFFF;
	p2 =	slt.u32 s8, $0xFFFFF086  }
0x1c: {  	p1 =	slt.u32 s9, $0xF7A;
	s5 =	simm.s32 @!p2 $0x0  }
0x1d: {  	s5 =	simm.s32 @p1 $0x1;
	p0 =	seq.s32 s7, s2  }
0x1e: {  	s7 =	smul.u32 @!p0 $0xF7A, s2;
	p2 =	seq.s32 @!p0 s5, $0x0  }
0x1f: {  	s9 =	smul.u32 $0xF7A, s1;
	s8 =	simm.s32 @!p0 $0x1BF5;
	p2 =	por !p2, p0  }
0x20: {  	[sflag:s8] =	ssyncset.s32 @!p0 $0xFFFFF086;
	s6 =	sadd.s32 @!p0 s3, s7;
	s7 =	simm.s32 @!p0 $0x108  }
0x21: {  	s3 =	sadd.s32 s3, s9;
	s6 =	sadd.s32 @!p0 $0x88, s6;
	s7 =	simm.s32 @p2 $0x1082  }
0x22: {  	[simem:s7], [sflag:s8] =	dma.local @!p0 [hbm:s6], $0xF7A  }
0x23: {  	s9 =	sor.u32 $0xD0000000, s2;
	s6 =	simm.s32 $0x108;
	_ =	swait.ge @!p0 [sflag:s8], $0x0  }
0x24: {  	s3 =	sadd.s32 $0x88, s3;
	s6 =	simm.s32 @!p1 $0x1082;
	[sflag:s4] =	ssyncset.s32 $0xFFFFF086  }
0x25: {  	[simem:s6], [sflag:s4] =	dma.local [hbm:s3], $0xF7A  }
0x26: {  	[smem:$0x3F97] =	sst s1;
	(tag) =	ssettag s2;
	_ =	strace s9  }
0x27: {  	s1 =	sld [smem:$0x3FA7]  }
0x28: {  	s2 =	sld [smem:$0x3FA8]  }
0x29: {  	s4 =	sld [smem:$0x3FAA]  }
0x2a: {  	p0 =	seq.s32 s5, $0x0;
	s5 =	sld [smem:$0x3FAB]  }
0x2b: {  	s6 =	sld [smem:$0x3FAC]  }
0x2c: {  	s7 =	sld [smem:$0x3FAD]  }
0x2d: {  	s3 =	simm.s32 $0x108;
	s8 =	sld [smem:$0x3FAE]  }
0x2e: {  	s3 =	simm.s32 @!p0 $0x1082;
	s9 =	sld [smem:$0x3FAF]  }
0x2f: {  	lr =	sadd.s32 s0, s3;
	s0 =	sld [smem:$0x3FA6]  }
0x30: {  	s3 =	sld [smem:$0x3FA9]  }
0x31: {  	[smem:$0x3FB2] =	sst s10  }
0x32: {  	s10 =	sld [smem:$0x3FB0];
	_ =	sdelay $0x3  }
0x33: {  	p0 =	seq.s32 s10, $0x1;
	s10 =	sld [smem:$0x3FB2];
	_ =	sdelay $0x3  }
0x34: {  	[smem:$0x3FB2] =	sst s10  }
0x35: {  	s10 =	sld [smem:$0x3FB1];
	_ =	sdelay $0x3  }
0x36: {  	p1 =	seq.s32 s10, $0x1;
	s10 =	sld [smem:$0x3FB2];
	_ =	sdelay $0x3  }
0x37: {  	[smem:$0x3FB2] =	sst s10  }
0x38: {  	s10 =	sld [smem:$0x3FB3]  }
0x39: {  	_ = 	snop;
	(pc) =	sbr.ind lr, $3  }
0x3a: {  	_ = 	snop  }
0x3b: {  	_ = 	snop  }
0x3c: {  	p2 =	seq.s32 s10, $0x1;
	s10 =	sld [smem:$0x3FB2]  }
0x3d: {  	_ =	shalt  }
0x3e: {  	_ =	shalt  }
0x3f: {  	_ =	shalt  }
0x40: {  	_ =	shalt  }
0x41: {  	_ =	shalt  }
0x42: {  	_ =	shalt  }
0x43: {  	_ =	shalt  }
0x44: {  	_ =	shalt  }
0x45: {  	_ =	shalt  }
0x46: {  	_ =	shalt  }
0x47: {  	_ =	shalt  }
0x48: {  	_ =	shalt  }
0x49: {  	_ =	shalt  }
0x4a: {  	_ =	shalt  }
0x4b: {  	_ =	shalt  }
0x4c: {  	_ =	shalt  }
0x4d: {  	_ =	shalt  }
0x4e: {  	_ =	shalt  }
0x4f: {  	_ =	shalt  }
0x50: {  	_ =	shalt  }
0x51: {  	_ =	shalt  }
0x52: {  	_ =	shalt  }
0x53: {  	_ =	shalt  }
0x54: {  	_ =	shalt  }
0x55: {  	_ =	shalt  }
0x56: {  	_ =	shalt  }
0x57: {  	_ =	shalt  }
0x58: {  	_ =	shalt  }
0x59: {  	_ =	shalt  }
0x5a: {  	_ =	shalt  }
0x5b: {  	_ =	shalt  }
0x5c: {  	_ =	shalt  }
0x5d: {  	_ =	shalt  }
0x5e: {  	_ =	shalt  }
0x5f: {  	_ =	shalt  }
0x60: {  	_ =	shalt  }
0x61: {  	_ =	shalt  }
0x62: {  	_ =	shalt  }
0x63: {  	_ =	shalt  }
0x64: {  	_ =	shalt  }
0x65: {  	_ =	shalt  }
0x66: {  	_ =	shalt  }
0x67: {  	_ =	shalt  }
0x68: {  	_ =	shalt  }
0x69: {  	_ =	shalt  }
0x6a: {  	_ =	shalt  }
0x6b: {  	_ =	shalt  }
0x6c: {  	_ =	shalt  }
0x6d: {  	_ =	shalt  }
0x6e: {  	_ =	shalt  }
0x6f: {  	_ =	shalt  }
0x70: {  	_ =	shalt  }
0x71: {  	_ =	shalt  }
0x72: {  	_ =	shalt  }
0x73: {  	_ =	shalt  }
0x74: {  	_ =	shalt  }
0x75: {  	_ =	shalt  }
0x76: {  	_ =	shalt  }
0x77: {  	_ =	shalt  }
0x78: {  	_ =	shalt  }
0x79: {  	_ =	shalt  }
0x7a: {  	_ =	shalt  }
0x7b: {  	_ =	shalt  }
0x7c: {  	_ =	shalt  }
0x7d: {  	_ =	shalt  }
0x7e: {  	_ =	shalt  }
0x7f: {  	_ =	shalt  }
0x80: {  	_ =	shalt  }
0x81: {  	_ =	shalt  }
0x82: {  	_ =	shalt  }
0x83: {  	_ =	shalt  }
0x84: {  	_ =	shalt  }
0x85: {  	_ =	shalt  }
0x86: {  	_ =	shalt  }
0x87: {  	_ =	shalt  }
.Lfunc_end0:
.L_simem_size_0:
called_computation_lowered:
.L_overlay_start_0:
0x88: {  	s2 =	sld [smem:$0x3FD9]  }
0x89: {  	s3 =	sld [smem:$0x3FFE];
	_ =	sdelay $0x1  }
0x8a: {  	s1 =	srdreg.scid  }
0x8b: {  	s0 =	sand.u32 $0x1, s1  }
0x8c: {  	s16 =	sshll.u32 s0, $0xA;
	s2 =	sadd.s32 s3, s2  }
0x8d: {  	s2 =	sadd.s32 s2, s16  }
0x8e: {  	[smem:$0x3FBE] =	sst s2  }
0x8f: {  	_ = 	snop  }
0x90: {  	(tm) =	ssettm $0x1  }
0x91: {  	s17 =	sld [smem:$0x3FFB];
	_ =	sdelay $0x3  }
0x92: {  	_ =	strace s17  }
0x93: {  	s2 =	sld [smem:$0x3FFC];
	_ =	sdelay $0x3  }
0x94: {  	_ =	strace s2  }
0x95: {  	s2 =	sld [smem:$0x3FFD];
	_ =	sdelay $0x3  }
0x96: {  	_ =	strace s2  }
0x97: {  	_ =	strace $0x8FFFFFFF  }
0x98: {  	s18 =	sld [smem:$0x3FDB];
	_ =	sdelay $0x1  }
0x99: {  	s19 =	simm.s32 $_scs_section_size  }
0x9a: {  	s4 =	simm.s32 $_size__tile_overlayer_lowered;
	s5 =	simm.s32 $_tile_overlayer_lowered  }
0x9b: {  	s22 =	simm.s32 $0x1BFF;
	s21 =	sshll.u32 s5, $0x1;
	s2 =	sadd.s32 s19, s18  }
0x9c: {  	s6 =	simm.s32 $0x0;
	s20 =	sshll.u32 s4, $0x1;
	s4 =	sadd.s32 s21, s2  }
0x9d: {  	[timem:s6], [sflag:s22] =	dma.local [hbm:s4], s20  }
0x9e: {  	_ =	swait.ge [sflag:s22], s20  }
0x9f: {  	s3 =	ssub.s32 $0x0, s20;
	[sflag:s22] =	ssyncset.done $0x0  }
0xa0: {  	[sflag:s22] =	ssyncadd.s32 s3;
	_ =	sdelay $0x1  }
0xa1: {  	s23 =	simm.s32 $0x1B8B  }
0xa2: {  	_ =	swait.ge [sflag:s23], $0x1  }
0xa3: {  	[sflag:s23] =	ssyncset.done $0x0  }
0xa4: {  	s25 =	simm.s32 $0x1B8E;
	s24 =	sld [smem:$0x3FFE];
	[sflag:s23] =	ssyncadd.s32 $0xFFFFFFFF  }
0xa5: {  	s26 =	simm.s32 $execute0_lowered;
	[smem:$0x3FD2] =	sst s25  }
0xa6: {  	s4 =	sshll.u32 s26, $0x1;
	_ =	strace $0x80000046;
	[dreg:$0x1] =	wrdreg $0xFFFFFFFF  }
0xa7: {  	s28 =	simm.s32 $_size_execute0_lowered;
	s2 =	sadd.s32 s2, s4;
	[dreg:$0x0] =	wrdreg $0x0  }
0xa8: {  	s4 =	sshll.u32 s28, $0x1;
	[dreg:$0x2] =	wrdreg s2  }
0xa9: {  	[dreg:$0x3] =	wrdreg s4  }
0xaa: {  	[dreg:$0x4] =	wrdreg $0xC0  }
0xab: {  	_ =	task [dreg:s6], $0x5FFFF  }
0xac: {  	[dreg:$0x1] =	wrdreg $0xFFFFFFFF  }
0xad: {  	[dreg:$0x0] =	wrdreg $0x60  }
0xae: {  	[dreg:$0x2] =	wrdreg s24  }
0xaf: {  	[dreg:$0x3] =	wrdreg $0x9  }
0xb0: {  	_ =	task.clear_ibuf [dreg:s6], $0x4FFFF;
	_ =	strace $0x90000046  }
0xb1: {  	s29 =	simm.s32 $0x9;
	_ =	strace $0x80000048  }
0xb2: {  	_ =	swait.ge [sflag:s29], $0x1  }
0xb3: {  	[sflag:s29] =	ssyncadd.s32 $0xFFFFFFFF  }
0xb4: {  	_ =	strace $0x90000048  }
0xb5: {  	_ =	sfence  }
0xb6: {  	s30 =	sld [smem:$0x0];
	_ =	sdelay $0x2  }
0xb7: {  	s31 =	sshll.u32 s1, $0xD;
	s1 =	sshrl.u32 s1, $0x2  }
0xb8: {  	s3 =	sand.u32 $0x4000, s31;
	s1 =	sadd.s32 s1, s30  }
0xb9: {  	s0 =	sor.u32 s3, s0;
	s1 =	sshll.u32 s1, $0x11  }
0xba: {  	s0 =	sor.u32 s1, s0  }
0xbb: {  	s0 =	sadd.s32 $0x8F2B, s0  }
0xbc: {  	[sflag:s0] =	ssyncadd.remote.s32 $0x1  }
0xbd: {  	_ =	sfence.sel $0xFFFF  }
0xbe: {  	[dreg:$0x0] =	wrdreg $0xFFFFFFFF;
	(pc) =	sbr.abs _section_cstart, $3  }
0xbf: {  	[dreg:$0x1] =	wrdreg $0xFFFFFFFF  }
0xc0: {  	_ =	task.clear_ibuf [dreg:s6], $0x2FFFF;
	_ =	strace $0x9FFFFFFF  }
0xc1: {  	(tm) =	ssettm $0x7FFFFFFF  }
tec
execute0_lowered:
.L_overlay_start_1:
0x0: {  	(tag) =	ssettag $0x1  }
0x1: {  	s0 =	rddreg [dreg:$0x0]  }
0x2: {  	s1 =	srdreg.scid;
	s4 =	stileid.u32;
	s2 =	simm.s32 $0x0  }
0x3: {  	s12 =	simm.s32 $0x400;
	s13 =	simm.s32 $0x1;
	s14 =	simm.s32 $0x800  }
0x4: {  	s15 =	simm.s32 $0x4000;
	s16 =	simm.s32 $0x5A80;
	s17 =	simm.s32 $0x6A80  }
0x5: {  	s18 =	simm.s32 $0x7A80;
	s19 =	simm.s32 $0x8A80;
	s20 =	simm.s32 $0x0  }
0x6: {  	s23 =	simm.s32 $0x0;
	s1 =	sand.u32 $0x1, s1;
	s3 =	sshll.u32 s4, $0x1  }
0x7: {  	s29 =	sshrl.u32 s4, $0x2;
	[smem:$0x7FF] =	sst s2;
	s9 =	sor.u32 s1, s3  }
0x8: {  	s4 =	sadd.s32 $0x22800, s0;
	s5 =	smul.u32 $0x2D400, s29;
	s30 =	sshll.u32 s9, $0x7  }
0x9: {  	_ =	strace $0x80000047;
	s1 =	ssub.s32 $0x2, s1;
	s6 =	sand.u32 $0x380, s30  }
0xa: {  	s3 =	sadd.s32 $0x2800, s0;
	s31 =	sshrl.u32 s1, $0x1;
	s6 =	sor.u32 s5, s6  }
0xb: {  	s8 =	sshll.u32 s9, $0xF;
	s5 =	sadd.s32 $0x82800, s0;
	s6 =	sshrl.u32 s6, $0x3  }
0xc: {  	s7 =	sadd.s32 s6, s0;
	s6 =	sadd.s32 $0xB9200, s0;
	s0 =	ssub.s32 s1, s31  }
0xd: {  	v58 =	vimm.s32 $0x0;
	s9 =	sshll.u32 s9, $0x10;
	s7 =	sadd.s32 $0xA2800, s7;
	s10 =	smax.u32 s0, $0x1  }
.LBB2_1:
0xe: {  	s0 =	simm.s32 $0x80  }
0xf: {  	[tilespmem:s2], [sflag:$0x1] =	stream.strided.gather [hbm4b:s7+s0], $0x5A80, s12, s0, $0x38;
	[tilespmem:$0xAA80] =	vst v63  }
0x10: {  	_ =	swait.ge [sflag:s13], $0x5A80  }
0x11: {  	[sflag:s13] =	ssyncset.done $0x0  }
0x12: {  	s21 =	simm.s32 $0x0;
	[sflag:s13] =	ssyncadd.s32 $0xFFFFA580  }
.LBB2_2:
0x13: {  	s22 =	sshll.u32 s21, $0xB  }
0x14: {  	s0 =	sadd.s32 s8, s22  }
0x15: {  	s0 =	sshrl.u32 s0, $0x3  }
0x16: {  	s1 =	sadd.s32 s3, s0  }
0x17: {  	[tilespmem:s16], [sflag:$0x1] =	stream.strided.gather [hbm4b:s1+s14], $0x1000, s15, s14, $0x38;
	[tilespmem:$0xAA80] =	vst v63  }
0x18: {  	_ =	swait.ge [sflag:s13], $0x1000  }
0x19: {  	[sflag:s13] =	ssyncset.done $0x0  }
0x1a: {  	s31 =	sadd.s32 s4, s0;
	[sflag:s13] =	ssyncadd.s32 $0xFFFFF000  }
0x1b: {  	[tilespmem:s17], [sflag:$0x1] =	stream.strided.gather [hbm4b:s31+s14], $0x1000, s15, s14, $0x38;
	[tilespmem:$0xAA80] =	vst v63  }
0x1c: {  	_ =	swait.ge [sflag:s13], $0x1000  }
0x1d: {  	[sflag:s13] =	ssyncset.done $0x0  }
0x1e: {  	s0 =	sadd.s32 s5, s0;
	[sflag:s13] =	ssyncadd.s32 $0xFFFFF000  }
0x1f: {  	[tilespmem:s18], [sflag:$0x1] =	stream.strided.gather [hbm4b:s0+s14], $0x1000, s15, s14, $0x38;
	[tilespmem:$0xAA80] =	vst v63  }
0x20: {  	_ =	swait.ge [sflag:s13], $0x1000  }
0x21: {  	[sflag:s13] =	ssyncset.done $0x0  }
0x22: {  	s24 =	simm.s32 $0x0;
	[sflag:s13] =	ssyncadd.s32 $0xFFFFF000  }
.LBB2_3:
0x23: {  	s28 =	sshll.u32 s24, $0x4;
	s29 =	sshll.u32 s24, $0x7;
	s0 =	sand.u32 $0x800, s23  }
0x24: {  	s1 =	sand.u32 $0x380, s23;
	s26 =	sand.u32 $0x70, s28;
	s30 =	sand.u32 $0x400, s29  }
0x25: {  	s0 =	sor.u32 s1, s0;
	s25 =	sor.u32 s26, s30  }
0x26: {  	s0 =	sor.u32 s25, s0  }
0x27: {  	v2 =	vld [tilespmem:s0+$0x6A80];
	_ =	sdelay $0x1  }
0x28: {  	v3 =	vld [tilespmem:s0+$0x5A80];
	_ =	sdelay $0x2  }
0x29: {  	v1 =	vtrunc.f32 v2  }
0x2a: {  	v4 =	vcvt.f32.s32 v1;
	vm0 =	vlt.f32 v2, v1  }
0x2b: {  	v52 =	vtrunc.f32 v3;
	v5 =	vsel vm0, $0xFFFFFFFF, v58  }
0x2c: {  	v6 =	vcvt.f32.s32 v52;
	vm11 =	vlt.f32 v3, v52;
	v53 =	vadd.s32 v4, v5  }
0x2d: {  	v54 =	vsel vm11, $0xFFFFFFFF, v58;
	v5 =	vshra.s32 v53, $0x1F  }
0x2e: {  	v4 =	vadd.s32 v6, v54;
	v1 =	vor.u32 v5, v53  }
0x2f: {  	v55 =	vshra.s32 v4, $0x1F;
	vm12 =	vlt.s32 v1, $0x18  }
0x30: {  	v4 =	vor.u32 v55, v4;
	v56 =	vnsel vm12, $0x18, v1  }
0x31: {  	vm13 =	vlt.s32 v4, $0x18;
	v1 =	vmul.u32 $0x1A, v56  }
0x32: {  	v4 =	vnsel vm13, $0x18, v4  }
0x33: {  	v1 =	vadd.s32 v4, v1  }
0x34: {  	v1 =	vmul.u32 $0x21, v1;
	_ =	sdelay $0x1  }
0x35: {  	v7 =	vadd.s32 $0x38A, v1  }
0x36: {  	v8 =	vadd.s32 $0x6E4, v1  }
0x37: {  	v9 =	vadd.s32 $0x37B, v1  }
0x38: {  	v59 =	vadd.s32 $0x6D5, v1  }
0x39: {  	v57 =	vld [tilespmem:s0+$0x7A80];
	vm14 =	vlt.f32 v3, $2.400000000e+01;
	v10 =	vadd.s32 $0x37C, v1  }
0x3a: {  	vm1 =	vgt.f32 v3, $-1.000000000e+00;
	vm2 =	vgt.f32 v2, $-1.000000000e+00;
	v11 =	vadd.s32 $0x6D6, v1;
	v7 =	vld.idx.msk [tilespmem:v7+s2+$0x0], $0xffff  }
0x3b: {  	vm1 =	vmand vm1, vm2;
	v5 =	vcvt.s32.f32 v56;
	v13 =	vadd.s32 $0x37D, v1;
	v8 =	vld.idx.msk [tilespmem:v8+s2+$0x0], $0xffff  }
0x3c: {  	vm15 =	vlt.f32 v2, $2.400000000e+01;
	vm0 =	vmand vm1, vm14;
	v15 =	vadd.s32 $0x37E, v1;
	v62 =	vld.idx.msk [tilespmem:v9+s2+$0x0], $0xffff  }
0x3d: {  	vm0 =	vmand vm15, vm0;
	v2 =	vsub.f32 v2, v5;
	v63 =	vadd.s32 $0x37F, v1;
	v5 =	vld.idx.msk [tilespmem:v59+s2+$0x0], $0xffff  }
0x3e: {  	v6 =	vnsel vm0, $0x0, v57;
	v4 =	vcvt.s32.f32 v4;
	v18 =	vadd.s32 $0x380, v1;
	v10 =	vld.idx.msk [tilespmem:v10+s2+$0x0], $0xffff  }
0x3f: {  	v12 =	vmul.f32 v2, v6;
	v20 =	vadd.s32 $0x381, v1;
	v11 =	vld.idx.msk [tilespmem:v11+s2+$0x0], $0xffff  }
0x40: {  	v60 =	vsub.f32 v3, v4;
	v14 =	vadd.s32 $0x6D7, v1;
	v22 =	vadd.s32 $0x382, v1;
	v0 =	vld.idx.msk [tilespmem:v13+s2+$0x0], $0xffff  }
0x41: {  	v16 =	vadd.s32 $0x6D8, v1;
	v17 =	vadd.s32 $0x6D9, v1;
	v26 =	vadd.s32 $0x383, v1;
	v15 =	vld.idx.msk [tilespmem:v15+s2+$0x0], $0xffff  }
0x42: {  	v19 =	vadd.s32 $0x6DA, v1;
	v27 =	vadd.s32 $0x384, v1;
	v61 =	vsub.f32 v6, v12;
	v9 =	vld.idx.msk [tilespmem:v63+s2+$0x0], $0xffff  }
0x43: {  	v21 =	vadd.s32 $0x6DB, v1;
	v23 =	vadd.s32 $0x6DC, v1;
	v29 =	vadd.s32 $0x385, v1;
	v18 =	vld.idx.msk [tilespmem:v18+s2+$0x0], $0xffff  }
0x44: {  	v28 =	vadd.s32 $0x6DD, v1;
	v2 =	vmul.f32 v12, v60;
	v3 =	vmul.f32 v61, v60;
	v31 =	vld.idx.msk [tilespmem:v20+s2+$0x0], $0xffff  }
0x45: {  	v30 =	vadd.s32 $0x6DE, v1;
	v57 =	vadd.s32 $0x386, v1;
	v33 =	vadd.s32 $0x6E1, v1;
	v32 =	vld.idx.msk [tilespmem:v22+s2+$0x0], $0xffff  }
0x46: {  	v34 =	vadd.s32 $0x388, v1;
	v4 =	vsub.f32 v12, v2;
	v24 =	vsub.f32 v61, v3;
	v35 =	vld.idx.msk [tilespmem:v26+s2+$0x0], $0xffff  }
0x47: {  	v20 =	vadd.s32 $0x6DF, v1;
	v22 =	vadd.s32 $0x6E0, v1;
	v59 =	vadd.s32 $0x389, v1;
	v36 =	vld.idx.msk [tilespmem:v27+s2+$0x0], $0xffff  }
0x48: {  	v39 =	vld.idx.msk [tilespmem:v29+s2+$0x0], $0xffff;
	v56 =	vmul.f32 v7, v3;
	v7 =	vshll.u32 v7, $0x10;
	v25 =	vshll.u32 v8, $0x10  }
0x49: {  	v14 =	vld.idx.msk [tilespmem:v14+s2+$0x0], $0xffff;
	v8 =	vmul.f32 v8, v2;
	v26 =	vshll.u32 v62, $0x10;
	v27 =	vshll.u32 v5, $0x10  }
0x4a: {  	v13 =	vld.idx.msk [tilespmem:v57+s2+$0x0], $0xffff;
	v37 =	vshll.u32 v10, $0x10;
	v38 =	vshll.u32 v11, $0x10;
	v29 =	vshll.u32 v0, $0x10  }
0x4b: {  	v34 =	vld.idx.msk [tilespmem:v34+s2+$0x0], $0xffff;
	v40 =	vshll.u32 v15, $0x10;
	v41 =	vshll.u32 v9, $0x10;
	v6 =	vmul.f32 v62, v3  }
0x4c: {  	v42 =	vshll.u32 v18, $0x10;
	v5 =	vmul.f32 v5, v2;
	v10 =	vmul.f32 v10, v3  }
0x4d: {  	v44 =	vshll.u32 v32, $0x10;
	v11 =	vmul.f32 v11, v2;
	v12 =	vmul.f32 v0, v3  }
0x4e: {  	v52 =	vld.idx.msk [tilespmem:v21+s2+$0x0], $0xffff;
	v21 =	vshll.u32 v14, $0x10;
	v14 =	vmul.f32 v14, v2;
	v15 =	vmul.f32 v15, v3  }
0x4f: {  	v48 =	vshll.u32 v13, $0x10;
	v9 =	vmul.f32 v9, v3;
	v18 =	vmul.f32 v18, v3  }
0x50: {  	v50 =	vld.idx.msk [tilespmem:v19+s2+$0x0], $0xffff;
	v19 =	vshll.u32 v34, $0x10;
	v13 =	vmul.f32 v13, v3;
	v34 =	vmul.f32 v34, v3  }
0x51: {  	v28 =	vld.idx.msk [tilespmem:v28+s2+$0x0], $0xffff;
	v45 =	vshll.u32 v35, $0x10;
	v7 =	vmul.f32 v7, v24;
	v25 =	vmul.f32 v25, v4  }
0x52: {  	v46 =	vshll.u32 v36, $0x10;
	v26 =	vmul.f32 v26, v24;
	v37 =	vmul.f32 v37, v24  }
0x53: {  	v16 =	vld.idx.msk [tilespmem:v16+s2+$0x0], $0xffff;
	v47 =	vshll.u32 v39, $0x10;
	v40 =	vmul.f32 v40, v24;
	v41 =	vmul.f32 v41, v24  }
0x54: {  	v61 =	vshll.u32 v52, $0x10;
	v42 =	vmul.f32 v42, v24;
	v44 =	vmul.f32 v44, v24  }
0x55: {  	v17 =	vld.idx.msk [tilespmem:v17+s2+$0x0], $0xffff;
	v62 =	vadd.s32 $0x6E2, v1;
	v45 =	vmul.f32 v45, v24;
	v46 =	vmul.f32 v46, v24  }
0x56: {  	v63 =	vshll.u32 v28, $0x10;
	v47 =	vmul.f32 v47, v24;
	v48 =	vmul.f32 v48, v24  }
0x57: {  	v53 =	vmul.f32 v19, v24;
	v8 =	vadd.f32 v25, v8;
	v25 =	vadd.s32 $0x387, v1  }
0x58: {  	v30 =	vld.idx.msk [tilespmem:v30+s2+$0x0], $0xffff;
	v19 =	vshll.u32 v16, $0x10;
	v21 =	vmul.f32 v21, v4;
	v16 =	vmul.f32 v16, v2  }
0x59: {  	v60 =	vmul.f32 v19, v4;
	v7 =	vadd.f32 v7, v56;
	v6 =	vadd.f32 v26, v6  }
0x5a: {  	v55 =	vld.idx.msk [tilespmem:v20+s2+$0x0], $0xffff;
	v26 =	vshll.u32 v17, $0x10;
	v10 =	vadd.f32 v37, v10;
	v37 =	vmul.f32 v61, v4  }
0x5b: {  	v20 =	vadd.f32 v21, v14;
	v1 =	vadd.s32 $0x6E3, v1;
	v7 =	vadd.f32 v8, v7;
	v8 =	vld.idx.msk [tilespmem:v59+s2+$0x0], $0xffff  }
0x5c: {  	v14 =	vmul.f32 v63, v4;
	v21 =	vadd.f32 v40, v15;
	v43 =	vld.idx.msk [tilespmem:v25+s2+$0x0], $0xffff;
	v25 =	vmul.f32 v29, v24  }
0x5d: {  	v57 =	vld.idx.msk [tilespmem:v22+s2+$0x0], $0xffff;
	v15 =	vshll.u32 v30, $0x10;
	v17 =	vmul.f32 v17, v2;
	v61 =	vmul.f32 v52, v2  }
0x5e: {  	v26 =	vmul.f32 v26, v4;
	v22 =	vadd.f32 v60, v16;
	v19 =	vadd.f32 v25, v12;
	v12 =	vld.idx.msk [tilespmem:v62+s2+$0x0], $0xffff  }
0x5f: {  	v15 =	vmul.f32 v15, v4;
	v59 =	vmul.f32 v30, v2;
	v29 =	vshll.u32 v31, $0x10  }
0x60: {  	v31 =	vmul.f32 v31, v3;
	v29 =	vmul.f32 v29, v24;
	v51 =	vshll.u32 v8, $0x10  }
0x61: {  	v25 =	vmul.f32 v50, v2;
	v51 =	vmul.f32 v51, v24;
	v49 =	vshll.u32 v43, $0x10  }
0x62: {  	v60 =	vshll.u32 v55, $0x10;
	v49 =	vmul.f32 v49, v24;
	v24 =	vmul.f32 v27, v4  }
0x63: {  	v27 =	vld.idx.msk [tilespmem:v23+s2+$0x0], $0xffff;
	v23 =	vmul.f32 v38, v4;
	v62 =	vshll.u32 v12, $0x10;
	v12 =	vmul.f32 v12, v2  }
0x64: {  	v5 =	vadd.f32 v24, v5;
	v24 =	vshll.u32 v50, $0x10;
	v52 =	vmul.f32 v62, v4  }
0x65: {  	v16 =	vld.idx.msk [tilespmem:v33+s2+$0x0], $0xffff;
	v11 =	vadd.f32 v23, v11;
	v62 =	vmul.f32 v57, v2;
	v54 =	vmul.f32 v24, v4  }
0x66: {  	v24 =	vadd.f32 v26, v17;
	v17 =	vadd.f32 v42, v18;
	v26 =	vshll.u32 v57, $0x10  }
0x67: {  	v57 =	vimm.f32 $0.0e+00;
	v40 =	vmul.f32 v26, v4;
	v26 =	vadd.f32 v37, v61  }
0x68: {  	v61 =	vmul.f32 v39, v3;
	v37 =	vadd.f32 v53, v34;
	v39 =	vadd.f32 v10, v11  }
0x69: {  	v53 =	vimm.f32 $0.0e+00;
	v23 =	vshll.u32 v27, $0x10;
	v18 =	vadd.f32 v54, v25  }
0x6a: {  	v38 =	vld.idx.msk [tilespmem:v1+s2+$0x0], $0xffff;
	v25 =	vadd.f32 v29, v31;
	v29 =	vshll.u32 v16, $0x10;
	v31 =	vmul.f32 v32, v3  }
0x6b: {  	v63 =	vmul.f32 v27, v2;
	v54 =	vmul.f32 v35, v3;
	v32 =	vadd.f32 v15, v59  }
0x6c: {  	v15 =	vmul.f32 v55, v2;
	v16 =	vmul.f32 v16, v2;
	v59 =	vimm.f32 $0.0e+00  }
0x6d: {  	v55 =	vimm.f32 $0.0e+00;
	v56 =	vmul.f32 v23, v4;
	v23 =	vadd.f32 v41, v9  }
0x6e: {  	v9 =	vmul.f32 v60, v4;
	v50 =	vmul.f32 v29, v4;
	v33 =	vadd.f32 v47, v61  }
0x6f: {  	v29 =	vshll.u32 v38, $0x10;
	v42 =	vadd.f32 v40, v62;
	v41 =	vadd.f32 v52, v12  }
0x70: {  	v52 =	vimm.f32 $0.0e+00;
	v47 =	vimm.f32 $0.0e+00;
	v27 =	vadd.f32 v44, v31  }
0x71: {  	v31 =	vmul.f32 v28, v2;
	v60 =	vmul.f32 v29, v4;
	v29 =	vadd.f32 v45, v54  }
0x72: {  	v2 =	vmul.f32 v38, v2;
	v44 =	vadd.f32 v6, v5;
	v54 =	vimm.f32 $0.0e+00  }
0x73: {  	v45 =	vimm.f32 $0.0e+00;
	v28 =	vadd.f32 v56, v63;
	v56 =	vmul.f32 v36, v3  }
0x74: {  	v63 =	vmul.f32 v43, v3;
	v35 =	vadd.f32 v9, v15;
	v36 =	vadd.f32 v48, v13  }
0x75: {  	v3 =	vmul.f32 v8, v3;
	v43 =	vadd.f32 v50, v16;
	v50 =	vimm.f32 $0.0e+00  }
0x76: {  	v30 =	vadd.f32 v14, v31;
	v31 =	vadd.f32 v46, v56;
	v46 =	vimm.f32 $0.0e+00  }
0x77: {  	s31 =	simm.s32 $0x80;
	s1 =	simm.s32 $0x100;
	v48 =	vimm.f32 $0.0e+00;
	v38 =	vadd.f32 v60, v2;
	v0 =	vadd.f32 v7, v46  }
0x78: {  	s11 =	sand.u32 $0x380, s31;
	s0 =	sand.u32 $0x800, s1;
	v16 =	vimm.f32 $0.0e+00;
	v40 =	vadd.f32 v49, v63;
	v34 =	vadd.f32 v51, v3  }
0x79: {  	s1 =	sor.u32 s11, s0;
	s0 =	simm.s32 $0x200;
	v49 =	vimm.f32 $0.0e+00;
	v51 =	vimm.f32 $0.0e+00;
	v56 =	vimm.f32 $0.0e+00;
	[tilespmem:$0x1FFF0] =	vst v0  }
.LBB2_4:
0x7a: {  	s1 =	sor.u32 s25, s1  }
0x7b: {  	v19 =	vadd.f32 v19, v20;
	v20 =	vadd.f32 v21, v22;
	v21 =	vld [tilespmem:s1+$0x6A80];
	_ =	sdelay $0x1  }
0x7c: {  	v22 =	vadd.f32 v24, v23;
	v24 =	vld [tilespmem:s1+$0x5A80];
	_ =	sdelay $0x1  }
0x7d: {  	v17 =	vadd.f32 v18, v17;
	v18 =	vadd.f32 v26, v25  }
0x7e: {  	v23 =	vadd.f32 v28, v27;
	v26 =	vadd.f32 v32, v31;
	v31 =	vtrunc.f32 v21  }
0x7f: {  	v25 =	vadd.f32 v30, v29;
	v1 =	vcvt.f32.s32 v31;
	vm0 =	vlt.f32 v21, v31  }
0x80: {  	v57 =	vadd.f32 v19, v57;
	v31 =	vtrunc.f32 v24;
	v2 =	vsel vm0, $0xFFFFFFFF, v58  }
0x81: {  	v19 =	vcvt.f32.s32 v31;
	vm11 =	vlt.f32 v24, v31;
	v31 =	vadd.s32 v1, v2  }
0x82: {  	v0 =	vadd.f32 v38, v34;
	v3 =	vsel vm11, $0xFFFFFFFF, v58;
	v34 =	vshra.s32 v31, $0x1F  }
0x83: {  	v49 =	vadd.f32 v20, v49;
	v19 =	vadd.s32 v19, v3;
	v20 =	vor.u32 v34, v31  }
0x84: {  	v50 =	vadd.f32 v22, v50;
	v22 =	vshra.s32 v19, $0x1F;
	vm12 =	vlt.s32 v20, $0x18  }
0x85: {  	v48 =	vadd.f32 v17, v48;
	v17 =	vor.u32 v22, v19;
	v19 =	vnsel vm12, $0x18, v20  }
0x86: {  	v53 =	vadd.f32 v18, v53;
	vm13 =	vlt.s32 v17, $0x18;
	v18 =	vmul.u32 $0x1A, v19  }
0x87: {  	v27 =	vadd.f32 v35, v33;
	v30 =	vadd.f32 v41, v37;
	v17 =	vnsel vm13, $0x18, v17  }
0x88: {  	v28 =	vadd.f32 v42, v36;
	v29 =	vadd.f32 v43, v40;
	v18 =	vadd.s32 v17, v18  }
0x89: {  	v16 =	vadd.f32 v30, v16;
	v46 =	vadd.f32 v44, v46;
	v22 =	vmul.u32 $0x21, v18  }
0x8a: {  	v59 =	vadd.f32 v39, v59;
	v51 =	vadd.f32 v23, v51  }
0x8b: {  	v52 =	vadd.f32 v25, v52;
	v54 =	vadd.f32 v26, v54;
	v20 =	vadd.s32 $0x38A, v22  }
0x8c: {  	v55 =	vadd.f32 v27, v55;
	v56 =	vadd.f32 v28, v56;
	v23 =	vadd.s32 $0x6E4, v22  }
0x8d: {  	v47 =	vadd.f32 v29, v47;
	vm14 =	vlt.f32 v24, $2.400000000e+01;
	v25 =	vadd.s32 $0x37B, v22  }
0x8e: {  	vm1 =	vgt.f32 v24, $-1.000000000e+00;
	vm2 =	vgt.f32 v21, $-1.000000000e+00;
	v27 =	vadd.s32 $0x6D6, v22  }
0x8f: {  	vm15 =	vlt.f32 v21, $2.400000000e+01;
	vm1 =	vmand vm1, vm2;
	v18 =	vld [tilespmem:s1+$0x7A80];
	v30 =	vadd.s32 $0x6D7, v22  }
0x90: {  	vm0 =	vmand vm1, vm14;
	v19 =	vcvt.s32.f32 v19;
	v31 =	vadd.s32 $0x37E, v22;
	v29 =	vld.idx.msk [tilespmem:v20+s2+$0x0], $0xffff  }
0x91: {  	v45 =	vadd.f32 v0, v45;
	vm0 =	vmand vm15, vm0;
	v4 =	vadd.s32 $0x6D8, v22;
	v23 =	vld.idx.msk [tilespmem:v23+s2+$0x0], $0xffff  }
0x92: {  	v19 =	vsub.f32 v21, v19;
	v17 =	vcvt.s32.f32 v17;
	v5 =	vadd.s32 $0x37F, v22;
	v25 =	vld.idx.msk [tilespmem:v25+s2+$0x0], $0xffff  }
0x93: {  	v21 =	vadd.s32 $0x6D5, v22;
	v26 =	vadd.s32 $0x37C, v22;
	v7 =	vadd.s32 $0x380, v22;
	v27 =	vld.idx.msk [tilespmem:v27+s2+$0x0], $0xffff  }
0x94: {  	v28 =	vadd.s32 $0x37D, v22;
	v6 =	vadd.s32 $0x6D9, v22;
	v9 =	vadd.s32 $0x381, v22;
	v30 =	vld.idx.msk [tilespmem:v30+s2+$0x0], $0xffff  }
0x95: {  	[tilespmem:$0x1FF70] =	vst v46;
	v8 =	vadd.s32 $0x6DA, v22;
	v10 =	vadd.s32 $0x6DB, v22;
	v18 =	vnsel vm0, $0x0, v18;
	v31 =	vld.idx.msk [tilespmem:v31+s2+$0x0], $0xffff  }
0x96: {  	[tilespmem:$0x1FFA0] =	vst v49;
	v11 =	vadd.s32 $0x382, v22;
	v40 =	vadd.s32 $0x6DC, v22;
	v19 =	vmul.f32 v19, v18;
	v32 =	vld.idx.msk [tilespmem:v4+s2+$0x0], $0xffff  }
0x97: {  	[tilespmem:$0x1FF90] =	vst v48;
	v42 =	vadd.s32 $0x383, v22;
	v13 =	vadd.s32 $0x6DD, v22;
	v14 =	vadd.s32 $0x384, v22;
	v33 =	vld.idx.msk [tilespmem:v5+s2+$0x0], $0xffff  }
0x98: {  	[tilespmem:$0x1FF60] =	vst v45;
	v45 =	vadd.s32 $0x6DE, v22;
	v20 =	vsub.f32 v24, v17;
	v35 =	vld.idx.msk [tilespmem:v7+s2+$0x0], $0xffff;
	v24 =	vsub.f32 v18, v19  }
0x99: {  	[tilespmem:$0x1FF80] =	vst v47;
	v46 =	vadd.s32 $0x385, v22;
	v47 =	vadd.s32 $0x6E0, v22;
	v48 =	vadd.s32 $0x387, v22;
	v37 =	vld.idx.msk [tilespmem:v9+s2+$0x0], $0xffff  }
0x9a: {  	[tilespmem:$0x1FFB0] =	vst v50;
	v49 =	vadd.s32 $0x6E1, v22;
	v38 =	vld.idx.msk [tilespmem:v10+s2+$0x0], $0xffff;
	v18 =	vmul.f32 v19, v20;
	v17 =	vmul.f32 v24, v20  }
0x9b: {  	[tilespmem:$0x1FFC0] =	vst v51;
	v36 =	vadd.s32 $0x388, v22;
	v50 =	vadd.s32 $0x6E2, v22;
	v51 =	vadd.s32 $0x389, v22;
	v39 =	vld.idx.msk [tilespmem:v11+s2+$0x0], $0xffff  }
0x9c: {  	v4 =	vadd.s32 $0x6DF, v22;
	v43 =	vld.idx.msk [tilespmem:v13+s2+$0x0], $0xffff;
	v19 =	vsub.f32 v19, v18;
	v20 =	vsub.f32 v24, v17  }
0x9d: {  	v24 =	vld.idx.msk [tilespmem:v28+s2+$0x0], $0xffff;
	v28 =	vmul.f32 v29, v17;
	v29 =	vshll.u32 v29, $0x10;
	v12 =	vshll.u32 v23, $0x10  }
0x9e: {  	v42 =	vld.idx.msk [tilespmem:v42+s2+$0x0], $0xffff;
	v23 =	vmul.f32 v23, v18;
	v5 =	vshll.u32 v25, $0x10;
	v7 =	vshll.u32 v27, $0x10  }
0x9f: {  	v44 =	vld.idx.msk [tilespmem:v14+s2+$0x0], $0xffff;
	v9 =	vshll.u32 v30, $0x10;
	v10 =	vshll.u32 v31, $0x10;
	v25 =	vmul.f32 v25, v17  }
0xa0: {  	v46 =	vld.idx.msk [tilespmem:v46+s2+$0x0], $0xffff;
	v11 =	vshll.u32 v32, $0x10;
	v27 =	vmul.f32 v27, v18;
	v31 =	vmul.f32 v31, v17  }
0xa1: {  	[tilespmem:$0x1FEE0] =	vst v54;
	v47 =	vld.idx.msk [tilespmem:v47+s2+$0x0], $0xffff;
	v61 =	vshll.u32 v35, $0x10;
	v35 =	vmul.f32 v35, v17;
	v41 =	vmul.f32 v12, v19  }
0xa2: {  	[tilespmem:$0x1FF00] =	vst v56;
	v34 =	vld.idx.msk [tilespmem:v4+s2+$0x0], $0xffff;
	v4 =	vshll.u32 v43, $0x10;
	v54 =	vmul.f32 v7, v19;
	v56 =	vmul.f32 v9, v19  }
0xa3: {  	v49 =	vld.idx.msk [tilespmem:v49+s2+$0x0], $0xffff;
	v63 =	vshll.u32 v37, $0x10;
	v13 =	vmul.f32 v11, v19;
	v4 =	vmul.f32 v4, v19  }
0xa4: {  	[tilespmem:$0x1FF10] =	vst v57;
	v12 =	vshll.u32 v33, $0x10;
	v33 =	vmul.f32 v33, v17;
	v29 =	vmul.f32 v29, v20  }
0xa5: {  	[tilespmem:$0x1FFD0] =	vst v52;
	v3 =	vshll.u32 v42, $0x10;
	v52 =	vmul.f32 v5, v20;
	v57 =	vmul.f32 v10, v20  }
0xa6: {  	v26 =	vld.idx.msk [tilespmem:v26+s2+$0x0], $0xffff;
	v7 =	vshll.u32 v46, $0x10;
	v1 =	vmul.f32 v12, v20;
	v61 =	vmul.f32 v61, v20  }
0xa7: {  	v45 =	vld.idx.msk [tilespmem:v45+s2+$0x0], $0xffff;
	v63 =	vmul.f32 v63, v20;
	v3 =	vmul.f32 v3, v20;
	v5 =	vshll.u32 v44, $0x10  }
0xa8: {  	v0 =	vld [tilespmem:$0x1FFF0];
	v7 =	vmul.f32 v7, v20;
	v10 =	vshll.u32 v47, $0x10;
	v12 =	vshll.u32 v49, $0x10  }
0xa9: {  	v21 =	vld.idx.msk [tilespmem:v21+s2+$0x0], $0xffff;
	v23 =	vadd.f32 v41, v23;
	v41 =	vadd.s32 $0x386, v22;
	v22 =	vadd.s32 $0x6E3, v22  }
0xaa: {  	v48 =	vld.idx.msk [tilespmem:v48+s2+$0x0], $0xffff;
	v5 =	vmul.f32 v5, v20;
	v10 =	vmul.f32 v10, v19;
	v28 =	vadd.f32 v29, v28  }
0xab: {  	v12 =	vmul.f32 v12, v19;
	v29 =	vld.idx.msk [tilespmem:v6+s2+$0x0], $0xffff;
	v6 =	vshll.u32 v26, $0x10;
	v26 =	vmul.f32 v26, v17  }
0xac: {  	[tilespmem:$0x1FFE0] =	vst v53;
	v53 =	vmul.f32 v6, v20;
	v6 =	vshll.u32 v45, $0x10;
	v23 =	vadd.f32 v23, v28  }
0xad: {  	v28 =	vld.idx.msk [tilespmem:v8+s2+$0x0], $0xffff;
	v8 =	vshll.u32 v24, $0x10;
	v6 =	vmul.f32 v6, v19;
	v24 =	vmul.f32 v24, v17  }
0xae: {  	[tilespmem:$0x1FEF0] =	vst v55;
	v51 =	vld.idx.msk [tilespmem:v51+s2+$0x0], $0xffff;
	v55 =	vmul.f32 v8, v20;
	v8 =	vshll.u32 v34, $0x10;
	v34 =	vmul.f32 v34, v18  }
0xaf: {  	v40 =	vld.idx.msk [tilespmem:v40+s2+$0x0], $0xffff;
	v0 =	vadd.f32 v23, v0;
	v23 =	vshll.u32 v21, $0x10;
	v21 =	vmul.f32 v21, v18  }
0xb0: {  	v8 =	vmul.f32 v8, v19;
	v11 =	vld.idx.msk [tilespmem:v22+s2+$0x0], $0xffff;
	v22 =	vmul.f32 v30, v18;
	v30 =	vshll.u32 v48, $0x10  }
0xb1: {  	v14 =	vshll.u32 v38, $0x10;
	[tilespmem:$0x1FF20] =	vst v13;
	v23 =	vmul.f32 v23, v19;
	v13 =	vmul.f32 v30, v20  }
0xb2: {  	v60 =	vshll.u32 v29, $0x10;
	v30 =	vmul.f32 v32, v18;
	v29 =	vmul.f32 v29, v18  }
0xb3: {  	v32 =	vshll.u32 v51, $0x10;
	v51 =	vmul.f32 v51, v17;
	v58 =	vmul.f32 v60, v19  }
0xb4: {  	v50 =	vld.idx.msk [tilespmem:v50+s2+$0x0], $0xffff;
	[tilespmem:$0x1FF30] =	vst v1;
	v60 =	vmul.f32 v14, v19;
	v1 =	vmul.f32 v32, v20  }
0xb5: {  	[tilespmem:$0x1FF50] =	vst v59;
	v59 =	vshll.u32 v39, $0x10;
	v32 =	vmul.f32 v38, v18;
	v38 =	vmul.f32 v40, v18  }
0xb6: {  	v2 =	vshll.u32 v40, $0x10;
	v40 =	vmul.f32 v42, v17;
	v42 =	vmul.f32 v43, v18  }
0xb7: {  	v36 =	vld.idx.msk [tilespmem:v36+s2+$0x0], $0xffff;
	v52 =	vadd.f32 v52, v25;
	v43 =	vmul.f32 v44, v17;
	v44 =	vmul.f32 v45, v18  }
0xb8: {  	v53 =	vadd.f32 v53, v26;
	v45 =	vmul.f32 v46, v17;
	v46 =	vmul.f32 v47, v18  }
0xb9: {  	v41 =	vld.idx.msk [tilespmem:v41+s2+$0x0], $0xffff;
	v14 =	vshll.u32 v50, $0x10;
	v47 =	vmul.f32 v48, v17;
	v48 =	vmul.f32 v49, v18  }
0xba: {  	[tilespmem:$0x1FFF0] =	vst v0;
	v62 =	vshll.u32 v28, $0x10;
	v25 =	vmul.f32 v28, v18;
	v0 =	vadd.f32 v23, v21  }
0xbb: {  	v28 =	vmul.f32 v37, v17;
	v37 =	vmul.f32 v39, v17;
	v39 =	vadd.f32 v54, v27;
	v54 =	vld [tilespmem:$0x1FEE0]  }
0xbc: {  	v49 =	vmul.f32 v36, v17;
	v21 =	vadd.f32 v57, v31;
	v57 =	vld [tilespmem:$0x1FF10];
	v26 =	vadd.f32 v60, v32  }
0xbd: {  	v23 =	vld [tilespmem:$0x1FF30];
	[tilespmem:$0x1FF40] =	vst v58;
	v58 =	vmul.f32 v59, v20;
	v31 =	vadd.f32 v5, v43;
	v43 =	vadd.f32 v12, v48  }
0xbe: {  	v48 =	vld [tilespmem:$0x1FF90];
	v9 =	vshll.u32 v41, $0x10;
	v41 =	vmul.f32 v41, v17;
	v17 =	vadd.f32 v61, v35  }
0xbf: {  	v59 =	vmul.f32 v2, v19;
	v35 =	vadd.f32 v8, v34;
	v34 =	vadd.f32 v1, v51;
	v51 =	vld [tilespmem:$0x1FFC0]  }
0xc0: {  	v2 =	vshll.u32 v36, $0x10;
	v32 =	vadd.f32 v6, v44;
	v44 =	vadd.f32 v52, v0;
	v52 =	vld [tilespmem:$0x1FFD0]  }
0xc1: {  	v50 =	vmul.f32 v50, v18;
	v62 =	vmul.f32 v62, v19;
	v39 =	vadd.f32 v53, v39;
	v53 =	vld [tilespmem:$0x1FFE0]  }
0xc2: {  	v15 =	vmul.f32 v2, v20;
	v9 =	vmul.f32 v9, v20;
	v20 =	vadd.f32 v56, v22;
	v56 =	vld [tilespmem:$0x1FF00]  }
0xc3: {  	v22 =	vld [tilespmem:$0x1FF20];
	v2 =	vmovc v16;
	v16 =	vshll.u32 v11, $0x10;
	v11 =	vmul.f32 v11, v18;
	v18 =	vadd.f32 v62, v25  }
0xc4: {  	v14 =	vmul.f32 v14, v19;
	v25 =	vadd.f32 v63, v28;
	v28 =	vadd.f32 v59, v38;
	v59 =	vld [tilespmem:$0x1FF50]  }
0xc5: {  	v27 =	vadd.f32 v58, v37;
	v16 =	vmul.f32 v16, v19;
	v19 =	vadd.f32 v55, v24;
	v24 =	vld [tilespmem:$0x1FF40]  }
0xc6: {  	p0 =	sne.s32 s0, $0xF00;
	v37 =	vadd.f32 v15, v49;
	v49 =	vld [tilespmem:$0x1FFA0];
	v23 =	vadd.f32 v23, v33  }
.Ltmp0:
0xc7: {  	v55 =	vld [tilespmem:$0x1FEF0];
	v33 =	vadd.f32 v7, v45;
	v36 =	vadd.f32 v9, v41;
	(pc) =	sbr.rel @p0 .LBB2_4-.Ltmp0, $4  }
0xc8: {  	v45 =	vld [tilespmem:$0x1FF60];
	v41 =	vadd.f32 v14, v50;
	v38 =	vadd.f32 v16, v11  }
0xc9: {  	s31 =	sadd.s32 $0x80, s31;
	v50 =	vld [tilespmem:$0x1FFB0];
	v22 =	vadd.f32 v22, v30;
	v30 =	vadd.f32 v4, v42  }
0xca: {  	s11 =	sand.u32 $0x380, s31;
	s1 =	sand.u32 $0x800, s0;
	v42 =	vadd.f32 v10, v46;
	v46 =	vld [tilespmem:$0x1FF70];
	v24 =	vadd.f32 v24, v29  }
0xcb: {  	s0 =	sadd.s32 $0x100, s0;
	s1 =	sor.u32 s11, s1;
	v58 =	vimm.s32 $0x0;
	v16 =	vmovc v2;
	v29 =	vadd.f32 v3, v40;
	v40 =	vadd.f32 v13, v47;
	v47 =	vld [tilespmem:$0x1FF80]  }
0xcc: {  	s0 =	sor.u32 s25, s1  }
0xcd: {  	v1 =	vadd.f32 v19, v20;
	v2 =	vadd.f32 v21, v22;
	v0 =	vld [tilespmem:s0+$0x6A80]  }
0xce: {  	v3 =	vadd.f32 v24, v23;
	v4 =	vadd.f32 v18, v17  }
0xcf: {  	v5 =	vadd.f32 v26, v25;
	v6 =	vadd.f32 v28, v27;
	v12 =	vld [tilespmem:s0+$0x5A80]  }
0xd0: {  	v10 =	vadd.f32 v32, v31;
	v13 =	vadd.f32 v35, v33  }
0xd1: {  	v14 =	vadd.f32 v42, v36;
	v22 =	vadd.f32 v41, v37  }
0xd2: {  	v23 =	vadd.f32 v38, v34;
	v7 =	vadd.f32 v30, v29;
	v8 =	vtrunc.f32 v0  }
0xd3: {  	v21 =	vadd.f32 v43, v40;
	v9 =	vcvt.f32.s32 v8;
	vm0 =	vlt.f32 v0, v8  }
0xd4: {  	v1 =	vadd.f32 v1, v57;
	v32 =	vtrunc.f32 v12;
	v11 =	vsel vm0, $0xFFFFFFFF, v58  }
0xd5: {  	v15 =	vcvt.f32.s32 v32;
	vm15 =	vlt.f32 v12, v32;
	v33 =	vadd.s32 v9, v11  }
0xd6: {  	v2 =	vadd.f32 v2, v49;
	v35 =	vsel vm15, $0xFFFFFFFF, v58;
	v11 =	vshra.s32 v33, $0x1F  }
0xd7: {  	v38 =	vadd.f32 v3, v50;
	[tilespmem:$0x1FE00] =	vst v1;
	v9 =	vadd.s32 v15, v35;
	v8 =	vor.u32 v11, v33  }
0xd8: {  	v40 =	vadd.f32 v4, v48;
	[tilespmem:$0x1FE10] =	vst v2;
	v36 =	vshra.s32 v9, $0x1F;
	vm4 =	vlt.s32 v8, $0x18  }
0xd9: {  	v41 =	vadd.f32 v5, v53;
	[tilespmem:$0x1FE20] =	vst v38;
	v9 =	vor.u32 v36, v9;
	v24 =	vnsel vm4, $0x18, v8  }
0xda: {  	v42 =	vadd.f32 v6, v51;
	[tilespmem:$0x1FE30] =	vst v40;
	vm5 =	vlt.s32 v9, $0x18;
	v37 =	vmul.u32 $0x1A, v24  }
0xdb: {  	v48 =	vadd.f32 v14, v56;
	[tilespmem:$0x1FE40] =	vst v41;
	v15 =	vadd.f32 v39, v59;
	v39 =	vnsel vm5, $0x18, v9  }
0xdc: {  	v17 =	vadd.f32 v44, v46;
	[tilespmem:$0x1FE50] =	vst v42;
	v1 =	vadd.s32 v39, v37  }
0xdd: {  	v43 =	vadd.f32 v7, v52;
	[tilespmem:$0x1FE90] =	vst v48;
	v1 =	vmul.u32 $0x21, v1  }
0xde: {  	v44 =	vadd.f32 v10, v54;
	[tilespmem:$0x1FDE0] =	vst v17  }
0xdf: {  	v46 =	vadd.f32 v13, v55;
	[tilespmem:$0x1FE60] =	vst v43;
	v49 =	vadd.s32 $0x38A, v1  }
0xe0: {  	[tilespmem:$0x1FE70] =	vst v44;
	v50 =	vadd.s32 $0x6E4, v1  }
0xe1: {  	v53 =	vadd.f32 v21, v47;
	[tilespmem:$0x1FE80] =	vst v46  }
0xe2: {  	v54 =	vadd.f32 v22, v16;
	[tilespmem:$0x1FDF0] =	vst v15;
	v52 =	vadd.s32 $0x37B, v1  }
0xe3: {  	v55 =	vadd.f32 v23, v45;
	v3 =	vld [tilespmem:s0+$0x7A80];
	[tilespmem:$0x1FEA0] =	vst v53;
	v51 =	vcvt.s32.f32 v24;
	v24 =	vadd.s32 $0x6D5, v1  }
0xe4: {  	vm1 =	vgt.f32 v12, $-1.000000000e+00;
	vm2 =	vgt.f32 v0, $-1.000000000e+00;
	v25 =	vadd.s32 $0x37C, v1;
	v26 =	vld.idx.msk [tilespmem:v49+s2+$0x0], $0xffff  }
0xe5: {  	vm6 =	vlt.f32 v12, $2.400000000e+01;
	vm1 =	vmand vm1, vm2;
	v21 =	vadd.s32 $0x6D6, v1;
	v29 =	vld.idx.msk [tilespmem:v50+s2+$0x0], $0xffff;
	[tilespmem:$0x1FEB0] =	vst v54  }
0xe6: {  	vm7 =	vlt.f32 v0, $2.400000000e+01;
	vm0 =	vmand vm1, vm6;
	v28 =	vadd.s32 $0x37D, v1;
	[tilespmem:$0x1FEC0] =	vst v55  }
0xe7: {  	vm0 =	vmand vm7, vm0;
	v22 =	vadd.s32 $0x6D7, v1;
	v23 =	vld.idx.msk [tilespmem:v52+s2+$0x0], $0xffff  }
0xe8: {  	v27 =	vcvt.s32.f32 v39;
	v0 =	vsub.f32 v0, v51;
	v30 =	vadd.s32 $0x37E, v1;
	v24 =	vld.idx.msk [tilespmem:v24+s2+$0x0], $0xffff  }
0xe9: {  	v3 =	vnsel vm0, $0x0, v3;
	v31 =	vadd.s32 $0x37F, v1;
	v25 =	vld.idx.msk [tilespmem:v25+s2+$0x0], $0xffff  }
0xea: {  	v12 =	vsub.f32 v12, v27;
	v0 =	vmul.f32 v0, v3;
	v56 =	vadd.s32 $0x380, v1;
	v21 =	vld.idx.msk [tilespmem:v21+s2+$0x0], $0xffff  }
0xeb: {  	v27 =	vadd.s32 $0x6D8, v1;
	v32 =	vadd.s32 $0x6D9, v1;
	v57 =	vadd.s32 $0x381, v1;
	v28 =	vld.idx.msk [tilespmem:v28+s2+$0x0], $0xffff  }
0xec: {  	v34 =	vadd.s32 $0x6DA, v1;
	v35 =	vadd.s32 $0x6DB, v1;
	v58 =	vadd.s32 $0x382, v1;
	v22 =	vld.idx.msk [tilespmem:v22+s2+$0x0], $0xffff  }
0xed: {  	v37 =	vadd.s32 $0x6DC, v1;
	v60 =	vadd.s32 $0x383, v1;
	v3 =	vsub.f32 v3, v0;
	v30 =	vld.idx.msk [tilespmem:v30+s2+$0x0], $0xffff  }
0xee: {  	v62 =	vadd.s32 $0x384, v1;
	v63 =	vadd.s32 $0x385, v1;
	v43 =	vadd.s32 $0x6DD, v1;
	v31 =	vld.idx.msk [tilespmem:v31+s2+$0x0], $0xffff  }
0xef: {  	v2 =	vadd.s32 $0x386, v1;
	v13 =	vmul.f32 v0, v12;
	v14 =	vmul.f32 v3, v12;
	v33 =	vld.idx.msk [tilespmem:v56+s2+$0x0], $0xffff  }
0xf0: {  	v46 =	vadd.s32 $0x6DE, v1;
	v4 =	vadd.s32 $0x388, v1;
	v5 =	vadd.s32 $0x389, v1;
	v45 =	vld.idx.msk [tilespmem:v57+s2+$0x0], $0xffff  }
0xf1: {  	v47 =	vadd.s32 $0x6E0, v1;
	v0 =	vsub.f32 v0, v13;
	v38 =	vsub.f32 v3, v14;
	v36 =	vld.idx.msk [tilespmem:v58+s2+$0x0], $0xffff  }
0xf2: {  	v3 =	vadd.s32 $0x6E3, v1;
	v39 =	vld.idx.msk [tilespmem:v60+s2+$0x0], $0xffff;
	v59 =	vmul.f32 v26, v14;
	v26 =	vshll.u32 v26, $0x10  }
0xf3: {  	v42 =	vld.idx.msk [tilespmem:v63+s2+$0x0], $0xffff;
	v61 =	vshll.u32 v29, $0x10;
	v29 =	vmul.f32 v29, v13;
	v26 =	vmul.f32 v26, v38  }
0xf4: {  	v41 =	vld.idx.msk [tilespmem:v62+s2+$0x0], $0xffff;
	v40 =	vmul.f32 v61, v0;
	v6 =	vshll.u32 v23, $0x10;
	v7 =	vshll.u32 v25, $0x10  }
0xf5: {  	v48 =	vld.idx.msk [tilespmem:v5+s2+$0x0], $0xffff;
	v8 =	vshll.u32 v28, $0x10;
	v9 =	vshll.u32 v30, $0x10;
	v10 =	vshll.u32 v31, $0x10  }
0xf6: {  	v46 =	vld.idx.msk [tilespmem:v46+s2+$0x0], $0xffff;
	v11 =	vshll.u32 v33, $0x10;
	v12 =	vshll.u32 v45, $0x10;
	v60 =	vshll.u32 v36, $0x10  }
0xf7: {  	v47 =	vld.idx.msk [tilespmem:v47+s2+$0x0], $0xffff;
	v61 =	vshll.u32 v39, $0x10;
	v23 =	vmul.f32 v23, v14;
	v25 =	vmul.f32 v25, v14  }
0xf8: {  	v44 =	vld.idx.msk [tilespmem:v2+s2+$0x0], $0xffff;
	v63 =	vshll.u32 v42, $0x10;
	v42 =	vmul.f32 v42, v14;
	v49 =	vmul.f32 v6, v38  }
0xf9: {  	v27 =	vld.idx.msk [tilespmem:v27+s2+$0x0], $0xffff;
	v62 =	vshll.u32 v41, $0x10;
	v50 =	vmul.f32 v7, v38;
	v51 =	vmul.f32 v8, v38  }
0xfa: {  	v32 =	vld.idx.msk [tilespmem:v32+s2+$0x0], $0xffff;
	v2 =	vshll.u32 v48, $0x10;
	v52 =	vmul.f32 v9, v38;
	v53 =	vmul.f32 v10, v38  }
0xfb: {  	v17 =	vshll.u32 v46, $0x10;
	v54 =	vmul.f32 v11, v38;
	v55 =	vmul.f32 v12, v38  }
0xfc: {  	v34 =	vld.idx.msk [tilespmem:v34+s2+$0x0], $0xffff;
	v19 =	vshll.u32 v47, $0x10;
	v56 =	vmul.f32 v60, v38;
	v57 =	vmul.f32 v61, v38  }
0xfd: {  	v58 =	vmul.f32 v62, v38;
	v60 =	vshll.u32 v44, $0x10;
	v12 =	vmul.f32 v2, v38  }
0xfe: {  	v7 =	vshll.u32 v24, $0x10;
	v8 =	vshll.u32 v21, $0x10;
	v9 =	vshll.u32 v22, $0x10  }
0xff: {  	v10 =	vshll.u32 v27, $0x10;
	v11 =	vshll.u32 v32, $0x10;
	v24 =	vmul.f32 v24, v13  }
0x100: {  	v37 =	vld.idx.msk [tilespmem:v37+s2+$0x0], $0xffff;
	v17 =	vmul.f32 v17, v0;
	v18 =	vadd.f32 v26, v59;
	v26 =	vadd.s32 $0x387, v1  }
0x101: {  	v2 =	vshll.u32 v34, $0x10;
	v21 =	vmul.f32 v21, v13;
	v19 =	vmul.f32 v19, v0  }
0x102: {  	v35 =	vld.idx.msk [tilespmem:v35+s2+$0x0], $0xffff;
	v27 =	vmul.f32 v27, v13;
	v15 =	vadd.f32 v40, v29;
	v59 =	vmul.f32 v63, v38  }
0x103: {  	v29 =	vadd.s32 $0x6DF, v1;
	v40 =	vld.idx.msk [tilespmem:v4+s2+$0x0], $0xffff;
	v60 =	vmul.f32 v60, v38;
	v4 =	vmul.f32 v8, v0  }
0x104: {  	v63 =	vadd.s32 $0x6E1, v1;
	v5 =	vmul.f32 v10, v0;
	v6 =	vmul.f32 v11, v0  }
0x105: {  	v11 =	vmul.f32 v2, v0;
	v2 =	vshll.u32 v37, $0x10;
	v37 =	vmul.f32 v37, v13;
	v26 =	vld.idx.msk [tilespmem:v26+s2+$0x0], $0xffff  }
0x106: {  	v23 =	vadd.f32 v49, v23;
	v49 =	vmul.f32 v7, v0;
	v7 =	vmul.f32 v9, v0  }
0x107: {  	v9 =	vshll.u32 v35, $0x10;
	v4 =	vadd.f32 v4, v21;
	v21 =	vmul.f32 v22, v13  }
0x108: {  	v3 =	vld.idx.msk [tilespmem:v3+s2+$0x0], $0xffff;
	v8 =	vmul.f32 v9, v0;
	v9 =	vmul.f32 v2, v0;
	v5 =	vadd.f32 v5, v27  }
0x109: {  	v27 =	vmul.f32 v33, v14;
	v7 =	vadd.f32 v7, v21;
	v21 =	vmul.f32 v31, v14;
	v29 =	vld.idx.msk [tilespmem:v29+s2+$0x0], $0xffff  }
0x10a: {  	v31 =	vmul.f32 v35, v13;
	v62 =	vshll.u32 v40, $0x10;
	v61 =	vshll.u32 v26, $0x10  }
0x10b: {  	v62 =	vmul.f32 v62, v38;
	v61 =	vmul.f32 v61, v38;
	v38 =	vld.idx.msk [tilespmem:v43+s2+$0x0], $0xffff;
	v43 =	vadd.s32 $0x6E2, v1  }
0x10c: {  	v44 =	vmul.f32 v44, v14;
	v25 =	vadd.f32 v50, v25;
	v27 =	vadd.f32 v54, v27  }
0x10d: {  	v20 =	vshll.u32 v3, $0x10;
	v9 =	vadd.f32 v9, v37;
	v8 =	vadd.f32 v8, v31  }
0x10e: {  	v63 =	vld.idx.msk [tilespmem:v63+s2+$0x0], $0xffff;
	v31 =	vmul.f32 v39, v14;
	v39 =	vmul.f32 v41, v14;
	v10 =	vshll.u32 v29, $0x10  }
0x10f: {  	v21 =	vadd.f32 v53, v21;
	v29 =	vmul.f32 v29, v13;
	v10 =	vmul.f32 v10, v0  }
0x110: {  	v41 =	vmul.f32 v46, v13;
	v31 =	vadd.f32 v57, v31;
	v26 =	vmul.f32 v26, v14;
	v43 =	vld.idx.msk [tilespmem:v43+s2+$0x0], $0xffff  }
0x111: {  	v10 =	vadd.f32 v10, v29;
	v29 =	vmul.f32 v47, v13;
	v16 =	vshll.u32 v38, $0x10  }
0x112: {  	v33 =	vadd.f32 v58, v39;
	v38 =	vmul.f32 v38, v13;
	v16 =	vmul.f32 v16, v0  }
0x113: {  	v1 =	vshll.u32 v63, $0x10;
	v19 =	vadd.f32 v19, v29;
	v29 =	vmul.f32 v40, v14  }
0x114: {  	v17 =	vadd.f32 v17, v41;
	v1 =	vmul.f32 v1, v0;
	v16 =	vadd.f32 v16, v38  }
0x115: {  	v26 =	vadd.f32 v61, v26;
	v47 =	vadd.f32 v62, v29;
	v2 =	vshll.u32 v43, $0x10  }
0x116: {  	v61 =	vadd.f32 v16, v31;
	v2 =	vmul.f32 v2, v0;
	v0 =	vmul.f32 v20, v0  }
0x117: {  	v20 =	vadd.f32 v49, v24;
	v24 =	vmul.f32 v28, v14;
	v28 =	vmul.f32 v32, v13  }
0x118: {  	v3 =	vmul.f32 v3, v13;
	v32 =	vadd.f32 v59, v42;
	v49 =	vadd.f32 v25, v4  }
0x119: {  	v22 =	vadd.f32 v51, v24;
	v24 =	vmul.f32 v30, v14;
	v6 =	vadd.f32 v6, v28  }
0x11a: {  	v53 =	vld [tilespmem:$0x1FE00];
	v28 =	vmul.f32 v34, v13;
	v30 =	vmul.f32 v45, v14;
	v34 =	vadd.f32 v60, v44  }
0x11b: {  	v58 =	vld [tilespmem:$0x1FE20];
	v45 =	vmul.f32 v63, v13;
	v0 =	vadd.f32 v0, v3;
	v63 =	vadd.f32 v17, v33  }
0x11c: {  	v51 =	vld [tilespmem:$0x1FDE0];
	v24 =	vadd.f32 v52, v24;
	v11 =	vadd.f32 v11, v28  }
0x11d: {  	v28 =	vmul.f32 v36, v14;
	v30 =	vadd.f32 v55, v30;
	v50 =	vadd.f32 v22, v7;
	v52 =	vld [tilespmem:$0x1FDF0]  }
0x11e: {  	v14 =	vmul.f32 v48, v14;
	v48 =	vadd.f32 v23, v20;
	v6 =	vadd.f32 v6, v21;
	v55 =	vld [tilespmem:$0x1FE10]  }
0x11f: {  	v60 =	vld [tilespmem:$0x1FE30];
	v28 =	vadd.f32 v56, v28;
	v4 =	vadd.f32 v50, v53  }
0x120: {  	s26 =	sadd.s32 s26, s30;
	v62 =	vld [tilespmem:$0x1FE40];
	v12 =	vadd.f32 v12, v14;
	v6 =	vadd.f32 v6, v58  }
0x121: {  	v5 =	vadd.f32 v24, v5;
	v14 =	vld [tilespmem:$0x1FE50];
	v7 =	vadd.f32 v48, v51;
	[tilespmem:s26+$0x8B80] =	vst v4  }
0x122: {  	v33 =	vld [tilespmem:$0x1FE60];
	v54 =	vadd.f32 v11, v27;
	[tilespmem:s26+$0x8C80] =	vst v6;
	v3 =	vadd.f32 v49, v52  }
0x123: {  	v35 =	vld [tilespmem:$0x1FE70];
	v46 =	vmul.f32 v43, v13;
	v57 =	vadd.f32 v8, v30;
	[tilespmem:s26+$0x8A80] =	vst v7;
	v5 =	vadd.f32 v5, v55  }
0x124: {  	v37 =	vld [tilespmem:$0x1FE90];
	v59 =	vadd.f32 v9, v28;
	v7 =	vadd.f32 v54, v60;
	[tilespmem:s26+$0x8B00] =	vst v3  }
0x125: {  	v38 =	vld [tilespmem:$0x1FEA0];
	v2 =	vadd.f32 v2, v46;
	[tilespmem:s26+$0x8C00] =	vst v5;
	v3 =	vadd.f32 v57, v62  }
0x126: {  	s1 =	sor.u32 s29, s28;
	v40 =	vld [tilespmem:$0x1FEB0];
	v1 =	vadd.f32 v1, v45;
	v4 =	vadd.f32 v59, v14;
	[tilespmem:s26+$0x8D00] =	vst v7  }
0x127: {  	s0 =	sor.u32 $0x380, s1;
	v41 =	vld [tilespmem:$0x1FEC0];
	v34 =	vadd.f32 v19, v34;
	v5 =	vadd.f32 v61, v33;
	[tilespmem:s26+$0x8D80] =	vst v3  }
0x128: {  	v36 =	vld [tilespmem:$0x1FE80];
	v1 =	vadd.f32 v1, v26;
	v6 =	vadd.f32 v63, v35;
	[tilespmem:s0+$0x8A80] =	vst v4  }
0x129: {  	v42 =	vld [tilespmem:$0x1FFF0];
	v2 =	vadd.f32 v2, v47;
	v3 =	vadd.f32 v34, v37;
	[tilespmem:s26+$0x9280] =	vst v5  }
0x12a: {  	v0 =	vadd.f32 v0, v12;
	v1 =	vadd.f32 v1, v38;
	[tilespmem:s26+$0x9300] =	vst v6  }
0x12b: {  	v32 =	vadd.f32 v10, v32;
	v2 =	vadd.f32 v2, v40;
	[tilespmem:s26+$0x9400] =	vst v3  }
0x12c: {  	v39 =	vadd.f32 v15, v18;
	v0 =	vadd.f32 v0, v41;
	[tilespmem:s26+$0x9480] =	vst v1  }
0x12d: {  	s11 =	simm.s32 $0x0;
	v4 =	vadd.f32 v32, v36;
	[tilespmem:s26+$0x9500] =	vst v2  }
0x12e: {  	s29 =	sand.u32 $0x800, s11;
	s0 =	sand.u32 $0x380, s11;
	v1 =	vadd.f32 v39, v42;
	[tilespmem:s26+$0x9580] =	vst v0  }
0x12f: {  	s0 =	sor.u32 s29, s0;
	[tilespmem:s26+$0x9380] =	vst v4  }
0x130: {  	s0 =	sor.u32 s25, s0;
	[tilespmem:s26+$0x9600] =	vst v1  }
0x131: {  	v0 =	vld [tilespmem:s0+$0x6A80];
	_ =	sdelay $0x1  }
0x132: {  	v2 =	vld [tilespmem:s0+$0x5A80];
	_ =	sdelay $0x2  }
0x133: {  	v43 =	vtrunc.f32 v0  }
0x134: {  	v56 =	vimm.s32 $0x0;
	v44 =	vcvt.f32.s32 v43;
	vm8 =	vlt.f32 v0, v43  }
0x135: {  	v45 =	vtrunc.f32 v2;
	v46 =	vsel vm8, $0xFFFFFFFF, v56  }
0x136: {  	v47 =	vcvt.f32.s32 v45;
	vm9 =	vlt.f32 v2, v45;
	v48 =	vadd.s32 v44, v46  }
0x137: {  	v49 =	vsel vm9, $0xFFFFFFFF, v56;
	v4 =	vshra.s32 v48, $0x1F  }
0x138: {  	v3 =	vadd.s32 v47, v49;
	v1 =	vor.u32 v4, v48  }
0x139: {  	v50 =	vshra.s32 v3, $0x1F;
	vm10 =	vlt.s32 v1, $0x18  }
0x13a: {  	v3 =	vor.u32 v50, v3;
	v51 =	vnsel vm10, $0x18, v1  }
0x13b: {  	vm11 =	vlt.s32 v3, $0x18;
	v1 =	vmul.u32 $0x1A, v51  }
0x13c: {  	v3 =	vnsel vm11, $0x18, v3  }
0x13d: {  	v1 =	vadd.s32 v3, v1  }
0x13e: {  	v1 =	vmul.u32 $0x21, v1  }
0x13f: {  	v52 =	vld [tilespmem:s0+$0x7A80];
	vm12 =	vlt.f32 v2, $2.400000000e+01  }
0x140: {  	vm13 =	vgt.f32 v2, $-1.000000000e+00;
	vm14 =	vgt.f32 v0, $-1.000000000e+00;
	v53 =	vadd.s32 $0x39A, v1  }
0x141: {  	vm1 =	vmand vm13, vm14;
	v4 =	vcvt.s32.f32 v51;
	v54 =	vadd.s32 $0x6F4, v1  }
0x142: {  	vm15 =	vlt.f32 v0, $2.400000000e+01;
	vm0 =	vmand vm1, vm12;
	v55 =	vadd.s32 $0x38B, v1  }
0x143: {  	vm0 =	vmand vm15, vm0;
	v0 =	vsub.f32 v0, v4;
	v57 =	vadd.s32 $0x6E5, v1  }
0x144: {  	v5 =	vnsel vm0, $0x0, v52;
	v58 =	vadd.s32 $0x38C, v1  }
0x145: {  	v3 =	vcvt.s32.f32 v3;
	v0 =	vmul.f32 v0, v5;
	v59 =	vadd.s32 $0x6E6, v1;
	v6 =	vld.idx.msk [tilespmem:v53+s2+$0x0], $0xffff  }
0x146: {  	v60 =	vadd.s32 $0x38D, v1;
	v7 =	vld.idx.msk [tilespmem:v54+s2+$0x0], $0xffff  }
0x147: {  	v2 =	vsub.f32 v2, v3;
	v62 =	vadd.s32 $0x38E, v1;
	v5 =	vsub.f32 v5, v0;
	v8 =	vld.idx.msk [tilespmem:v55+s2+$0x0], $0xffff  }
0x148: {  	v15 =	vadd.s32 $0x38F, v1;
	v16 =	vld.idx.msk [tilespmem:v57+s2+$0x0], $0xffff  }
0x149: {  	v18 =	vadd.s32 $0x390, v1;
	v3 =	vmul.f32 v5, v2;
	v2 =	vmul.f32 v0, v2;
	v9 =	vld.idx.msk [tilespmem:v58+s2+$0x0], $0xffff  }
0x14a: {  	v20 =	vadd.s32 $0x391, v1;
	v10 =	vld.idx.msk [tilespmem:v59+s2+$0x0], $0xffff  }
0x14b: {  	v22 =	vadd.s32 $0x392, v1;
	v4 =	vsub.f32 v0, v2;
	v0 =	vld.idx.msk [tilespmem:v60+s2+$0x0], $0xffff  }
0x14c: {  	v25 =	vadd.s32 $0x393, v1;
	v13 =	vld.idx.msk [tilespmem:v62+s2+$0x0], $0xffff  }
0x14d: {  	v61 =	vadd.s32 $0x6E7, v1;
	v26 =	vadd.s32 $0x394, v1;
	v15 =	vld.idx.msk [tilespmem:v15+s2+$0x0], $0xffff  }
0x14e: {  	v63 =	vadd.s32 $0x6E8, v1;
	v17 =	vadd.s32 $0x6E9, v1;
	v19 =	vadd.s32 $0x6EA, v1;
	v18 =	vld.idx.msk [tilespmem:v18+s2+$0x0], $0xffff  }
0x14f: {  	v21 =	vadd.s32 $0x6EB, v1;
	v23 =	vadd.s32 $0x6EC, v1;
	v28 =	vadd.s32 $0x395, v1;
	v30 =	vld.idx.msk [tilespmem:v20+s2+$0x0], $0xffff  }
0x150: {  	v27 =	vadd.s32 $0x6ED, v1;
	v29 =	vadd.s32 $0x6EE, v1;
	v48 =	vadd.s32 $0x396, v1;
	v31 =	vld.idx.msk [tilespmem:v22+s2+$0x0], $0xffff  }
0x151: {  	v32 =	vadd.s32 $0x6F1, v1;
	v49 =	vadd.s32 $0x398, v1;
	v50 =	vadd.s32 $0x399, v1;
	v34 =	vld.idx.msk [tilespmem:v25+s2+$0x0], $0xffff  }
0x152: {  	v5 =	vsub.f32 v5, v3;
	v20 =	vadd.s32 $0x6EF, v1;
	v22 =	vadd.s32 $0x6F0, v1;
	v35 =	vld.idx.msk [tilespmem:v26+s2+$0x0], $0xffff  }
0x153: {  	v12 =	vld.idx.msk [tilespmem:v61+s2+$0x0], $0xffff;
	v47 =	vmul.f32 v6, v3;
	v6 =	vshll.u32 v6, $0x10;
	v24 =	vshll.u32 v7, $0x10  }
0x154: {  	v38 =	vld.idx.msk [tilespmem:v28+s2+$0x0], $0xffff;
	v7 =	vmul.f32 v7, v2;
	v25 =	vshll.u32 v8, $0x10;
	v26 =	vshll.u32 v16, $0x10  }
0x155: {  	v11 =	vld.idx.msk [tilespmem:v48+s2+$0x0], $0xffff;
	v51 =	vshll.u32 v9, $0x10;
	v37 =	vshll.u32 v10, $0x10;
	v28 =	vshll.u32 v0, $0x10  }
0x156: {  	v52 =	vshll.u32 v13, $0x10;
	v8 =	vmul.f32 v8, v3;
	v16 =	vmul.f32 v16, v2  }
0x157: {  	v14 =	vld.idx.msk [tilespmem:v63+s2+$0x0], $0xffff;
	v53 =	vshll.u32 v15, $0x10;
	v9 =	vmul.f32 v9, v3;
	v10 =	vmul.f32 v10, v2  }
0x158: {  	v63 =	vld.idx.msk [tilespmem:v21+s2+$0x0], $0xffff;
	v21 =	vshll.u32 v12, $0x10;
	v0 =	vmul.f32 v0, v3;
	v12 =	vmul.f32 v12, v2  }
0x159: {  	v54 =	vshll.u32 v18, $0x10;
	v13 =	vmul.f32 v13, v3;
	v15 =	vmul.f32 v15, v3  }
0x15a: {  	v33 =	vld.idx.msk [tilespmem:v49+s2+$0x0], $0xffff;
	v60 =	vshll.u32 v11, $0x10;
	v18 =	vmul.f32 v18, v3;
	v11 =	vmul.f32 v11, v3  }
0x15b: {  	v55 =	vshll.u32 v31, $0x10;
	v6 =	vmul.f32 v6, v5;
	v24 =	vmul.f32 v24, v4  }
0x15c: {  	v57 =	vshll.u32 v34, $0x10;
	v25 =	vmul.f32 v25, v5;
	v36 =	vmul.f32 v51, v5  }
0x15d: {  	v29 =	vld.idx.msk [tilespmem:v29+s2+$0x0], $0xffff;
	v58 =	vshll.u32 v35, $0x10;
	v39 =	vmul.f32 v52, v5;
	v40 =	vmul.f32 v53, v5  }
0x15e: {  	v59 =	vshll.u32 v38, $0x10;
	v41 =	vmul.f32 v54, v5;
	v43 =	vmul.f32 v55, v5  }
0x15f: {  	v49 =	vld.idx.msk [tilespmem:v19+s2+$0x0], $0xffff;
	v19 =	vshll.u32 v33, $0x10;
	v44 =	vmul.f32 v57, v5;
	v45 =	vmul.f32 v58, v5  }
0x160: {  	v17 =	vld.idx.msk [tilespmem:v17+s2+$0x0], $0xffff;
	v46 =	vmul.f32 v59, v5;
	v52 =	vmul.f32 v19, v5;
	v19 =	vshll.u32 v14, $0x10  }
0x161: {  	v26 =	vmul.f32 v26, v4;
	v21 =	vmul.f32 v21, v4;
	v57 =	vshll.u32 v63, $0x10  }
0x162: {  	v58 =	vadd.s32 $0x6F2, v1;
	v14 =	vmul.f32 v14, v2;
	v54 =	vmul.f32 v29, v2  }
0x163: {  	v51 =	vimm.f32 $0.0e+00;
	v6 =	vadd.f32 v6, v47;
	v7 =	vadd.f32 v24, v7  }
0x164: {  	v53 =	vld.idx.msk [tilespmem:v20+s2+$0x0], $0xffff;
	v24 =	vadd.s32 $0x397, v1;
	v47 =	vmul.f32 v60, v5;
	v8 =	vadd.f32 v25, v8  }
0x165: {  	v55 =	vld.idx.msk [tilespmem:v22+s2+$0x0], $0xffff;
	v25 =	vshll.u32 v17, $0x10;
	v16 =	vadd.f32 v26, v16;
	v26 =	vshll.u32 v49, $0x10  }
0x166: {  	v9 =	vadd.f32 v36, v9;
	v36 =	vmul.f32 v57, v4;
	v6 =	vadd.f32 v7, v6;
	v7 =	vld.idx.msk [tilespmem:v50+s2+$0x0], $0xffff  }
0x167: {  	v20 =	vadd.f32 v21, v12;
	v1 =	vadd.s32 $0x6F3, v1;
	v50 =	vld.idx.msk [tilespmem:v23+s2+$0x0], $0xffff;
	v23 =	vmul.f32 v37, v4  }
0x168: {  	v21 =	vadd.f32 v39, v13;
	v17 =	vmul.f32 v17, v2;
	v37 =	vld.idx.msk [tilespmem:v27+s2+$0x0], $0xffff;
	v27 =	vmul.f32 v19, v4  }
0x169: {  	v25 =	vmul.f32 v25, v4;
	v26 =	vmul.f32 v26, v4;
	v10 =	vadd.f32 v23, v10  }
0x16a: {  	v22 =	vadd.f32 v27, v14;
	v42 =	vld.idx.msk [tilespmem:v24+s2+$0x0], $0xffff;
	v24 =	vmul.f32 v28, v5;
	v28 =	vshll.u32 v30, $0x10  }
0x16b: {  	v27 =	vshll.u32 v55, $0x10;
	v30 =	vmul.f32 v30, v3;
	v28 =	vmul.f32 v28, v5  }
0x16c: {  	v62 =	vshll.u32 v7, $0x10;
	v23 =	vshll.u32 v50, $0x10;
	v19 =	vadd.f32 v24, v0  }
0x16d: {  	v14 =	vld.idx.msk [tilespmem:v32+s2+$0x0], $0xffff;
	v60 =	vshll.u32 v37, $0x10;
	v24 =	vadd.f32 v25, v17;
	v25 =	vmul.f32 v49, v2  }
0x16e: {  	v0 =	vld.idx.msk [tilespmem:v58+s2+$0x0], $0xffff;
	v17 =	vadd.f32 v41, v18;
	v58 =	vmul.f32 v38, v3;
	v59 =	vmul.f32 v23, v4  }
0x16f: {  	v12 =	vmul.f32 v60, v4;
	v23 =	vadd.f32 v40, v15;
	v40 =	vmul.f32 v27, v4  }
0x170: {  	v15 =	vshll.u32 v53, $0x10;
	v27 =	vmul.f32 v31, v3;
	v31 =	vmul.f32 v37, v2  }
0x171: {  	v39 =	vld.idx.msk [tilespmem:v1+s2+$0x0], $0xffff;
	v60 =	vadd.f32 v6, v51;
	v15 =	vmul.f32 v15, v4;
	v18 =	vadd.f32 v26, v25  }
0x172: {  	v25 =	vadd.f32 v28, v30;
	v28 =	vshll.u32 v14, $0x10;
	v30 =	vmul.f32 v50, v2  }
0x173: {  	v14 =	vmul.f32 v14, v2;
	v50 =	vimm.f32 $0.0e+00;
	v61 =	vshll.u32 v42, $0x10  }
0x174: {  	v27 =	vadd.f32 v43, v27;
	v41 =	vmul.f32 v28, v4;
	v43 =	vmul.f32 v35, v3  }
0x175: {  	v48 =	vmul.f32 v61, v5;
	v5 =	vmul.f32 v62, v5;
	v61 =	vshll.u32 v29, $0x10  }
0x176: {  	v62 =	vmul.f32 v63, v2;
	v28 =	vadd.f32 v59, v30;
	v30 =	vshll.u32 v39, $0x10  }
0x177: {  	v59 =	vmul.f32 v53, v2;
	v53 =	vimm.f32 $0.0e+00;
	v13 =	vmul.f32 v61, v4  }
0x178: {  	v63 =	vshll.u32 v0, $0x10;
	v57 =	vmul.f32 v30, v4;
	v30 =	vadd.f32 v12, v31  }
0x179: {  	v31 =	vadd.f32 v45, v43;
	v61 =	vmul.f32 v55, v2;
	v0 =	vmul.f32 v0, v2  }
0x17a: {  	v2 =	vmul.f32 v39, v2;
	v43 =	vadd.f32 v41, v14;
	v39 =	vadd.f32 v9, v10  }
0x17b: {  	v55 =	vimm.f32 $0.0e+00;
	v45 =	vimm.f32 $0.0e+00;
	v49 =	vmul.f32 v63, v4  }
0x17c: {  	v26 =	vadd.f32 v36, v62;
	v36 =	vmul.f32 v34, v3;
	v62 =	vmul.f32 v42, v3  }
0x17d: {  	v63 =	vmul.f32 v33, v3;
	v33 =	vadd.f32 v46, v58;
	v35 =	vadd.f32 v15, v59  }
0x17e: {  	v3 =	vmul.f32 v7, v3;
	v59 =	vimm.f32 $0.0e+00;
	v32 =	vadd.f32 v13, v54  }
0x17f: {  	v58 =	vimm.f32 $0.0e+00;
	v42 =	vadd.f32 v40, v61;
	v38 =	vadd.f32 v57, v2  }
0x180: {  	v46 =	vimm.f32 $0.0e+00;
	v29 =	vadd.f32 v44, v36;
	v36 =	vadd.f32 v47, v11  }
0x181: {  	v54 =	vimm.f32 $0.0e+00;
	v40 =	vadd.f32 v48, v62;
	v37 =	vadd.f32 v52, v63  }
0x182: {  	s30 =	simm.s32 $0x100;
	s28 =	simm.s32 $0x80;
	v57 =	vimm.f32 $0.0e+00;
	v41 =	vadd.f32 v49, v0;
	v34 =	vadd.f32 v5, v3  }
0x183: {  	s31 =	sand.u32 $0x380, s28;
	s0 =	sand.u32 $0x800, s30;
	v44 =	vadd.f32 v8, v16;
	v48 =	vimm.f32 $0.0e+00;
	v49 =	vimm.f32 $0.0e+00  }
0x184: {  	s1 =	sor.u32 s0, s31;
	s0 =	simm.s32 $0x200;
	[tilespmem:$0x1FED0] =	vst v60;
	v47 =	vimm.f32 $0.0e+00;
	v52 =	vimm.f32 $0.0e+00;
	v16 =	vimm.f32 $0.0e+00  }
.LBB2_6:
0x185: {  	s1 =	sor.u32 s25, s1  }
0x186: {  	v0 =	vadd.f32 v19, v20;
	v20 =	vld [tilespmem:s1+$0x6A80]  }
0x187: {  	v19 =	vadd.f32 v21, v22;
	v21 =	vadd.f32 v24, v23  }
0x188: {  	v17 =	vadd.f32 v18, v17;
	v18 =	vadd.f32 v26, v25;
	v23 =	vld [tilespmem:s1+$0x5A80]  }
0x189: {  	v22 =	vadd.f32 v28, v27;
	v24 =	vadd.f32 v30, v29  }
0x18a: {  	v25 =	vadd.f32 v32, v31;
	v26 =	vadd.f32 v35, v33  }
0x18b: {  	v27 =	vadd.f32 v42, v36;
	v28 =	vadd.f32 v43, v40;
	v30 =	vtrunc.f32 v20  }
0x18c: {  	v29 =	vadd.f32 v41, v37;
	v42 =	vcvt.f32.s32 v30;
	vm0 =	vlt.f32 v20, v30  }
0x18d: {  	v51 =	vadd.f32 v44, v51;
	v30 =	vtrunc.f32 v23;
	v43 =	vsel vm0, $0xFFFFFFFF, v56  }
0x18e: {  	v44 =	vcvt.f32.s32 v30;
	vm11 =	vlt.f32 v23, v30;
	v30 =	vadd.s32 v42, v43  }
0x18f: {  	v58 =	vadd.f32 v0, v58;
	v56 =	vsel vm11, $0xFFFFFFFF, v56;
	v33 =	vshra.s32 v30, $0x1F  }
0x190: {  	v48 =	vadd.f32 v19, v48;
	v0 =	vadd.s32 v44, v56;
	v19 =	vor.u32 v33, v30  }
0x191: {  	v49 =	vadd.f32 v21, v49;
	v21 =	vshra.s32 v0, $0x1F;
	vm12 =	vlt.s32 v19, $0x18  }
0x192: {  	v47 =	vadd.f32 v17, v47;
	v0 =	vor.u32 v21, v0;
	v17 =	vnsel vm12, $0x18, v19  }
0x193: {  	v53 =	vadd.f32 v18, v53;
	vm13 =	vlt.s32 v0, $0x18;
	v18 =	vmul.u32 $0x1A, v17  }
0x194: {  	v31 =	vadd.f32 v38, v34;
	v16 =	vadd.f32 v29, v16;
	v0 =	vnsel vm13, $0x18, v0  }
0x195: {  	v59 =	vadd.f32 v39, v59;
	v50 =	vadd.f32 v22, v50;
	v18 =	vadd.s32 v0, v18  }
0x196: {  	v52 =	vadd.f32 v24, v52;
	v54 =	vadd.f32 v25, v54;
	v21 =	vmul.u32 $0x21, v18  }
0x197: {  	v55 =	vadd.f32 v26, v55;
	v57 =	vadd.f32 v27, v57  }
0x198: {  	v46 =	vadd.f32 v28, v46;
	vm14 =	vlt.f32 v23, $2.400000000e+01;
	v19 =	vadd.s32 $0x39A, v21  }
0x199: {  	vm1 =	vgt.f32 v23, $-1.000000000e+00;
	v17 =	vcvt.s32.f32 v17;
	v22 =	vadd.s32 $0x6F4, v21  }
0x19a: {  	vm2 =	vgt.f32 v20, $-1.000000000e+00;
	vm15 =	vlt.f32 v20, $2.400000000e+01;
	v24 =	vadd.s32 $0x38B, v21  }
0x19b: {  	vm1 =	vmand vm1, vm2;
	v17 =	vsub.f32 v20, v17;
	v20 =	vadd.s32 $0x6E5, v21  }
0x19c: {  	vm0 =	vmand vm1, vm14;
	v0 =	vcvt.s32.f32 v0;
	v18 =	vld [tilespmem:s1+$0x7A80];
	v26 =	vadd.s32 $0x6E6, v21  }
0x19d: {  	v45 =	vadd.f32 v31, v45;
	vm0 =	vmand vm15, vm0;
	v30 =	vadd.s32 $0x6E7, v21;
	v29 =	vld.idx.msk [tilespmem:v19+s2+$0x0], $0xffff  }
0x19e: {  	[tilespmem:$0x1FD50] =	vst v58;
	v0 =	vsub.f32 v23, v0;
	v25 =	vadd.s32 $0x38C, v21;
	v31 =	vadd.s32 $0x38E, v21;
	v22 =	vld.idx.msk [tilespmem:v22+s2+$0x0], $0xffff  }
0x19f: {  	[tilespmem:$0x1FD60] =	vst v57;
	v28 =	vadd.s32 $0x38D, v21;
	v57 =	vadd.s32 $0x6E8, v21;
	v58 =	vadd.s32 $0x6E9, v21;
	v23 =	vld.idx.msk [tilespmem:v24+s2+$0x0], $0xffff  }
0x1a0: {  	[tilespmem:$0x1FD40] =	vst v59;
	v59 =	vadd.s32 $0x390, v21;
	v60 =	vadd.s32 $0x6EA, v21;
	v61 =	vadd.s32 $0x6EB, v21;
	v33 =	vld.idx.msk [tilespmem:v20+s2+$0x0], $0xffff  }
0x1a1: {  	v62 =	vadd.s32 $0x392, v21;
	v63 =	vadd.s32 $0x6EC, v21;
	v18 =	vnsel vm0, $0x0, v18;
	v26 =	vld.idx.msk [tilespmem:v26+s2+$0x0], $0xffff  }
0x1a2: {  	[tilespmem:$0x1FDA0] =	vst v48;
	v41 =	vadd.s32 $0x393, v21;
	v42 =	vadd.s32 $0x6ED, v21;
	v27 =	vmul.f32 v17, v18;
	v30 =	vld.idx.msk [tilespmem:v30+s2+$0x0], $0xffff  }
0x1a3: {  	[tilespmem:$0x1FD70] =	vst v45;
	v14 =	vadd.s32 $0x394, v21;
	v44 =	vadd.s32 $0x6EE, v21;
	v45 =	vadd.s32 $0x395, v21;
	v31 =	vld.idx.msk [tilespmem:v31+s2+$0x0], $0xffff  }
0x1a4: {  	[tilespmem:$0x1FD80] =	vst v46;
	v4 =	vadd.s32 $0x6EF, v21;
	v46 =	vadd.s32 $0x6F0, v21;
	v32 =	vld.idx.msk [tilespmem:v57+s2+$0x0], $0xffff;
	v19 =	vsub.f32 v18, v27  }
0x1a5: {  	[tilespmem:$0x1FD90] =	vst v47;
	v47 =	vadd.s32 $0x397, v21;
	v48 =	vadd.s32 $0x6F1, v21;
	v36 =	vadd.s32 $0x398, v21;
	v35 =	vld.idx.msk [tilespmem:v59+s2+$0x0], $0xffff  }
0x1a6: {  	[tilespmem:$0x1FDB0] =	vst v49;
	v49 =	vadd.s32 $0x6F2, v21;
	v37 =	vld.idx.msk [tilespmem:v61+s2+$0x0], $0xffff;
	v18 =	vmul.f32 v27, v0;
	v17 =	vmul.f32 v19, v0  }
0x1a7: {  	[tilespmem:$0x1FDC0] =	vst v50;
	v50 =	vadd.s32 $0x399, v21;
	v24 =	vadd.s32 $0x38F, v21;
	v0 =	vld.idx.msk [tilespmem:v25+s2+$0x0], $0xffff;
	v25 =	vadd.s32 $0x391, v21  }
0x1a8: {  	v20 =	vsub.f32 v19, v17;
	v19 =	vsub.f32 v27, v18;
	v27 =	vld.idx.msk [tilespmem:v28+s2+$0x0], $0xffff;
	v28 =	vmul.f32 v29, v17  }
0x1a9: {  	v38 =	vld.idx.msk [tilespmem:v62+s2+$0x0], $0xffff;
	v29 =	vshll.u32 v29, $0x10;
	v13 =	vshll.u32 v22, $0x10;
	v22 =	vmul.f32 v22, v18  }
0x1aa: {  	v42 =	vld.idx.msk [tilespmem:v42+s2+$0x0], $0xffff;
	v5 =	vshll.u32 v23, $0x10;
	v7 =	vshll.u32 v26, $0x10;
	v9 =	vshll.u32 v30, $0x10  }
0x1ab: {  	v43 =	vld.idx.msk [tilespmem:v14+s2+$0x0], $0xffff;
	v10 =	vshll.u32 v31, $0x10;
	v23 =	vmul.f32 v23, v17;
	v26 =	vmul.f32 v26, v18  }
0x1ac: {  	[tilespmem:$0x1FDD0] =	vst v51;
	v45 =	vld.idx.msk [tilespmem:v45+s2+$0x0], $0xffff;
	v11 =	vshll.u32 v32, $0x10;
	v31 =	vmul.f32 v31, v17;
	v29 =	vmul.f32 v29, v20  }
0x1ad: {  	[tilespmem:$0x1FCE0] =	vst v53;
	v39 =	vld.idx.msk [tilespmem:v63+s2+$0x0], $0xffff;
	v63 =	vshll.u32 v37, $0x10;
	v40 =	vmul.f32 v13, v19;
	v51 =	vmul.f32 v5, v20  }
0x1ae: {  	[tilespmem:$0x1FD00] =	vst v55;
	v44 =	vld.idx.msk [tilespmem:v44+s2+$0x0], $0xffff;
	v59 =	vshll.u32 v38, $0x10;
	v53 =	vmul.f32 v7, v19;
	v55 =	vmul.f32 v9, v19  }
0x1af: {  	v34 =	vld.idx.msk [tilespmem:v4+s2+$0x0], $0xffff;
	v4 =	vshll.u32 v42, $0x10;
	v56 =	vmul.f32 v10, v20;
	v14 =	vmul.f32 v11, v19  }
0x1b0: {  	v49 =	vld.idx.msk [tilespmem:v49+s2+$0x0], $0xffff;
	v63 =	vmul.f32 v63, v19;
	v59 =	vmul.f32 v59, v20;
	v5 =	vshll.u32 v43, $0x10  }
0x1b1: {  	v24 =	vld.idx.msk [tilespmem:v24+s2+$0x0], $0xffff;
	v4 =	vmul.f32 v4, v19;
	v7 =	vshll.u32 v45, $0x10;
	v5 =	vmul.f32 v5, v20  }
0x1b2: {  	v6 =	vshll.u32 v0, $0x10;
	v0 =	vmul.f32 v0, v17;
	v7 =	vmul.f32 v7, v20  }
0x1b3: {  	v1 =	vld [tilespmem:$0x1FED0];
	v28 =	vadd.f32 v29, v28;
	v22 =	vadd.f32 v40, v22;
	v40 =	vadd.s32 $0x396, v21  }
0x1b4: {  	[tilespmem:$0x1FCD0] =	vst v52;
	v48 =	vld.idx.msk [tilespmem:v48+s2+$0x0], $0xffff;
	v21 =	vadd.s32 $0x6F3, v21;
	v52 =	vmul.f32 v6, v20;
	v6 =	vshll.u32 v44, $0x10  }
0x1b5: {  	v41 =	vld.idx.msk [tilespmem:v41+s2+$0x0], $0xffff;
	[tilespmem:$0x1FD10] =	vst v14;
	v14 =	vshll.u32 v49, $0x10;
	v49 =	vmul.f32 v49, v18;
	v8 =	vshll.u32 v27, $0x10  }
0x1b6: {  	v25 =	vld.idx.msk [tilespmem:v25+s2+$0x0], $0xffff;
	v12 =	vshll.u32 v24, $0x10;
	v6 =	vmul.f32 v6, v19;
	v27 =	vmul.f32 v27, v17  }
0x1b7: {  	v24 =	vmul.f32 v24, v17;
	v22 =	vadd.f32 v22, v28;
	v28 =	vld.idx.msk [tilespmem:v60+s2+$0x0], $0xffff;
	v60 =	vshll.u32 v35, $0x10  }
0x1b8: {  	[tilespmem:$0x1FCF0] =	vst v54;
	v36 =	vld.idx.msk [tilespmem:v36+s2+$0x0], $0xffff;
	v54 =	vmul.f32 v8, v20;
	v57 =	vmul.f32 v12, v20;
	v8 =	vshll.u32 v34, $0x10  }
0x1b9: {  	v29 =	vld.idx.msk [tilespmem:v58+s2+$0x0], $0xffff;
	v12 =	vshll.u32 v48, $0x10;
	v35 =	vmul.f32 v35, v17;
	v34 =	vmul.f32 v34, v18  }
0x1ba: {  	v47 =	vld.idx.msk [tilespmem:v47+s2+$0x0], $0xffff;
	v3 =	vshll.u32 v41, $0x10;
	v60 =	vmul.f32 v60, v20;
	v12 =	vmul.f32 v12, v19  }
0x1bb: {  	v50 =	vld.idx.msk [tilespmem:v50+s2+$0x0], $0xffff;
	v1 =	vadd.f32 v22, v1;
	v22 =	vshll.u32 v33, $0x10;
	[tilespmem:$0x1FD20] =	vst v57;
	v57 =	vmul.f32 v3, v20  }
0x1bc: {  	v62 =	vshll.u32 v25, $0x10;
	v33 =	vmul.f32 v33, v18;
	v25 =	vmul.f32 v25, v17  }
0x1bd: {  	v3 =	vshll.u32 v36, $0x10;
	v22 =	vmul.f32 v22, v19;
	v62 =	vmul.f32 v62, v20  }
0x1be: {  	v13 =	vshll.u32 v29, $0x10;
	v11 =	vld.idx.msk [tilespmem:v21+s2+$0x0], $0xffff;
	v21 =	vmul.f32 v30, v18;
	v15 =	vmul.f32 v3, v20  }
0x1bf: {  	v46 =	vld.idx.msk [tilespmem:v46+s2+$0x0], $0xffff;
	v30 =	vshll.u32 v47, $0x10;
	v29 =	vmul.f32 v29, v18;
	v58 =	vmul.f32 v13, v19  }
0x1c0: {  	v13 =	vmul.f32 v30, v20;
	v30 =	vmul.f32 v32, v18;
	v32 =	vshll.u32 v50, $0x10  }
0x1c1: {  	v50 =	vmul.f32 v50, v17;
	v61 =	vshll.u32 v28, $0x10;
	v28 =	vmul.f32 v28, v18  }
0x1c2: {  	[tilespmem:$0x1FED0] =	vst v1;
	v1 =	vadd.f32 v22, v33;
	v33 =	vmul.f32 v38, v17;
	v38 =	vmul.f32 v41, v17  }
0x1c3: {  	v41 =	vmul.f32 v42, v18;
	v42 =	vmul.f32 v43, v17  }
0x1c4: {  	v10 =	vshll.u32 v46, $0x10;
	v40 =	vld.idx.msk [tilespmem:v40+s2+$0x0], $0xffff;
	v43 =	vmul.f32 v44, v18;
	v44 =	vmul.f32 v45, v17  }
0x1c5: {  	v51 =	vadd.f32 v51, v23;
	v23 =	vld [tilespmem:$0x1FD20];
	v45 =	vmul.f32 v46, v18;
	v46 =	vmul.f32 v47, v17  }
0x1c6: {  	v2 =	vshll.u32 v39, $0x10;
	v47 =	vmul.f32 v48, v18;
	v48 =	vmul.f32 v36, v17  }
0x1c7: {  	v0 =	vadd.f32 v52, v0;
	[tilespmem:$0x1FD30] =	vst v58;
	v61 =	vmul.f32 v61, v19;
	v58 =	vmul.f32 v2, v19  }
0x1c8: {  	v52 =	vld [tilespmem:$0x1FCD0];
	v25 =	vadd.f32 v62, v25;
	v2 =	vmul.f32 v32, v20;
	v32 =	vmul.f32 v37, v18  }
0x1c9: {  	v22 =	vld [tilespmem:$0x1FD10];
	v37 =	vmul.f32 v39, v18;
	v39 =	vadd.f32 v53, v26;
	v9 =	vshll.u32 v40, $0x10  }
0x1ca: {  	v3 =	vmovc v16;
	v53 =	vld [tilespmem:$0x1FCE0];
	v16 =	vshll.u32 v11, $0x10;
	v40 =	vmul.f32 v40, v17;
	v23 =	vadd.f32 v23, v24  }
0x1cb: {  	v24 =	vld [tilespmem:$0x1FD30];
	v11 =	vmul.f32 v11, v18;
	v17 =	vadd.f32 v60, v35;
	v18 =	vadd.f32 v61, v28  }
0x1cc: {  	v8 =	vmul.f32 v8, v19;
	v26 =	vadd.f32 v63, v32;
	v28 =	vadd.f32 v58, v37;
	v58 =	vld [tilespmem:$0x1FD50]  }
0x1cd: {  	v10 =	vmul.f32 v10, v19;
	v32 =	vadd.f32 v6, v43;
	v43 =	vadd.f32 v12, v47;
	v47 =	vld [tilespmem:$0x1FD90]  }
0x1ce: {  	v14 =	vmul.f32 v14, v19;
	v35 =	vadd.f32 v8, v34;
	v37 =	vadd.f32 v15, v48;
	v48 =	vld [tilespmem:$0x1FDA0]  }
0x1cf: {  	v34 =	vadd.f32 v2, v50;
	v50 =	vld [tilespmem:$0x1FDC0];
	v39 =	vadd.f32 v0, v39;
	v9 =	vmul.f32 v9, v20  }
0x1d0: {  	v16 =	vmul.f32 v16, v19;
	v19 =	vadd.f32 v54, v27;
	v54 =	vld [tilespmem:$0x1FCF0];
	v20 =	vadd.f32 v55, v21  }
0x1d1: {  	v55 =	vld [tilespmem:$0x1FD00];
	v21 =	vadd.f32 v56, v31;
	v27 =	vadd.f32 v59, v33  }
0x1d2: {  	p0 =	sne.s32 s0, $0xF00;
	v59 =	vld [tilespmem:$0x1FD40];
	v31 =	vadd.f32 v5, v42;
	v33 =	vadd.f32 v7, v44  }
.Ltmp1:
0x1d3: {  	v42 =	vadd.f32 v10, v45;
	v45 =	vld [tilespmem:$0x1FD70];
	v44 =	vadd.f32 v51, v1;
	(pc) =	sbr.rel @p0 .LBB2_6-.Ltmp1, $4  }
0x1d4: {  	v51 =	vld [tilespmem:$0x1FDD0];
	v22 =	vadd.f32 v22, v30;
	v30 =	vadd.f32 v4, v41  }
0x1d5: {  	s28 =	sadd.s32 $0x80, s28;
	v41 =	vadd.f32 v14, v49;
	v49 =	vld [tilespmem:$0x1FDB0];
	v36 =	vadd.f32 v9, v40  }
0x1d6: {  	s31 =	sand.u32 $0x800, s0;
	s11 =	sand.u32 $0x380, s28;
	v40 =	vadd.f32 v13, v46;
	v46 =	vld [tilespmem:$0x1FD80];
	v24 =	vadd.f32 v24, v29  }
0x1d7: {  	s0 =	sadd.s32 $0x100, s0;
	s1 =	sor.u32 s31, s11;
	v56 =	vimm.s32 $0x0;
	v29 =	vadd.f32 v57, v38;
	v57 =	vld [tilespmem:$0x1FD60];
	v38 =	vadd.f32 v16, v11;
	v16 =	vmovc v3  }
0x1d8: {  	s0 =	sor.u32 s25, s1  }
0x1d9: {  	v1 =	vadd.f32 v19, v20;
	v2 =	vadd.f32 v21, v22;
	v0 =	vld [tilespmem:s0+$0x6A80]  }
0x1da: {  	v3 =	vadd.f32 v24, v23;
	v4 =	vadd.f32 v18, v17  }
0x1db: {  	v5 =	vadd.f32 v26, v25;
	v6 =	vadd.f32 v28, v27;
	v12 =	vld [tilespmem:s0+$0x5A80]  }
0x1dc: {  	v10 =	vadd.f32 v32, v31;
	v13 =	vadd.f32 v35, v33  }
0x1dd: {  	v14 =	vadd.f32 v42, v36;
	v21 =	vadd.f32 v43, v40  }
0x1de: {  	v19 =	vadd.f32 v39, v59;
	v7 =	vadd.f32 v30, v29;
	v8 =	vtrunc.f32 v0  }
0x1df: {  	v62 =	vadd.f32 v44, v51;
	v9 =	vcvt.f32.s32 v8;
	vm0 =	vlt.f32 v0, v8  }
0x1e0: {  	v1 =	vadd.f32 v1, v58;
	v42 =	vtrunc.f32 v12;
	v11 =	vsel vm0, $0xFFFFFFFF, v56  }
0x1e1: {  	[tilespmem:$0x1FBF0] =	vst v19;
	v15 =	vcvt.f32.s32 v42;
	vm11 =	vlt.f32 v12, v42;
	v43 =	vadd.s32 v9, v11  }
0x1e2: {  	v2 =	vadd.f32 v2, v48;
	[tilespmem:$0x1FBE0] =	vst v62;
	v61 =	vsel vm11, $0xFFFFFFFF, v56;
	v11 =	vshra.s32 v43, $0x1F  }
0x1e3: {  	v27 =	vadd.f32 v3, v49;
	[tilespmem:$0x1FC00] =	vst v1;
	v9 =	vadd.s32 v15, v61;
	v8 =	vor.u32 v11, v43  }
0x1e4: {  	v29 =	vadd.f32 v4, v47;
	[tilespmem:$0x1FC10] =	vst v2;
	v18 =	vshra.s32 v9, $0x1F;
	vm12 =	vlt.s32 v8, $0x18  }
0x1e5: {  	v30 =	vadd.f32 v5, v53;
	[tilespmem:$0x1FC20] =	vst v27;
	v9 =	vor.u32 v18, v9;
	v20 =	vnsel vm12, $0x18, v8  }
0x1e6: {  	v31 =	vadd.f32 v6, v50;
	[tilespmem:$0x1FC30] =	vst v29;
	vm13 =	vlt.s32 v9, $0x18;
	v26 =	vmul.u32 $0x1A, v20  }
0x1e7: {  	v33 =	vadd.f32 v10, v54;
	[tilespmem:$0x1FC40] =	vst v30;
	v28 =	vnsel vm13, $0x18, v9  }
0x1e8: {  	v63 =	vadd.f32 v38, v34;
	v34 =	vadd.f32 v13, v55;
	[tilespmem:$0x1FC50] =	vst v31;
	v1 =	vadd.s32 v28, v26  }
0x1e9: {  	v32 =	vadd.f32 v7, v52;
	[tilespmem:$0x1FC70] =	vst v33;
	v1 =	vmul.u32 $0x21, v1  }
0x1ea: {  	v60 =	vadd.f32 v41, v37;
	[tilespmem:$0x1FC80] =	vst v34;
	v35 =	vadd.f32 v14, v57  }
0x1eb: {  	[tilespmem:$0x1FC60] =	vst v32;
	v36 =	vadd.s32 $0x39A, v1  }
0x1ec: {  	v49 =	vadd.f32 v60, v16;
	[tilespmem:$0x1FC90] =	vst v35;
	vm14 =	vlt.f32 v12, $2.400000000e+01;
	v37 =	vadd.s32 $0x6F4, v1  }
0x1ed: {  	vm1 =	vgt.f32 v12, $-1.000000000e+00;
	vm2 =	vgt.f32 v0, $-1.000000000e+00;
	v3 =	vld [tilespmem:s0+$0x7A80];
	v42 =	vadd.f32 v21, v46  }
0x1ee: {  	vm15 =	vlt.f32 v0, $2.400000000e+01;
	vm1 =	vmand vm1, vm2;
	v39 =	vadd.s32 $0x38B, v1  }
0x1ef: {  	vm0 =	vmand vm1, vm14;
	[tilespmem:$0x1FCA0] =	vst v42;
	v38 =	vcvt.s32.f32 v20;
	v40 =	vadd.s32 $0x6E5, v1  }
0x1f0: {  	v50 =	vadd.f32 v63, v45;
	vm0 =	vmand vm15, vm0;
	v41 =	vadd.s32 $0x38C, v1;
	v44 =	vld.idx.msk [tilespmem:v36+s2+$0x0], $0xffff  }
0x1f1: {  	v46 =	vcvt.s32.f32 v28;
	v0 =	vsub.f32 v0, v38;
	v43 =	vadd.s32 $0x6E6, v1;
	v48 =	vld.idx.msk [tilespmem:v37+s2+$0x0], $0xffff;
	[tilespmem:$0x1FCB0] =	vst v49  }
0x1f2: {  	v3 =	vnsel vm0, $0x0, v3;
	v47 =	vadd.s32 $0x38D, v1;
	[tilespmem:$0x1FCC0] =	vst v50  }
0x1f3: {  	v12 =	vsub.f32 v12, v46;
	v0 =	vmul.f32 v0, v3;
	v51 =	vadd.s32 $0x6E7, v1;
	v23 =	vld.idx.msk [tilespmem:v39+s2+$0x0], $0xffff  }
0x1f4: {  	v52 =	vadd.s32 $0x38E, v1;
	v27 =	vadd.s32 $0x6E8, v1;
	v53 =	vadd.s32 $0x38F, v1;
	v24 =	vld.idx.msk [tilespmem:v40+s2+$0x0], $0xffff  }
0x1f5: {  	v32 =	vadd.s32 $0x6E9, v1;
	v54 =	vadd.s32 $0x390, v1;
	v34 =	vadd.s32 $0x6EA, v1;
	v25 =	vld.idx.msk [tilespmem:v41+s2+$0x0], $0xffff  }
0x1f6: {  	v55 =	vadd.s32 $0x391, v1;
	v35 =	vadd.s32 $0x6EB, v1;
	v56 =	vadd.s32 $0x392, v1;
	v21 =	vld.idx.msk [tilespmem:v43+s2+$0x0], $0xffff  }
0x1f7: {  	v58 =	vadd.s32 $0x393, v1;
	v60 =	vadd.s32 $0x394, v1;
	v3 =	vsub.f32 v3, v0;
	v28 =	vld.idx.msk [tilespmem:v47+s2+$0x0], $0xffff  }
0x1f8: {  	v61 =	vadd.s32 $0x395, v1;
	v62 =	vadd.s32 $0x396, v1;
	v13 =	vmul.f32 v0, v12;
	v22 =	vld.idx.msk [tilespmem:v51+s2+$0x0], $0xffff  }
0x1f9: {  	v46 =	vadd.s32 $0x6EE, v1;
	v63 =	vadd.s32 $0x397, v1;
	v14 =	vmul.f32 v3, v12;
	v30 =	vld.idx.msk [tilespmem:v52+s2+$0x0], $0xffff  }
0x1fa: {  	v2 =	vadd.s32 $0x398, v1;
	v20 =	vadd.s32 $0x6F2, v1;
	v0 =	vsub.f32 v0, v13;
	v31 =	vld.idx.msk [tilespmem:v53+s2+$0x0], $0xffff  }
0x1fb: {  	v37 =	vadd.s32 $0x6EC, v1;
	v38 =	vsub.f32 v3, v14;
	v3 =	vadd.s32 $0x399, v1;
	v33 =	vld.idx.msk [tilespmem:v54+s2+$0x0], $0xffff  }
0x1fc: {  	v43 =	vadd.s32 $0x6ED, v1;
	v45 =	vld.idx.msk [tilespmem:v55+s2+$0x0], $0xffff;
	v47 =	vadd.s32 $0x6F0, v1;
	v57 =	vmul.f32 v44, v14  }
0x1fd: {  	v36 =	vld.idx.msk [tilespmem:v56+s2+$0x0], $0xffff;
	v26 =	vshll.u32 v44, $0x10;
	v59 =	vshll.u32 v48, $0x10;
	v29 =	vmul.f32 v48, v13  }
0x1fe: {  	v39 =	vld.idx.msk [tilespmem:v58+s2+$0x0], $0xffff;
	v26 =	vmul.f32 v26, v38;
	v40 =	vmul.f32 v59, v0;
	v4 =	vshll.u32 v23, $0x10  }
0x1ff: {  	v41 =	vld.idx.msk [tilespmem:v60+s2+$0x0], $0xffff;
	v5 =	vshll.u32 v25, $0x10;
	v6 =	vshll.u32 v28, $0x10;
	v7 =	vshll.u32 v30, $0x10  }
0x200: {  	v42 =	vld.idx.msk [tilespmem:v61+s2+$0x0], $0xffff;
	v8 =	vshll.u32 v31, $0x10;
	v9 =	vshll.u32 v33, $0x10;
	v23 =	vmul.f32 v23, v14  }
0x201: {  	v27 =	vld.idx.msk [tilespmem:v27+s2+$0x0], $0xffff;
	v10 =	vshll.u32 v45, $0x10;
	v25 =	vmul.f32 v25, v14;
	v49 =	vmul.f32 v4, v38  }
0x202: {  	v32 =	vld.idx.msk [tilespmem:v32+s2+$0x0], $0xffff;
	v11 =	vshll.u32 v36, $0x10;
	v50 =	vmul.f32 v5, v38;
	v51 =	vmul.f32 v6, v38  }
0x203: {  	v34 =	vld.idx.msk [tilespmem:v34+s2+$0x0], $0xffff;
	v12 =	vshll.u32 v39, $0x10;
	v52 =	vmul.f32 v7, v38;
	v53 =	vmul.f32 v8, v38  }
0x204: {  	v17 =	vshll.u32 v41, $0x10;
	v54 =	vmul.f32 v9, v38;
	v55 =	vmul.f32 v10, v38  }
0x205: {  	v18 =	vshll.u32 v42, $0x10;
	v56 =	vmul.f32 v11, v38;
	v58 =	vmul.f32 v17, v38  }
0x206: {  	v59 =	vmul.f32 v18, v38;
	v8 =	vshll.u32 v24, $0x10;
	v9 =	vshll.u32 v21, $0x10  }
0x207: {  	v10 =	vshll.u32 v22, $0x10;
	v11 =	vshll.u32 v27, $0x10;
	v17 =	vshll.u32 v32, $0x10  }
0x208: {  	v44 =	vld.idx.msk [tilespmem:v62+s2+$0x0], $0xffff;
	v18 =	vshll.u32 v34, $0x10;
	v24 =	vmul.f32 v24, v13;
	v21 =	vmul.f32 v21, v13  }
0x209: {  	v48 =	vld.idx.msk [tilespmem:v3+s2+$0x0], $0xffff;
	v27 =	vmul.f32 v27, v13;
	v16 =	vadd.f32 v26, v57;
	v15 =	vadd.f32 v40, v29  }
0x20a: {  	v29 =	vadd.s32 $0x6EF, v1;
	v26 =	vld.idx.msk [tilespmem:v63+s2+$0x0], $0xffff;
	v57 =	vmul.f32 v12, v38;
	v4 =	vmul.f32 v9, v0  }
0x20b: {  	v40 =	vld.idx.msk [tilespmem:v2+s2+$0x0], $0xffff;
	v63 =	vadd.s32 $0x6F1, v1;
	v7 =	vmul.f32 v10, v0;
	v5 =	vmul.f32 v11, v0  }
0x20c: {  	v46 =	vld.idx.msk [tilespmem:v46+s2+$0x0], $0xffff;
	v3 =	vadd.s32 $0x6F3, v1;
	v6 =	vmul.f32 v17, v0;
	v11 =	vmul.f32 v18, v0  }
0x20d: {  	v35 =	vld.idx.msk [tilespmem:v35+s2+$0x0], $0xffff;
	v23 =	vadd.f32 v49, v23;
	v25 =	vadd.f32 v50, v25;
	v50 =	vmul.f32 v22, v13  }
0x20e: {  	v37 =	vld.idx.msk [tilespmem:v37+s2+$0x0], $0xffff;
	v49 =	vmul.f32 v8, v0;
	v60 =	vshll.u32 v44, $0x10;
	v19 =	vshll.u32 v48, $0x10  }
0x20f: {  	v60 =	vmul.f32 v60, v38;
	v12 =	vmul.f32 v19, v38;
	v7 =	vadd.f32 v7, v50;
	v29 =	vld.idx.msk [tilespmem:v29+s2+$0x0], $0xffff  }
0x210: {  	v50 =	vmul.f32 v31, v14;
	v61 =	vshll.u32 v26, $0x10;
	v62 =	vshll.u32 v40, $0x10;
	v63 =	vld.idx.msk [tilespmem:v63+s2+$0x0], $0xffff  }
0x211: {  	v10 =	vshll.u32 v46, $0x10;
	v61 =	vmul.f32 v61, v38;
	v62 =	vmul.f32 v62, v38;
	v38 =	vld.idx.msk [tilespmem:v43+s2+$0x0], $0xffff  }
0x212: {  	v18 =	vmul.f32 v10, v0;
	v4 =	vadd.f32 v4, v21;
	v19 =	vshll.u32 v35, $0x10;
	v43 =	vld.idx.msk [tilespmem:v20+s2+$0x0], $0xffff  }
0x213: {  	v47 =	vld.idx.msk [tilespmem:v47+s2+$0x0], $0xffff;
	v5 =	vadd.f32 v5, v27;
	v8 =	vmul.f32 v19, v0;
	v21 =	vadd.f32 v53, v50  }
0x214: {  	v3 =	vld.idx.msk [tilespmem:v3+s2+$0x0], $0xffff;
	v53 =	vmul.f32 v34, v13;
	v50 =	vmul.f32 v37, v13;
	v20 =	vshll.u32 v37, $0x10  }
0x215: {  	v26 =	vmul.f32 v26, v14;
	v37 =	vadd.f32 v25, v4;
	v9 =	vmul.f32 v20, v0  }
0x216: {  	v11 =	vadd.f32 v11, v53;
	v19 =	vshll.u32 v29, $0x10;
	v1 =	vshll.u32 v63, $0x10  }
0x217: {  	v2 =	vshll.u32 v38, $0x10;
	v10 =	vmul.f32 v19, v0;
	v20 =	vshll.u32 v43, $0x10  }
0x218: {  	v1 =	vmul.f32 v1, v0;
	v17 =	vmul.f32 v2, v0;
	v2 =	vshll.u32 v47, $0x10  }
0x219: {  	v19 =	vmul.f32 v2, v0;
	v2 =	vmul.f32 v20, v0;
	v20 =	vshll.u32 v3, $0x10  }
0x21a: {  	v0 =	vmul.f32 v20, v0;
	v20 =	vadd.f32 v49, v24;
	v49 =	vmul.f32 v28, v14  }
0x21b: {  	v53 =	vmul.f32 v41, v14;
	v26 =	vadd.f32 v61, v26;
	v29 =	vmul.f32 v29, v13  }
0x21c: {  	v3 =	vmul.f32 v3, v13;
	v22 =	vadd.f32 v51, v49;
	v49 =	vmul.f32 v30, v14  }
0x21d: {  	v9 =	vadd.f32 v9, v50;
	v10 =	vadd.f32 v10, v29;
	v51 =	vmul.f32 v32, v13  }
0x21e: {  	v0 =	vadd.f32 v0, v3;
	v24 =	vadd.f32 v52, v49;
	v52 =	vmul.f32 v33, v14  }
0x21f: {  	v6 =	vadd.f32 v6, v51;
	v49 =	vmul.f32 v36, v14;
	v33 =	vadd.f32 v58, v53  }
0x220: {  	v51 =	vmul.f32 v39, v14;
	v36 =	vadd.f32 v23, v20;
	v27 =	vadd.f32 v54, v52  }
0x221: {  	v41 =	vld [tilespmem:$0x1FC00];
	v54 =	vmul.f32 v45, v14;
	v45 =	vmul.f32 v35, v13;
	v28 =	vadd.f32 v56, v49  }
0x222: {  	v52 =	vmul.f32 v38, v13;
	v31 =	vadd.f32 v57, v51;
	v38 =	vadd.f32 v22, v7  }
0x223: {  	v39 =	vld [tilespmem:$0x1FBE0];
	v56 =	vmul.f32 v44, v14;
	v5 =	vadd.f32 v24, v5;
	v6 =	vadd.f32 v6, v21  }
0x224: {  	v57 =	vmul.f32 v47, v13;
	v30 =	vadd.f32 v55, v54;
	v8 =	vadd.f32 v8, v45  }
0x225: {  	v47 =	vld [tilespmem:$0x1FC30];
	v54 =	vmul.f32 v46, v13;
	v17 =	vadd.f32 v17, v52;
	v34 =	vadd.f32 v60, v56  }
0x226: {  	v51 =	vld [tilespmem:$0x1FC50];
	v55 =	vmul.f32 v42, v14;
	v19 =	vadd.f32 v19, v57;
	v4 =	vadd.f32 v38, v41  }
0x227: {  	v60 =	vmul.f32 v40, v14;
	v40 =	vld [tilespmem:$0x1FBF0];
	v42 =	vadd.f32 v11, v27;
	v46 =	vadd.f32 v9, v28  }
0x228: {  	v14 =	vmul.f32 v48, v14;
	v45 =	vld [tilespmem:$0x1FC20];
	v7 =	vadd.f32 v36, v39;
	v18 =	vadd.f32 v18, v54  }
0x229: {  	v56 =	vld [tilespmem:$0x1FC80];
	v32 =	vadd.f32 v59, v55;
	v59 =	vmul.f32 v63, v13;
	v35 =	vadd.f32 v62, v60  }
0x22a: {  	v63 =	vmul.f32 v43, v13;
	v12 =	vadd.f32 v12, v14;
	v43 =	vld [tilespmem:$0x1FC10];
	[tilespmem:s26+$0x9A80] =	vst v7;
	v7 =	vadd.f32 v42, v47  }
0x22b: {  	v49 =	vld [tilespmem:$0x1FC40];
	v44 =	vadd.f32 v8, v30;
	[tilespmem:s26+$0x9B80] =	vst v4;
	v4 =	vadd.f32 v46, v51  }
0x22c: {  	v55 =	vld [tilespmem:$0x1FC70];
	v52 =	vadd.f32 v10, v32;
	v3 =	vadd.f32 v37, v40;
	[tilespmem:s26+$0x9D00] =	vst v7  }
0x22d: {  	v62 =	vld [tilespmem:$0x1FCC0];
	v1 =	vadd.f32 v1, v59;
	v6 =	vadd.f32 v6, v45;
	[tilespmem:s26+$0x9E00] =	vst v4  }
0x22e: {  	v61 =	vld [tilespmem:$0x1FCB0];
	v2 =	vadd.f32 v2, v63;
	v4 =	vadd.f32 v52, v56;
	[tilespmem:s26+$0x9B00] =	vst v3  }
0x22f: {  	v53 =	vld [tilespmem:$0x1FC60];
	v50 =	vadd.f32 v18, v33;
	v5 =	vadd.f32 v5, v43;
	[tilespmem:s26+$0x9C80] =	vst v6  }
0x230: {  	v0 =	vadd.f32 v0, v12;
	v59 =	vld [tilespmem:$0x1FCA0];
	v3 =	vadd.f32 v44, v49;
	[tilespmem:s26+$0xA380] =	vst v4  }
0x231: {  	v57 =	vld [tilespmem:$0x1FC90];
	v2 =	vadd.f32 v2, v35;
	v6 =	vadd.f32 v50, v55;
	[tilespmem:s26+$0x9C00] =	vst v5  }
0x232: {  	v48 =	vadd.f32 v17, v31;
	v63 =	vld [tilespmem:$0x1FED0];
	v0 =	vadd.f32 v0, v62;
	[tilespmem:s26+$0x9D80] =	vst v3  }
0x233: {  	s24 =	sadd.s32 $0x1, s24;
	v1 =	vadd.f32 v1, v26;
	v2 =	vadd.f32 v2, v61;
	[tilespmem:s26+$0xA300] =	vst v6  }
0x234: {  	p0 =	sne.s32 s24, $0x10;
	v54 =	vadd.f32 v19, v34;
	v5 =	vadd.f32 v48, v53;
	[tilespmem:s26+$0xA580] =	vst v0  }
.Ltmp2:
0x235: {  	v60 =	vadd.f32 v15, v16;
	v1 =	vadd.f32 v1, v59;
	[tilespmem:s26+$0xA500] =	vst v2;
	(pc) =	sbr.rel @p0 .LBB2_3-.Ltmp2, $4  }
0x236: {  	v3 =	vadd.f32 v54, v57;
	[tilespmem:s26+$0xA280] =	vst v5  }
0x237: {  	[tilespmem:s26+$0xA480] =	vst v1;
	v1 =	vadd.f32 v60, v63  }
0x238: {  	[tilespmem:s26+$0xA400] =	vst v3  }
0x239: {  	v58 =	vimm.s32 $0x0;
	[tilespmem:s26+$0xA600] =	vst v1  }
0x23a: {  	s0 =	sadd.s32 s9, s22;
	s21 =	sadd.s32 $0x1, s21  }
0x23b: {  	s0 =	sshrl.u32 s0, $0x3;
	p0 =	sne.s32 s21, $0x8  }
.Ltmp3:
0x23c: {  	s0 =	sadd.s32 s6, s0;
	(pc) =	sbr.rel @p0 .LBB2_2-.Ltmp3, $4  }
0x23d: {  	[hbm4b:s0+s14] =	stream.strided.scatter [tilespmem:s19], [sflag:$0x1], $0x2000, s15, s14, $0x38;
	[tilespmem:$0xAA80] =	vst v63  }
0x23e: {  	_ =	swait.ge [sflag:s13], $0x2000  }
0x23f: {  	[sflag:s13] =	ssyncset.done $0x0  }
0x240: {  	[sflag:s13] =	ssyncadd.s32 $0xFFFFE000  }
0x241: {  	s20 =	sadd.s32 $0x1, s20  }
0x242: {  	p0 =	sne.s32 s20, s10  }
.Ltmp4:
0x243: {  	_ = 	snop;
	(pc) =	sbr.rel @p0 .LBB2_1-.Ltmp4, $1  }
0x244: {  	_ =	sdelay $0x3  }
0x245: {  	_ =	sfence.sel $0x180000  }
0x246: {  	[bflag:$0x0] =	sbarrier.arrive $0xFFFF  }
0x247: {  	_ =	strace $0x90000047  }
0x248: {  	s0 =	stileid.u32;
	[bflag:$0x2] =	sbarrier.arrive $0xFFFF  }
0x249: {  	p0 =	sne.s32 s0, $0x0;
	s0 =	rddreg [dreg:$0x1]  }
0x24a: {  	s0 =	sadd.s32 @!p0 $0x100000, s0  }
0x24b: {  	[sflag:s0] =	ssyncadd.tile.s32 @!p0 $0x1;
	_ =	shalt  }
.Lfunc_end2:
_tile_overlayer_lowered:
.L_overlay_start_2:
0x24c: {  	(tag) =	ssettag $0x2  }
0x24d: {  	s0 =	rddreg [dreg:$0x0];
	s2 =	stileid.u32  }
0x24e: {  	s1 =	rddreg [dreg:$0x1];
	p0 =	sne.s32 s2, $0x0  }
0x24f: {  	s3 =	rddreg [dreg:$0x2];
	[bflag:$0x3] =	sbarrier.arrive $0xFFFF;
	s2 =	simm.s32 @!p0 $0x1C01  }
0x250: {  	[timem:s3], [sflag:s2] =	dma.local @!p0 [hbm:s0], s1  }
0x251: {  	s0 =	simm.s32 @!p0 $0x1  }
0x252: {  	_ =	swait.ge @!p0 [sflag:s0], s1  }
0x253: {  	s1 =	ssub.s32 @!p0 $0x0, s1;
	[sflag:s0] =	ssyncset.done @!p0 $0x0  }
0x254: {  	[sflag:s0] =	ssyncadd.s32 @!p0 s1  }
0x255: {  	[bflag:$0x3] =	sbarrier.arrive $0xFFFF  }
0x256: {  	_ =	shalt  }

</sc_bundles>
